<compile_context>
chip_gen: v7x
topology: tpu7x:2x2x1
jax: 0.10.2.dev20260603
libtpu: 0.0.44.dev20260713+nightly
codegen_flags: <defaults>
</compile_context>

<pallas_src>
import functools

import jax
import jax.numpy as jnp
from jax import lax
from jax.experimental import pallas as pl
from jax.experimental.pallas import tpu as pltpu
from jax.experimental.pallas import tpu_sc as plsc

MAX_POSITION = 50
EMBED_DIM = 64
NUM_EMB = 2 * MAX_POSITION + 1
BATCH = 4096
SEQ = 200
EXT_ROWS = 2 * SEQ - 1
EXT_STRIDE = EMBED_DIM + 1

NUM_CORES = 2
NUM_SUBCORES = 16
NUM_WORKERS = NUM_CORES * NUM_SUBCORES
COLS_PER_WORKER = BATCH // NUM_WORKERS
STAGE_STRIDE = COLS_PER_WORKER + 1
LANES = 16
GROUPS = COLS_PER_WORKER // LANES


def _sc_body(
    maskf_hbm,
    table_hbm,
    out_hbm,
    mask_v,
    table_v,
    ext_v,
    starts_v,
    stage0_v,
    stage1_v,
    sem0,
    sem1,
):
    wid = lax.axis_index("s") * NUM_CORES + lax.axis_index("c")
    base = wid * COLS_PER_WORKER

    pltpu.sync_copy(
        maskf_hbm.at[pl.ds(base * SEQ, COLS_PER_WORKER * SEQ)], mask_v
    )

    pltpu.sync_copy(table_hbm, table_v)
    lane_iota = lax.iota(jnp.int32, LANES)

    @plsc.parallel_loop(0, EXT_ROWS, unroll=2)
    def _(j):
        src = jnp.clip(j - (SEQ - 1), -MAX_POSITION, MAX_POSITION) + MAX_POSITION
        for k in range(4):
            v = table_v[pl.ds(src * EMBED_DIM + k * LANES, LANES)]
            plsc.store_scatter(
                ext_v, [j * EXT_STRIDE + k * LANES + lane_iota], v
            )

    @plsc.parallel_loop(0, GROUPS, unroll=2)
    def grp(g):
        col = g * LANES
        row_base = (col + lax.iota(jnp.int32, LANES)) * SEQ

        def accum(s, carry):
            acc_s, acc_c = carry
            m = plsc.load_gather(mask_v, [row_base + s])
            return acc_s + m * s.astype(jnp.float32), acc_c + m

        acc_s, acc_c = lax.fori_loop(
            0,
            SEQ,
            accum,
            (jnp.zeros((LANES,), jnp.float32), jnp.zeros((LANES,), jnp.float32)),
        )
        d = jnp.maximum(acc_c, 1.0)
        q = (acc_s / d).astype(jnp.int32)
        r = acc_s - q.astype(jnp.float32) * d
        q = jnp.where(r >= d, q + 1, q)
        q = jnp.where(r < 0.0, q - 1, q)
        starts_v[pl.ds(g * LANES, LANES)] = ((SEQ - 1) - q) * EXT_STRIDE

    col_slice = pl.ds(base, COLS_PER_WORKER)

    def fill_plane(s, sv):
        s65 = s * EXT_STRIDE

        @plsc.parallel_loop(0, GROUPS, unroll=4)
        def _(g):
            gcol = g * LANES
            idx0 = starts_v[pl.ds(gcol, LANES)] + s65
            for e in range(EMBED_DIM):
                v = plsc.load_gather(ext_v, [idx0 + e])
                sv[e, pl.ds(gcol, LANES)] = v

    def fire(s, sv, sem):
        return pltpu.async_copy(sv, out_hbm.at[s, :, col_slice], sem)

    def drain(s, sv, sem):
        pltpu.make_async_copy(sv, out_hbm.at[s, :, col_slice], sem).wait()

    fill_plane(0, stage0_v)
    fire(0, stage0_v, sem0)
    fill_plane(1, stage1_v)
    fire(1, stage1_v, sem1)

    def plane_pair(t, _):
        s = 2 * t
        drain(s, stage0_v, sem0)
        fill_plane(s, stage0_v)
        fire(s, stage0_v, sem0)
        drain(s + 1, stage1_v, sem1)
        fill_plane(s + 1, stage1_v)
        fire(s + 1, stage1_v, sem1)
        return 0

    lax.fori_loop(1, SEQ // 2, plane_pair, 0)

    drain(0, stage0_v, sem0)
    drain(1, stage1_v, sem1)


@jax.jit
def _run(maskf, table_flat):
    mesh = plsc.VectorSubcoreMesh(core_axis_name="c", subcore_axis_name="s")
    f = functools.partial(
        pl.kernel,
        mesh=mesh,
        compiler_params=pltpu.CompilerParams(needs_layout_passes=False),
        out_type=jax.ShapeDtypeStruct((SEQ, EMBED_DIM, BATCH), jnp.float32),
        scratch_types=[
            pltpu.VMEM((COLS_PER_WORKER * SEQ,), jnp.float32),
            pltpu.VMEM((NUM_EMB * EMBED_DIM,), jnp.float32),
            pltpu.VMEM((EXT_ROWS * EXT_STRIDE + LANES,), jnp.float32),
            pltpu.VMEM((COLS_PER_WORKER,), jnp.int32),
            pltpu.VMEM((EMBED_DIM, COLS_PER_WORKER), jnp.float32),
            pltpu.VMEM((EMBED_DIM, COLS_PER_WORKER), jnp.float32),
            pltpu.SemaphoreType.DMA,
            pltpu.SemaphoreType.DMA,
        ],
    )(_sc_body)
    return f(maskf, table_flat)


def kernel(aspect_mask, position_embeddings):
    maskf = aspect_mask.astype(jnp.float32).reshape(-1)
    table_flat = position_embeddings.reshape(-1)
    out_phys = _run(maskf, table_flat)
    return jnp.transpose(out_phys, (2, 0, 1))

# --- scband reference (transcript-rebuilt; emitter-appended) ---
"""Pipeline reference for scband-aspect-position-embedding-49160195670258 (READ-ONLY COPY).

The authoritative reference and input builder live on the scoring server;
editing this copy changes nothing except your own understanding.
"""

import jax, jax.numpy as jnp
import numpy as np
import math

MAX_POSITION = 50
EMBED_DIM = 64
NUM_EMB = 2 * MAX_POSITION + 1
BATCH = 4096
SEQ = 200


def setup_inputs(seed: int = 0) -> dict:
    key = jax.random.key(seed)
    k1, k2 = jax.random.split(key)
    aspect_mask = jax.random.randint(k1, (BATCH, SEQ), 0, 2).astype(jnp.bool_)
    # xavier_uniform_ on the embedding weight (note: torch's padding_idx zero-init
    # is overwritten by the explicit xavier re-init in _init_weights, so the
    # padding row is NOT zero in the live module)
    a = math.sqrt(6.0 / (NUM_EMB + EMBED_DIM))
    position_embeddings = jax.random.uniform(k2, (NUM_EMB, EMBED_DIM), minval=-a, maxval=a, dtype=jnp.float32)
    return {"aspect_mask": aspect_mask, "position_embeddings": position_embeddings}


def _compute_position_ids(aspect_mask):
    B, S = aspect_mask.shape
    positions = jnp.broadcast_to(jnp.arange(S, dtype=jnp.int32)[None, :], (B, S))
    maskf = aspect_mask.astype(jnp.float32)
    aspect_positions = (positions.astype(jnp.float32) * maskf).sum(axis=1) / (maskf.sum(axis=1) + 1e-10)
    aspect_positions = aspect_positions.astype(jnp.int32)  # truncation like torch .long()
    relative_positions = positions - aspect_positions[:, None]
    relative_positions = jnp.clip(relative_positions, -MAX_POSITION, MAX_POSITION)
    position_ids = relative_positions + MAX_POSITION
    return position_ids


def reference(aspect_mask, position_embeddings):
    position_ids = _compute_position_ids(aspect_mask)
    # embedding lookup (gather)
    position_embeds = jnp.take(position_embeddings, position_ids, axis=0)
    return position_embeds

if __name__ == "__main__":
    import jax
    _d = setup_inputs()
    print(jax.jit(kernel)(*tuple(_d.values())))

</pallas_src>

<mosaic_0001>
#map = affine_map<(d0, d1) -> (0)>
#map1 = affine_map<(d0, d1) -> (0, 0, 0)>
module attributes {stable_mosaic.version = 14 : i64} {
  func.func @_sc_body(%arg0: i32, %arg1: i32, %arg2: memref<819200xf32, #tpu.memory_space<hbm>>, %arg3: memref<6464xf32, #tpu.memory_space<hbm>>, %arg4: memref<200x64x4096xf32, #tpu.memory_space<hbm>>, %arg5: memref<25600xf32, #tpu.memory_space<vmem>>, %arg6: memref<6464xf32, #tpu.memory_space<vmem>>, %arg7: memref<25951xf32, #tpu.memory_space<vmem>>, %arg8: memref<128xi32, #tpu.memory_space<vmem>>, %arg9: memref<64x128xf32, #tpu.memory_space<vmem>>, %arg10: memref<64x128xf32, #tpu.memory_space<vmem>>, %arg11: memref<!tpu.dma_semaphore, #tpu.memory_space<semaphore_mem>>, %arg12: memref<!tpu.dma_semaphore, #tpu.memory_space<semaphore_mem>>) attributes {dimension_semantics = [#tpu.dimension_semantics<core_parallel>, #tpu.dimension_semantics<subcore_parallel>], iteration_bounds = array<i64: 2, 16>, scalar_prefetch = 0 : i64, scratch_operands = 8 : i64, tpu.core_type = #tpu.core_type<sc_vector_subcore>, window_params = [{transform_indices = #map}, {transform_indices = #map}, {transform_indices = #map1}]} {
    %mul3A = arith.constant 2 : i32
    %mul3A_0 = arith.muli %arg1, %mul3A : i32
    %add3A = arith.addi %mul3A_0, %arg0 : i32
    %mul3A_1 = arith.constant 128 : i32
    %mul3A_2 = arith.muli %add3A, %mul3A_1 : i32
    %mul3A_3 = arith.constant 200 : i32
    %mul3A_4 = arith.muli %mul3A_2, %mul3A_3 : i32
    "tpu.region"() ({
      %run_scoped3A = tpu.sem_alloc : memref<!tpu.dma_semaphore, #tpu.memory_space<semaphore_mem>>
      %dma_start3A_48 = tpu.memref_slice %arg2[%mul3A_4] : memref<819200xf32, #tpu.memory_space<hbm>> -> memref<25600xf32, #tpu.memory_space<hbm>>
      %dma_start3A_49 = tpu.memref_slice %arg2[%mul3A_4] : memref<819200xf32, #tpu.memory_space<hbm>> -> memref<25600xf32, #tpu.memory_space<hbm>>
      tpu.enqueue_dma source(%dma_start3A_49 : memref<25600xf32, #tpu.memory_space<hbm>>) target(%arg5 : memref<25600xf32, #tpu.memory_space<vmem>>) target_semaphore(%run_scoped3A : memref<!tpu.dma_semaphore, #tpu.memory_space<semaphore_mem>>)
      %dma_wait3A_50 = tpu.memref_slice %arg2[%mul3A_4] : memref<819200xf32, #tpu.memory_space<hbm>> -> memref<25600xf32, #tpu.memory_space<hbm>>
      %dma_wait3A_51 = tpu.memref_slice %arg2[%mul3A_4] : memref<819200xf32, #tpu.memory_space<hbm>> -> memref<25600xf32, #tpu.memory_space<hbm>>
      tpu.wait_dma2 semaphore(%run_scoped3A : memref<!tpu.dma_semaphore, #tpu.memory_space<semaphore_mem>>) src(%dma_wait3A_51 : memref<25600xf32, #tpu.memory_space<hbm>>) dst(%arg5 : memref<25600xf32, #tpu.memory_space<vmem>>)
      tpu.yield
    }) : () -> ()
    "tpu.region"() ({
      %run_scoped3A = tpu.sem_alloc : memref<!tpu.dma_semaphore, #tpu.memory_space<semaphore_mem>>
      tpu.enqueue_dma source(%arg3 : memref<6464xf32, #tpu.memory_space<hbm>>) target(%arg6 : memref<6464xf32, #tpu.memory_space<vmem>>) target_semaphore(%run_scoped3A : memref<!tpu.dma_semaphore, #tpu.memory_space<semaphore_mem>>)
      tpu.wait_dma2 semaphore(%run_scoped3A : memref<!tpu.dma_semaphore, #tpu.memory_space<semaphore_mem>>) src(%arg3 : memref<6464xf32, #tpu.memory_space<hbm>>) dst(%arg6 : memref<6464xf32, #tpu.memory_space<vmem>>)
      tpu.yield
    }) : () -> ()
    %iota3A = tpu.iota {dimensions = array<i32: 0>} : vector<16xi32>
    %parallel_loop3A = arith.constant 0 : i32
    %parallel_loop3A_5 = arith.constant 399 : i32
    %parallel_loop3A_6 = arith.constant 1 : i32
    scf.for %parallel_loop3A_48 = %parallel_loop3A to %parallel_loop3A_5 step %parallel_loop3A_6  : i32 {
      %parallel_loop3A_49 = arith.constant 199 : i32
      %parallel_loop3A_50 = arith.subi %parallel_loop3A_48, %parallel_loop3A_49 : i32
      %parallel_loop3A_51 = arith.constant -50 : i32
      %parallel_loop3A_52 = arith.constant 50 : i32
      %parallel_loop3A_53 = arith.maxsi %parallel_loop3A_51, %parallel_loop3A_50 : i32
      %parallel_loop3A_54 = arith.minsi %parallel_loop3A_52, %parallel_loop3A_53 : i32
      %parallel_loop3A_55 = arith.constant 50 : i32
      %parallel_loop3A_56 = arith.addi %parallel_loop3A_54, %parallel_loop3A_55 : i32
      %parallel_loop3A_57 = arith.constant 64 : i32
      %parallel_loop3A_58 = arith.muli %parallel_loop3A_56, %parallel_loop3A_57 : i32
      %parallel_loop3A_59 = arith.constant 0 : i32
      %parallel_loop3A_60 = arith.addi %parallel_loop3A_58, %parallel_loop3A_59 : i32
      %parallel_loop3A_61 = arith.index_cast %parallel_loop3A_60 : i32 to index
      %parallel_loop3A_62 = tpu.vector_load %arg6[%parallel_loop3A_61] {strides = array<i32>} : memref<6464xf32, #tpu.memory_space<vmem>>, vector<16xf32>,
      %parallel_loop3A_63 = arith.constant 65 : i32
      %parallel_loop3A_64 = arith.muli %parallel_loop3A_48, %parallel_loop3A_63 : i32
      %parallel_loop3A_65 = arith.constant 0 : i32
      %parallel_loop3A_66 = arith.addi %parallel_loop3A_64, %parallel_loop3A_65 : i32
      %parallel_loop3A_67 = vector.broadcast %parallel_loop3A_66 : i32 to vector<16xi32>
      %parallel_loop3A_68 = arith.addi %parallel_loop3A_67, %iota3A : vector<16xi32>
      tpu.vector_store_idx %arg7[%parallel_loop3A_68], %parallel_loop3A_62 : memref<25951xf32, #tpu.memory_space<vmem>>[vector<16xi32>], vector<16xf32>,
      %parallel_loop3A_69 = arith.constant 64 : i32
      %parallel_loop3A_70 = arith.muli %parallel_loop3A_56, %parallel_loop3A_69 : i32
      %parallel_loop3A_71 = arith.constant 16 : i32
      %parallel_loop3A_72 = arith.addi %parallel_loop3A_70, %parallel_loop3A_71 : i32
      %parallel_loop3A_73 = arith.index_cast %parallel_loop3A_72 : i32 to index
      %parallel_loop3A_74 = tpu.vector_load %arg6[%parallel_loop3A_73] {strides = array<i32>} : memref<6464xf32, #tpu.memory_space<vmem>>, vector<16xf32>,
      %parallel_loop3A_75 = arith.constant 65 : i32
      %parallel_loop3A_76 = arith.muli %parallel_loop3A_48, %parallel_loop3A_75 : i32
      %parallel_loop3A_77 = arith.constant 16 : i32
      %parallel_loop3A_78 = arith.addi %parallel_loop3A_76, %parallel_loop3A_77 : i32
      %parallel_loop3A_79 = vector.broadcast %parallel_loop3A_78 : i32 to vector<16xi32>
      %parallel_loop3A_80 = arith.addi %parallel_loop3A_79, %iota3A : vector<16xi32>
      tpu.vector_store_idx %arg7[%parallel_loop3A_80], %parallel_loop3A_74 : memref<25951xf32, #tpu.memory_space<vmem>>[vector<16xi32>], vector<16xf32>,
      %parallel_loop3A_81 = arith.constant 64 : i32
      %parallel_loop3A_82 = arith.muli %parallel_loop3A_56, %parallel_loop3A_81 : i32
      %parallel_loop3A_83 = arith.constant 32 : i32
      %parallel_loop3A_84 = arith.addi %parallel_loop3A_82, %parallel_loop3A_83 : i32
      %parallel_loop3A_85 = arith.index_cast %parallel_loop3A_84 : i32 to index
      %parallel_loop3A_86 = tpu.vector_load %arg6[%parallel_loop3A_85] {strides = array<i32>} : memref<6464xf32, #tpu.memory_space<vmem>>, vector<16xf32>,
      %parallel_loop3A_87 = arith.constant 65 : i32
      %parallel_loop3A_88 = arith.muli %parallel_loop3A_48, %parallel_loop3A_87 : i32
      %parallel_loop3A_89 = arith.constant 32 : i32
      %parallel_loop3A_90 = arith.addi %parallel_loop3A_88, %parallel_loop3A_89 : i32
      %parallel_loop3A_91 = vector.broadcast %parallel_loop3A_90 : i32 to vector<16xi32>
      %parallel_loop3A_92 = arith.addi %parallel_loop3A_91, %iota3A : vector<16xi32>
      tpu.vector_store_idx %arg7[%parallel_loop3A_92], %parallel_loop3A_86 : memref<25951xf32, #tpu.memory_space<vmem>>[vector<16xi32>], vector<16xf32>,
      %parallel_loop3A_93 = arith.constant 64 : i32
      %parallel_loop3A_94 = arith.muli %parallel_loop3A_56, %parallel_loop3A_93 : i32
      %parallel_loop3A_95 = arith.constant 48 : i32
      %parallel_loop3A_96 = arith.addi %parallel_loop3A_94, %parallel_loop3A_95 : i32
      %parallel_loop3A_97 = arith.index_cast %parallel_loop3A_96 : i32 to index
      %parallel_loop3A_98 = tpu.vector_load %arg6[%parallel_loop3A_97] {strides = array<i32>} : memref<6464xf32, #tpu.memory_space<vmem>>, vector<16xf32>,
      %parallel_loop3A_99 = arith.constant 65 : i32
      %parallel_loop3A_100 = arith.muli %parallel_loop3A_48, %parallel_loop3A_99 : i32
      %parallel_loop3A_101 = arith.constant 48 : i32
      %parallel_loop3A_102 = arith.addi %parallel_loop3A_100, %parallel_loop3A_101 : i32
      %parallel_loop3A_103 = vector.broadcast %parallel_loop3A_102 : i32 to vector<16xi32>
      %parallel_loop3A_104 = arith.addi %parallel_loop3A_103, %iota3A : vector<16xi32>
      tpu.vector_store_idx %arg7[%parallel_loop3A_104], %parallel_loop3A_98 : memref<25951xf32, #tpu.memory_space<vmem>>[vector<16xi32>], vector<16xf32>,
    } {sc.loop_unroll_factor = 2 : i64, sc.parallel_access}
    %parallel_loop3A_7 = arith.constant 0 : i32
    %parallel_loop3A_8 = arith.constant 8 : i32
    %parallel_loop3A_9 = arith.constant 1 : i32
    scf.for %parallel_loop3A_48 = %parallel_loop3A_7 to %parallel_loop3A_8 step %parallel_loop3A_9  : i32 {
      %parallel_loop3A_49 = arith.constant 16 : i32
      %parallel_loop3A_50 = arith.muli %parallel_loop3A_48, %parallel_loop3A_49 : i32
      %parallel_loop3A_51 = tpu.iota {dimensions = array<i32: 0>} : vector<16xi32>
      %parallel_loop3A_52 = vector.broadcast %parallel_loop3A_50 : i32 to vector<16xi32>
      %parallel_loop3A_53 = arith.addi %parallel_loop3A_52, %parallel_loop3A_51 : vector<16xi32>
      %parallel_loop3A_54 = arith.constant 200 : i32
      %parallel_loop3A_55 = vector.broadcast %parallel_loop3A_54 : i32 to vector<16xi32>
      %parallel_loop3A_56 = arith.muli %parallel_loop3A_53, %parallel_loop3A_55 : vector<16xi32>
      %parallel_loop3A_57 = arith.constant 0.000000e+00 : f32
      %parallel_loop3A_58 = vector.broadcast %parallel_loop3A_57 : f32 to vector<16xf32>
      %parallel_loop3A_59 = arith.constant 0.000000e+00 : f32
      %parallel_loop3A_60 = vector.broadcast %parallel_loop3A_59 : f32 to vector<16xf32>
      %parallel_loop3A_61 = arith.constant 0 : i32
      %parallel_loop3A_62 = arith.constant 200 : i32
      %parallel_loop3A_63 = arith.addi %parallel_loop3A_61, %parallel_loop3A_62 : i32
      %parallel_loop3A_64 = arith.constant 1 : i32
      %parallel_loop3A_65:2 = scf.for %scan3A_97 = %parallel_loop3A_61 to %parallel_loop3A_63 step %parallel_loop3A_64 iter_args(%scan3A_98 = %parallel_loop3A_58, %scan3A_99 = %parallel_loop3A_60) -> (vector<16xf32>, vector<16xf32>)  : i32 {
        %parallel_loop3A_100 = vector.broadcast %scan3A_97 : i32 to vector<16xi32>
        %parallel_loop3A_101 = arith.addi %parallel_loop3A_56, %parallel_loop3A_100 : vector<16xi32>
        %parallel_loop3A_102 = tpu.vector_load_idx %arg5[%parallel_loop3A_101] : memref<25600xf32, #tpu.memory_space<vmem>>[vector<16xi32>], vector<16xf32>,
        %parallel_loop3A_103 = arith.sitofp %scan3A_97 : i32 to f32
        %parallel_loop3A_104 = vector.broadcast %parallel_loop3A_103 : f32 to vector<16xf32>
        %parallel_loop3A_105 = arith.mulf %parallel_loop3A_102, %parallel_loop3A_104 : vector<16xf32>
        %parallel_loop3A_106 = arith.addf %scan3A_98, %parallel_loop3A_105 : vector<16xf32>
        %parallel_loop3A_107 = arith.addf %scan3A_99, %parallel_loop3A_102 : vector<16xf32>
        scf.yield %parallel_loop3A_106, %parallel_loop3A_107 : vector<16xf32>, vector<16xf32>
      }
      %parallel_loop3A_66 = arith.constant 200 : i32
      %parallel_loop3A_67 = arith.constant 1.000000e+00 : f32
      %parallel_loop3A_68 = vector.broadcast %parallel_loop3A_67 : f32 to vector<16xf32>
      %parallel_loop3A_69 = arith.maximumf %parallel_loop3A_65#1, %parallel_loop3A_68 : vector<16xf32>
      %parallel_loop3A_70 = arith.divf %parallel_loop3A_65#0, %parallel_loop3A_69 : vector<16xf32>
      %parallel_loop3A_71 = arith.fptosi %parallel_loop3A_70 : vector<16xf32> to vector<16xi32>
      %parallel_loop3A_72 = arith.sitofp %parallel_loop3A_71 : vector<16xi32> to vector<16xf32>
      %parallel_loop3A_73 = arith.mulf %parallel_loop3A_72, %parallel_loop3A_69 : vector<16xf32>
      %parallel_loop3A_74 = arith.subf %parallel_loop3A_65#0, %parallel_loop3A_73 : vector<16xf32>
      %parallel_loop3A_75 = arith.cmpf oge, %parallel_loop3A_74, %parallel_loop3A_69 : vector<16xf32>
      %parallel_loop3A_76 = arith.constant 1 : i32
      %parallel_loop3A_77 = vector.broadcast %parallel_loop3A_76 : i32 to vector<16xi32>
      %parallel_loop3A_78 = arith.addi %parallel_loop3A_71, %parallel_loop3A_77 : vector<16xi32>
      %parallel_loop3A_79 = arith.select %parallel_loop3A_75, %parallel_loop3A_78, %parallel_loop3A_71 : vector<16xi1>, vector<16xi32>
      %parallel_loop3A_80 = arith.constant 0.000000e+00 : f32
      %parallel_loop3A_81 = vector.broadcast %parallel_loop3A_80 : f32 to vector<16xf32>
      %parallel_loop3A_82 = arith.cmpf olt, %parallel_loop3A_74, %parallel_loop3A_81 : vector<16xf32>
      %parallel_loop3A_83 = arith.constant 1 : i32
      %parallel_loop3A_84 = vector.broadcast %parallel_loop3A_83 : i32 to vector<16xi32>
      %parallel_loop3A_85 = arith.subi %parallel_loop3A_79, %parallel_loop3A_84 : vector<16xi32>
      %parallel_loop3A_86 = arith.select %parallel_loop3A_82, %parallel_loop3A_85, %parallel_loop3A_79 : vector<16xi1>, vector<16xi32>
      %parallel_loop3A_87 = arith.constant 199 : i32
      %parallel_loop3A_88 = vector.broadcast %parallel_loop3A_87 : i32 to vector<16xi32>
      %parallel_loop3A_89 = arith.subi %parallel_loop3A_88, %parallel_loop3A_86 : vector<16xi32>
      %parallel_loop3A_90 = arith.constant 65 : i32
      %parallel_loop3A_91 = vector.broadcast %parallel_loop3A_90 : i32 to vector<16xi32>
      %parallel_loop3A_92 = arith.muli %parallel_loop3A_89, %parallel_loop3A_91 : vector<16xi32>
      %parallel_loop3A_93 = arith.constant 16 : i32
      %parallel_loop3A_94 = arith.muli %parallel_loop3A_48, %parallel_loop3A_93 : i32
      %parallel_loop3A_95 = arith.index_cast %parallel_loop3A_94 : i32 to index
      %parallel_loop3A_96 = tpu.vector_load %arg8[%parallel_loop3A_95] {strides = array<i32>} : memref<128xi32, #tpu.memory_space<vmem>>, vector<16xi32>,
      tpu.vector_store %arg8[%parallel_loop3A_95], %parallel_loop3A_92 {strides = array<i32>} : memref<128xi32, #tpu.memory_space<vmem>>, vector<16xi32>,
    } {sc.loop_unroll_factor = 2 : i64, sc.parallel_access}
    %parallel_loop3A_10 = arith.constant 0 : i32
    %parallel_loop3A_11 = arith.constant 8 : i32
    %parallel_loop3A_12 = arith.constant 1 : i32
    scf.for %parallel_loop3A_48 = %parallel_loop3A_10 to %parallel_loop3A_11 step %parallel_loop3A_12  : i32 {
      %parallel_loop3A_49 = arith.constant 16 : i32
      %parallel_loop3A_50 = arith.muli %parallel_loop3A_48, %parallel_loop3A_49 : i32
      %parallel_loop3A_51 = arith.index_cast %parallel_loop3A_50 : i32 to index
      %parallel_loop3A_52 = tpu.vector_load %arg8[%parallel_loop3A_51] {strides = array<i32>} : memref<128xi32, #tpu.memory_space<vmem>>, vector<16xi32>,
      %parallel_loop3A_53 = arith.constant 0 : i32
      %parallel_loop3A_54 = vector.broadcast %parallel_loop3A_53 : i32 to vector<16xi32>
      %parallel_loop3A_55 = arith.addi %parallel_loop3A_52, %parallel_loop3A_54 : vector<16xi32>
      %parallel_loop3A_56 = arith.constant 0 : i32
      %parallel_loop3A_57 = vector.broadcast %parallel_loop3A_56 : i32 to vector<16xi32>
      %parallel_loop3A_58 = arith.addi %parallel_loop3A_55, %parallel_loop3A_57 : vector<16xi32>
      %parallel_loop3A_59 = tpu.vector_load_idx %arg7[%parallel_loop3A_58] : memref<25951xf32, #tpu.memory_space<vmem>>[vector<16xi32>], vector<16xf32>,
      %parallel_loop3A_60 = arith.constant 0 : i32
      %parallel_loop3A_61 = arith.index_cast %parallel_loop3A_60 : i32 to index
      %parallel_loop3A_62 = arith.index_cast %parallel_loop3A_50 : i32 to index
      %parallel_loop3A_63 = tpu.vector_load %arg9[%parallel_loop3A_61, %parallel_loop3A_62] {strides = array<i32>} : memref<64x128xf32, #tpu.memory_space<vmem>>, vector<16xf32>,
      tpu.vector_store %arg9[%parallel_loop3A_61, %parallel_loop3A_62], %parallel_loop3A_59 {strides = array<i32>} : memref<64x128xf32, #tpu.memory_space<vmem>>, vector<16xf32>,
      %parallel_loop3A_64 = arith.constant 1 : i32
      %parallel_loop3A_65 = vector.broadcast %parallel_loop3A_64 : i32 to vector<16xi32>
      %parallel_loop3A_66 = arith.addi %parallel_loop3A_55, %parallel_loop3A_65 : vector<16xi32>
      %parallel_loop3A_67 = tpu.vector_load_idx %arg7[%parallel_loop3A_66] : memref<25951xf32, #tpu.memory_space<vmem>>[vector<16xi32>], vector<16xf32>,
      %parallel_loop3A_68 = arith.constant 1 : i32
      %parallel_loop3A_69 = arith.index_cast %parallel_loop3A_68 : i32 to index
      %parallel_loop3A_70 = arith.index_cast %parallel_loop3A_50 : i32 to index
      %parallel_loop3A_71 = tpu.vector_load %arg9[%parallel_loop3A_69, %parallel_loop3A_70] {strides = array<i32>} : memref<64x128xf32, #tpu.memory_space<vmem>>, vector<16xf32>,
      tpu.vector_store %arg9[%parallel_loop3A_69, %parallel_loop3A_70], %parallel_loop3A_67 {strides = array<i32>} : memref<64x128xf32, #tpu.memory_space<vmem>>, vector<16xf32>,
      %parallel_loop3A_72 = arith.constant 2 : i32
      %parallel_loop3A_73 = vector.broadcast %parallel_loop3A_72 : i32 to vector<16xi32>
      %parallel_loop3A_74 = arith.addi %parallel_loop3A_55, %parallel_loop3A_73 : vector<16xi32>
      %parallel_loop3A_75 = tpu.vector_load_idx %arg7[%parallel_loop3A_74] : memref<25951xf32, #tpu.memory_space<vmem>>[vector<16xi32>], vector<16xf32>,
      %parallel_loop3A_76 = arith.constant 2 : i32
      %parallel_loop3A_77 = arith.index_cast %parallel_loop3A_76 : i32 to index
      %parallel_loop3A_78 = arith.index_cast %parallel_loop3A_50 : i32 to index
      %parallel_loop3A_79 = tpu.vector_load %arg9[%parallel_loop3A_77, %parallel_loop3A_78] {strides = array<i32>} : memref<64x128xf32, #tpu.memory_space<vmem>>, vector<16xf32>,
      tpu.vector_store %arg9[%parallel_loop3A_77, %parallel_loop3A_78], %parallel_loop3A_75 {strides = array<i32>} : memref<64x128xf32, #tpu.memory_space<vmem>>, vector<16xf32>,
      %parallel_loop3A_80 = arith.constant 3 : i32
      %parallel_loop3A_81 = vector.broadcast %parallel_loop3A_80 : i32 to vector<16xi32>
      %parallel_loop3A_82 = arith.addi %parallel_loop3A_55, %parallel_loop3A_81 : vector<16xi32>
      %parallel_loop3A_83 = tpu.vector_load_idx %arg7[%parallel_loop3A_82] : memref<25951xf32, #tpu.memory_space<vmem>>[vector<16xi32>], vector<16xf32>,
      %parallel_loop3A_84 = arith.constant 3 : i32
      %parallel_loop3A_85 = arith.index_cast %parallel_loop3A_84 : i32 to index
      %parallel_loop3A_86 = arith.index_cast %parallel_loop3A_50 : i32 to index
      %parallel_loop3A_87 = tpu.vector_load %arg9[%parallel_loop3A_85, %parallel_loop3A_86] {strides = array<i32>} : memref<64x128xf32, #tpu.memory_space<vmem>>, vector<16xf32>,
      tpu.vector_store %arg9[%parallel_loop3A_85, %parallel_loop3A_86], %parallel_loop3A_83 {strides = array<i32>} : memref<64x128xf32, #tpu.memory_space<vmem>>, vector<16xf32>,
      %parallel_loop3A_88 = arith.constant 4 : i32
      %parallel_loop3A_89 = vector.broadcast %parallel_loop3A_88 : i32 to vector<16xi32>
      %parallel_loop3A_90 = arith.addi %parallel_loop3A_55, %parallel_loop3A_89 : vector<16xi32>
      %parallel_loop3A_91 = tpu.vector_load_idx %arg7[%parallel_loop3A_90] : memref<25951xf32, #tpu.memory_space<vmem>>[vector<16xi32>], vector<16xf32>,
      %parallel_loop3A_92 = arith.constant 4 : i32
      %parallel_loop3A_93 = arith.index_cast %parallel_loop3A_92 : i32 to index
      %parallel_loop3A_94 = arith.index_cast %parallel_loop3A_50 : i32 to index
      %parallel_loop3A_95 = tpu.vector_load %arg9[%parallel_loop3A_93, %parallel_loop3A_94] {strides = array<i32>} : memref<64x128xf32, #tpu.memory_space<vmem>>, vector<16xf32>,
      tpu.vector_store %arg9[%parallel_loop3A_93, %parallel_loop3A_94], %parallel_loop3A_91 {strides = array<i32>} : memref<64x128xf32, #tpu.memory_space<vmem>>, vector<16xf32>,
      %parallel_loop3A_96 = arith.constant 5 : i32
      %parallel_loop3A_97 = vector.broadcast %parallel_loop3A_96 : i32 to vector<16xi32>
      %parallel_loop3A_98 = arith.addi %parallel_loop3A_55, %parallel_loop3A_97 : vector<16xi32>
      %parallel_loop3A_99 = tpu.vector_load_idx %arg7[%parallel_loop3A_98] : memref<25951xf32, #tpu.memory_space<vmem>>[vector<16xi32>], vector<16xf32>,
      %parallel_loop3A_100 = arith.constant 5 : i32
      %parallel_loop3A_101 = arith.index_cast %parallel_loop3A_100 : i32 to index
      %parallel_loop3A_102 = arith.index_cast %parallel_loop3A_50 : i32 to index
      %parallel_loop3A_103 = tpu.vector_load %arg9[%parallel_loop3A_101, %parallel_loop3A_102] {strides = array<i32>} : memref<64x128xf32, #tpu.memory_space<vmem>>, vector<16xf32>,
      tpu.vector_store %arg9[%parallel_loop3A_101, %parallel_loop3A_102], %parallel_loop3A_99 {strides = array<i32>} : memref<64x128xf32, #tpu.memory_space<vmem>>, vector<16xf32>,
      %parallel_loop3A_104 = arith.constant 6 : i32
      %parallel_loop3A_105 = vector.broadcast %parallel_loop3A_104 : i32 to vector<16xi32>
      %parallel_loop3A_106 = arith.addi %parallel_loop3A_55, %parallel_loop3A_105 : vector<16xi32>
      %parallel_loop3A_107 = tpu.vector_load_idx %arg7[%parallel_loop3A_106] : memref<25951xf32, #tpu.memory_space<vmem>>[vector<16xi32>], vector<16xf32>,
      %parallel_loop3A_108 = arith.constant 6 : i32
      %parallel_loop3A_109 = arith.index_cast %parallel_loop3A_108 : i32 to index
      %parallel_loop3A_110 = arith.index_cast %parallel_loop3A_50 : i32 to index
      %parallel_loop3A_111 = tpu.vector_load %arg9[%parallel_loop3A_109, %parallel_loop3A_110] {strides = array<i32>} : memref<64x128xf32, #tpu.memory_space<vmem>>, vector<16xf32>,
      tpu.vector_store %arg9[%parallel_loop3A_109, %parallel_loop3A_110], %parallel_loop3A_107 {strides = array<i32>} : memref<64x128xf32, #tpu.memory_space<vmem>>, vector<16xf32>,
      %parallel_loop3A_112 = arith.constant 7 : i32
      %parallel_loop3A_113 = vector.broadcast %parallel_loop3A_112 : i32 to vector<16xi32>
      %parallel_loop3A_114 = arith.addi %parallel_loop3A_55, %parallel_loop3A_113 : vector<16xi32>
      %parallel_loop3A_115 = tpu.vector_load_idx %arg7[%parallel_loop3A_114] : memref<25951xf32, #tpu.memory_space<vmem>>[vector<16xi32>], vector<16xf32>,
      %parallel_loop3A_116 = arith.constant 7 : i32
      %parallel_loop3A_117 = arith.index_cast %parallel_loop3A_116 : i32 to index
      %parallel_loop3A_118 = arith.index_cast %parallel_loop3A_50 : i32 to index
      %parallel_loop3A_119 = tpu.vector_load %arg9[%parallel_loop3A_117, %parallel_loop3A_118] {strides = array<i32>} : memref<64x128xf32, #tpu.memory_space<vmem>>, vector<16xf32>,
      tpu.vector_store %arg9[%parallel_loop3A_117, %parallel_loop3A_118], %parallel_loop3A_115 {strides = array<i32>} : memref<64x128xf32, #tpu.memory_space<vmem>>, vector<16xf32>,
      %parallel_loop3A_120 = arith.constant 8 : i32
      %parallel_loop3A_121 = vector.broadcast %parallel_loop3A_120 : i32 to vector<16xi32>
      %parallel_loop3A_122 = arith.addi %parallel_loop3A_55, %parallel_loop3A_121 : vector<16xi32>
      %parallel_loop3A_123 = tpu.vector_load_idx %arg7[%parallel_loop3A_122] : memref<25951xf32, #tpu.memory_space<vmem>>[vector<16xi32>], vector<16xf32>,
      %parallel_loop3A_124 = arith.constant 8 : i32
      %parallel_loop3A_125 = arith.index_cast %parallel_loop3A_124 : i32 to index
      %parallel_loop3A_126 = arith.index_cast %parallel_loop3A_50 : i32 to index
      %parallel_loop3A_127 = tpu.vector_load %arg9[%parallel_loop3A_125, %parallel_loop3A_126] {strides = array<i32>} : memref<64x128xf32, #tpu.memory_space<vmem>>, vector<16xf32>,
      tpu.vector_store %arg9[%parallel_loop3A_125, %parallel_loop3A_126], %parallel_loop3A_123 {strides = array<i32>} : memref<64x128xf32, #tpu.memory_space<vmem>>, vector<16xf32>,
      %parallel_loop3A_128 = arith.constant 9 : i32
      %parallel_loop3A_129 = vector.broadcast %parallel_loop3A_128 : i32 to vector<16xi32>
      %parallel_loop3A_130 = arith.addi %parallel_loop3A_55, %parallel_loop3A_129 : vector<16xi32>
      %parallel_loop3A_131 = tpu.vector_load_idx %arg7[%parallel_loop3A_130] : memref<25951xf32, #tpu.memory_space<vmem>>[vector<16xi32>], vector<16xf32>,
      %parallel_loop3A_132 = arith.constant 9 : i32
      %parallel_loop3A_133 = arith.index_cast %parallel_loop3A_132 : i32 to index
      %parallel_loop3A_134 = arith.index_cast %parallel_loop3A_50 : i32 to index
      %parallel_loop3A_135 = tpu.vector_load %arg9[%parallel_loop3A_133, %parallel_loop3A_134] {strides = array<i32>} : memref<64x128xf32, #tpu.memory_space<vmem>>, vector<16xf32>,
      tpu.vector_store %arg9[%parallel_loop3A_133, %parallel_loop3A_134], %parallel_loop3A_131 {strides = array<i32>} : memref<64x128xf32, #tpu.memory_space<vmem>>, vector<16xf32>,
      %parallel_loop3A_136 = arith.constant 10 : i32
      %parallel_loop3A_137 = vector.broadcast %parallel_loop3A_136 : i32 to vector<16xi32>
      %parallel_loop3A_138 = arith.addi %parallel_loop3A_55, %parallel_loop3A_137 : vector<16xi32>
      %parallel_loop3A_139 = tpu.vector_load_idx %arg7[%parallel_loop3A_138] : memref<25951xf32, #tpu.memory_space<vmem>>[vector<16xi32>], vector<16xf32>,
      %parallel_loop3A_140 = arith.constant 10 : i32
      %parallel_loop3A_141 = arith.index_cast %parallel_loop3A_140 : i32 to index
      %parallel_loop3A_142 = arith.index_cast %parallel_loop3A_50 : i32 to index
      %parallel_loop3A_143 = tpu.vector_load %arg9[%parallel_loop3A_141, %parallel_loop3A_142] {strides = array<i32>} : memref<64x128xf32, #tpu.memory_space<vmem>>, vector<16xf32>,
      tpu.vector_store %arg9[%parallel_loop3A_141, %parallel_loop3A_142], %parallel_loop3A_139 {strides = array<i32>} : memref<64x128xf32, #tpu.memory_space<vmem>>, vector<16xf32>,
      %parallel_loop3A_144 = arith.constant 11 : i32
      %parallel_loop3A_145 = vector.broadcast %parallel_loop3A_144 : i32 to vector<16xi32>
      %parallel_loop3A_146 = arith.addi %parallel_loop3A_55, %parallel_loop3A_145 : vector<16xi32>
      %parallel_loop3A_147 = tpu.vector_load_idx %arg7[%parallel_loop3A_146] : memref<25951xf32, #tpu.memory_space<vmem>>[vector<16xi32>], vector<16xf32>,
      %parallel_loop3A_148 = arith.constant 11 : i32
      %parallel_loop3A_149 = arith.index_cast %parallel_loop3A_148 : i32 to index
      %parallel_loop3A_150 = arith.index_cast %parallel_loop3A_50 : i32 to index
      %parallel_loop3A_151 = tpu.vector_load %arg9[%parallel_loop3A_149, %parallel_loop3A_150] {strides = array<i32>} : memref<64x128xf32, #tpu.memory_space<vmem>>, vector<16xf32>,
      tpu.vector_store %arg9[%parallel_loop3A_149, %parallel_loop3A_150], %parallel_loop3A_147 {strides = array<i32>} : memref<64x128xf32, #tpu.memory_space<vmem>>, vector<16xf32>,
      %parallel_loop3A_152 = arith.constant 12 : i32
      %parallel_loop3A_153 = vector.broadcast %parallel_loop3A_152 : i32 to vector<16xi32>
      %parallel_loop3A_154 = arith.addi %parallel_loop3A_55, %parallel_loop3A_153 : vector<16xi32>
      %parallel_loop3A_155 = tpu.vector_load_idx %arg7[%parallel_loop3A_154] : memref<25951xf32, #tpu.memory_space<vmem>>[vector<16xi32>], vector<16xf32>,
      %parallel_loop3A_156 = arith.constant 12 : i32
      %parallel_loop3A_157 = arith.index_cast %parallel_loop3A_156 : i32 to index
      %parallel_loop3A_158 = arith.index_cast %parallel_loop3A_50 : i32 to index
      %parallel_loop3A_159 = tpu.vector_load %arg9[%parallel_loop3A_157, %parallel_loop3A_158] {strides = array<i32>} : memref<64x128xf32, #tpu.memory_space<vmem>>, vector<16xf32>,
      tpu.vector_store %arg9[%parallel_loop3A_157, %parallel_loop3A_158], %parallel_loop3A_155 {strides = array<i32>} : memref<64x128xf32, #tpu.memory_space<vmem>>, vector<16xf32>,
      %parallel_loop3A_160 = arith.constant 13 : i32
      %parallel_loop3A_161 = vector.broadcast %parallel_loop3A_160 : i32 to vector<16xi32>
      %parallel_loop3A_162 = arith.addi %parallel_loop3A_55, %parallel_loop3A_161 : vector<16xi32>
      %parallel_loop3A_163 = tpu.vector_load_idx %arg7[%parallel_loop3A_162] : memref<25951xf32, #tpu.memory_space<vmem>>[vector<16xi32>], vector<16xf32>,
      %parallel_loop3A_164 = arith.constant 13 : i32
      %parallel_loop3A_165 = arith.index_cast %parallel_loop3A_164 : i32 to index
      %parallel_loop3A_166 = arith.index_cast %parallel_loop3A_50 : i32 to index
      %parallel_loop3A_167 = tpu.vector_load %arg9[%parallel_loop3A_165, %parallel_loop3A_166] {strides = array<i32>} : memref<64x128xf32, #tpu.memory_space<vmem>>, vector<16xf32>,
      tpu.vector_store %arg9[%parallel_loop3A_165, %parallel_loop3A_166], %parallel_loop3A_163 {strides = array<i32>} : memref<64x128xf32, #tpu.memory_space<vmem>>, vector<16xf32>,
      %parallel_loop3A_168 = arith.constant 14 : i32
      %parallel_loop3A_169 = vector.broadcast %parallel_loop3A_168 : i32 to vector<16xi32>
      %parallel_loop3A_170 = arith.addi %parallel_loop3A_55, %parallel_loop3A_169 : vector<16xi32>
      %parallel_loop3A_171 = tpu.vector_load_idx %arg7[%parallel_loop3A_170] : memref<25951xf32, #tpu.memory_space<vmem>>[vector<16xi32>], vector<16xf32>,
      %parallel_loop3A_172 = arith.constant 14 : i32
      %parallel_loop3A_173 = arith.index_cast %parallel_loop3A_172 : i32 to index
      %parallel_loop3A_174 = arith.index_cast %parallel_loop3A_50 : i32 to index
      %parallel_loop3A_175 = tpu.vector_load %arg9[%parallel_loop3A_173, %parallel_loop3A_174] {strides = array<i32>} : memref<64x128xf32, #tpu.memory_space<vmem>>, vector<16xf32>,
      tpu.vector_store %arg9[%parallel_loop3A_173, %parallel_loop3A_174], %parallel_loop3A_171 {strides = array<i32>} : memref<64x128xf32, #tpu.memory_space<vmem>>, vector<16xf32>,
      %parallel_loop3A_176 = arith.constant 15 : i32
      %parallel_loop3A_177 = vector.broadcast %parallel_loop3A_176 : i32 to vector<16xi32>
      %parallel_loop3A_178 = arith.addi %parallel_loop3A_55, %parallel_loop3A_177 : vector<16xi32>
      %parallel_loop3A_179 = tpu.vector_load_idx %arg7[%parallel_loop3A_178] : memref<25951xf32, #tpu.memory_space<vmem>>[vector<16xi32>], vector<16xf32>,
      %parallel_loop3A_180 = arith.constant 15 : i32
      %parallel_loop3A_181 = arith.index_cast %parallel_loop3A_180 : i32 to index
      %parallel_loop3A_182 = arith.index_cast %parallel_loop3A_50 : i32 to index
      %parallel_loop3A_183 = tpu.vector_load %arg9[%parallel_loop3A_181, %parallel_loop3A_182] {strides = array<i32>} : memref<64x128xf32, #tpu.memory_space<vmem>>, vector<16xf32>,
      tpu.vector_store %arg9[%parallel_loop3A_181, %parallel_loop3A_182], %parallel_loop3A_179 {strides = array<i32>} : memref<64x128xf32, #tpu.memory_space<vmem>>, vector<16xf32>,
      %parallel_loop3A_184 = arith.constant 16 : i32
      %parallel_loop3A_185 = vector.broadcast %parallel_loop3A_184 : i32 to vector<16xi32>
      %parallel_loop3A_186 = arith.addi %parallel_loop3A_55, %parallel_loop3A_185 : vector<16xi32>
      %parallel_loop3A_187 = tpu.vector_load_idx %arg7[%parallel_loop3A_186] : memref<25951xf32, #tpu.memory_space<vmem>>[vector<16xi32>], vector<16xf32>,
      %parallel_loop3A_188 = arith.constant 16 : i32
      %parallel_loop3A_189 = arith.index_cast %parallel_loop3A_188 : i32 to index
      %parallel_loop3A_190 = arith.index_cast %parallel_loop3A_50 : i32 to index
      %parallel_loop3A_191 = tpu.vector_load %arg9[%parallel_loop3A_189, %parallel_loop3A_190] {strides = array<i32>} : memref<64x128xf32, #tpu.memory_space<vmem>>, vector<16xf32>,
      tpu.vector_store %arg9[%parallel_loop3A_189, %parallel_loop3A_190], %parallel_loop3A_187 {strides = array<i32>} : memref<64x128xf32, #tpu.memory_space<vmem>>, vector<16xf32>,
      %parallel_loop3A_192 = arith.constant 17 : i32
      %parallel_loop3A_193 = vector.broadcast %parallel_loop3A_192 : i32 to vector<16xi32>
      %parallel_loop3A_194 = arith.addi %parallel_loop3A_55, %parallel_loop3A_193 : vector<16xi32>
      %parallel_loop3A_195 = tpu.vector_load_idx %arg7[%parallel_loop3A_194] : memref<25951xf32, #tpu.memory_space<vmem>>[vector<16xi32>], vector<16xf32>,
      %parallel_loop3A_196 = arith.constant 17 : i32
      %parallel_loop3A_197 = arith.index_cast %parallel_loop3A_196 : i32 to index
      %parallel_loop3A_198 = arith.index_cast %parallel_loop3A_50 : i32 to index
      %parallel_loop3A_199 = tpu.vector_load %arg9[%parallel_loop3A_197, %parallel_loop3A_198] {strides = array<i32>} : memref<64x128xf32, #tpu.memory_space<vmem>>, vector<16xf32>,
      tpu.vector_store %arg9[%parallel_loop3A_197, %parallel_loop3A_198], %parallel_loop3A_195 {strides = array<i32>} : memref<64x128xf32, #tpu.memory_space<vmem>>, vector<16xf32>,
      %parallel_loop3A_200 = arith.constant 18 : i32
      %parallel_loop3A_201 = vector.broadcast %parallel_loop3A_200 : i32 to vector<16xi32>
      %parallel_loop3A_202 = arith.addi %parallel_loop3A_55, %parallel_loop3A_201 : vector<16xi32>
      %parallel_loop3A_203 = tpu.vector_load_idx %arg7[%parallel_loop3A_202] : memref<25951xf32, #tpu.memory_space<vmem>>[vector<16xi32>], vector<16xf32>,
      %parallel_loop3A_204 = arith.constant 18 : i32
      %parallel_loop3A_205 = arith.index_cast %parallel_loop3A_204 : i32 to index
      %parallel_loop3A_206 = arith.index_cast %parallel_loop3A_50 : i32 to index
      %parallel_loop3A_207 = tpu.vector_load %arg9[%parallel_loop3A_205, %parallel_loop3A_206] {strides = array<i32>} : memref<64x128xf32, #tpu.memory_space<vmem>>, vector<16xf32>,
      tpu.vector_store %arg9[%parallel_loop3A_205, %parallel_loop3A_206], %parallel_loop3A_203 {strides = array<i32>} : memref<64x128xf32, #tpu.memory_space<vmem>>, vector<16xf32>,
      %parallel_loop3A_208 = arith.constant 19 : i32
      %parallel_loop3A_209 = vector.broadcast %parallel_loop3A_208 : i32 to vector<16xi32>
      %parallel_loop3A_210 = arith.addi %parallel_loop3A_55, %parallel_loop3A_209 : vector<16xi32>
      %parallel_loop3A_211 = tpu.vector_load_idx %arg7[%parallel_loop3A_210] : memref<25951xf32, #tpu.memory_space<vmem>>[vector<16xi32>], vector<16xf32>,
      %parallel_loop3A_212 = arith.constant 19 : i32
      %parallel_loop3A_213 = arith.index_cast %parallel_loop3A_212 : i32 to index
      %parallel_loop3A_214 = arith.index_cast %parallel_loop3A_50 : i32 to index
      %parallel_loop3A_215 = tpu.vector_load %arg9[%parallel_loop3A_213, %parallel_loop3A_214] {strides = array<i32>} : memref<64x128xf32, #tpu.memory_space<vmem>>, vector<16xf32>,
      tpu.vector_store %arg9[%parallel_loop3A_213, %parallel_loop3A_214], %parallel_loop3A_211 {strides = array<i32>} : memref<64x128xf32, #tpu.memory_space<vmem>>, vector<16xf32>,
      %parallel_loop3A_216 = arith.constant 20 : i32
      %parallel_loop3A_217 = vector.broadcast %parallel_loop3A_216 : i32 to vector<16xi32>
      %parallel_loop3A_218 = arith.addi %parallel_loop3A_55, %parallel_loop3A_217 : vector<16xi32>
      %parallel_loop3A_219 = tpu.vector_load_idx %arg7[%parallel_loop3A_218] : memref<25951xf32, #tpu.memory_space<vmem>>[vector<16xi32>], vector<16xf32>,
      %parallel_loop3A_220 = arith.constant 20 : i32
      %parallel_loop3A_221 = arith.index_cast %parallel_loop3A_220 : i32 to index
      %parallel_loop3A_222 = arith.index_cast %parallel_loop3A_50 : i32 to index
      %parallel_loop3A_223 = tpu.vector_load %arg9[%parallel_loop3A_221, %parallel_loop3A_222] {strides = array<i32>} : memref<64x128xf32, #tpu.memory_space<vmem>>, vector<16xf32>,
      tpu.vector_store %arg9[%parallel_loop3A_221, %parallel_loop3A_222], %parallel_loop3A_219 {strides = array<i32>} : memref<64x128xf32, #tpu.memory_space<vmem>>, vector<16xf32>,
      %parallel_loop3A_224 = arith.constant 21 : i32
      %parallel_loop3A_225 = vector.broadcast %parallel_loop3A_224 : i32 to vector<16xi32>
      %parallel_loop3A_226 = arith.addi %parallel_loop3A_55, %parallel_loop3A_225 : vector<16xi32>
      %parallel_loop3A_227 = tpu.vector_load_idx %arg7[%parallel_loop3A_226] : memref<25951xf32, #tpu.memory_space<vmem>>[vector<16xi32>], vector<16xf32>,
      %parallel_loop3A_228 = arith.constant 21 : i32
      %parallel_loop3A_229 = arith.index_cast %parallel_loop3A_228 : i32 to index
      %parallel_loop3A_230 = arith.index_cast %parallel_loop3A_50 : i32 to index
      %parallel_loop3A_231 = tpu.vector_load %arg9[%parallel_loop3A_229, %parallel_loop3A_230] {strides = array<i32>} : memref<64x128xf32, #tpu.memory_space<vmem>>, vector<16xf32>,
      tpu.vector_store %arg9[%parallel_loop3A_229, %parallel_loop3A_230], %parallel_loop3A_227 {strides = array<i32>} : memref<64x128xf32, #tpu.memory_space<vmem>>, vector<16xf32>,
      %parallel_loop3A_232 = arith.constant 22 : i32
      %parallel_loop3A_233 = vector.broadcast %parallel_loop3A_232 : i32 to vector<16xi32>
      %parallel_loop3A_234 = arith.addi %parallel_loop3A_55, %parallel_loop3A_233 : vector<16xi32>
      %parallel_loop3A_235 = tpu.vector_load_idx %arg7[%parallel_loop3A_234] : memref<25951xf32, #tpu.memory_space<vmem>>[vector<16xi32>], vector<16xf32>,
      %parallel_loop3A_236 = arith.constant 22 : i32
      %parallel_loop3A_237 = arith.index_cast %parallel_loop3A_236 : i32 to index
      %parallel_loop3A_238 = arith.index_cast %parallel_loop3A_50 : i32 to index
      %parallel_loop3A_239 = tpu.vector_load %arg9[%parallel_loop3A_237, %parallel_loop3A_238] {strides = array<i32>} : memref<64x128xf32, #tpu.memory_space<vmem>>, vector<16xf32>,
      tpu.vector_store %arg9[%parallel_loop3A_237, %parallel_loop3A_238], %parallel_loop3A_235 {strides = array<i32>} : memref<64x128xf32, #tpu.memory_space<vmem>>, vector<16xf32>,
      %parallel_loop3A_240 = arith.constant 23 : i32
      %parallel_loop3A_241 = vector.broadcast %parallel_loop3A_240 : i32 to vector<16xi32>
      %parallel_loop3A_242 = arith.addi %parallel_loop3A_55, %parallel_loop3A_241 : vector<16xi32>
      %parallel_loop3A_243 = tpu.vector_load_idx %arg7[%parallel_loop3A_242] : memref<25951xf32, #tpu.memory_space<vmem>>[vector<16xi32>], vector<16xf32>,
      %parallel_loop3A_244 = arith.constant 23 : i32
      %parallel_loop3A_245 = arith.index_cast %parallel_loop3A_244 : i32 to index
      %parallel_loop3A_246 = arith.index_cast %parallel_loop3A_50 : i32 to index
      %parallel_loop3A_247 = tpu.vector_load %arg9[%parallel_loop3A_245, %parallel_loop3A_246] {strides = array<i32>} : memref<64x128xf32, #tpu.memory_space<vmem>>, vector<16xf32>,
      tpu.vector_store %arg9[%parallel_loop3A_245, %parallel_loop3A_246], %parallel_loop3A_243 {strides = array<i32>} : memref<64x128xf32, #tpu.memory_space<vmem>>, vector<16xf32>,
      %parallel_loop3A_248 = arith.constant 24 : i32
      %parallel_loop3A_249 = vector.broadcast %parallel_loop3A_248 : i32 to vector<16xi32>
      %parallel_loop3A_250 = arith.addi %parallel_loop3A_55, %parallel_loop3A_249 : vector<16xi32>
      %parallel_loop3A_251 = tpu.vector_load_idx %arg7[%parallel_loop3A_250] : memref<25951xf32, #tpu.memory_space<vmem>>[vector<16xi32>], vector<16xf32>,
      %parallel_loop3A_252 = arith.constant 24 : i32
      %parallel_loop3A_253 = arith.index_cast %parallel_loop3A_252 : i32 to index
      %parallel_loop3A_254 = arith.index_cast %parallel_loop3A_50 : i32 to index
      %parallel_loop3A_255 = tpu.vector_load %arg9[%parallel_loop3A_253, %parallel_loop3A_254] {strides = array<i32>} : memref<64x128xf32, #tpu.memory_space<vmem>>, vector<16xf32>,
      tpu.vector_store %arg9[%parallel_loop3A_253, %parallel_loop3A_254], %parallel_loop3A_251 {strides = array<i32>} : memref<64x128xf32, #tpu.memory_space<vmem>>, vector<16xf32>,
      %parallel_loop3A_256 = arith.constant 25 : i32
      %parallel_loop3A_257 = vector.broadcast %parallel_loop3A_256 : i32 to vector<16xi32>
      %parallel_loop3A_258 = arith.addi %parallel_loop3A_55, %parallel_loop3A_257 : vector<16xi32>
      %parallel_loop3A_259 = tpu.vector_load_idx %arg7[%parallel_loop3A_258] : memref<25951xf32, #tpu.memory_space<vmem>>[vector<16xi32>], vector<16xf32>,
      %parallel_loop3A_260 = arith.constant 25 : i32
      %parallel_loop3A_261 = arith.index_cast %parallel_loop3A_260 : i32 to index
      %parallel_loop3A_262 = arith.index_cast %parallel_loop3A_50 : i32 to index
      %parallel_loop3A_263 = tpu.vector_load %arg9[%parallel_loop3A_261, %parallel_loop3A_262] {strides = array<i32>} : memref<64x128xf32, #tpu.memory_space<vmem>>, vector<16xf32>,
      tpu.vector_store %arg9[%parallel_loop3A_261, %parallel_loop3A_262], %parallel_loop3A_259 {strides = array<i32>} : memref<64x128xf32, #tpu.memory_space<vmem>>, vector<16xf32>,
      %parallel_loop3A_264 = arith.constant 26 : i32
      %parallel_loop3A_265 = vector.broadcast %parallel_loop3A_264 : i32 to vector<16xi32>
      %parallel_loop3A_266 = arith.addi %parallel_loop3A_55, %parallel_loop3A_265 : vector<16xi32>
      %parallel_loop3A_267 = tpu.vector_load_idx %arg7[%parallel_loop3A_266] : memref<25951xf32, #tpu.memory_space<vmem>>[vector<16xi32>], vector<16xf32>,
      %parallel_loop3A_268 = arith.constant 26 : i32
      %parallel_loop3A_269 = arith.index_cast %parallel_loop3A_268 : i32 to index
      %parallel_loop3A_270 = arith.index_cast %parallel_loop3A_50 : i32 to index
      %parallel_loop3A_271 = tpu.vector_load %arg9[%parallel_loop3A_269, %parallel_loop3A_270] {strides = array<i32>} : memref<64x128xf32, #tpu.memory_space<vmem>>, vector<16xf32>,
      tpu.vector_store %arg9[%parallel_loop3A_269, %parallel_loop3A_270], %parallel_loop3A_267 {strides = array<i32>} : memref<64x128xf32, #tpu.memory_space<vmem>>, vector<16xf32>,
      %parallel_loop3A_272 = arith.constant 27 : i32
      %parallel_loop3A_273 = vector.broadcast %parallel_loop3A_272 : i32 to vector<16xi32>
      %parallel_loop3A_274 = arith.addi %parallel_loop3A_55, %parallel_loop3A_273 : vector<16xi32>
      %parallel_loop3A_275 = tpu.vector_load_idx %arg7[%parallel_loop3A_274] : memref<25951xf32, #tpu.memory_space<vmem>>[vector<16xi32>], vector<16xf32>,
      %parallel_loop3A_276 = arith.constant 27 : i32
      %parallel_loop3A_277 = arith.index_cast %parallel_loop3A_276 : i32 to index
      %parallel_loop3A_278 = arith.index_cast %parallel_loop3A_50 : i32 to index
      %parallel_loop3A_279 = tpu.vector_load %arg9[%parallel_loop3A_277, %parallel_loop3A_278] {strides = array<i32>} : memref<64x128xf32, #tpu.memory_space<vmem>>, vector<16xf32>,
      tpu.vector_store %arg9[%parallel_loop3A_277, %parallel_loop3A_278], %parallel_loop3A_275 {strides = array<i32>} : memref<64x128xf32, #tpu.memory_space<vmem>>, vector<16xf32>,
      %parallel_loop3A_280 = arith.constant 28 : i32
      %parallel_loop3A_281 = vector.broadcast %parallel_loop3A_280 : i32 to vector<16xi32>
      %parallel_loop3A_282 = arith.addi %parallel_loop3A_55, %parallel_loop3A_281 : vector<16xi32>
      %parallel_loop3A_283 = tpu.vector_load_idx %arg7[%parallel_loop3A_282] : memref<25951xf32, #tpu.memory_space<vmem>>[vector<16xi32>], vector<16xf32>,
      %parallel_loop3A_284 = arith.constant 28 : i32
      %parallel_loop3A_285 = arith.index_cast %parallel_loop3A_284 : i32 to index
      %parallel_loop3A_286 = arith.index_cast %parallel_loop3A_50 : i32 to index
      %parallel_loop3A_287 = tpu.vector_load %arg9[%parallel_loop3A_285, %parallel_loop3A_286] {strides = array<i32>} : memref<64x128xf32, #tpu.memory_space<vmem>>, vector<16xf32>,
      tpu.vector_store %arg9[%parallel_loop3A_285, %parallel_loop3A_286], %parallel_loop3A_283 {strides = array<i32>} : memref<64x128xf32, #tpu.memory_space<vmem>>, vector<16xf32>,
      %parallel_loop3A_288 = arith.constant 29 : i32
      %parallel_loop3A_289 = vector.broadcast %parallel_loop3A_288 : i32 to vector<16xi32>
      %parallel_loop3A_290 = arith.addi %parallel_loop3A_55, %parallel_loop3A_289 : vector<16xi32>
      %parallel_loop3A_291 = tpu.vector_load_idx %arg7[%parallel_loop3A_290] : memref<25951xf32, #tpu.memory_space<vmem>>[vector<16xi32>], vector<16xf32>,
      %parallel_loop3A_292 = arith.constant 29 : i32
      %parallel_loop3A_293 = arith.index_cast %parallel_loop3A_292 : i32 to index
      %parallel_loop3A_294 = arith.index_cast %parallel_loop3A_50 : i32 to index
      %parallel_loop3A_295 = tpu.vector_load %arg9[%parallel_loop3A_293, %parallel_loop3A_294] {strides = array<i32>} : memref<64x128xf32, #tpu.memory_space<vmem>>, vector<16xf32>,
      tpu.vector_store %arg9[%parallel_loop3A_293, %parallel_loop3A_294], %parallel_loop3A_291 {strides = array<i32>} : memref<64x128xf32, #tpu.memory_space<vmem>>, vector<16xf32>,
      %parallel_loop3A_296 = arith.constant 30 : i32
      %parallel_loop3A_297 = vector.broadcast %parallel_loop3A_296 : i32 to vector<16xi32>
      %parallel_loop3A_298 = arith.addi %parallel_loop3A_55, %parallel_loop3A_297 : vector<16xi32>
      %parallel_loop3A_299 = tpu.vector_load_idx %arg7[%parallel_loop3A_298] : memref<25951xf32, #tpu.memory_space<vmem>>[vector<16xi32>], vector<16xf32>,
      %parallel_loop3A_300 = arith.constant 30 : i32
      %parallel_loop3A_301 = arith.index_cast %parallel_loop3A_300 : i32 to index
      %parallel_loop3A_302 = arith.index_cast %parallel_loop3A_50 : i32 to index
      %parallel_loop3A_303 = tpu.vector_load %arg9[%parallel_loop3A_301, %parallel_loop3A_302] {strides = array<i32>} : memref<64x128xf32, #tpu.memory_space<vmem>>, vector<16xf32>,
      tpu.vector_store %arg9[%parallel_loop3A_301, %parallel_loop3A_302], %parallel_loop3A_299 {strides = array<i32>} : memref<64x128xf32, #tpu.memory_space<vmem>>, vector<16xf32>,
      %parallel_loop3A_304 = arith.constant 31 : i32
      %parallel_loop3A_305 = vector.broadcast %parallel_loop3A_304 : i32 to vector<16xi32>
      %parallel_loop3A_306 = arith.addi %parallel_loop3A_55, %parallel_loop3A_305 : vector<16xi32>
      %parallel_loop3A_307 = tpu.vector_load_idx %arg7[%parallel_loop3A_306] : memref<25951xf32, #tpu.memory_space<vmem>>[vector<16xi32>], vector<16xf32>,
      %parallel_loop3A_308 = arith.constant 31 : i32
      %parallel_loop3A_309 = arith.index_cast %parallel_loop3A_308 : i32 to index
      %parallel_loop3A_310 = arith.index_cast %parallel_loop3A_50 : i32 to index
      %parallel_loop3A_311 = tpu.vector_load %arg9[%parallel_loop3A_309, %parallel_loop3A_310] {strides = array<i32>} : memref<64x128xf32, #tpu.memory_space<vmem>>, vector<16xf32>,
      tpu.vector_store %arg9[%parallel_loop3A_309, %parallel_loop3A_310], %parallel_loop3A_307 {strides = array<i32>} : memref<64x128xf32, #tpu.memory_space<vmem>>, vector<16xf32>,
      %parallel_loop3A_312 = arith.constant 32 : i32
      %parallel_loop3A_313 = vector.broadcast %parallel_loop3A_312 : i32 to vector<16xi32>
      %parallel_loop3A_314 = arith.addi %parallel_loop3A_55, %parallel_loop3A_313 : vector<16xi32>
      %parallel_loop3A_315 = tpu.vector_load_idx %arg7[%parallel_loop3A_314] : memref<25951xf32, #tpu.memory_space<vmem>>[vector<16xi32>], vector<16xf32>,
      %parallel_loop3A_316 = arith.constant 32 : i32
      %parallel_loop3A_317 = arith.index_cast %parallel_loop3A_316 : i32 to index
      %parallel_loop3A_318 = arith.index_cast %parallel_loop3A_50 : i32 to index
      %parallel_loop3A_319 = tpu.vector_load %arg9[%parallel_loop3A_317, %parallel_loop3A_318] {strides = array<i32>} : memref<64x128xf32, #tpu.memory_space<vmem>>, vector<16xf32>,
      tpu.vector_store %arg9[%parallel_loop3A_317, %parallel_loop3A_318], %parallel_loop3A_315 {strides = array<i32>} : memref<64x128xf32, #tpu.memory_space<vmem>>, vector<16xf32>,
      %parallel_loop3A_320 = arith.constant 33 : i32
      %parallel_loop3A_321 = vector.broadcast %parallel_loop3A_320 : i32 to vector<16xi32>
      %parallel_loop3A_322 = arith.addi %parallel_loop3A_55, %parallel_loop3A_321 : vector<16xi32>
      %parallel_loop3A_323 = tpu.vector_load_idx %arg7[%parallel_loop3A_322] : memref<25951xf32, #tpu.memory_space<vmem>>[vector<16xi32>], vector<16xf32>,
      %parallel_loop3A_324 = arith.constant 33 : i32
      %parallel_loop3A_325 = arith.index_cast %parallel_loop3A_324 : i32 to index
      %parallel_loop3A_326 = arith.index_cast %parallel_loop3A_50 : i32 to index
      %parallel_loop3A_327 = tpu.vector_load %arg9[%parallel_loop3A_325, %parallel_loop3A_326] {strides = array<i32>} : memref<64x128xf32, #tpu.memory_space<vmem>>, vector<16xf32>,
      tpu.vector_store %arg9[%parallel_loop3A_325, %parallel_loop3A_326], %parallel_loop3A_323 {strides = array<i32>} : memref<64x128xf32, #tpu.memory_space<vmem>>, vector<16xf32>,
      %parallel_loop3A_328 = arith.constant 34 : i32
      %parallel_loop3A_329 = vector.broadcast %parallel_loop3A_328 : i32 to vector<16xi32>
      %parallel_loop3A_330 = arith.addi %parallel_loop3A_55, %parallel_loop3A_329 : vector<16xi32>
      %parallel_loop3A_331 = tpu.vector_load_idx %arg7[%parallel_loop3A_330] : memref<25951xf32, #tpu.memory_space<vmem>>[vector<16xi32>], vector<16xf32>,
      %parallel_loop3A_332 = arith.constant 34 : i32
      %parallel_loop3A_333 = arith.index_cast %parallel_loop3A_332 : i32 to index
      %parallel_loop3A_334 = arith.index_cast %parallel_loop3A_50 : i32 to index
      %parallel_loop3A_335 = tpu.vector_load %arg9[%parallel_loop3A_333, %parallel_loop3A_334] {strides = array<i32>} : memref<64x128xf32, #tpu.memory_space<vmem>>, vector<16xf32>,
      tpu.vector_store %arg9[%parallel_loop3A_333, %parallel_loop3A_334], %parallel_loop3A_331 {strides = array<i32>} : memref<64x128xf32, #tpu.memory_space<vmem>>, vector<16xf32>,
      %parallel_loop3A_336 = arith.constant 35 : i32
      %parallel_loop3A_337 = vector.broadcast %parallel_loop3A_336 : i32 to vector<16xi32>
      %parallel_loop3A_338 = arith.addi %parallel_loop3A_55, %parallel_loop3A_337 : vector<16xi32>
      %parallel_loop3A_339 = tpu.vector_load_idx %arg7[%parallel_loop3A_338] : memref<25951xf32, #tpu.memory_space<vmem>>[vector<16xi32>], vector<16xf32>,
      %parallel_loop3A_340 = arith.constant 35 : i32
      %parallel_loop3A_341 = arith.index_cast %parallel_loop3A_340 : i32 to index
      %parallel_loop3A_342 = arith.index_cast %parallel_loop3A_50 : i32 to index
      %parallel_loop3A_343 = tpu.vector_load %arg9[%parallel_loop3A_341, %parallel_loop3A_342] {strides = array<i32>} : memref<64x128xf32, #tpu.memory_space<vmem>>, vector<16xf32>,
      tpu.vector_store %arg9[%parallel_loop3A_341, %parallel_loop3A_342], %parallel_loop3A_339 {strides = array<i32>} : memref<64x128xf32, #tpu.memory_space<vmem>>, vector<16xf32>,
      %parallel_loop3A_344 = arith.constant 36 : i32
      %parallel_loop3A_345 = vector.broadcast %parallel_loop3A_344 : i32 to vector<16xi32>
      %parallel_loop3A_346 = arith.addi %parallel_loop3A_55, %parallel_loop3A_345 : vector<16xi32>
      %parallel_loop3A_347 = tpu.vector_load_idx %arg7[%parallel_loop3A_346] : memref<25951xf32, #tpu.memory_space<vmem>>[vector<16xi32>], vector<16xf32>,
      %parallel_loop3A_348 = arith.constant 36 : i32
      %parallel_loop3A_349 = arith.index_cast %parallel_loop3A_348 : i32 to index
      %parallel_loop3A_350 = arith.index_cast %parallel_loop3A_50 : i32 to index
      %parallel_loop3A_351 = tpu.vector_load %arg9[%parallel_loop3A_349, %parallel_loop3A_350] {strides = array<i32>} : memref<64x128xf32, #tpu.memory_space<vmem>>, vector<16xf32>,
      tpu.vector_store %arg9[%parallel_loop3A_349, %parallel_loop3A_350], %parallel_loop3A_347 {strides = array<i32>} : memref<64x128xf32, #tpu.memory_space<vmem>>, vector<16xf32>,
      %parallel_loop3A_352 = arith.constant 37 : i32
      %parallel_loop3A_353 = vector.broadcast %parallel_loop3A_352 : i32 to vector<16xi32>
      %parallel_loop3A_354 = arith.addi %parallel_loop3A_55, %parallel_loop3A_353 : vector<16xi32>
      %parallel_loop3A_355 = tpu.vector_load_idx %arg7[%parallel_loop3A_354] : memref<25951xf32, #tpu.memory_space<vmem>>[vector<16xi32>], vector<16xf32>,
      %parallel_loop3A_356 = arith.constant 37 : i32
      %parallel_loop3A_357 = arith.index_cast %parallel_loop3A_356 : i32 to index
      %parallel_loop3A_358 = arith.index_cast %parallel_loop3A_50 : i32 to index
      %parallel_loop3A_359 = tpu.vector_load %arg9[%parallel_loop3A_357, %parallel_loop3A_358] {strides = array<i32>} : memref<64x128xf32, #tpu.memory_space<vmem>>, vector<16xf32>,
      tpu.vector_store %arg9[%parallel_loop3A_357, %parallel_loop3A_358], %parallel_loop3A_355 {strides = array<i32>} : memref<64x128xf32, #tpu.memory_space<vmem>>, vector<16xf32>,
      %parallel_loop3A_360 = arith.constant 38 : i32
      %parallel_loop3A_361 = vector.broadcast %parallel_loop3A_360 : i32 to vector<16xi32>
      %parallel_loop3A_362 = arith.addi %parallel_loop3A_55, %parallel_loop3A_361 : vector<16xi32>
      %parallel_loop3A_363 = tpu.vector_load_idx %arg7[%parallel_loop3A_362] : memref<25951xf32, #tpu.memory_space<vmem>>[vector<16xi32>], vector<16xf32>,
      %parallel_loop3A_364 = arith.constant 38 : i32
      %parallel_loop3A_365 = arith.index_cast %parallel_loop3A_364 : i32 to index
      %parallel_loop3A_366 = arith.index_cast %parallel_loop3A_50 : i32 to index
      %parallel_loop3A_367 = tpu.vector_load %arg9[%parallel_loop3A_365, %parallel_loop3A_366] {strides = array<i32>} : memref<64x128xf32, #tpu.memory_space<vmem>>, vector<16xf32>,
      tpu.vector_store %arg9[%parallel_loop3A_365, %parallel_loop3A_366], %parallel_loop3A_363 {strides = array<i32>} : memref<64x128xf32, #tpu.memory_space<vmem>>, vector<16xf32>,
      %parallel_loop3A_368 = arith.constant 39 : i32
      %parallel_loop3A_369 = vector.broadcast %parallel_loop3A_368 : i32 to vector<16xi32>
      %parallel_loop3A_370 = arith.addi %parallel_loop3A_55, %parallel_loop3A_369 : vector<16xi32>
      %parallel_loop3A_371 = tpu.vector_load_idx %arg7[%parallel_loop3A_370] : memref<25951xf32, #tpu.memory_space<vmem>>[vector<16xi32>], vector<16xf32>,
      %parallel_loop3A_372 = arith.constant 39 : i32
      %parallel_loop3A_373 = arith.index_cast %parallel_loop3A_372 : i32 to index
      %parallel_loop3A_374 = arith.index_cast %parallel_loop3A_50 : i32 to index
      %parallel_loop3A_375 = tpu.vector_load %arg9[%parallel_loop3A_373, %parallel_loop3A_374] {strides = array<i32>} : memref<64x128xf32, #tpu.memory_space<vmem>>, vector<16xf32>,
      tpu.vector_store %arg9[%parallel_loop3A_373, %parallel_loop3A_374], %parallel_loop3A_371 {strides = array<i32>} : memref<64x128xf32, #tpu.memory_space<vmem>>, vector<16xf32>,
      %parallel_loop3A_376 = arith.constant 40 : i32
      %parallel_loop3A_377 = vector.broadcast %parallel_loop3A_376 : i32 to vector<16xi32>
      %parallel_loop3A_378 = arith.addi %parallel_loop3A_55, %parallel_loop3A_377 : vector<16xi32>
      %parallel_loop3A_379 = tpu.vector_load_idx %arg7[%parallel_loop3A_378] : memref<25951xf32, #tpu.memory_space<vmem>>[vector<16xi32>], vector<16xf32>,
      %parallel_loop3A_380 = arith.constant 40 : i32
      %parallel_loop3A_381 = arith.index_cast %parallel_loop3A_380 : i32 to index
      %parallel_loop3A_382 = arith.index_cast %parallel_loop3A_50 : i32 to index
      %parallel_loop3A_383 = tpu.vector_load %arg9[%parallel_loop3A_381, %parallel_loop3A_382] {strides = array<i32>} : memref<64x128xf32, #tpu.memory_space<vmem>>, vector<16xf32>,
      tpu.vector_store %arg9[%parallel_loop3A_381, %parallel_loop3A_382], %parallel_loop3A_379 {strides = array<i32>} : memref<64x128xf32, #tpu.memory_space<vmem>>, vector<16xf32>,
      %parallel_loop3A_384 = arith.constant 41 : i32
      %parallel_loop3A_385 = vector.broadcast %parallel_loop3A_384 : i32 to vector<16xi32>
      %parallel_loop3A_386 = arith.addi %parallel_loop3A_55, %parallel_loop3A_385 : vector<16xi32>
      %parallel_loop3A_387 = tpu.vector_load_idx %arg7[%parallel_loop3A_386] : memref<25951xf32, #tpu.memory_space<vmem>>[vector<16xi32>], vector<16xf32>,
      %parallel_loop3A_388 = arith.constant 41 : i32
      %parallel_loop3A_389 = arith.index_cast %parallel_loop3A_388 : i32 to index
      %parallel_loop3A_390 = arith.index_cast %parallel_loop3A_50 : i32 to index
      %parallel_loop3A_391 = tpu.vector_load %arg9[%parallel_loop3A_389, %parallel_loop3A_390] {strides = array<i32>} : memref<64x128xf32, #tpu.memory_space<vmem>>, vector<16xf32>,
      tpu.vector_store %arg9[%parallel_loop3A_389, %parallel_loop3A_390], %parallel_loop3A_387 {strides = array<i32>} : memref<64x128xf32, #tpu.memory_space<vmem>>, vector<16xf32>,
      %parallel_loop3A_392 = arith.constant 42 : i32
      %parallel_loop3A_393 = vector.broadcast %parallel_loop3A_392 : i32 to vector<16xi32>
      %parallel_loop3A_394 = arith.addi %parallel_loop3A_55, %parallel_loop3A_393 : vector<16xi32>
      %parallel_loop3A_395 = tpu.vector_load_idx %arg7[%parallel_loop3A_394] : memref<25951xf32, #tpu.memory_space<vmem>>[vector<16xi32>], vector<16xf32>,
      %parallel_loop3A_396 = arith.constant 42 : i32
      %parallel_loop3A_397 = arith.index_cast %parallel_loop3A_396 : i32 to index
      %parallel_loop3A_398 = arith.index_cast %parallel_loop3A_50 : i32 to index
      %parallel_loop3A_399 = tpu.vector_load %arg9[%parallel_loop3A_397, %parallel_loop3A_398] {strides = array<i32>} : memref<64x128xf32, #tpu.memory_space<vmem>>, vector<16xf32>,
      tpu.vector_store %arg9[%parallel_loop3A_397, %parallel_loop3A_398], %parallel_loop3A_395 {strides = array<i32>} : memref<64x128xf32, #tpu.memory_space<vmem>>, vector<16xf32>,
      %parallel_loop3A_400 = arith.constant 43 : i32
      %parallel_loop3A_401 = vector.broadcast %parallel_loop3A_400 : i32 to vector<16xi32>
      %parallel_loop3A_402 = arith.addi %parallel_loop3A_55, %parallel_loop3A_401 : vector<16xi32>
      %parallel_loop3A_403 = tpu.vector_load_idx %arg7[%parallel_loop3A_402] : memref<25951xf32, #tpu.memory_space<vmem>>[vector<16xi32>], vector<16xf32>,
      %parallel_loop3A_404 = arith.constant 43 : i32
      %parallel_loop3A_405 = arith.index_cast %parallel_loop3A_404 : i32 to index
      %parallel_loop3A_406 = arith.index_cast %parallel_loop3A_50 : i32 to index
      %parallel_loop3A_407 = tpu.vector_load %arg9[%parallel_loop3A_405, %parallel_loop3A_406] {strides = array<i32>} : memref<64x128xf32, #tpu.memory_space<vmem>>, vector<16xf32>,
      tpu.vector_store %arg9[%parallel_loop3A_405, %parallel_loop3A_406], %parallel_loop3A_403 {strides = array<i32>} : memref<64x128xf32, #tpu.memory_space<vmem>>, vector<16xf32>,
      %parallel_loop3A_408 = arith.constant 44 : i32
      %parallel_loop3A_409 = vector.broadcast %parallel_loop3A_408 : i32 to vector<16xi32>
      %parallel_loop3A_410 = arith.addi %parallel_loop3A_55, %parallel_loop3A_409 : vector<16xi32>
      %parallel_loop3A_411 = tpu.vector_load_idx %arg7[%parallel_loop3A_410] : memref<25951xf32, #tpu.memory_space<vmem>>[vector<16xi32>], vector<16xf32>,
      %parallel_loop3A_412 = arith.constant 44 : i32
      %parallel_loop3A_413 = arith.index_cast %parallel_loop3A_412 : i32 to index
      %parallel_loop3A_414 = arith.index_cast %parallel_loop3A_50 : i32 to index
      %parallel_loop3A_415 = tpu.vector_load %arg9[%parallel_loop3A_413, %parallel_loop3A_414] {strides = array<i32>} : memref<64x128xf32, #tpu.memory_space<vmem>>, vector<16xf32>,
      tpu.vector_store %arg9[%parallel_loop3A_413, %parallel_loop3A_414], %parallel_loop3A_411 {strides = array<i32>} : memref<64x128xf32, #tpu.memory_space<vmem>>, vector<16xf32>,
      %parallel_loop3A_416 = arith.constant 45 : i32
      %parallel_loop3A_417 = vector.broadcast %parallel_loop3A_416 : i32 to vector<16xi32>
      %parallel_loop3A_418 = arith.addi %parallel_loop3A_55, %parallel_loop3A_417 : vector<16xi32>
      %parallel_loop3A_419 = tpu.vector_load_idx %arg7[%parallel_loop3A_418] : memref<25951xf32, #tpu.memory_space<vmem>>[vector<16xi32>], vector<16xf32>,
      %parallel_loop3A_420 = arith.constant 45 : i32
      %parallel_loop3A_421 = arith.index_cast %parallel_loop3A_420 : i32 to index
      %parallel_loop3A_422 = arith.index_cast %parallel_loop3A_50 : i32 to index
      %parallel_loop3A_423 = tpu.vector_load %arg9[%parallel_loop3A_421, %parallel_loop3A_422] {strides = array<i32>} : memref<64x128xf32, #tpu.memory_space<vmem>>, vector<16xf32>,
      tpu.vector_store %arg9[%parallel_loop3A_421, %parallel_loop3A_422], %parallel_loop3A_419 {strides = array<i32>} : memref<64x128xf32, #tpu.memory_space<vmem>>, vector<16xf32>,
      %parallel_loop3A_424 = arith.constant 46 : i32
      %parallel_loop3A_425 = vector.broadcast %parallel_loop3A_424 : i32 to vector<16xi32>
      %parallel_loop3A_426 = arith.addi %parallel_loop3A_55, %parallel_loop3A_425 : vector<16xi32>
      %parallel_loop3A_427 = tpu.vector_load_idx %arg7[%parallel_loop3A_426] : memref<25951xf32, #tpu.memory_space<vmem>>[vector<16xi32>], vector<16xf32>,
      %parallel_loop3A_428 = arith.constant 46 : i32
      %parallel_loop3A_429 = arith.index_cast %parallel_loop3A_428 : i32 to index
      %parallel_loop3A_430 = arith.index_cast %parallel_loop3A_50 : i32 to index
      %parallel_loop3A_431 = tpu.vector_load %arg9[%parallel_loop3A_429, %parallel_loop3A_430] {strides = array<i32>} : memref<64x128xf32, #tpu.memory_space<vmem>>, vector<16xf32>,
      tpu.vector_store %arg9[%parallel_loop3A_429, %parallel_loop3A_430], %parallel_loop3A_427 {strides = array<i32>} : memref<64x128xf32, #tpu.memory_space<vmem>>, vector<16xf32>,
      %parallel_loop3A_432 = arith.constant 47 : i32
      %parallel_loop3A_433 = vector.broadcast %parallel_loop3A_432 : i32 to vector<16xi32>
      %parallel_loop3A_434 = arith.addi %parallel_loop3A_55, %parallel_loop3A_433 : vector<16xi32>
      %parallel_loop3A_435 = tpu.vector_load_idx %arg7[%parallel_loop3A_434] : memref<25951xf32, #tpu.memory_space<vmem>>[vector<16xi32>], vector<16xf32>,
      %parallel_loop3A_436 = arith.constant 47 : i32
      %parallel_loop3A_437 = arith.index_cast %parallel_loop3A_436 : i32 to index
      %parallel_loop3A_438 = arith.index_cast %parallel_loop3A_50 : i32 to index
      %parallel_loop3A_439 = tpu.vector_load %arg9[%parallel_loop3A_437, %parallel_loop3A_438] {strides = array<i32>} : memref<64x128xf32, #tpu.memory_space<vmem>>, vector<16xf32>,
      tpu.vector_store %arg9[%parallel_loop3A_437, %parallel_loop3A_438], %parallel_loop3A_435 {strides = array<i32>} : memref<64x128xf32, #tpu.memory_space<vmem>>, vector<16xf32>,
      %parallel_loop3A_440 = arith.constant 48 : i32
      %parallel_loop3A_441 = vector.broadcast %parallel_loop3A_440 : i32 to vector<16xi32>
      %parallel_loop3A_442 = arith.addi %parallel_loop3A_55, %parallel_loop3A_441 : vector<16xi32>
      %parallel_loop3A_443 = tpu.vector_load_idx %arg7[%parallel_loop3A_442] : memref<25951xf32, #tpu.memory_space<vmem>>[vector<16xi32>], vector<16xf32>,
      %parallel_loop3A_444 = arith.constant 48 : i32
      %parallel_loop3A_445 = arith.index_cast %parallel_loop3A_444 : i32 to index
      %parallel_loop3A_446 = arith.index_cast %parallel_loop3A_50 : i32 to index
      %parallel_loop3A_447 = tpu.vector_load %arg9[%parallel_loop3A_445, %parallel_loop3A_446] {strides = array<i32>} : memref<64x128xf32, #tpu.memory_space<vmem>>, vector<16xf32>,
      tpu.vector_store %arg9[%parallel_loop3A_445, %parallel_loop3A_446], %parallel_loop3A_443 {strides = array<i32>} : memref<64x128xf32, #tpu.memory_space<vmem>>, vector<16xf32>,
      %parallel_loop3A_448 = arith.constant 49 : i32
      %parallel_loop3A_449 = vector.broadcast %parallel_loop3A_448 : i32 to vector<16xi32>
      %parallel_loop3A_450 = arith.addi %parallel_loop3A_55, %parallel_loop3A_449 : vector<16xi32>
      %parallel_loop3A_451 = tpu.vector_load_idx %arg7[%parallel_loop3A_450] : memref<25951xf32, #tpu.memory_space<vmem>>[vector<16xi32>], vector<16xf32>,
      %parallel_loop3A_452 = arith.constant 49 : i32
      %parallel_loop3A_453 = arith.index_cast %parallel_loop3A_452 : i32 to index
      %parallel_loop3A_454 = arith.index_cast %parallel_loop3A_50 : i32 to index
      %parallel_loop3A_455 = tpu.vector_load %arg9[%parallel_loop3A_453, %parallel_loop3A_454] {strides = array<i32>} : memref<64x128xf32, #tpu.memory_space<vmem>>, vector<16xf32>,
      tpu.vector_store %arg9[%parallel_loop3A_453, %parallel_loop3A_454], %parallel_loop3A_451 {strides = array<i32>} : memref<64x128xf32, #tpu.memory_space<vmem>>, vector<16xf32>,
      %parallel_loop3A_456 = arith.constant 50 : i32
      %parallel_loop3A_457 = vector.broadcast %parallel_loop3A_456 : i32 to vector<16xi32>
      %parallel_loop3A_458 = arith.addi %parallel_loop3A_55, %parallel_loop3A_457 : vector<16xi32>
      %parallel_loop3A_459 = tpu.vector_load_idx %arg7[%parallel_loop3A_458] : memref<25951xf32, #tpu.memory_space<vmem>>[vector<16xi32>], vector<16xf32>,
      %parallel_loop3A_460 = arith.constant 50 : i32
      %parallel_loop3A_461 = arith.index_cast %parallel_loop3A_460 : i32 to index
      %parallel_loop3A_462 = arith.index_cast %parallel_loop3A_50 : i32 to index
      %parallel_loop3A_463 = tpu.vector_load %arg9[%parallel_loop3A_461, %parallel_loop3A_462] {strides = array<i32>} : memref<64x128xf32, #tpu.memory_space<vmem>>, vector<16xf32>,
      tpu.vector_store %arg9[%parallel_loop3A_461, %parallel_loop3A_462], %parallel_loop3A_459 {strides = array<i32>} : memref<64x128xf32, #tpu.memory_space<vmem>>, vector<16xf32>,
      %parallel_loop3A_464 = arith.constant 51 : i32
      %parallel_loop3A_465 = vector.broadcast %parallel_loop3A_464 : i32 to vector<16xi32>
      %parallel_loop3A_466 = arith.addi %parallel_loop3A_55, %parallel_loop3A_465 : vector<16xi32>
      %parallel_loop3A_467 = tpu.vector_load_idx %arg7[%parallel_loop3A_466] : memref<25951xf32, #tpu.memory_space<vmem>>[vector<16xi32>], vector<16xf32>,
      %parallel_loop3A_468 = arith.constant 51 : i32
      %parallel_loop3A_469 = arith.index_cast %parallel_loop3A_468 : i32 to index
      %parallel_loop3A_470 = arith.index_cast %parallel_loop3A_50 : i32 to index
      %parallel_loop3A_471 = tpu.vector_load %arg9[%parallel_loop3A_469, %parallel_loop3A_470] {strides = array<i32>} : memref<64x128xf32, #tpu.memory_space<vmem>>, vector<16xf32>,
      tpu.vector_store %arg9[%parallel_loop3A_469, %parallel_loop3A_470], %parallel_loop3A_467 {strides = array<i32>} : memref<64x128xf32, #tpu.memory_space<vmem>>, vector<16xf32>,
      %parallel_loop3A_472 = arith.constant 52 : i32
      %parallel_loop3A_473 = vector.broadcast %parallel_loop3A_472 : i32 to vector<16xi32>
      %parallel_loop3A_474 = arith.addi %parallel_loop3A_55, %parallel_loop3A_473 : vector<16xi32>
      %parallel_loop3A_475 = tpu.vector_load_idx %arg7[%parallel_loop3A_474] : memref<25951xf32, #tpu.memory_space<vmem>>[vector<16xi32>], vector<16xf32>,
      %parallel_loop3A_476 = arith.constant 52 : i32
      %parallel_loop3A_477 = arith.index_cast %parallel_loop3A_476 : i32 to index
      %parallel_loop3A_478 = arith.index_cast %parallel_loop3A_50 : i32 to index
      %parallel_loop3A_479 = tpu.vector_load %arg9[%parallel_loop3A_477, %parallel_loop3A_478] {strides = array<i32>} : memref<64x128xf32, #tpu.memory_space<vmem>>, vector<16xf32>,
      tpu.vector_store %arg9[%parallel_loop3A_477, %parallel_loop3A_478], %parallel_loop3A_475 {strides = array<i32>} : memref<64x128xf32, #tpu.memory_space<vmem>>, vector<16xf32>,
      %parallel_loop3A_480 = arith.constant 53 : i32
      %parallel_loop3A_481 = vector.broadcast %parallel_loop3A_480 : i32 to vector<16xi32>
      %parallel_loop3A_482 = arith.addi %parallel_loop3A_55, %parallel_loop3A_481 : vector<16xi32>
      %parallel_loop3A_483 = tpu.vector_load_idx %arg7[%parallel_loop3A_482] : memref<25951xf32, #tpu.memory_space<vmem>>[vector<16xi32>], vector<16xf32>,
      %parallel_loop3A_484 = arith.constant 53 : i32
      %parallel_loop3A_485 = arith.index_cast %parallel_loop3A_484 : i32 to index
      %parallel_loop3A_486 = arith.index_cast %parallel_loop3A_50 : i32 to index
      %parallel_loop3A_487 = tpu.vector_load %arg9[%parallel_loop3A_485, %parallel_loop3A_486] {strides = array<i32>} : memref<64x128xf32, #tpu.memory_space<vmem>>, vector<16xf32>,
      tpu.vector_store %arg9[%parallel_loop3A_485, %parallel_loop3A_486], %parallel_loop3A_483 {strides = array<i32>} : memref<64x128xf32, #tpu.memory_space<vmem>>, vector<16xf32>,
      %parallel_loop3A_488 = arith.constant 54 : i32
      %parallel_loop3A_489 = vector.broadcast %parallel_loop3A_488 : i32 to vector<16xi32>
      %parallel_loop3A_490 = arith.addi %parallel_loop3A_55, %parallel_loop3A_489 : vector<16xi32>
      %parallel_loop3A_491 = tpu.vector_load_idx %arg7[%parallel_loop3A_490] : memref<25951xf32, #tpu.memory_space<vmem>>[vector<16xi32>], vector<16xf32>,
      %parallel_loop3A_492 = arith.constant 54 : i32
      %parallel_loop3A_493 = arith.index_cast %parallel_loop3A_492 : i32 to index
      %parallel_loop3A_494 = arith.index_cast %parallel_loop3A_50 : i32 to index
      %parallel_loop3A_495 = tpu.vector_load %arg9[%parallel_loop3A_493, %parallel_loop3A_494] {strides = array<i32>} : memref<64x128xf32, #tpu.memory_space<vmem>>, vector<16xf32>,
      tpu.vector_store %arg9[%parallel_loop3A_493, %parallel_loop3A_494], %parallel_loop3A_491 {strides = array<i32>} : memref<64x128xf32, #tpu.memory_space<vmem>>, vector<16xf32>,
      %parallel_loop3A_496 = arith.constant 55 : i32
      %parallel_loop3A_497 = vector.broadcast %parallel_loop3A_496 : i32 to vector<16xi32>
      %parallel_loop3A_498 = arith.addi %parallel_loop3A_55, %parallel_loop3A_497 : vector<16xi32>
      %parallel_loop3A_499 = tpu.vector_load_idx %arg7[%parallel_loop3A_498] : memref<25951xf32, #tpu.memory_space<vmem>>[vector<16xi32>], vector<16xf32>,
      %parallel_loop3A_500 = arith.constant 55 : i32
      %parallel_loop3A_501 = arith.index_cast %parallel_loop3A_500 : i32 to index
      %parallel_loop3A_502 = arith.index_cast %parallel_loop3A_50 : i32 to index
      %parallel_loop3A_503 = tpu.vector_load %arg9[%parallel_loop3A_501, %parallel_loop3A_502] {strides = array<i32>} : memref<64x128xf32, #tpu.memory_space<vmem>>, vector<16xf32>,
      tpu.vector_store %arg9[%parallel_loop3A_501, %parallel_loop3A_502], %parallel_loop3A_499 {strides = array<i32>} : memref<64x128xf32, #tpu.memory_space<vmem>>, vector<16xf32>,
      %parallel_loop3A_504 = arith.constant 56 : i32
      %parallel_loop3A_505 = vector.broadcast %parallel_loop3A_504 : i32 to vector<16xi32>
      %parallel_loop3A_506 = arith.addi %parallel_loop3A_55, %parallel_loop3A_505 : vector<16xi32>
      %parallel_loop3A_507 = tpu.vector_load_idx %arg7[%parallel_loop3A_506] : memref<25951xf32, #tpu.memory_space<vmem>>[vector<16xi32>], vector<16xf32>,
      %parallel_loop3A_508 = arith.constant 56 : i32
      %parallel_loop3A_509 = arith.index_cast %parallel_loop3A_508 : i32 to index
      %parallel_loop3A_510 = arith.index_cast %parallel_loop3A_50 : i32 to index
      %parallel_loop3A_511 = tpu.vector_load %arg9[%parallel_loop3A_509, %parallel_loop3A_510] {strides = array<i32>} : memref<64x128xf32, #tpu.memory_space<vmem>>, vector<16xf32>,
      tpu.vector_store %arg9[%parallel_loop3A_509, %parallel_loop3A_510], %parallel_loop3A_507 {strides = array<i32>} : memref<64x128xf32, #tpu.memory_space<vmem>>, vector<16xf32>,
      %parallel_loop3A_512 = arith.constant 57 : i32
      %parallel_loop3A_513 = vector.broadcast %parallel_loop3A_512 : i32 to vector<16xi32>
      %parallel_loop3A_514 = arith.addi %parallel_loop3A_55, %parallel_loop3A_513 : vector<16xi32>
      %parallel_loop3A_515 = tpu.vector_load_idx %arg7[%parallel_loop3A_514] : memref<25951xf32, #tpu.memory_space<vmem>>[vector<16xi32>], vector<16xf32>,
      %parallel_loop3A_516 = arith.constant 57 : i32
      %parallel_loop3A_517 = arith.index_cast %parallel_loop3A_516 : i32 to index
      %parallel_loop3A_518 = arith.index_cast %parallel_loop3A_50 : i32 to index
      %parallel_loop3A_519 = tpu.vector_load %arg9[%parallel_loop3A_517, %parallel_loop3A_518] {strides = array<i32>} : memref<64x128xf32, #tpu.memory_space<vmem>>, vector<16xf32>,
      tpu.vector_store %arg9[%parallel_loop3A_517, %parallel_loop3A_518], %parallel_loop3A_515 {strides = array<i32>} : memref<64x128xf32, #tpu.memory_space<vmem>>, vector<16xf32>,
      %parallel_loop3A_520 = arith.constant 58 : i32
      %parallel_loop3A_521 = vector.broadcast %parallel_loop3A_520 : i32 to vector<16xi32>
      %parallel_loop3A_522 = arith.addi %parallel_loop3A_55, %parallel_loop3A_521 : vector<16xi32>
      %parallel_loop3A_523 = tpu.vector_load_idx %arg7[%parallel_loop3A_522] : memref<25951xf32, #tpu.memory_space<vmem>>[vector<16xi32>], vector<16xf32>,
      %parallel_loop3A_524 = arith.constant 58 : i32
      %parallel_loop3A_525 = arith.index_cast %parallel_loop3A_524 : i32 to index
      %parallel_loop3A_526 = arith.index_cast %parallel_loop3A_50 : i32 to index
      %parallel_loop3A_527 = tpu.vector_load %arg9[%parallel_loop3A_525, %parallel_loop3A_526] {strides = array<i32>} : memref<64x128xf32, #tpu.memory_space<vmem>>, vector<16xf32>,
      tpu.vector_store %arg9[%parallel_loop3A_525, %parallel_loop3A_526], %parallel_loop3A_523 {strides = array<i32>} : memref<64x128xf32, #tpu.memory_space<vmem>>, vector<16xf32>,
      %parallel_loop3A_528 = arith.constant 59 : i32
      %parallel_loop3A_529 = vector.broadcast %parallel_loop3A_528 : i32 to vector<16xi32>
      %parallel_loop3A_530 = arith.addi %parallel_loop3A_55, %parallel_loop3A_529 : vector<16xi32>
      %parallel_loop3A_531 = tpu.vector_load_idx %arg7[%parallel_loop3A_530] : memref<25951xf32, #tpu.memory_space<vmem>>[vector<16xi32>], vector<16xf32>,
      %parallel_loop3A_532 = arith.constant 59 : i32
      %parallel_loop3A_533 = arith.index_cast %parallel_loop3A_532 : i32 to index
      %parallel_loop3A_534 = arith.index_cast %parallel_loop3A_50 : i32 to index
      %parallel_loop3A_535 = tpu.vector_load %arg9[%parallel_loop3A_533, %parallel_loop3A_534] {strides = array<i32>} : memref<64x128xf32, #tpu.memory_space<vmem>>, vector<16xf32>,
      tpu.vector_store %arg9[%parallel_loop3A_533, %parallel_loop3A_534], %parallel_loop3A_531 {strides = array<i32>} : memref<64x128xf32, #tpu.memory_space<vmem>>, vector<16xf32>,
      %parallel_loop3A_536 = arith.constant 60 : i32
      %parallel_loop3A_537 = vector.broadcast %parallel_loop3A_536 : i32 to vector<16xi32>
      %parallel_loop3A_538 = arith.addi %parallel_loop3A_55, %parallel_loop3A_537 : vector<16xi32>
      %parallel_loop3A_539 = tpu.vector_load_idx %arg7[%parallel_loop3A_538] : memref<25951xf32, #tpu.memory_space<vmem>>[vector<16xi32>], vector<16xf32>,
      %parallel_loop3A_540 = arith.constant 60 : i32
      %parallel_loop3A_541 = arith.index_cast %parallel_loop3A_540 : i32 to index
      %parallel_loop3A_542 = arith.index_cast %parallel_loop3A_50 : i32 to index
      %parallel_loop3A_543 = tpu.vector_load %arg9[%parallel_loop3A_541, %parallel_loop3A_542] {strides = array<i32>} : memref<64x128xf32, #tpu.memory_space<vmem>>, vector<16xf32>,
      tpu.vector_store %arg9[%parallel_loop3A_541, %parallel_loop3A_542], %parallel_loop3A_539 {strides = array<i32>} : memref<64x128xf32, #tpu.memory_space<vmem>>, vector<16xf32>,
      %parallel_loop3A_544 = arith.constant 61 : i32
      %parallel_loop3A_545 = vector.broadcast %parallel_loop3A_544 : i32 to vector<16xi32>
      %parallel_loop3A_546 = arith.addi %parallel_loop3A_55, %parallel_loop3A_545 : vector<16xi32>
      %parallel_loop3A_547 = tpu.vector_load_idx %arg7[%parallel_loop3A_546] : memref<25951xf32, #tpu.memory_space<vmem>>[vector<16xi32>], vector<16xf32>,
      %parallel_loop3A_548 = arith.constant 61 : i32
      %parallel_loop3A_549 = arith.index_cast %parallel_loop3A_548 : i32 to index
      %parallel_loop3A_550 = arith.index_cast %parallel_loop3A_50 : i32 to index
      %parallel_loop3A_551 = tpu.vector_load %arg9[%parallel_loop3A_549, %parallel_loop3A_550] {strides = array<i32>} : memref<64x128xf32, #tpu.memory_space<vmem>>, vector<16xf32>,
      tpu.vector_store %arg9[%parallel_loop3A_549, %parallel_loop3A_550], %parallel_loop3A_547 {strides = array<i32>} : memref<64x128xf32, #tpu.memory_space<vmem>>, vector<16xf32>,
      %parallel_loop3A_552 = arith.constant 62 : i32
      %parallel_loop3A_553 = vector.broadcast %parallel_loop3A_552 : i32 to vector<16xi32>
      %parallel_loop3A_554 = arith.addi %parallel_loop3A_55, %parallel_loop3A_553 : vector<16xi32>
      %parallel_loop3A_555 = tpu.vector_load_idx %arg7[%parallel_loop3A_554] : memref<25951xf32, #tpu.memory_space<vmem>>[vector<16xi32>], vector<16xf32>,
      %parallel_loop3A_556 = arith.constant 62 : i32
      %parallel_loop3A_557 = arith.index_cast %parallel_loop3A_556 : i32 to index
      %parallel_loop3A_558 = arith.index_cast %parallel_loop3A_50 : i32 to index
      %parallel_loop3A_559 = tpu.vector_load %arg9[%parallel_loop3A_557, %parallel_loop3A_558] {strides = array<i32>} : memref<64x128xf32, #tpu.memory_space<vmem>>, vector<16xf32>,
      tpu.vector_store %arg9[%parallel_loop3A_557, %parallel_loop3A_558], %parallel_loop3A_555 {strides = array<i32>} : memref<64x128xf32, #tpu.memory_space<vmem>>, vector<16xf32>,
      %parallel_loop3A_560 = arith.constant 63 : i32
      %parallel_loop3A_561 = vector.broadcast %parallel_loop3A_560 : i32 to vector<16xi32>
      %parallel_loop3A_562 = arith.addi %parallel_loop3A_55, %parallel_loop3A_561 : vector<16xi32>
      %parallel_loop3A_563 = tpu.vector_load_idx %arg7[%parallel_loop3A_562] : memref<25951xf32, #tpu.memory_space<vmem>>[vector<16xi32>], vector<16xf32>,
      %parallel_loop3A_564 = arith.constant 63 : i32
      %parallel_loop3A_565 = arith.index_cast %parallel_loop3A_564 : i32 to index
      %parallel_loop3A_566 = arith.index_cast %parallel_loop3A_50 : i32 to index
      %parallel_loop3A_567 = tpu.vector_load %arg9[%parallel_loop3A_565, %parallel_loop3A_566] {strides = array<i32>} : memref<64x128xf32, #tpu.memory_space<vmem>>, vector<16xf32>,
      tpu.vector_store %arg9[%parallel_loop3A_565, %parallel_loop3A_566], %parallel_loop3A_563 {strides = array<i32>} : memref<64x128xf32, #tpu.memory_space<vmem>>, vector<16xf32>,
    } {sc.loop_unroll_factor = 4 : i64, sc.parallel_access}
    %dma_start3A = arith.constant 0 : i32
    %dma_start3A_13 = arith.constant 0 : i32
    %dma_start3A_14 = tpu.memref_slice %arg4[%dma_start3A, %dma_start3A_13, %mul3A_2] : memref<200x64x4096xf32, #tpu.memory_space<hbm>> -> memref<1x64x128xf32, #tpu.memory_space<hbm>>
    %dma_start3A_15 = tpu.memref_squeeze %dma_start3A_14 : memref<1x64x128xf32, #tpu.memory_space<hbm>> -> memref<64x128xf32, #tpu.memory_space<hbm>>
    %dma_start3A_16 = arith.constant 0 : i32
    %dma_start3A_17 = tpu.memref_slice %arg4[%dma_start3A, %dma_start3A_16, %mul3A_2] : memref<200x64x4096xf32, #tpu.memory_space<hbm>> -> memref<1x64x128xf32, #tpu.memory_space<hbm>>
    %dma_start3A_18 = tpu.memref_squeeze %dma_start3A_17 : memref<1x64x128xf32, #tpu.memory_space<hbm>> -> memref<64x128xf32, #tpu.memory_space<hbm>>
    tpu.enqueue_dma source(%arg9 : memref<64x128xf32, #tpu.memory_space<vmem>>) target(%dma_start3A_18 : memref<64x128xf32, #tpu.memory_space<hbm>>) target_semaphore(%arg11 : memref<!tpu.dma_semaphore, #tpu.memory_space<semaphore_mem>>)
    %parallel_loop3A_19 = arith.constant 0 : i32
    %parallel_loop3A_20 = arith.constant 8 : i32
    %parallel_loop3A_21 = arith.constant 1 : i32
    scf.for %parallel_loop3A_48 = %parallel_loop3A_19 to %parallel_loop3A_20 step %parallel_loop3A_21  : i32 {
      %parallel_loop3A_49 = arith.constant 16 : i32
      %parallel_loop3A_50 = arith.muli %parallel_loop3A_48, %parallel_loop3A_49 : i32
      %parallel_loop3A_51 = arith.index_cast %parallel_loop3A_50 : i32 to index
      %parallel_loop3A_52 = tpu.vector_load %arg8[%parallel_loop3A_51] {strides = array<i32>} : memref<128xi32, #tpu.memory_space<vmem>>, vector<16xi32>,
      %parallel_loop3A_53 = arith.constant 65 : i32
      %parallel_loop3A_54 = vector.broadcast %parallel_loop3A_53 : i32 to vector<16xi32>
      %parallel_loop3A_55 = arith.addi %parallel_loop3A_52, %parallel_loop3A_54 : vector<16xi32>
      %parallel_loop3A_56 = arith.constant 0 : i32
      %parallel_loop3A_57 = vector.broadcast %parallel_loop3A_56 : i32 to vector<16xi32>
      %parallel_loop3A_58 = arith.addi %parallel_loop3A_55, %parallel_loop3A_57 : vector<16xi32>
      %parallel_loop3A_59 = tpu.vector_load_idx %arg7[%parallel_loop3A_58] : memref<25951xf32, #tpu.memory_space<vmem>>[vector<16xi32>], vector<16xf32>,
      %parallel_loop3A_60 = arith.constant 0 : i32
      %parallel_loop3A_61 = arith.index_cast %parallel_loop3A_60 : i32 to index
      %parallel_loop3A_62 = arith.index_cast %parallel_loop3A_50 : i32 to index
      %parallel_loop3A_63 = tpu.vector_load %arg10[%parallel_loop3A_61, %parallel_loop3A_62] {strides = array<i32>} : memref<64x128xf32, #tpu.memory_space<vmem>>, vector<16xf32>,
      tpu.vector_store %arg10[%parallel_loop3A_61, %parallel_loop3A_62], %parallel_loop3A_59 {strides = array<i32>} : memref<64x128xf32, #tpu.memory_space<vmem>>, vector<16xf32>,
      %parallel_loop3A_64 = arith.constant 1 : i32
      %parallel_loop3A_65 = vector.broadcast %parallel_loop3A_64 : i32 to vector<16xi32>
      %parallel_loop3A_66 = arith.addi %parallel_loop3A_55, %parallel_loop3A_65 : vector<16xi32>
      %parallel_loop3A_67 = tpu.vector_load_idx %arg7[%parallel_loop3A_66] : memref<25951xf32, #tpu.memory_space<vmem>>[vector<16xi32>], vector<16xf32>,
      %parallel_loop3A_68 = arith.constant 1 : i32
      %parallel_loop3A_69 = arith.index_cast %parallel_loop3A_68 : i32 to index
      %parallel_loop3A_70 = arith.index_cast %parallel_loop3A_50 : i32 to index
      %parallel_loop3A_71 = tpu.vector_load %arg10[%parallel_loop3A_69, %parallel_loop3A_70] {strides = array<i32>} : memref<64x128xf32, #tpu.memory_space<vmem>>, vector<16xf32>,
      tpu.vector_store %arg10[%parallel_loop3A_69, %parallel_loop3A_70], %parallel_loop3A_67 {strides = array<i32>} : memref<64x128xf32, #tpu.memory_space<vmem>>, vector<16xf32>,
      %parallel_loop3A_72 = arith.constant 2 : i32
      %parallel_loop3A_73 = vector.broadcast %parallel_loop3A_72 : i32 to vector<16xi32>
      %parallel_loop3A_74 = arith.addi %parallel_loop3A_55, %parallel_loop3A_73 : vector<16xi32>
      %parallel_loop3A_75 = tpu.vector_load_idx %arg7[%parallel_loop3A_74] : memref<25951xf32, #tpu.memory_space<vmem>>[vector<16xi32>], vector<16xf32>,
      %parallel_loop3A_76 = arith.constant 2 : i32
      %parallel_loop3A_77 = arith.index_cast %parallel_loop3A_76 : i32 to index
      %parallel_loop3A_78 = arith.index_cast %parallel_loop3A_50 : i32 to index
      %parallel_loop3A_79 = tpu.vector_load %arg10[%parallel_loop3A_77, %parallel_loop3A_78] {strides = array<i32>} : memref<64x128xf32, #tpu.memory_space<vmem>>, vector<16xf32>,
      tpu.vector_store %arg10[%parallel_loop3A_77, %parallel_loop3A_78], %parallel_loop3A_75 {strides = array<i32>} : memref<64x128xf32, #tpu.memory_space<vmem>>, vector<16xf32>,
      %parallel_loop3A_80 = arith.constant 3 : i32
      %parallel_loop3A_81 = vector.broadcast %parallel_loop3A_80 : i32 to vector<16xi32>
      %parallel_loop3A_82 = arith.addi %parallel_loop3A_55, %parallel_loop3A_81 : vector<16xi32>
      %parallel_loop3A_83 = tpu.vector_load_idx %arg7[%parallel_loop3A_82] : memref<25951xf32, #tpu.memory_space<vmem>>[vector<16xi32>], vector<16xf32>,
      %parallel_loop3A_84 = arith.constant 3 : i32
      %parallel_loop3A_85 = arith.index_cast %parallel_loop3A_84 : i32 to index
      %parallel_loop3A_86 = arith.index_cast %parallel_loop3A_50 : i32 to index
      %parallel_loop3A_87 = tpu.vector_load %arg10[%parallel_loop3A_85, %parallel_loop3A_86] {strides = array<i32>} : memref<64x128xf32, #tpu.memory_space<vmem>>, vector<16xf32>,
      tpu.vector_store %arg10[%parallel_loop3A_85, %parallel_loop3A_86], %parallel_loop3A_83 {strides = array<i32>} : memref<64x128xf32, #tpu.memory_space<vmem>>, vector<16xf32>,
      %parallel_loop3A_88 = arith.constant 4 : i32
      %parallel_loop3A_89 = vector.broadcast %parallel_loop3A_88 : i32 to vector<16xi32>
      %parallel_loop3A_90 = arith.addi %parallel_loop3A_55, %parallel_loop3A_89 : vector<16xi32>
      %parallel_loop3A_91 = tpu.vector_load_idx %arg7[%parallel_loop3A_90] : memref<25951xf32, #tpu.memory_space<vmem>>[vector<16xi32>], vector<16xf32>,
      %parallel_loop3A_92 = arith.constant 4 : i32
      %parallel_loop3A_93 = arith.index_cast %parallel_loop3A_92 : i32 to index
      %parallel_loop3A_94 = arith.index_cast %parallel_loop3A_50 : i32 to index
      %parallel_loop3A_95 = tpu.vector_load %arg10[%parallel_loop3A_93, %parallel_loop3A_94] {strides = array<i32>} : memref<64x128xf32, #tpu.memory_space<vmem>>, vector<16xf32>,
      tpu.vector_store %arg10[%parallel_loop3A_93, %parallel_loop3A_94], %parallel_loop3A_91 {strides = array<i32>} : memref<64x128xf32, #tpu.memory_space<vmem>>, vector<16xf32>,
      %parallel_loop3A_96 = arith.constant 5 : i32
      %parallel_loop3A_97 = vector.broadcast %parallel_loop3A_96 : i32 to vector<16xi32>
      %parallel_loop3A_98 = arith.addi %parallel_loop3A_55, %parallel_loop3A_97 : vector<16xi32>
      %parallel_loop3A_99 = tpu.vector_load_idx %arg7[%parallel_loop3A_98] : memref<25951xf32, #tpu.memory_space<vmem>>[vector<16xi32>], vector<16xf32>,
      %parallel_loop3A_100 = arith.constant 5 : i32
      %parallel_loop3A_101 = arith.index_cast %parallel_loop3A_100 : i32 to index
      %parallel_loop3A_102 = arith.index_cast %parallel_loop3A_50 : i32 to index
      %parallel_loop3A_103 = tpu.vector_load %arg10[%parallel_loop3A_101, %parallel_loop3A_102] {strides = array<i32>} : memref<64x128xf32, #tpu.memory_space<vmem>>, vector<16xf32>,
      tpu.vector_store %arg10[%parallel_loop3A_101, %parallel_loop3A_102], %parallel_loop3A_99 {strides = array<i32>} : memref<64x128xf32, #tpu.memory_space<vmem>>, vector<16xf32>,
      %parallel_loop3A_104 = arith.constant 6 : i32
      %parallel_loop3A_105 = vector.broadcast %parallel_loop3A_104 : i32 to vector<16xi32>
      %parallel_loop3A_106 = arith.addi %parallel_loop3A_55, %parallel_loop3A_105 : vector<16xi32>
      %parallel_loop3A_107 = tpu.vector_load_idx %arg7[%parallel_loop3A_106] : memref<25951xf32, #tpu.memory_space<vmem>>[vector<16xi32>], vector<16xf32>,
      %parallel_loop3A_108 = arith.constant 6 : i32
      %parallel_loop3A_109 = arith.index_cast %parallel_loop3A_108 : i32 to index
      %parallel_loop3A_110 = arith.index_cast %parallel_loop3A_50 : i32 to index
      %parallel_loop3A_111 = tpu.vector_load %arg10[%parallel_loop3A_109, %parallel_loop3A_110] {strides = array<i32>} : memref<64x128xf32, #tpu.memory_space<vmem>>, vector<16xf32>,
      tpu.vector_store %arg10[%parallel_loop3A_109, %parallel_loop3A_110], %parallel_loop3A_107 {strides = array<i32>} : memref<64x128xf32, #tpu.memory_space<vmem>>, vector<16xf32>,
      %parallel_loop3A_112 = arith.constant 7 : i32
      %parallel_loop3A_113 = vector.broadcast %parallel_loop3A_112 : i32 to vector<16xi32>
      %parallel_loop3A_114 = arith.addi %parallel_loop3A_55, %parallel_loop3A_113 : vector<16xi32>
      %parallel_loop3A_115 = tpu.vector_load_idx %arg7[%parallel_loop3A_114] : memref<25951xf32, #tpu.memory_space<vmem>>[vector<16xi32>], vector<16xf32>,
      %parallel_loop3A_116 = arith.constant 7 : i32
      %parallel_loop3A_117 = arith.index_cast %parallel_loop3A_116 : i32 to index
      %parallel_loop3A_118 = arith.index_cast %parallel_loop3A_50 : i32 to index
      %parallel_loop3A_119 = tpu.vector_load %arg10[%parallel_loop3A_117, %parallel_loop3A_118] {strides = array<i32>} : memref<64x128xf32, #tpu.memory_space<vmem>>, vector<16xf32>,
      tpu.vector_store %arg10[%parallel_loop3A_117, %parallel_loop3A_118], %parallel_loop3A_115 {strides = array<i32>} : memref<64x128xf32, #tpu.memory_space<vmem>>, vector<16xf32>,
      %parallel_loop3A_120 = arith.constant 8 : i32
      %parallel_loop3A_121 = vector.broadcast %parallel_loop3A_120 : i32 to vector<16xi32>
      %parallel_loop3A_122 = arith.addi %parallel_loop3A_55, %parallel_loop3A_121 : vector<16xi32>
      %parallel_loop3A_123 = tpu.vector_load_idx %arg7[%parallel_loop3A_122] : memref<25951xf32, #tpu.memory_space<vmem>>[vector<16xi32>], vector<16xf32>,
      %parallel_loop3A_124 = arith.constant 8 : i32
      %parallel_loop3A_125 = arith.index_cast %parallel_loop3A_124 : i32 to index
      %parallel_loop3A_126 = arith.index_cast %parallel_loop3A_50 : i32 to index
      %parallel_loop3A_127 = tpu.vector_load %arg10[%parallel_loop3A_125, %parallel_loop3A_126] {strides = array<i32>} : memref<64x128xf32, #tpu.memory_space<vmem>>, vector<16xf32>,
      tpu.vector_store %arg10[%parallel_loop3A_125, %parallel_loop3A_126], %parallel_loop3A_123 {strides = array<i32>} : memref<64x128xf32, #tpu.memory_space<vmem>>, vector<16xf32>,
      %parallel_loop3A_128 = arith.constant 9 : i32
      %parallel_loop3A_129 = vector.broadcast %parallel_loop3A_128 : i32 to vector<16xi32>
      %parallel_loop3A_130 = arith.addi %parallel_loop3A_55, %parallel_loop3A_129 : vector<16xi32>
      %parallel_loop3A_131 = tpu.vector_load_idx %arg7[%parallel_loop3A_130] : memref<25951xf32, #tpu.memory_space<vmem>>[vector<16xi32>], vector<16xf32>,
      %parallel_loop3A_132 = arith.constant 9 : i32
      %parallel_loop3A_133 = arith.index_cast %parallel_loop3A_132 : i32 to index
      %parallel_loop3A_134 = arith.index_cast %parallel_loop3A_50 : i32 to index
      %parallel_loop3A_135 = tpu.vector_load %arg10[%parallel_loop3A_133, %parallel_loop3A_134] {strides = array<i32>} : memref<64x128xf32, #tpu.memory_space<vmem>>, vector<16xf32>,
      tpu.vector_store %arg10[%parallel_loop3A_133, %parallel_loop3A_134], %parallel_loop3A_131 {strides = array<i32>} : memref<64x128xf32, #tpu.memory_space<vmem>>, vector<16xf32>,
      %parallel_loop3A_136 = arith.constant 10 : i32
      %parallel_loop3A_137 = vector.broadcast %parallel_loop3A_136 : i32 to vector<16xi32>
      %parallel_loop3A_138 = arith.addi %parallel_loop3A_55, %parallel_loop3A_137 : vector<16xi32>
      %parallel_loop3A_139 = tpu.vector_load_idx %arg7[%parallel_loop3A_138] : memref<25951xf32, #tpu.memory_space<vmem>>[vector<16xi32>], vector<16xf32>,
      %parallel_loop3A_140 = arith.constant 10 : i32
      %parallel_loop3A_141 = arith.index_cast %parallel_loop3A_140 : i32 to index
      %parallel_loop3A_142 = arith.index_cast %parallel_loop3A_50 : i32 to index
      %parallel_loop3A_143 = tpu.vector_load %arg10[%parallel_loop3A_141, %parallel_loop3A_142] {strides = array<i32>} : memref<64x128xf32, #tpu.memory_space<vmem>>, vector<16xf32>,
      tpu.vector_store %arg10[%parallel_loop3A_141, %parallel_loop3A_142], %parallel_loop3A_139 {strides = array<i32>} : memref<64x128xf32, #tpu.memory_space<vmem>>, vector<16xf32>,
      %parallel_loop3A_144 = arith.constant 11 : i32
      %parallel_loop3A_145 = vector.broadcast %parallel_loop3A_144 : i32 to vector<16xi32>
      %parallel_loop3A_146 = arith.addi %parallel_loop3A_55, %parallel_loop3A_145 : vector<16xi32>
      %parallel_loop3A_147 = tpu.vector_load_idx %arg7[%parallel_loop3A_146] : memref<25951xf32, #tpu.memory_space<vmem>>[vector<16xi32>], vector<16xf32>,
      %parallel_loop3A_148 = arith.constant 11 : i32
      %parallel_loop3A_149 = arith.index_cast %parallel_loop3A_148 : i32 to index
      %parallel_loop3A_150 = arith.index_cast %parallel_loop3A_50 : i32 to index
      %parallel_loop3A_151 = tpu.vector_load %arg10[%parallel_loop3A_149, %parallel_loop3A_150] {strides = array<i32>} : memref<64x128xf32, #tpu.memory_space<vmem>>, vector<16xf32>,
      tpu.vector_store %arg10[%parallel_loop3A_149, %parallel_loop3A_150], %parallel_loop3A_147 {strides = array<i32>} : memref<64x128xf32, #tpu.memory_space<vmem>>, vector<16xf32>,
      %parallel_loop3A_152 = arith.constant 12 : i32
      %parallel_loop3A_153 = vector.broadcast %parallel_loop3A_152 : i32 to vector<16xi32>
      %parallel_loop3A_154 = arith.addi %parallel_loop3A_55, %parallel_loop3A_153 : vector<16xi32>
      %parallel_loop3A_155 = tpu.vector_load_idx %arg7[%parallel_loop3A_154] : memref<25951xf32, #tpu.memory_space<vmem>>[vector<16xi32>], vector<16xf32>,
      %parallel_loop3A_156 = arith.constant 12 : i32
      %parallel_loop3A_157 = arith.index_cast %parallel_loop3A_156 : i32 to index
      %parallel_loop3A_158 = arith.index_cast %parallel_loop3A_50 : i32 to index
      %parallel_loop3A_159 = tpu.vector_load %arg10[%parallel_loop3A_157, %parallel_loop3A_158] {strides = array<i32>} : memref<64x128xf32, #tpu.memory_space<vmem>>, vector<16xf32>,
      tpu.vector_store %arg10[%parallel_loop3A_157, %parallel_loop3A_158], %parallel_loop3A_155 {strides = array<i32>} : memref<64x128xf32, #tpu.memory_space<vmem>>, vector<16xf32>,
      %parallel_loop3A_160 = arith.constant 13 : i32
      %parallel_loop3A_161 = vector.broadcast %parallel_loop3A_160 : i32 to vector<16xi32>
      %parallel_loop3A_162 = arith.addi %parallel_loop3A_55, %parallel_loop3A_161 : vector<16xi32>
      %parallel_loop3A_163 = tpu.vector_load_idx %arg7[%parallel_loop3A_162] : memref<25951xf32, #tpu.memory_space<vmem>>[vector<16xi32>], vector<16xf32>,
      %parallel_loop3A_164 = arith.constant 13 : i32
      %parallel_loop3A_165 = arith.index_cast %parallel_loop3A_164 : i32 to index
      %parallel_loop3A_166 = arith.index_cast %parallel_loop3A_50 : i32 to index
      %parallel_loop3A_167 = tpu.vector_load %arg10[%parallel_loop3A_165, %parallel_loop3A_166] {strides = array<i32>} : memref<64x128xf32, #tpu.memory_space<vmem>>, vector<16xf32>,
      tpu.vector_store %arg10[%parallel_loop3A_165, %parallel_loop3A_166], %parallel_loop3A_163 {strides = array<i32>} : memref<64x128xf32, #tpu.memory_space<vmem>>, vector<16xf32>,
      %parallel_loop3A_168 = arith.constant 14 : i32
      %parallel_loop3A_169 = vector.broadcast %parallel_loop3A_168 : i32 to vector<16xi32>
      %parallel_loop3A_170 = arith.addi %parallel_loop3A_55, %parallel_loop3A_169 : vector<16xi32>
      %parallel_loop3A_171 = tpu.vector_load_idx %arg7[%parallel_loop3A_170] : memref<25951xf32, #tpu.memory_space<vmem>>[vector<16xi32>], vector<16xf32>,
      %parallel_loop3A_172 = arith.constant 14 : i32
      %parallel_loop3A_173 = arith.index_cast %parallel_loop3A_172 : i32 to index
      %parallel_loop3A_174 = arith.index_cast %parallel_loop3A_50 : i32 to index
      %parallel_loop3A_175 = tpu.vector_load %arg10[%parallel_loop3A_173, %parallel_loop3A_174] {strides = array<i32>} : memref<64x128xf32, #tpu.memory_space<vmem>>, vector<16xf32>,
      tpu.vector_store %arg10[%parallel_loop3A_173, %parallel_loop3A_174], %parallel_loop3A_171 {strides = array<i32>} : memref<64x128xf32, #tpu.memory_space<vmem>>, vector<16xf32>,
      %parallel_loop3A_176 = arith.constant 15 : i32
      %parallel_loop3A_177 = vector.broadcast %parallel_loop3A_176 : i32 to vector<16xi32>
      %parallel_loop3A_178 = arith.addi %parallel_loop3A_55, %parallel_loop3A_177 : vector<16xi32>
      %parallel_loop3A_179 = tpu.vector_load_idx %arg7[%parallel_loop3A_178] : memref<25951xf32, #tpu.memory_space<vmem>>[vector<16xi32>], vector<16xf32>,
      %parallel_loop3A_180 = arith.constant 15 : i32
      %parallel_loop3A_181 = arith.index_cast %parallel_loop3A_180 : i32 to index
      %parallel_loop3A_182 = arith.index_cast %parallel_loop3A_50 : i32 to index
      %parallel_loop3A_183 = tpu.vector_load %arg10[%parallel_loop3A_181, %parallel_loop3A_182] {strides = array<i32>} : memref<64x128xf32, #tpu.memory_space<vmem>>, vector<16xf32>,
      tpu.vector_store %arg10[%parallel_loop3A_181, %parallel_loop3A_182], %parallel_loop3A_179 {strides = array<i32>} : memref<64x128xf32, #tpu.memory_space<vmem>>, vector<16xf32>,
      %parallel_loop3A_184 = arith.constant 16 : i32
      %parallel_loop3A_185 = vector.broadcast %parallel_loop3A_184 : i32 to vector<16xi32>
      %parallel_loop3A_186 = arith.addi %parallel_loop3A_55, %parallel_loop3A_185 : vector<16xi32>
      %parallel_loop3A_187 = tpu.vector_load_idx %arg7[%parallel_loop3A_186] : memref<25951xf32, #tpu.memory_space<vmem>>[vector<16xi32>], vector<16xf32>,
      %parallel_loop3A_188 = arith.constant 16 : i32
      %parallel_loop3A_189 = arith.index_cast %parallel_loop3A_188 : i32 to index
      %parallel_loop3A_190 = arith.index_cast %parallel_loop3A_50 : i32 to index
      %parallel_loop3A_191 = tpu.vector_load %arg10[%parallel_loop3A_189, %parallel_loop3A_190] {strides = array<i32>} : memref<64x128xf32, #tpu.memory_space<vmem>>, vector<16xf32>,
      tpu.vector_store %arg10[%parallel_loop3A_189, %parallel_loop3A_190], %parallel_loop3A_187 {strides = array<i32>} : memref<64x128xf32, #tpu.memory_space<vmem>>, vector<16xf32>,
      %parallel_loop3A_192 = arith.constant 17 : i32
      %parallel_loop3A_193 = vector.broadcast %parallel_loop3A_192 : i32 to vector<16xi32>
      %parallel_loop3A_194 = arith.addi %parallel_loop3A_55, %parallel_loop3A_193 : vector<16xi32>
      %parallel_loop3A_195 = tpu.vector_load_idx %arg7[%parallel_loop3A_194] : memref<25951xf32, #tpu.memory_space<vmem>>[vector<16xi32>], vector<16xf32>,
      %parallel_loop3A_196 = arith.constant 17 : i32
      %parallel_loop3A_197 = arith.index_cast %parallel_loop3A_196 : i32 to index
      %parallel_loop3A_198 = arith.index_cast %parallel_loop3A_50 : i32 to index
      %parallel_loop3A_199 = tpu.vector_load %arg10[%parallel_loop3A_197, %parallel_loop3A_198] {strides = array<i32>} : memref<64x128xf32, #tpu.memory_space<vmem>>, vector<16xf32>,
      tpu.vector_store %arg10[%parallel_loop3A_197, %parallel_loop3A_198], %parallel_loop3A_195 {strides = array<i32>} : memref<64x128xf32, #tpu.memory_space<vmem>>, vector<16xf32>,
      %parallel_loop3A_200 = arith.constant 18 : i32
      %parallel_loop3A_201 = vector.broadcast %parallel_loop3A_200 : i32 to vector<16xi32>
      %parallel_loop3A_202 = arith.addi %parallel_loop3A_55, %parallel_loop3A_201 : vector<16xi32>
      %parallel_loop3A_203 = tpu.vector_load_idx %arg7[%parallel_loop3A_202] : memref<25951xf32, #tpu.memory_space<vmem>>[vector<16xi32>], vector<16xf32>,
      %parallel_loop3A_204 = arith.constant 18 : i32
      %parallel_loop3A_205 = arith.index_cast %parallel_loop3A_204 : i32 to index
      %parallel_loop3A_206 = arith.index_cast %parallel_loop3A_50 : i32 to index
      %parallel_loop3A_207 = tpu.vector_load %arg10[%parallel_loop3A_205, %parallel_loop3A_206] {strides = array<i32>} : memref<64x128xf32, #tpu.memory_space<vmem>>, vector<16xf32>,
      tpu.vector_store %arg10[%parallel_loop3A_205, %parallel_loop3A_206], %parallel_loop3A_203 {strides = array<i32>} : memref<64x128xf32, #tpu.memory_space<vmem>>, vector<16xf32>,
      %parallel_loop3A_208 = arith.constant 19 : i32
      %parallel_loop3A_209 = vector.broadcast %parallel_loop3A_208 : i32 to vector<16xi32>
      %parallel_loop3A_210 = arith.addi %parallel_loop3A_55, %parallel_loop3A_209 : vector<16xi32>
      %parallel_loop3A_211 = tpu.vector_load_idx %arg7[%parallel_loop3A_210] : memref<25951xf32, #tpu.memory_space<vmem>>[vector<16xi32>], vector<16xf32>,
      %parallel_loop3A_212 = arith.constant 19 : i32
      %parallel_loop3A_213 = arith.index_cast %parallel_loop3A_212 : i32 to index
      %parallel_loop3A_214 = arith.index_cast %parallel_loop3A_50 : i32 to index
      %parallel_loop3A_215 = tpu.vector_load %arg10[%parallel_loop3A_213, %parallel_loop3A_214] {strides = array<i32>} : memref<64x128xf32, #tpu.memory_space<vmem>>, vector<16xf32>,
      tpu.vector_store %arg10[%parallel_loop3A_213, %parallel_loop3A_214], %parallel_loop3A_211 {strides = array<i32>} : memref<64x128xf32, #tpu.memory_space<vmem>>, vector<16xf32>,
      %parallel_loop3A_216 = arith.constant 20 : i32
      %parallel_loop3A_217 = vector.broadcast %parallel_loop3A_216 : i32 to vector<16xi32>
      %parallel_loop3A_218 = arith.addi %parallel_loop3A_55, %parallel_loop3A_217 : vector<16xi32>
      %parallel_loop3A_219 = tpu.vector_load_idx %arg7[%parallel_loop3A_218] : memref<25951xf32, #tpu.memory_space<vmem>>[vector<16xi32>], vector<16xf32>,
      %parallel_loop3A_220 = arith.constant 20 : i32
      %parallel_loop3A_221 = arith.index_cast %parallel_loop3A_220 : i32 to index
      %parallel_loop3A_222 = arith.index_cast %parallel_loop3A_50 : i32 to index
      %parallel_loop3A_223 = tpu.vector_load %arg10[%parallel_loop3A_221, %parallel_loop3A_222] {strides = array<i32>} : memref<64x128xf32, #tpu.memory_space<vmem>>, vector<16xf32>,
      tpu.vector_store %arg10[%parallel_loop3A_221, %parallel_loop3A_222], %parallel_loop3A_219 {strides = array<i32>} : memref<64x128xf32, #tpu.memory_space<vmem>>, vector<16xf32>,
      %parallel_loop3A_224 = arith.constant 21 : i32
      %parallel_loop3A_225 = vector.broadcast %parallel_loop3A_224 : i32 to vector<16xi32>
      %parallel_loop3A_226 = arith.addi %parallel_loop3A_55, %parallel_loop3A_225 : vector<16xi32>
      %parallel_loop3A_227 = tpu.vector_load_idx %arg7[%parallel_loop3A_226] : memref<25951xf32, #tpu.memory_space<vmem>>[vector<16xi32>], vector<16xf32>,
      %parallel_loop3A_228 = arith.constant 21 : i32
      %parallel_loop3A_229 = arith.index_cast %parallel_loop3A_228 : i32 to index
      %parallel_loop3A_230 = arith.index_cast %parallel_loop3A_50 : i32 to index
      %parallel_loop3A_231 = tpu.vector_load %arg10[%parallel_loop3A_229, %parallel_loop3A_230] {strides = array<i32>} : memref<64x128xf32, #tpu.memory_space<vmem>>, vector<16xf32>,
      tpu.vector_store %arg10[%parallel_loop3A_229, %parallel_loop3A_230], %parallel_loop3A_227 {strides = array<i32>} : memref<64x128xf32, #tpu.memory_space<vmem>>, vector<16xf32>,
      %parallel_loop3A_232 = arith.constant 22 : i32
      %parallel_loop3A_233 = vector.broadcast %parallel_loop3A_232 : i32 to vector<16xi32>
      %parallel_loop3A_234 = arith.addi %parallel_loop3A_55, %parallel_loop3A_233 : vector<16xi32>
      %parallel_loop3A_235 = tpu.vector_load_idx %arg7[%parallel_loop3A_234] : memref<25951xf32, #tpu.memory_space<vmem>>[vector<16xi32>], vector<16xf32>,
      %parallel_loop3A_236 = arith.constant 22 : i32
      %parallel_loop3A_237 = arith.index_cast %parallel_loop3A_236 : i32 to index
      %parallel_loop3A_238 = arith.index_cast %parallel_loop3A_50 : i32 to index
      %parallel_loop3A_239 = tpu.vector_load %arg10[%parallel_loop3A_237, %parallel_loop3A_238] {strides = array<i32>} : memref<64x128xf32, #tpu.memory_space<vmem>>, vector<16xf32>,
      tpu.vector_store %arg10[%parallel_loop3A_237, %parallel_loop3A_238], %parallel_loop3A_235 {strides = array<i32>} : memref<64x128xf32, #tpu.memory_space<vmem>>, vector<16xf32>,
      %parallel_loop3A_240 = arith.constant 23 : i32
      %parallel_loop3A_241 = vector.broadcast %parallel_loop3A_240 : i32 to vector<16xi32>
      %parallel_loop3A_242 = arith.addi %parallel_loop3A_55, %parallel_loop3A_241 : vector<16xi32>
      %parallel_loop3A_243 = tpu.vector_load_idx %arg7[%parallel_loop3A_242] : memref<25951xf32, #tpu.memory_space<vmem>>[vector<16xi32>], vector<16xf32>,
      %parallel_loop3A_244 = arith.constant 23 : i32
      %parallel_loop3A_245 = arith.index_cast %parallel_loop3A_244 : i32 to index
      %parallel_loop3A_246 = arith.index_cast %parallel_loop3A_50 : i32 to index
      %parallel_loop3A_247 = tpu.vector_load %arg10[%parallel_loop3A_245, %parallel_loop3A_246] {strides = array<i32>} : memref<64x128xf32, #tpu.memory_space<vmem>>, vector<16xf32>,
      tpu.vector_store %arg10[%parallel_loop3A_245, %parallel_loop3A_246], %parallel_loop3A_243 {strides = array<i32>} : memref<64x128xf32, #tpu.memory_space<vmem>>, vector<16xf32>,
      %parallel_loop3A_248 = arith.constant 24 : i32
      %parallel_loop3A_249 = vector.broadcast %parallel_loop3A_248 : i32 to vector<16xi32>
      %parallel_loop3A_250 = arith.addi %parallel_loop3A_55, %parallel_loop3A_249 : vector<16xi32>
      %parallel_loop3A_251 = tpu.vector_load_idx %arg7[%parallel_loop3A_250] : memref<25951xf32, #tpu.memory_space<vmem>>[vector<16xi32>], vector<16xf32>,
      %parallel_loop3A_252 = arith.constant 24 : i32
      %parallel_loop3A_253 = arith.index_cast %parallel_loop3A_252 : i32 to index
      %parallel_loop3A_254 = arith.index_cast %parallel_loop3A_50 : i32 to index
      %parallel_loop3A_255 = tpu.vector_load %arg10[%parallel_loop3A_253, %parallel_loop3A_254] {strides = array<i32>} : memref<64x128xf32, #tpu.memory_space<vmem>>, vector<16xf32>,
      tpu.vector_store %arg10[%parallel_loop3A_253, %parallel_loop3A_254], %parallel_loop3A_251 {strides = array<i32>} : memref<64x128xf32, #tpu.memory_space<vmem>>, vector<16xf32>,
      %parallel_loop3A_256 = arith.constant 25 : i32
      %parallel_loop3A_257 = vector.broadcast %parallel_loop3A_256 : i32 to vector<16xi32>
      %parallel_loop3A_258 = arith.addi %parallel_loop3A_55, %parallel_loop3A_257 : vector<16xi32>
      %parallel_loop3A_259 = tpu.vector_load_idx %arg7[%parallel_loop3A_258] : memref<25951xf32, #tpu.memory_space<vmem>>[vector<16xi32>], vector<16xf32>,
      %parallel_loop3A_260 = arith.constant 25 : i32
      %parallel_loop3A_261 = arith.index_cast %parallel_loop3A_260 : i32 to index
      %parallel_loop3A_262 = arith.index_cast %parallel_loop3A_50 : i32 to index
      %parallel_loop3A_263 = tpu.vector_load %arg10[%parallel_loop3A_261, %parallel_loop3A_262] {strides = array<i32>} : memref<64x128xf32, #tpu.memory_space<vmem>>, vector<16xf32>,
      tpu.vector_store %arg10[%parallel_loop3A_261, %parallel_loop3A_262], %parallel_loop3A_259 {strides = array<i32>} : memref<64x128xf32, #tpu.memory_space<vmem>>, vector<16xf32>,
      %parallel_loop3A_264 = arith.constant 26 : i32
      %parallel_loop3A_265 = vector.broadcast %parallel_loop3A_264 : i32 to vector<16xi32>
      %parallel_loop3A_266 = arith.addi %parallel_loop3A_55, %parallel_loop3A_265 : vector<16xi32>
      %parallel_loop3A_267 = tpu.vector_load_idx %arg7[%parallel_loop3A_266] : memref<25951xf32, #tpu.memory_space<vmem>>[vector<16xi32>], vector<16xf32>,
      %parallel_loop3A_268 = arith.constant 26 : i32
      %parallel_loop3A_269 = arith.index_cast %parallel_loop3A_268 : i32 to index
      %parallel_loop3A_270 = arith.index_cast %parallel_loop3A_50 : i32 to index
      %parallel_loop3A_271 = tpu.vector_load %arg10[%parallel_loop3A_269, %parallel_loop3A_270] {strides = array<i32>} : memref<64x128xf32, #tpu.memory_space<vmem>>, vector<16xf32>,
      tpu.vector_store %arg10[%parallel_loop3A_269, %parallel_loop3A_270], %parallel_loop3A_267 {strides = array<i32>} : memref<64x128xf32, #tpu.memory_space<vmem>>, vector<16xf32>,
      %parallel_loop3A_272 = arith.constant 27 : i32
      %parallel_loop3A_273 = vector.broadcast %parallel_loop3A_272 : i32 to vector<16xi32>
      %parallel_loop3A_274 = arith.addi %parallel_loop3A_55, %parallel_loop3A_273 : vector<16xi32>
      %parallel_loop3A_275 = tpu.vector_load_idx %arg7[%parallel_loop3A_274] : memref<25951xf32, #tpu.memory_space<vmem>>[vector<16xi32>], vector<16xf32>,
      %parallel_loop3A_276 = arith.constant 27 : i32
      %parallel_loop3A_277 = arith.index_cast %parallel_loop3A_276 : i32 to index
      %parallel_loop3A_278 = arith.index_cast %parallel_loop3A_50 : i32 to index
      %parallel_loop3A_279 = tpu.vector_load %arg10[%parallel_loop3A_277, %parallel_loop3A_278] {strides = array<i32>} : memref<64x128xf32, #tpu.memory_space<vmem>>, vector<16xf32>,
      tpu.vector_store %arg10[%parallel_loop3A_277, %parallel_loop3A_278], %parallel_loop3A_275 {strides = array<i32>} : memref<64x128xf32, #tpu.memory_space<vmem>>, vector<16xf32>,
      %parallel_loop3A_280 = arith.constant 28 : i32
      %parallel_loop3A_281 = vector.broadcast %parallel_loop3A_280 : i32 to vector<16xi32>
      %parallel_loop3A_282 = arith.addi %parallel_loop3A_55, %parallel_loop3A_281 : vector<16xi32>
      %parallel_loop3A_283 = tpu.vector_load_idx %arg7[%parallel_loop3A_282] : memref<25951xf32, #tpu.memory_space<vmem>>[vector<16xi32>], vector<16xf32>,
      %parallel_loop3A_284 = arith.constant 28 : i32
      %parallel_loop3A_285 = arith.index_cast %parallel_loop3A_284 : i32 to index
      %parallel_loop3A_286 = arith.index_cast %parallel_loop3A_50 : i32 to index
      %parallel_loop3A_287 = tpu.vector_load %arg10[%parallel_loop3A_285, %parallel_loop3A_286] {strides = array<i32>} : memref<64x128xf32, #tpu.memory_space<vmem>>, vector<16xf32>,
      tpu.vector_store %arg10[%parallel_loop3A_285, %parallel_loop3A_286], %parallel_loop3A_283 {strides = array<i32>} : memref<64x128xf32, #tpu.memory_space<vmem>>, vector<16xf32>,
      %parallel_loop3A_288 = arith.constant 29 : i32
      %parallel_loop3A_289 = vector.broadcast %parallel_loop3A_288 : i32 to vector<16xi32>
      %parallel_loop3A_290 = arith.addi %parallel_loop3A_55, %parallel_loop3A_289 : vector<16xi32>
      %parallel_loop3A_291 = tpu.vector_load_idx %arg7[%parallel_loop3A_290] : memref<25951xf32, #tpu.memory_space<vmem>>[vector<16xi32>], vector<16xf32>,
      %parallel_loop3A_292 = arith.constant 29 : i32
      %parallel_loop3A_293 = arith.index_cast %parallel_loop3A_292 : i32 to index
      %parallel_loop3A_294 = arith.index_cast %parallel_loop3A_50 : i32 to index
      %parallel_loop3A_295 = tpu.vector_load %arg10[%parallel_loop3A_293, %parallel_loop3A_294] {strides = array<i32>} : memref<64x128xf32, #tpu.memory_space<vmem>>, vector<16xf32>,
      tpu.vector_store %arg10[%parallel_loop3A_293, %parallel_loop3A_294], %parallel_loop3A_291 {strides = array<i32>} : memref<64x128xf32, #tpu.memory_space<vmem>>, vector<16xf32>,
      %parallel_loop3A_296 = arith.constant 30 : i32
      %parallel_loop3A_297 = vector.broadcast %parallel_loop3A_296 : i32 to vector<16xi32>
      %parallel_loop3A_298 = arith.addi %parallel_loop3A_55, %parallel_loop3A_297 : vector<16xi32>
      %parallel_loop3A_299 = tpu.vector_load_idx %arg7[%parallel_loop3A_298] : memref<25951xf32, #tpu.memory_space<vmem>>[vector<16xi32>], vector<16xf32>,
      %parallel_loop3A_300 = arith.constant 30 : i32
      %parallel_loop3A_301 = arith.index_cast %parallel_loop3A_300 : i32 to index
      %parallel_loop3A_302 = arith.index_cast %parallel_loop3A_50 : i32 to index
      %parallel_loop3A_303 = tpu.vector_load %arg10[%parallel_loop3A_301, %parallel_loop3A_302] {strides = array<i32>} : memref<64x128xf32, #tpu.memory_space<vmem>>, vector<16xf32>,
      tpu.vector_store %arg10[%parallel_loop3A_301, %parallel_loop3A_302], %parallel_loop3A_299 {strides = array<i32>} : memref<64x128xf32, #tpu.memory_space<vmem>>, vector<16xf32>,
      %parallel_loop3A_304 = arith.constant 31 : i32
      %parallel_loop3A_305 = vector.broadcast %parallel_loop3A_304 : i32 to vector<16xi32>
      %parallel_loop3A_306 = arith.addi %parallel_loop3A_55, %parallel_loop3A_305 : vector<16xi32>
      %parallel_loop3A_307 = tpu.vector_load_idx %arg7[%parallel_loop3A_306] : memref<25951xf32, #tpu.memory_space<vmem>>[vector<16xi32>], vector<16xf32>,
      %parallel_loop3A_308 = arith.constant 31 : i32
      %parallel_loop3A_309 = arith.index_cast %parallel_loop3A_308 : i32 to index
      %parallel_loop3A_310 = arith.index_cast %parallel_loop3A_50 : i32 to index
      %parallel_loop3A_311 = tpu.vector_load %arg10[%parallel_loop3A_309, %parallel_loop3A_310] {strides = array<i32>} : memref<64x128xf32, #tpu.memory_space<vmem>>, vector<16xf32>,
      tpu.vector_store %arg10[%parallel_loop3A_309, %parallel_loop3A_310], %parallel_loop3A_307 {strides = array<i32>} : memref<64x128xf32, #tpu.memory_space<vmem>>, vector<16xf32>,
      %parallel_loop3A_312 = arith.constant 32 : i32
      %parallel_loop3A_313 = vector.broadcast %parallel_loop3A_312 : i32 to vector<16xi32>
      %parallel_loop3A_314 = arith.addi %parallel_loop3A_55, %parallel_loop3A_313 : vector<16xi32>
      %parallel_loop3A_315 = tpu.vector_load_idx %arg7[%parallel_loop3A_314] : memref<25951xf32, #tpu.memory_space<vmem>>[vector<16xi32>], vector<16xf32>,
      %parallel_loop3A_316 = arith.constant 32 : i32
      %parallel_loop3A_317 = arith.index_cast %parallel_loop3A_316 : i32 to index
      %parallel_loop3A_318 = arith.index_cast %parallel_loop3A_50 : i32 to index
      %parallel_loop3A_319 = tpu.vector_load %arg10[%parallel_loop3A_317, %parallel_loop3A_318] {strides = array<i32>} : memref<64x128xf32, #tpu.memory_space<vmem>>, vector<16xf32>,
      tpu.vector_store %arg10[%parallel_loop3A_317, %parallel_loop3A_318], %parallel_loop3A_315 {strides = array<i32>} : memref<64x128xf32, #tpu.memory_space<vmem>>, vector<16xf32>,
      %parallel_loop3A_320 = arith.constant 33 : i32
      %parallel_loop3A_321 = vector.broadcast %parallel_loop3A_320 : i32 to vector<16xi32>
      %parallel_loop3A_322 = arith.addi %parallel_loop3A_55, %parallel_loop3A_321 : vector<16xi32>
      %parallel_loop3A_323 = tpu.vector_load_idx %arg7[%parallel_loop3A_322] : memref<25951xf32, #tpu.memory_space<vmem>>[vector<16xi32>], vector<16xf32>,
      %parallel_loop3A_324 = arith.constant 33 : i32
      %parallel_loop3A_325 = arith.index_cast %parallel_loop3A_324 : i32 to index
      %parallel_loop3A_326 = arith.index_cast %parallel_loop3A_50 : i32 to index
      %parallel_loop3A_327 = tpu.vector_load %arg10[%parallel_loop3A_325, %parallel_loop3A_326] {strides = array<i32>} : memref<64x128xf32, #tpu.memory_space<vmem>>, vector<16xf32>,
      tpu.vector_store %arg10[%parallel_loop3A_325, %parallel_loop3A_326], %parallel_loop3A_323 {strides = array<i32>} : memref<64x128xf32, #tpu.memory_space<vmem>>, vector<16xf32>,
      %parallel_loop3A_328 = arith.constant 34 : i32
      %parallel_loop3A_329 = vector.broadcast %parallel_loop3A_328 : i32 to vector<16xi32>
      %parallel_loop3A_330 = arith.addi %parallel_loop3A_55, %parallel_loop3A_329 : vector<16xi32>
      %parallel_loop3A_331 = tpu.vector_load_idx %arg7[%parallel_loop3A_330] : memref<25951xf32, #tpu.memory_space<vmem>>[vector<16xi32>], vector<16xf32>,
      %parallel_loop3A_332 = arith.constant 34 : i32
      %parallel_loop3A_333 = arith.index_cast %parallel_loop3A_332 : i32 to index
      %parallel_loop3A_334 = arith.index_cast %parallel_loop3A_50 : i32 to index
      %parallel_loop3A_335 = tpu.vector_load %arg10[%parallel_loop3A_333, %parallel_loop3A_334] {strides = array<i32>} : memref<64x128xf32, #tpu.memory_space<vmem>>, vector<16xf32>,
      tpu.vector_store %arg10[%parallel_loop3A_333, %parallel_loop3A_334], %parallel_loop3A_331 {strides = array<i32>} : memref<64x128xf32, #tpu.memory_space<vmem>>, vector<16xf32>,
      %parallel_loop3A_336 = arith.constant 35 : i32
      %parallel_loop3A_337 = vector.broadcast %parallel_loop3A_336 : i32 to vector<16xi32>
      %parallel_loop3A_338 = arith.addi %parallel_loop3A_55, %parallel_loop3A_337 : vector<16xi32>
      %parallel_loop3A_339 = tpu.vector_load_idx %arg7[%parallel_loop3A_338] : memref<25951xf32, #tpu.memory_space<vmem>>[vector<16xi32>], vector<16xf32>,
      %parallel_loop3A_340 = arith.constant 35 : i32
      %parallel_loop3A_341 = arith.index_cast %parallel_loop3A_340 : i32 to index
      %parallel_loop3A_342 = arith.index_cast %parallel_loop3A_50 : i32 to index
      %parallel_loop3A_343 = tpu.vector_load %arg10[%parallel_loop3A_341, %parallel_loop3A_342] {strides = array<i32>} : memref<64x128xf32, #tpu.memory_space<vmem>>, vector<16xf32>,
      tpu.vector_store %arg10[%parallel_loop3A_341, %parallel_loop3A_342], %parallel_loop3A_339 {strides = array<i32>} : memref<64x128xf32, #tpu.memory_space<vmem>>, vector<16xf32>,
      %parallel_loop3A_344 = arith.constant 36 : i32
      %parallel_loop3A_345 = vector.broadcast %parallel_loop3A_344 : i32 to vector<16xi32>
      %parallel_loop3A_346 = arith.addi %parallel_loop3A_55, %parallel_loop3A_345 : vector<16xi32>
      %parallel_loop3A_347 = tpu.vector_load_idx %arg7[%parallel_loop3A_346] : memref<25951xf32, #tpu.memory_space<vmem>>[vector<16xi32>], vector<16xf32>,
      %parallel_loop3A_348 = arith.constant 36 : i32
      %parallel_loop3A_349 = arith.index_cast %parallel_loop3A_348 : i32 to index
      %parallel_loop3A_350 = arith.index_cast %parallel_loop3A_50 : i32 to index
      %parallel_loop3A_351 = tpu.vector_load %arg10[%parallel_loop3A_349, %parallel_loop3A_350] {strides = array<i32>} : memref<64x128xf32, #tpu.memory_space<vmem>>, vector<16xf32>,
      tpu.vector_store %arg10[%parallel_loop3A_349, %parallel_loop3A_350], %parallel_loop3A_347 {strides = array<i32>} : memref<64x128xf32, #tpu.memory_space<vmem>>, vector<16xf32>,
      %parallel_loop3A_352 = arith.constant 37 : i32
      %parallel_loop3A_353 = vector.broadcast %parallel_loop3A_352 : i32 to vector<16xi32>
      %parallel_loop3A_354 = arith.addi %parallel_loop3A_55, %parallel_loop3A_353 : vector<16xi32>
      %parallel_loop3A_355 = tpu.vector_load_idx %arg7[%parallel_loop3A_354] : memref<25951xf32, #tpu.memory_space<vmem>>[vector<16xi32>], vector<16xf32>,
      %parallel_loop3A_356 = arith.constant 37 : i32
      %parallel_loop3A_357 = arith.index_cast %parallel_loop3A_356 : i32 to index
      %parallel_loop3A_358 = arith.index_cast %parallel_loop3A_50 : i32 to index
      %parallel_loop3A_359 = tpu.vector_load %arg10[%parallel_loop3A_357, %parallel_loop3A_358] {strides = array<i32>} : memref<64x128xf32, #tpu.memory_space<vmem>>, vector<16xf32>,
      tpu.vector_store %arg10[%parallel_loop3A_357, %parallel_loop3A_358], %parallel_loop3A_355 {strides = array<i32>} : memref<64x128xf32, #tpu.memory_space<vmem>>, vector<16xf32>,
      %parallel_loop3A_360 = arith.constant 38 : i32
      %parallel_loop3A_361 = vector.broadcast %parallel_loop3A_360 : i32 to vector<16xi32>
      %parallel_loop3A_362 = arith.addi %parallel_loop3A_55, %parallel_loop3A_361 : vector<16xi32>
      %parallel_loop3A_363 = tpu.vector_load_idx %arg7[%parallel_loop3A_362] : memref<25951xf32, #tpu.memory_space<vmem>>[vector<16xi32>], vector<16xf32>,
      %parallel_loop3A_364 = arith.constant 38 : i32
      %parallel_loop3A_365 = arith.index_cast %parallel_loop3A_364 : i32 to index
      %parallel_loop3A_366 = arith.index_cast %parallel_loop3A_50 : i32 to index
      %parallel_loop3A_367 = tpu.vector_load %arg10[%parallel_loop3A_365, %parallel_loop3A_366] {strides = array<i32>} : memref<64x128xf32, #tpu.memory_space<vmem>>, vector<16xf32>,
      tpu.vector_store %arg10[%parallel_loop3A_365, %parallel_loop3A_366], %parallel_loop3A_363 {strides = array<i32>} : memref<64x128xf32, #tpu.memory_space<vmem>>, vector<16xf32>,
      %parallel_loop3A_368 = arith.constant 39 : i32
      %parallel_loop3A_369 = vector.broadcast %parallel_loop3A_368 : i32 to vector<16xi32>
      %parallel_loop3A_370 = arith.addi %parallel_loop3A_55, %parallel_loop3A_369 : vector<16xi32>
      %parallel_loop3A_371 = tpu.vector_load_idx %arg7[%parallel_loop3A_370] : memref<25951xf32, #tpu.memory_space<vmem>>[vector<16xi32>], vector<16xf32>,
      %parallel_loop3A_372 = arith.constant 39 : i32
      %parallel_loop3A_373 = arith.index_cast %parallel_loop3A_372 : i32 to index
      %parallel_loop3A_374 = arith.index_cast %parallel_loop3A_50 : i32 to index
      %parallel_loop3A_375 = tpu.vector_load %arg10[%parallel_loop3A_373, %parallel_loop3A_374] {strides = array<i32>} : memref<64x128xf32, #tpu.memory_space<vmem>>, vector<16xf32>,
      tpu.vector_store %arg10[%parallel_loop3A_373, %parallel_loop3A_374], %parallel_loop3A_371 {strides = array<i32>} : memref<64x128xf32, #tpu.memory_space<vmem>>, vector<16xf32>,
      %parallel_loop3A_376 = arith.constant 40 : i32
      %parallel_loop3A_377 = vector.broadcast %parallel_loop3A_376 : i32 to vector<16xi32>
      %parallel_loop3A_378 = arith.addi %parallel_loop3A_55, %parallel_loop3A_377 : vector<16xi32>
      %parallel_loop3A_379 = tpu.vector_load_idx %arg7[%parallel_loop3A_378] : memref<25951xf32, #tpu.memory_space<vmem>>[vector<16xi32>], vector<16xf32>,
      %parallel_loop3A_380 = arith.constant 40 : i32
      %parallel_loop3A_381 = arith.index_cast %parallel_loop3A_380 : i32 to index
      %parallel_loop3A_382 = arith.index_cast %parallel_loop3A_50 : i32 to index
      %parallel_loop3A_383 = tpu.vector_load %arg10[%parallel_loop3A_381, %parallel_loop3A_382] {strides = array<i32>} : memref<64x128xf32, #tpu.memory_space<vmem>>, vector<16xf32>,
      tpu.vector_store %arg10[%parallel_loop3A_381, %parallel_loop3A_382], %parallel_loop3A_379 {strides = array<i32>} : memref<64x128xf32, #tpu.memory_space<vmem>>, vector<16xf32>,
      %parallel_loop3A_384 = arith.constant 41 : i32
      %parallel_loop3A_385 = vector.broadcast %parallel_loop3A_384 : i32 to vector<16xi32>
      %parallel_loop3A_386 = arith.addi %parallel_loop3A_55, %parallel_loop3A_385 : vector<16xi32>
      %parallel_loop3A_387 = tpu.vector_load_idx %arg7[%parallel_loop3A_386] : memref<25951xf32, #tpu.memory_space<vmem>>[vector<16xi32>], vector<16xf32>,
      %parallel_loop3A_388 = arith.constant 41 : i32
      %parallel_loop3A_389 = arith.index_cast %parallel_loop3A_388 : i32 to index
      %parallel_loop3A_390 = arith.index_cast %parallel_loop3A_50 : i32 to index
      %parallel_loop3A_391 = tpu.vector_load %arg10[%parallel_loop3A_389, %parallel_loop3A_390] {strides = array<i32>} : memref<64x128xf32, #tpu.memory_space<vmem>>, vector<16xf32>,
      tpu.vector_store %arg10[%parallel_loop3A_389, %parallel_loop3A_390], %parallel_loop3A_387 {strides = array<i32>} : memref<64x128xf32, #tpu.memory_space<vmem>>, vector<16xf32>,
      %parallel_loop3A_392 = arith.constant 42 : i32
      %parallel_loop3A_393 = vector.broadcast %parallel_loop3A_392 : i32 to vector<16xi32>
      %parallel_loop3A_394 = arith.addi %parallel_loop3A_55, %parallel_loop3A_393 : vector<16xi32>
      %parallel_loop3A_395 = tpu.vector_load_idx %arg7[%parallel_loop3A_394] : memref<25951xf32, #tpu.memory_space<vmem>>[vector<16xi32>], vector<16xf32>,
      %parallel_loop3A_396 = arith.constant 42 : i32
      %parallel_loop3A_397 = arith.index_cast %parallel_loop3A_396 : i32 to index
      %parallel_loop3A_398 = arith.index_cast %parallel_loop3A_50 : i32 to index
      %parallel_loop3A_399 = tpu.vector_load %arg10[%parallel_loop3A_397, %parallel_loop3A_398] {strides = array<i32>} : memref<64x128xf32, #tpu.memory_space<vmem>>, vector<16xf32>,
      tpu.vector_store %arg10[%parallel_loop3A_397, %parallel_loop3A_398], %parallel_loop3A_395 {strides = array<i32>} : memref<64x128xf32, #tpu.memory_space<vmem>>, vector<16xf32>,
      %parallel_loop3A_400 = arith.constant 43 : i32
      %parallel_loop3A_401 = vector.broadcast %parallel_loop3A_400 : i32 to vector<16xi32>
      %parallel_loop3A_402 = arith.addi %parallel_loop3A_55, %parallel_loop3A_401 : vector<16xi32>
      %parallel_loop3A_403 = tpu.vector_load_idx %arg7[%parallel_loop3A_402] : memref<25951xf32, #tpu.memory_space<vmem>>[vector<16xi32>], vector<16xf32>,
      %parallel_loop3A_404 = arith.constant 43 : i32
      %parallel_loop3A_405 = arith.index_cast %parallel_loop3A_404 : i32 to index
      %parallel_loop3A_406 = arith.index_cast %parallel_loop3A_50 : i32 to index
      %parallel_loop3A_407 = tpu.vector_load %arg10[%parallel_loop3A_405, %parallel_loop3A_406] {strides = array<i32>} : memref<64x128xf32, #tpu.memory_space<vmem>>, vector<16xf32>,
      tpu.vector_store %arg10[%parallel_loop3A_405, %parallel_loop3A_406], %parallel_loop3A_403 {strides = array<i32>} : memref<64x128xf32, #tpu.memory_space<vmem>>, vector<16xf32>,
      %parallel_loop3A_408 = arith.constant 44 : i32
      %parallel_loop3A_409 = vector.broadcast %parallel_loop3A_408 : i32 to vector<16xi32>
      %parallel_loop3A_410 = arith.addi %parallel_loop3A_55, %parallel_loop3A_409 : vector<16xi32>
      %parallel_loop3A_411 = tpu.vector_load_idx %arg7[%parallel_loop3A_410] : memref<25951xf32, #tpu.memory_space<vmem>>[vector<16xi32>], vector<16xf32>,
      %parallel_loop3A_412 = arith.constant 44 : i32
      %parallel_loop3A_413 = arith.index_cast %parallel_loop3A_412 : i32 to index
      %parallel_loop3A_414 = arith.index_cast %parallel_loop3A_50 : i32 to index
      %parallel_loop3A_415 = tpu.vector_load %arg10[%parallel_loop3A_413, %parallel_loop3A_414] {strides = array<i32>} : memref<64x128xf32, #tpu.memory_space<vmem>>, vector<16xf32>,
      tpu.vector_store %arg10[%parallel_loop3A_413, %parallel_loop3A_414], %parallel_loop3A_411 {strides = array<i32>} : memref<64x128xf32, #tpu.memory_space<vmem>>, vector<16xf32>,
      %parallel_loop3A_416 = arith.constant 45 : i32
      %parallel_loop3A_417 = vector.broadcast %parallel_loop3A_416 : i32 to vector<16xi32>
      %parallel_loop3A_418 = arith.addi %parallel_loop3A_55, %parallel_loop3A_417 : vector<16xi32>
      %parallel_loop3A_419 = tpu.vector_load_idx %arg7[%parallel_loop3A_418] : memref<25951xf32, #tpu.memory_space<vmem>>[vector<16xi32>], vector<16xf32>,
      %parallel_loop3A_420 = arith.constant 45 : i32
      %parallel_loop3A_421 = arith.index_cast %parallel_loop3A_420 : i32 to index
      %parallel_loop3A_422 = arith.index_cast %parallel_loop3A_50 : i32 to index
      %parallel_loop3A_423 = tpu.vector_load %arg10[%parallel_loop3A_421, %parallel_loop3A_422] {strides = array<i32>} : memref<64x128xf32, #tpu.memory_space<vmem>>, vector<16xf32>,
      tpu.vector_store %arg10[%parallel_loop3A_421, %parallel_loop3A_422], %parallel_loop3A_419 {strides = array<i32>} : memref<64x128xf32, #tpu.memory_space<vmem>>, vector<16xf32>,
      %parallel_loop3A_424 = arith.constant 46 : i32
      %parallel_loop3A_425 = vector.broadcast %parallel_loop3A_424 : i32 to vector<16xi32>
      %parallel_loop3A_426 = arith.addi %parallel_loop3A_55, %parallel_loop3A_425 : vector<16xi32>
      %parallel_loop3A_427 = tpu.vector_load_idx %arg7[%parallel_loop3A_426] : memref<25951xf32, #tpu.memory_space<vmem>>[vector<16xi32>], vector<16xf32>,
      %parallel_loop3A_428 = arith.constant 46 : i32
      %parallel_loop3A_429 = arith.index_cast %parallel_loop3A_428 : i32 to index
      %parallel_loop3A_430 = arith.index_cast %parallel_loop3A_50 : i32 to index
      %parallel_loop3A_431 = tpu.vector_load %arg10[%parallel_loop3A_429, %parallel_loop3A_430] {strides = array<i32>} : memref<64x128xf32, #tpu.memory_space<vmem>>, vector<16xf32>,
      tpu.vector_store %arg10[%parallel_loop3A_429, %parallel_loop3A_430], %parallel_loop3A_427 {strides = array<i32>} : memref<64x128xf32, #tpu.memory_space<vmem>>, vector<16xf32>,
      %parallel_loop3A_432 = arith.constant 47 : i32
      %parallel_loop3A_433 = vector.broadcast %parallel_loop3A_432 : i32 to vector<16xi32>
      %parallel_loop3A_434 = arith.addi %parallel_loop3A_55, %parallel_loop3A_433 : vector<16xi32>
      %parallel_loop3A_435 = tpu.vector_load_idx %arg7[%parallel_loop3A_434] : memref<25951xf32, #tpu.memory_space<vmem>>[vector<16xi32>], vector<16xf32>,
      %parallel_loop3A_436 = arith.constant 47 : i32
      %parallel_loop3A_437 = arith.index_cast %parallel_loop3A_436 : i32 to index
      %parallel_loop3A_438 = arith.index_cast %parallel_loop3A_50 : i32 to index
      %parallel_loop3A_439 = tpu.vector_load %arg10[%parallel_loop3A_437, %parallel_loop3A_438] {strides = array<i32>} : memref<64x128xf32, #tpu.memory_space<vmem>>, vector<16xf32>,
      tpu.vector_store %arg10[%parallel_loop3A_437, %parallel_loop3A_438], %parallel_loop3A_435 {strides = array<i32>} : memref<64x128xf32, #tpu.memory_space<vmem>>, vector<16xf32>,
      %parallel_loop3A_440 = arith.constant 48 : i32
      %parallel_loop3A_441 = vector.broadcast %parallel_loop3A_440 : i32 to vector<16xi32>
      %parallel_loop3A_442 = arith.addi %parallel_loop3A_55, %parallel_loop3A_441 : vector<16xi32>
      %parallel_loop3A_443 = tpu.vector_load_idx %arg7[%parallel_loop3A_442] : memref<25951xf32, #tpu.memory_space<vmem>>[vector<16xi32>], vector<16xf32>,
      %parallel_loop3A_444 = arith.constant 48 : i32
      %parallel_loop3A_445 = arith.index_cast %parallel_loop3A_444 : i32 to index
      %parallel_loop3A_446 = arith.index_cast %parallel_loop3A_50 : i32 to index
      %parallel_loop3A_447 = tpu.vector_load %arg10[%parallel_loop3A_445, %parallel_loop3A_446] {strides = array<i32>} : memref<64x128xf32, #tpu.memory_space<vmem>>, vector<16xf32>,
      tpu.vector_store %arg10[%parallel_loop3A_445, %parallel_loop3A_446], %parallel_loop3A_443 {strides = array<i32>} : memref<64x128xf32, #tpu.memory_space<vmem>>, vector<16xf32>,
      %parallel_loop3A_448 = arith.constant 49 : i32
      %parallel_loop3A_449 = vector.broadcast %parallel_loop3A_448 : i32 to vector<16xi32>
      %parallel_loop3A_450 = arith.addi %parallel_loop3A_55, %parallel_loop3A_449 : vector<16xi32>
      %parallel_loop3A_451 = tpu.vector_load_idx %arg7[%parallel_loop3A_450] : memref<25951xf32, #tpu.memory_space<vmem>>[vector<16xi32>], vector<16xf32>,
      %parallel_loop3A_452 = arith.constant 49 : i32
      %parallel_loop3A_453 = arith.index_cast %parallel_loop3A_452 : i32 to index
      %parallel_loop3A_454 = arith.index_cast %parallel_loop3A_50 : i32 to index
      %parallel_loop3A_455 = tpu.vector_load %arg10[%parallel_loop3A_453, %parallel_loop3A_454] {strides = array<i32>} : memref<64x128xf32, #tpu.memory_space<vmem>>, vector<16xf32>,
      tpu.vector_store %arg10[%parallel_loop3A_453, %parallel_loop3A_454], %parallel_loop3A_451 {strides = array<i32>} : memref<64x128xf32, #tpu.memory_space<vmem>>, vector<16xf32>,
      %parallel_loop3A_456 = arith.constant 50 : i32
      %parallel_loop3A_457 = vector.broadcast %parallel_loop3A_456 : i32 to vector<16xi32>
      %parallel_loop3A_458 = arith.addi %parallel_loop3A_55, %parallel_loop3A_457 : vector<16xi32>
      %parallel_loop3A_459 = tpu.vector_load_idx %arg7[%parallel_loop3A_458] : memref<25951xf32, #tpu.memory_space<vmem>>[vector<16xi32>], vector<16xf32>,
      %parallel_loop3A_460 = arith.constant 50 : i32
      %parallel_loop3A_461 = arith.index_cast %parallel_loop3A_460 : i32 to index
      %parallel_loop3A_462 = arith.index_cast %parallel_loop3A_50 : i32 to index
      %parallel_loop3A_463 = tpu.vector_load %arg10[%parallel_loop3A_461, %parallel_loop3A_462] {strides = array<i32>} : memref<64x128xf32, #tpu.memory_space<vmem>>, vector<16xf32>,
      tpu.vector_store %arg10[%parallel_loop3A_461, %parallel_loop3A_462], %parallel_loop3A_459 {strides = array<i32>} : memref<64x128xf32, #tpu.memory_space<vmem>>, vector<16xf32>,
      %parallel_loop3A_464 = arith.constant 51 : i32
      %parallel_loop3A_465 = vector.broadcast %parallel_loop3A_464 : i32 to vector<16xi32>
      %parallel_loop3A_466 = arith.addi %parallel_loop3A_55, %parallel_loop3A_465 : vector<16xi32>
      %parallel_loop3A_467 = tpu.vector_load_idx %arg7[%parallel_loop3A_466] : memref<25951xf32, #tpu.memory_space<vmem>>[vector<16xi32>], vector<16xf32>,
      %parallel_loop3A_468 = arith.constant 51 : i32
      %parallel_loop3A_469 = arith.index_cast %parallel_loop3A_468 : i32 to index
      %parallel_loop3A_470 = arith.index_cast %parallel_loop3A_50 : i32 to index
      %parallel_loop3A_471 = tpu.vector_load %arg10[%parallel_loop3A_469, %parallel_loop3A_470] {strides = array<i32>} : memref<64x128xf32, #tpu.memory_space<vmem>>, vector<16xf32>,
      tpu.vector_store %arg10[%parallel_loop3A_469, %parallel_loop3A_470], %parallel_loop3A_467 {strides = array<i32>} : memref<64x128xf32, #tpu.memory_space<vmem>>, vector<16xf32>,
      %parallel_loop3A_472 = arith.constant 52 : i32
      %parallel_loop3A_473 = vector.broadcast %parallel_loop3A_472 : i32 to vector<16xi32>
      %parallel_loop3A_474 = arith.addi %parallel_loop3A_55, %parallel_loop3A_473 : vector<16xi32>
      %parallel_loop3A_475 = tpu.vector_load_idx %arg7[%parallel_loop3A_474] : memref<25951xf32, #tpu.memory_space<vmem>>[vector<16xi32>], vector<16xf32>,
      %parallel_loop3A_476 = arith.constant 52 : i32
      %parallel_loop3A_477 = arith.index_cast %parallel_loop3A_476 : i32 to index
      %parallel_loop3A_478 = arith.index_cast %parallel_loop3A_50 : i32 to index
      %parallel_loop3A_479 = tpu.vector_load %arg10[%parallel_loop3A_477, %parallel_loop3A_478] {strides = array<i32>} : memref<64x128xf32, #tpu.memory_space<vmem>>, vector<16xf32>,
      tpu.vector_store %arg10[%parallel_loop3A_477, %parallel_loop3A_478], %parallel_loop3A_475 {strides = array<i32>} : memref<64x128xf32, #tpu.memory_space<vmem>>, vector<16xf32>,
      %parallel_loop3A_480 = arith.constant 53 : i32
      %parallel_loop3A_481 = vector.broadcast %parallel_loop3A_480 : i32 to vector<16xi32>
      %parallel_loop3A_482 = arith.addi %parallel_loop3A_55, %parallel_loop3A_481 : vector<16xi32>
      %parallel_loop3A_483 = tpu.vector_load_idx %arg7[%parallel_loop3A_482] : memref<25951xf32, #tpu.memory_space<vmem>>[vector<16xi32>], vector<16xf32>,
      %parallel_loop3A_484 = arith.constant 53 : i32
      %parallel_loop3A_485 = arith.index_cast %parallel_loop3A_484 : i32 to index
      %parallel_loop3A_486 = arith.index_cast %parallel_loop3A_50 : i32 to index
      %parallel_loop3A_487 = tpu.vector_load %arg10[%parallel_loop3A_485, %parallel_loop3A_486] {strides = array<i32>} : memref<64x128xf32, #tpu.memory_space<vmem>>, vector<16xf32>,
      tpu.vector_store %arg10[%parallel_loop3A_485, %parallel_loop3A_486], %parallel_loop3A_483 {strides = array<i32>} : memref<64x128xf32, #tpu.memory_space<vmem>>, vector<16xf32>,
      %parallel_loop3A_488 = arith.constant 54 : i32
      %parallel_loop3A_489 = vector.broadcast %parallel_loop3A_488 : i32 to vector<16xi32>
      %parallel_loop3A_490 = arith.addi %parallel_loop3A_55, %parallel_loop3A_489 : vector<16xi32>
      %parallel_loop3A_491 = tpu.vector_load_idx %arg7[%parallel_loop3A_490] : memref<25951xf32, #tpu.memory_space<vmem>>[vector<16xi32>], vector<16xf32>,
      %parallel_loop3A_492 = arith.constant 54 : i32
      %parallel_loop3A_493 = arith.index_cast %parallel_loop3A_492 : i32 to index
      %parallel_loop3A_494 = arith.index_cast %parallel_loop3A_50 : i32 to index
      %parallel_loop3A_495 = tpu.vector_load %arg10[%parallel_loop3A_493, %parallel_loop3A_494] {strides = array<i32>} : memref<64x128xf32, #tpu.memory_space<vmem>>, vector<16xf32>,
      tpu.vector_store %arg10[%parallel_loop3A_493, %parallel_loop3A_494], %parallel_loop3A_491 {strides = array<i32>} : memref<64x128xf32, #tpu.memory_space<vmem>>, vector<16xf32>,
      %parallel_loop3A_496 = arith.constant 55 : i32
      %parallel_loop3A_497 = vector.broadcast %parallel_loop3A_496 : i32 to vector<16xi32>
      %parallel_loop3A_498 = arith.addi %parallel_loop3A_55, %parallel_loop3A_497 : vector<16xi32>
      %parallel_loop3A_499 = tpu.vector_load_idx %arg7[%parallel_loop3A_498] : memref<25951xf32, #tpu.memory_space<vmem>>[vector<16xi32>], vector<16xf32>,
      %parallel_loop3A_500 = arith.constant 55 : i32
      %parallel_loop3A_501 = arith.index_cast %parallel_loop3A_500 : i32 to index
      %parallel_loop3A_502 = arith.index_cast %parallel_loop3A_50 : i32 to index
      %parallel_loop3A_503 = tpu.vector_load %arg10[%parallel_loop3A_501, %parallel_loop3A_502] {strides = array<i32>} : memref<64x128xf32, #tpu.memory_space<vmem>>, vector<16xf32>,
      tpu.vector_store %arg10[%parallel_loop3A_501, %parallel_loop3A_502], %parallel_loop3A_499 {strides = array<i32>} : memref<64x128xf32, #tpu.memory_space<vmem>>, vector<16xf32>,
      %parallel_loop3A_504 = arith.constant 56 : i32
      %parallel_loop3A_505 = vector.broadcast %parallel_loop3A_504 : i32 to vector<16xi32>
      %parallel_loop3A_506 = arith.addi %parallel_loop3A_55, %parallel_loop3A_505 : vector<16xi32>
      %parallel_loop3A_507 = tpu.vector_load_idx %arg7[%parallel_loop3A_506] : memref<25951xf32, #tpu.memory_space<vmem>>[vector<16xi32>], vector<16xf32>,
      %parallel_loop3A_508 = arith.constant 56 : i32
      %parallel_loop3A_509 = arith.index_cast %parallel_loop3A_508 : i32 to index
      %parallel_loop3A_510 = arith.index_cast %parallel_loop3A_50 : i32 to index
      %parallel_loop3A_511 = tpu.vector_load %arg10[%parallel_loop3A_509, %parallel_loop3A_510] {strides = array<i32>} : memref<64x128xf32, #tpu.memory_space<vmem>>, vector<16xf32>,
      tpu.vector_store %arg10[%parallel_loop3A_509, %parallel_loop3A_510], %parallel_loop3A_507 {strides = array<i32>} : memref<64x128xf32, #tpu.memory_space<vmem>>, vector<16xf32>,
      %parallel_loop3A_512 = arith.constant 57 : i32
      %parallel_loop3A_513 = vector.broadcast %parallel_loop3A_512 : i32 to vector<16xi32>
      %parallel_loop3A_514 = arith.addi %parallel_loop3A_55, %parallel_loop3A_513 : vector<16xi32>
      %parallel_loop3A_515 = tpu.vector_load_idx %arg7[%parallel_loop3A_514] : memref<25951xf32, #tpu.memory_space<vmem>>[vector<16xi32>], vector<16xf32>,
      %parallel_loop3A_516 = arith.constant 57 : i32
      %parallel_loop3A_517 = arith.index_cast %parallel_loop3A_516 : i32 to index
      %parallel_loop3A_518 = arith.index_cast %parallel_loop3A_50 : i32 to index
      %parallel_loop3A_519 = tpu.vector_load %arg10[%parallel_loop3A_517, %parallel_loop3A_518] {strides = array<i32>} : memref<64x128xf32, #tpu.memory_space<vmem>>, vector<16xf32>,
      tpu.vector_store %arg10[%parallel_loop3A_517, %parallel_loop3A_518], %parallel_loop3A_515 {strides = array<i32>} : memref<64x128xf32, #tpu.memory_space<vmem>>, vector<16xf32>,
      %parallel_loop3A_520 = arith.constant 58 : i32
      %parallel_loop3A_521 = vector.broadcast %parallel_loop3A_520 : i32 to vector<16xi32>
      %parallel_loop3A_522 = arith.addi %parallel_loop3A_55, %parallel_loop3A_521 : vector<16xi32>
      %parallel_loop3A_523 = tpu.vector_load_idx %arg7[%parallel_loop3A_522] : memref<25951xf32, #tpu.memory_space<vmem>>[vector<16xi32>], vector<16xf32>,
      %parallel_loop3A_524 = arith.constant 58 : i32
      %parallel_loop3A_525 = arith.index_cast %parallel_loop3A_524 : i32 to index
      %parallel_loop3A_526 = arith.index_cast %parallel_loop3A_50 : i32 to index
      %parallel_loop3A_527 = tpu.vector_load %arg10[%parallel_loop3A_525, %parallel_loop3A_526] {strides = array<i32>} : memref<64x128xf32, #tpu.memory_space<vmem>>, vector<16xf32>,
      tpu.vector_store %arg10[%parallel_loop3A_525, %parallel_loop3A_526], %parallel_loop3A_523 {strides = array<i32>} : memref<64x128xf32, #tpu.memory_space<vmem>>, vector<16xf32>,
      %parallel_loop3A_528 = arith.constant 59 : i32
      %parallel_loop3A_529 = vector.broadcast %parallel_loop3A_528 : i32 to vector<16xi32>
      %parallel_loop3A_530 = arith.addi %parallel_loop3A_55, %parallel_loop3A_529 : vector<16xi32>
      %parallel_loop3A_531 = tpu.vector_load_idx %arg7[%parallel_loop3A_530] : memref<25951xf32, #tpu.memory_space<vmem>>[vector<16xi32>], vector<16xf32>,
      %parallel_loop3A_532 = arith.constant 59 : i32
      %parallel_loop3A_533 = arith.index_cast %parallel_loop3A_532 : i32 to index
      %parallel_loop3A_534 = arith.index_cast %parallel_loop3A_50 : i32 to index
      %parallel_loop3A_535 = tpu.vector_load %arg10[%parallel_loop3A_533, %parallel_loop3A_534] {strides = array<i32>} : memref<64x128xf32, #tpu.memory_space<vmem>>, vector<16xf32>,
      tpu.vector_store %arg10[%parallel_loop3A_533, %parallel_loop3A_534], %parallel_loop3A_531 {strides = array<i32>} : memref<64x128xf32, #tpu.memory_space<vmem>>, vector<16xf32>,
      %parallel_loop3A_536 = arith.constant 60 : i32
      %parallel_loop3A_537 = vector.broadcast %parallel_loop3A_536 : i32 to vector<16xi32>
      %parallel_loop3A_538 = arith.addi %parallel_loop3A_55, %parallel_loop3A_537 : vector<16xi32>
      %parallel_loop3A_539 = tpu.vector_load_idx %arg7[%parallel_loop3A_538] : memref<25951xf32, #tpu.memory_space<vmem>>[vector<16xi32>], vector<16xf32>,
      %parallel_loop3A_540 = arith.constant 60 : i32
      %parallel_loop3A_541 = arith.index_cast %parallel_loop3A_540 : i32 to index
      %parallel_loop3A_542 = arith.index_cast %parallel_loop3A_50 : i32 to index
      %parallel_loop3A_543 = tpu.vector_load %arg10[%parallel_loop3A_541, %parallel_loop3A_542] {strides = array<i32>} : memref<64x128xf32, #tpu.memory_space<vmem>>, vector<16xf32>,
      tpu.vector_store %arg10[%parallel_loop3A_541, %parallel_loop3A_542], %parallel_loop3A_539 {strides = array<i32>} : memref<64x128xf32, #tpu.memory_space<vmem>>, vector<16xf32>,
      %parallel_loop3A_544 = arith.constant 61 : i32
      %parallel_loop3A_545 = vector.broadcast %parallel_loop3A_544 : i32 to vector<16xi32>
      %parallel_loop3A_546 = arith.addi %parallel_loop3A_55, %parallel_loop3A_545 : vector<16xi32>
      %parallel_loop3A_547 = tpu.vector_load_idx %arg7[%parallel_loop3A_546] : memref<25951xf32, #tpu.memory_space<vmem>>[vector<16xi32>], vector<16xf32>,
      %parallel_loop3A_548 = arith.constant 61 : i32
      %parallel_loop3A_549 = arith.index_cast %parallel_loop3A_548 : i32 to index
      %parallel_loop3A_550 = arith.index_cast %parallel_loop3A_50 : i32 to index
      %parallel_loop3A_551 = tpu.vector_load %arg10[%parallel_loop3A_549, %parallel_loop3A_550] {strides = array<i32>} : memref<64x128xf32, #tpu.memory_space<vmem>>, vector<16xf32>,
      tpu.vector_store %arg10[%parallel_loop3A_549, %parallel_loop3A_550], %parallel_loop3A_547 {strides = array<i32>} : memref<64x128xf32, #tpu.memory_space<vmem>>, vector<16xf32>,
      %parallel_loop3A_552 = arith.constant 62 : i32
      %parallel_loop3A_553 = vector.broadcast %parallel_loop3A_552 : i32 to vector<16xi32>
      %parallel_loop3A_554 = arith.addi %parallel_loop3A_55, %parallel_loop3A_553 : vector<16xi32>
      %parallel_loop3A_555 = tpu.vector_load_idx %arg7[%parallel_loop3A_554] : memref<25951xf32, #tpu.memory_space<vmem>>[vector<16xi32>], vector<16xf32>,
      %parallel_loop3A_556 = arith.constant 62 : i32
      %parallel_loop3A_557 = arith.index_cast %parallel_loop3A_556 : i32 to index
      %parallel_loop3A_558 = arith.index_cast %parallel_loop3A_50 : i32 to index
      %parallel_loop3A_559 = tpu.vector_load %arg10[%parallel_loop3A_557, %parallel_loop3A_558] {strides = array<i32>} : memref<64x128xf32, #tpu.memory_space<vmem>>, vector<16xf32>,
      tpu.vector_store %arg10[%parallel_loop3A_557, %parallel_loop3A_558], %parallel_loop3A_555 {strides = array<i32>} : memref<64x128xf32, #tpu.memory_space<vmem>>, vector<16xf32>,
      %parallel_loop3A_560 = arith.constant 63 : i32
      %parallel_loop3A_561 = vector.broadcast %parallel_loop3A_560 : i32 to vector<16xi32>
      %parallel_loop3A_562 = arith.addi %parallel_loop3A_55, %parallel_loop3A_561 : vector<16xi32>
      %parallel_loop3A_563 = tpu.vector_load_idx %arg7[%parallel_loop3A_562] : memref<25951xf32, #tpu.memory_space<vmem>>[vector<16xi32>], vector<16xf32>,
      %parallel_loop3A_564 = arith.constant 63 : i32
      %parallel_loop3A_565 = arith.index_cast %parallel_loop3A_564 : i32 to index
      %parallel_loop3A_566 = arith.index_cast %parallel_loop3A_50 : i32 to index
      %parallel_loop3A_567 = tpu.vector_load %arg10[%parallel_loop3A_565, %parallel_loop3A_566] {strides = array<i32>} : memref<64x128xf32, #tpu.memory_space<vmem>>, vector<16xf32>,
      tpu.vector_store %arg10[%parallel_loop3A_565, %parallel_loop3A_566], %parallel_loop3A_563 {strides = array<i32>} : memref<64x128xf32, #tpu.memory_space<vmem>>, vector<16xf32>,
    } {sc.loop_unroll_factor = 4 : i64, sc.parallel_access}
    %dma_start3A_22 = arith.constant 1 : i32
    %dma_start3A_23 = arith.constant 0 : i32
    %dma_start3A_24 = tpu.memref_slice %arg4[%dma_start3A_22, %dma_start3A_23, %mul3A_2] : memref<200x64x4096xf32, #tpu.memory_space<hbm>> -> memref<1x64x128xf32, #tpu.memory_space<hbm>>
    %dma_start3A_25 = tpu.memref_squeeze %dma_start3A_24 : memref<1x64x128xf32, #tpu.memory_space<hbm>> -> memref<64x128xf32, #tpu.memory_space<hbm>>
    %dma_start3A_26 = arith.constant 0 : i32
    %dma_start3A_27 = tpu.memref_slice %arg4[%dma_start3A_22, %dma_start3A_26, %mul3A_2] : memref<200x64x4096xf32, #tpu.memory_space<hbm>> -> memref<1x64x128xf32, #tpu.memory_space<hbm>>
    %dma_start3A_28 = tpu.memref_squeeze %dma_start3A_27 : memref<1x64x128xf32, #tpu.memory_space<hbm>> -> memref<64x128xf32, #tpu.memory_space<hbm>>
    tpu.enqueue_dma source(%arg10 : memref<64x128xf32, #tpu.memory_space<vmem>>) target(%dma_start3A_28 : memref<64x128xf32, #tpu.memory_space<hbm>>) target_semaphore(%arg12 : memref<!tpu.dma_semaphore, #tpu.memory_space<semaphore_mem>>)
    %scan3A = arith.constant 0 : i32
    %scan3A_29 = arith.constant 1 : i32
    %scan3A_30 = arith.constant 99 : i32
    %scan3A_31 = arith.addi %scan3A_29, %scan3A_30 : i32
    %scan3A_32 = arith.constant 1 : i32
    %scan3A_33 = scf.for %scan3A_48 = %scan3A_29 to %scan3A_31 step %scan3A_32 iter_args(%scan3A_49 = %scan3A) -> (i32)  : i32 {
      %mul3A_50 = arith.constant 2 : i32
      %mul3A_51 = arith.muli %mul3A_50, %scan3A_48 : i32
      %dma_wait3A_52 = arith.constant 0 : i32
      %dma_wait3A_53 = tpu.memref_slice %arg4[%mul3A_51, %dma_wait3A_52, %mul3A_2] : memref<200x64x4096xf32, #tpu.memory_space<hbm>> -> memref<1x64x128xf32, #tpu.memory_space<hbm>>
      %dma_wait3A_54 = tpu.memref_squeeze %dma_wait3A_53 : memref<1x64x128xf32, #tpu.memory_space<hbm>> -> memref<64x128xf32, #tpu.memory_space<hbm>>
      %dma_wait3A_55 = arith.constant 0 : i32
      %dma_wait3A_56 = tpu.memref_slice %arg4[%mul3A_51, %dma_wait3A_55, %mul3A_2] : memref<200x64x4096xf32, #tpu.memory_space<hbm>> -> memref<1x64x128xf32, #tpu.memory_space<hbm>>
      %dma_wait3A_57 = tpu.memref_squeeze %dma_wait3A_56 : memref<1x64x128xf32, #tpu.memory_space<hbm>> -> memref<64x128xf32, #tpu.memory_space<hbm>>
      tpu.wait_dma2 semaphore(%arg11 : memref<!tpu.dma_semaphore, #tpu.memory_space<semaphore_mem>>) src(%arg9 : memref<64x128xf32, #tpu.memory_space<vmem>>) dst(%dma_wait3A_57 : memref<64x128xf32, #tpu.memory_space<hbm>>)
      %mul3A_58 = arith.constant 65 : i32
      %mul3A_59 = arith.muli %mul3A_51, %mul3A_58 : i32
      %parallel_loop3A_60 = arith.constant 0 : i32
      %parallel_loop3A_61 = arith.constant 8 : i32
      %parallel_loop3A_62 = arith.constant 1 : i32
      scf.for %parallel_loop3A_93 = %parallel_loop3A_60 to %parallel_loop3A_61 step %parallel_loop3A_62  : i32 {
        %parallel_loop3A_94 = arith.constant 16 : i32
        %parallel_loop3A_95 = arith.muli %parallel_loop3A_93, %parallel_loop3A_94 : i32
        %parallel_loop3A_96 = arith.index_cast %parallel_loop3A_95 : i32 to index
        %parallel_loop3A_97 = tpu.vector_load %arg8[%parallel_loop3A_96] {strides = array<i32>} : memref<128xi32, #tpu.memory_space<vmem>>, vector<16xi32>,
        %parallel_loop3A_98 = vector.broadcast %mul3A_59 : i32 to vector<16xi32>
        %parallel_loop3A_99 = arith.addi %parallel_loop3A_97, %parallel_loop3A_98 : vector<16xi32>
        %parallel_loop3A_100 = arith.constant 0 : i32
        %parallel_loop3A_101 = vector.broadcast %parallel_loop3A_100 : i32 to vector<16xi32>
        %parallel_loop3A_102 = arith.addi %parallel_loop3A_99, %parallel_loop3A_101 : vector<16xi32>
        %parallel_loop3A_103 = tpu.vector_load_idx %arg7[%parallel_loop3A_102] : memref<25951xf32, #tpu.memory_space<vmem>>[vector<16xi32>], vector<16xf32>,
        %parallel_loop3A_104 = arith.constant 0 : i32
        %parallel_loop3A_105 = arith.index_cast %parallel_loop3A_104 : i32 to index
        %parallel_loop3A_106 = arith.index_cast %parallel_loop3A_95 : i32 to index
        %parallel_loop3A_107 = tpu.vector_load %arg9[%parallel_loop3A_105, %parallel_loop3A_106] {strides = array<i32>} : memref<64x128xf32, #tpu.memory_space<vmem>>, vector<16xf32>,
        tpu.vector_store %arg9[%parallel_loop3A_105, %parallel_loop3A_106], %parallel_loop3A_103 {strides = array<i32>} : memref<64x128xf32, #tpu.memory_space<vmem>>, vector<16xf32>,
        %parallel_loop3A_108 = arith.constant 1 : i32
        %parallel_loop3A_109 = vector.broadcast %parallel_loop3A_108 : i32 to vector<16xi32>
        %parallel_loop3A_110 = arith.addi %parallel_loop3A_99, %parallel_loop3A_109 : vector<16xi32>
        %parallel_loop3A_111 = tpu.vector_load_idx %arg7[%parallel_loop3A_110] : memref<25951xf32, #tpu.memory_space<vmem>>[vector<16xi32>], vector<16xf32>,
        %parallel_loop3A_112 = arith.constant 1 : i32
        %parallel_loop3A_113 = arith.index_cast %parallel_loop3A_112 : i32 to index
        %parallel_loop3A_114 = arith.index_cast %parallel_loop3A_95 : i32 to index
        %parallel_loop3A_115 = tpu.vector_load %arg9[%parallel_loop3A_113, %parallel_loop3A_114] {strides = array<i32>} : memref<64x128xf32, #tpu.memory_space<vmem>>, vector<16xf32>,
        tpu.vector_store %arg9[%parallel_loop3A_113, %parallel_loop3A_114], %parallel_loop3A_111 {strides = array<i32>} : memref<64x128xf32, #tpu.memory_space<vmem>>, vector<16xf32>,
        %parallel_loop3A_116 = arith.constant 2 : i32
        %parallel_loop3A_117 = vector.broadcast %parallel_loop3A_116 : i32 to vector<16xi32>
        %parallel_loop3A_118 = arith.addi %parallel_loop3A_99, %parallel_loop3A_117 : vector<16xi32>
        %parallel_loop3A_119 = tpu.vector_load_idx %arg7[%parallel_loop3A_118] : memref<25951xf32, #tpu.memory_space<vmem>>[vector<16xi32>], vector<16xf32>,
        %parallel_loop3A_120 = arith.constant 2 : i32
        %parallel_loop3A_121 = arith.index_cast %parallel_loop3A_120 : i32 to index
        %parallel_loop3A_122 = arith.index_cast %parallel_loop3A_95 : i32 to index
        %parallel_loop3A_123 = tpu.vector_load %arg9[%parallel_loop3A_121, %parallel_loop3A_122] {strides = array<i32>} : memref<64x128xf32, #tpu.memory_space<vmem>>, vector<16xf32>,
        tpu.vector_store %arg9[%parallel_loop3A_121, %parallel_loop3A_122], %parallel_loop3A_119 {strides = array<i32>} : memref<64x128xf32, #tpu.memory_space<vmem>>, vector<16xf32>,
        %parallel_loop3A_124 = arith.constant 3 : i32
        %parallel_loop3A_125 = vector.broadcast %parallel_loop3A_124 : i32 to vector<16xi32>
        %parallel_loop3A_126 = arith.addi %parallel_loop3A_99, %parallel_loop3A_125 : vector<16xi32>
        %parallel_loop3A_127 = tpu.vector_load_idx %arg7[%parallel_loop3A_126] : memref<25951xf32, #tpu.memory_space<vmem>>[vector<16xi32>], vector<16xf32>,
        %parallel_loop3A_128 = arith.constant 3 : i32
        %parallel_loop3A_129 = arith.index_cast %parallel_loop3A_128 : i32 to index
        %parallel_loop3A_130 = arith.index_cast %parallel_loop3A_95 : i32 to index
        %parallel_loop3A_131 = tpu.vector_load %arg9[%parallel_loop3A_129, %parallel_loop3A_130] {strides = array<i32>} : memref<64x128xf32, #tpu.memory_space<vmem>>, vector<16xf32>,
        tpu.vector_store %arg9[%parallel_loop3A_129, %parallel_loop3A_130], %parallel_loop3A_127 {strides = array<i32>} : memref<64x128xf32, #tpu.memory_space<vmem>>, vector<16xf32>,
        %parallel_loop3A_132 = arith.constant 4 : i32
        %parallel_loop3A_133 = vector.broadcast %parallel_loop3A_132 : i32 to vector<16xi32>
        %parallel_loop3A_134 = arith.addi %parallel_loop3A_99, %parallel_loop3A_133 : vector<16xi32>
        %parallel_loop3A_135 = tpu.vector_load_idx %arg7[%parallel_loop3A_134] : memref<25951xf32, #tpu.memory_space<vmem>>[vector<16xi32>], vector<16xf32>,
        %parallel_loop3A_136 = arith.constant 4 : i32
        %parallel_loop3A_137 = arith.index_cast %parallel_loop3A_136 : i32 to index
        %parallel_loop3A_138 = arith.index_cast %parallel_loop3A_95 : i32 to index
        %parallel_loop3A_139 = tpu.vector_load %arg9[%parallel_loop3A_137, %parallel_loop3A_138] {strides = array<i32>} : memref<64x128xf32, #tpu.memory_space<vmem>>, vector<16xf32>,
        tpu.vector_store %arg9[%parallel_loop3A_137, %parallel_loop3A_138], %parallel_loop3A_135 {strides = array<i32>} : memref<64x128xf32, #tpu.memory_space<vmem>>, vector<16xf32>,
        %parallel_loop3A_140 = arith.constant 5 : i32
        %parallel_loop3A_141 = vector.broadcast %parallel_loop3A_140 : i32 to vector<16xi32>
        %parallel_loop3A_142 = arith.addi %parallel_loop3A_99, %parallel_loop3A_141 : vector<16xi32>
        %parallel_loop3A_143 = tpu.vector_load_idx %arg7[%parallel_loop3A_142] : memref<25951xf32, #tpu.memory_space<vmem>>[vector<16xi32>], vector<16xf32>,
        %parallel_loop3A_144 = arith.constant 5 : i32
        %parallel_loop3A_145 = arith.index_cast %parallel_loop3A_144 : i32 to index
        %parallel_loop3A_146 = arith.index_cast %parallel_loop3A_95 : i32 to index
        %parallel_loop3A_147 = tpu.vector_load %arg9[%parallel_loop3A_145, %parallel_loop3A_146] {strides = array<i32>} : memref<64x128xf32, #tpu.memory_space<vmem>>, vector<16xf32>,
        tpu.vector_store %arg9[%parallel_loop3A_145, %parallel_loop3A_146], %parallel_loop3A_143 {strides = array<i32>} : memref<64x128xf32, #tpu.memory_space<vmem>>, vector<16xf32>,
        %parallel_loop3A_148 = arith.constant 6 : i32
        %parallel_loop3A_149 = vector.broadcast %parallel_loop3A_148 : i32 to vector<16xi32>
        %parallel_loop3A_150 = arith.addi %parallel_loop3A_99, %parallel_loop3A_149 : vector<16xi32>
        %parallel_loop3A_151 = tpu.vector_load_idx %arg7[%parallel_loop3A_150] : memref<25951xf32, #tpu.memory_space<vmem>>[vector<16xi32>], vector<16xf32>,
        %parallel_loop3A_152 = arith.constant 6 : i32
        %parallel_loop3A_153 = arith.index_cast %parallel_loop3A_152 : i32 to index
        %parallel_loop3A_154 = arith.index_cast %parallel_loop3A_95 : i32 to index
        %parallel_loop3A_155 = tpu.vector_load %arg9[%parallel_loop3A_153, %parallel_loop3A_154] {strides = array<i32>} : memref<64x128xf32, #tpu.memory_space<vmem>>, vector<16xf32>,
        tpu.vector_store %arg9[%parallel_loop3A_153, %parallel_loop3A_154], %parallel_loop3A_151 {strides = array<i32>} : memref<64x128xf32, #tpu.memory_space<vmem>>, vector<16xf32>,
        %parallel_loop3A_156 = arith.constant 7 : i32
        %parallel_loop3A_157 = vector.broadcast %parallel_loop3A_156 : i32 to vector<16xi32>
        %parallel_loop3A_158 = arith.addi %parallel_loop3A_99, %parallel_loop3A_157 : vector<16xi32>
        %parallel_loop3A_159 = tpu.vector_load_idx %arg7[%parallel_loop3A_158] : memref<25951xf32, #tpu.memory_space<vmem>>[vector<16xi32>], vector<16xf32>,
        %parallel_loop3A_160 = arith.constant 7 : i32
        %parallel_loop3A_161 = arith.index_cast %parallel_loop3A_160 : i32 to index
        %parallel_loop3A_162 = arith.index_cast %parallel_loop3A_95 : i32 to index
        %parallel_loop3A_163 = tpu.vector_load %arg9[%parallel_loop3A_161, %parallel_loop3A_162] {strides = array<i32>} : memref<64x128xf32, #tpu.memory_space<vmem>>, vector<16xf32>,
        tpu.vector_store %arg9[%parallel_loop3A_161, %parallel_loop3A_162], %parallel_loop3A_159 {strides = array<i32>} : memref<64x128xf32, #tpu.memory_space<vmem>>, vector<16xf32>,
        %parallel_loop3A_164 = arith.constant 8 : i32
        %parallel_loop3A_165 = vector.broadcast %parallel_loop3A_164 : i32 to vector<16xi32>
        %parallel_loop3A_166 = arith.addi %parallel_loop3A_99, %parallel_loop3A_165 : vector<16xi32>
        %parallel_loop3A_167 = tpu.vector_load_idx %arg7[%parallel_loop3A_166] : memref<25951xf32, #tpu.memory_space<vmem>>[vector<16xi32>], vector<16xf32>,
        %parallel_loop3A_168 = arith.constant 8 : i32
        %parallel_loop3A_169 = arith.index_cast %parallel_loop3A_168 : i32 to index
        %parallel_loop3A_170 = arith.index_cast %parallel_loop3A_95 : i32 to index
        %parallel_loop3A_171 = tpu.vector_load %arg9[%parallel_loop3A_169, %parallel_loop3A_170] {strides = array<i32>} : memref<64x128xf32, #tpu.memory_space<vmem>>, vector<16xf32>,
        tpu.vector_store %arg9[%parallel_loop3A_169, %parallel_loop3A_170], %parallel_loop3A_167 {strides = array<i32>} : memref<64x128xf32, #tpu.memory_space<vmem>>, vector<16xf32>,
        %parallel_loop3A_172 = arith.constant 9 : i32
        %parallel_loop3A_173 = vector.broadcast %parallel_loop3A_172 : i32 to vector<16xi32>
        %parallel_loop3A_174 = arith.addi %parallel_loop3A_99, %parallel_loop3A_173 : vector<16xi32>
        %parallel_loop3A_175 = tpu.vector_load_idx %arg7[%parallel_loop3A_174] : memref<25951xf32, #tpu.memory_space<vmem>>[vector<16xi32>], vector<16xf32>,
        %parallel_loop3A_176 = arith.constant 9 : i32
        %parallel_loop3A_177 = arith.index_cast %parallel_loop3A_176 : i32 to index
        %parallel_loop3A_178 = arith.index_cast %parallel_loop3A_95 : i32 to index
        %parallel_loop3A_179 = tpu.vector_load %arg9[%parallel_loop3A_177, %parallel_loop3A_178] {strides = array<i32>} : memref<64x128xf32, #tpu.memory_space<vmem>>, vector<16xf32>,
        tpu.vector_store %arg9[%parallel_loop3A_177, %parallel_loop3A_178], %parallel_loop3A_175 {strides = array<i32>} : memref<64x128xf32, #tpu.memory_space<vmem>>, vector<16xf32>,
        %parallel_loop3A_180 = arith.constant 10 : i32
        %parallel_loop3A_181 = vector.broadcast %parallel_loop3A_180 : i32 to vector<16xi32>
        %parallel_loop3A_182 = arith.addi %parallel_loop3A_99, %parallel_loop3A_181 : vector<16xi32>
        %parallel_loop3A_183 = tpu.vector_load_idx %arg7[%parallel_loop3A_182] : memref<25951xf32, #tpu.memory_space<vmem>>[vector<16xi32>], vector<16xf32>,
        %parallel_loop3A_184 = arith.constant 10 : i32
        %parallel_loop3A_185 = arith.index_cast %parallel_loop3A_184 : i32 to index
        %parallel_loop3A_186 = arith.index_cast %parallel_loop3A_95 : i32 to index
        %parallel_loop3A_187 = tpu.vector_load %arg9[%parallel_loop3A_185, %parallel_loop3A_186] {strides = array<i32>} : memref<64x128xf32, #tpu.memory_space<vmem>>, vector<16xf32>,
        tpu.vector_store %arg9[%parallel_loop3A_185, %parallel_loop3A_186], %parallel_loop3A_183 {strides = array<i32>} : memref<64x128xf32, #tpu.memory_space<vmem>>, vector<16xf32>,
        %parallel_loop3A_188 = arith.constant 11 : i32
        %parallel_loop3A_189 = vector.broadcast %parallel_loop3A_188 : i32 to vector<16xi32>
        %parallel_loop3A_190 = arith.addi %parallel_loop3A_99, %parallel_loop3A_189 : vector<16xi32>
        %parallel_loop3A_191 = tpu.vector_load_idx %arg7[%parallel_loop3A_190] : memref<25951xf32, #tpu.memory_space<vmem>>[vector<16xi32>], vector<16xf32>,
        %parallel_loop3A_192 = arith.constant 11 : i32
        %parallel_loop3A_193 = arith.index_cast %parallel_loop3A_192 : i32 to index
        %parallel_loop3A_194 = arith.index_cast %parallel_loop3A_95 : i32 to index
        %parallel_loop3A_195 = tpu.vector_load %arg9[%parallel_loop3A_193, %parallel_loop3A_194] {strides = array<i32>} : memref<64x128xf32, #tpu.memory_space<vmem>>, vector<16xf32>,
        tpu.vector_store %arg9[%parallel_loop3A_193, %parallel_loop3A_194], %parallel_loop3A_191 {strides = array<i32>} : memref<64x128xf32, #tpu.memory_space<vmem>>, vector<16xf32>,
        %parallel_loop3A_196 = arith.constant 12 : i32
        %parallel_loop3A_197 = vector.broadcast %parallel_loop3A_196 : i32 to vector<16xi32>
        %parallel_loop3A_198 = arith.addi %parallel_loop3A_99, %parallel_loop3A_197 : vector<16xi32>
        %parallel_loop3A_199 = tpu.vector_load_idx %arg7[%parallel_loop3A_198] : memref<25951xf32, #tpu.memory_space<vmem>>[vector<16xi32>], vector<16xf32>,
        %parallel_loop3A_200 = arith.constant 12 : i32
        %parallel_loop3A_201 = arith.index_cast %parallel_loop3A_200 : i32 to index
        %parallel_loop3A_202 = arith.index_cast %parallel_loop3A_95 : i32 to index
        %parallel_loop3A_203 = tpu.vector_load %arg9[%parallel_loop3A_201, %parallel_loop3A_202] {strides = array<i32>} : memref<64x128xf32, #tpu.memory_space<vmem>>, vector<16xf32>,
        tpu.vector_store %arg9[%parallel_loop3A_201, %parallel_loop3A_202], %parallel_loop3A_199 {strides = array<i32>} : memref<64x128xf32, #tpu.memory_space<vmem>>, vector<16xf32>,
        %parallel_loop3A_204 = arith.constant 13 : i32
        %parallel_loop3A_205 = vector.broadcast %parallel_loop3A_204 : i32 to vector<16xi32>
        %parallel_loop3A_206 = arith.addi %parallel_loop3A_99, %parallel_loop3A_205 : vector<16xi32>
        %parallel_loop3A_207 = tpu.vector_load_idx %arg7[%parallel_loop3A_206] : memref<25951xf32, #tpu.memory_space<vmem>>[vector<16xi32>], vector<16xf32>,
        %parallel_loop3A_208 = arith.constant 13 : i32
        %parallel_loop3A_209 = arith.index_cast %parallel_loop3A_208 : i32 to index
        %parallel_loop3A_210 = arith.index_cast %parallel_loop3A_95 : i32 to index
        %parallel_loop3A_211 = tpu.vector_load %arg9[%parallel_loop3A_209, %parallel_loop3A_210] {strides = array<i32>} : memref<64x128xf32, #tpu.memory_space<vmem>>, vector<16xf32>,
        tpu.vector_store %arg9[%parallel_loop3A_209, %parallel_loop3A_210], %parallel_loop3A_207 {strides = array<i32>} : memref<64x128xf32, #tpu.memory_space<vmem>>, vector<16xf32>,
        %parallel_loop3A_212 = arith.constant 14 : i32
        %parallel_loop3A_213 = vector.broadcast %parallel_loop3A_212 : i32 to vector<16xi32>
        %parallel_loop3A_214 = arith.addi %parallel_loop3A_99, %parallel_loop3A_213 : vector<16xi32>
        %parallel_loop3A_215 = tpu.vector_load_idx %arg7[%parallel_loop3A_214] : memref<25951xf32, #tpu.memory_space<vmem>>[vector<16xi32>], vector<16xf32>,
        %parallel_loop3A_216 = arith.constant 14 : i32
        %parallel_loop3A_217 = arith.index_cast %parallel_loop3A_216 : i32 to index
        %parallel_loop3A_218 = arith.index_cast %parallel_loop3A_95 : i32 to index
        %parallel_loop3A_219 = tpu.vector_load %arg9[%parallel_loop3A_217, %parallel_loop3A_218] {strides = array<i32>} : memref<64x128xf32, #tpu.memory_space<vmem>>, vector<16xf32>,
        tpu.vector_store %arg9[%parallel_loop3A_217, %parallel_loop3A_218], %parallel_loop3A_215 {strides = array<i32>} : memref<64x128xf32, #tpu.memory_space<vmem>>, vector<16xf32>,
        %parallel_loop3A_220 = arith.constant 15 : i32
        %parallel_loop3A_221 = vector.broadcast %parallel_loop3A_220 : i32 to vector<16xi32>
        %parallel_loop3A_222 = arith.addi %parallel_loop3A_99, %parallel_loop3A_221 : vector<16xi32>
        %parallel_loop3A_223 = tpu.vector_load_idx %arg7[%parallel_loop3A_222] : memref<25951xf32, #tpu.memory_space<vmem>>[vector<16xi32>], vector<16xf32>,
        %parallel_loop3A_224 = arith.constant 15 : i32
        %parallel_loop3A_225 = arith.index_cast %parallel_loop3A_224 : i32 to index
        %parallel_loop3A_226 = arith.index_cast %parallel_loop3A_95 : i32 to index
        %parallel_loop3A_227 = tpu.vector_load %arg9[%parallel_loop3A_225, %parallel_loop3A_226] {strides = array<i32>} : memref<64x128xf32, #tpu.memory_space<vmem>>, vector<16xf32>,
        tpu.vector_store %arg9[%parallel_loop3A_225, %parallel_loop3A_226], %parallel_loop3A_223 {strides = array<i32>} : memref<64x128xf32, #tpu.memory_space<vmem>>, vector<16xf32>,
        %parallel_loop3A_228 = arith.constant 16 : i32
        %parallel_loop3A_229 = vector.broadcast %parallel_loop3A_228 : i32 to vector<16xi32>
        %parallel_loop3A_230 = arith.addi %parallel_loop3A_99, %parallel_loop3A_229 : vector<16xi32>
        %parallel_loop3A_231 = tpu.vector_load_idx %arg7[%parallel_loop3A_230] : memref<25951xf32, #tpu.memory_space<vmem>>[vector<16xi32>], vector<16xf32>,
        %parallel_loop3A_232 = arith.constant 16 : i32
        %parallel_loop3A_233 = arith.index_cast %parallel_loop3A_232 : i32 to index
        %parallel_loop3A_234 = arith.index_cast %parallel_loop3A_95 : i32 to index
        %parallel_loop3A_235 = tpu.vector_load %arg9[%parallel_loop3A_233, %parallel_loop3A_234] {strides = array<i32>} : memref<64x128xf32, #tpu.memory_space<vmem>>, vector<16xf32>,
        tpu.vector_store %arg9[%parallel_loop3A_233, %parallel_loop3A_234], %parallel_loop3A_231 {strides = array<i32>} : memref<64x128xf32, #tpu.memory_space<vmem>>, vector<16xf32>,
        %parallel_loop3A_236 = arith.constant 17 : i32
        %parallel_loop3A_237 = vector.broadcast %parallel_loop3A_236 : i32 to vector<16xi32>
        %parallel_loop3A_238 = arith.addi %parallel_loop3A_99, %parallel_loop3A_237 : vector<16xi32>
        %parallel_loop3A_239 = tpu.vector_load_idx %arg7[%parallel_loop3A_238] : memref<25951xf32, #tpu.memory_space<vmem>>[vector<16xi32>], vector<16xf32>,
        %parallel_loop3A_240 = arith.constant 17 : i32
        %parallel_loop3A_241 = arith.index_cast %parallel_loop3A_240 : i32 to index
        %parallel_loop3A_242 = arith.index_cast %parallel_loop3A_95 : i32 to index
        %parallel_loop3A_243 = tpu.vector_load %arg9[%parallel_loop3A_241, %parallel_loop3A_242] {strides = array<i32>} : memref<64x128xf32, #tpu.memory_space<vmem>>, vector<16xf32>,
        tpu.vector_store %arg9[%parallel_loop3A_241, %parallel_loop3A_242], %parallel_loop3A_239 {strides = array<i32>} : memref<64x128xf32, #tpu.memory_space<vmem>>, vector<16xf32>,
        %parallel_loop3A_244 = arith.constant 18 : i32
        %parallel_loop3A_245 = vector.broadcast %parallel_loop3A_244 : i32 to vector<16xi32>
        %parallel_loop3A_246 = arith.addi %parallel_loop3A_99, %parallel_loop3A_245 : vector<16xi32>
        %parallel_loop3A_247 = tpu.vector_load_idx %arg7[%parallel_loop3A_246] : memref<25951xf32, #tpu.memory_space<vmem>>[vector<16xi32>], vector<16xf32>,
        %parallel_loop3A_248 = arith.constant 18 : i32
        %parallel_loop3A_249 = arith.index_cast %parallel_loop3A_248 : i32 to index
        %parallel_loop3A_250 = arith.index_cast %parallel_loop3A_95 : i32 to index
        %parallel_loop3A_251 = tpu.vector_load %arg9[%parallel_loop3A_249, %parallel_loop3A_250] {strides = array<i32>} : memref<64x128xf32, #tpu.memory_space<vmem>>, vector<16xf32>,
        tpu.vector_store %arg9[%parallel_loop3A_249, %parallel_loop3A_250], %parallel_loop3A_247 {strides = array<i32>} : memref<64x128xf32, #tpu.memory_space<vmem>>, vector<16xf32>,
        %parallel_loop3A_252 = arith.constant 19 : i32
        %parallel_loop3A_253 = vector.broadcast %parallel_loop3A_252 : i32 to vector<16xi32>
        %parallel_loop3A_254 = arith.addi %parallel_loop3A_99, %parallel_loop3A_253 : vector<16xi32>
        %parallel_loop3A_255 = tpu.vector_load_idx %arg7[%parallel_loop3A_254] : memref<25951xf32, #tpu.memory_space<vmem>>[vector<16xi32>], vector<16xf32>,
        %parallel_loop3A_256 = arith.constant 19 : i32
        %parallel_loop3A_257 = arith.index_cast %parallel_loop3A_256 : i32 to index
        %parallel_loop3A_258 = arith.index_cast %parallel_loop3A_95 : i32 to index
        %parallel_loop3A_259 = tpu.vector_load %arg9[%parallel_loop3A_257, %parallel_loop3A_258] {strides = array<i32>} : memref<64x128xf32, #tpu.memory_space<vmem>>, vector<16xf32>,
        tpu.vector_store %arg9[%parallel_loop3A_257, %parallel_loop3A_258], %parallel_loop3A_255 {strides = array<i32>} : memref<64x128xf32, #tpu.memory_space<vmem>>, vector<16xf32>,
        %parallel_loop3A_260 = arith.constant 20 : i32
        %parallel_loop3A_261 = vector.broadcast %parallel_loop3A_260 : i32 to vector<16xi32>
        %parallel_loop3A_262 = arith.addi %parallel_loop3A_99, %parallel_loop3A_261 : vector<16xi32>
        %parallel_loop3A_263 = tpu.vector_load_idx %arg7[%parallel_loop3A_262] : memref<25951xf32, #tpu.memory_space<vmem>>[vector<16xi32>], vector<16xf32>,
        %parallel_loop3A_264 = arith.constant 20 : i32
        %parallel_loop3A_265 = arith.index_cast %parallel_loop3A_264 : i32 to index
        %parallel_loop3A_266 = arith.index_cast %parallel_loop3A_95 : i32 to index
        %parallel_loop3A_267 = tpu.vector_load %arg9[%parallel_loop3A_265, %parallel_loop3A_266] {strides = array<i32>} : memref<64x128xf32, #tpu.memory_space<vmem>>, vector<16xf32>,
        tpu.vector_store %arg9[%parallel_loop3A_265, %parallel_loop3A_266], %parallel_loop3A_263 {strides = array<i32>} : memref<64x128xf32, #tpu.memory_space<vmem>>, vector<16xf32>,
        %parallel_loop3A_268 = arith.constant 21 : i32
        %parallel_loop3A_269 = vector.broadcast %parallel_loop3A_268 : i32 to vector<16xi32>
        %parallel_loop3A_270 = arith.addi %parallel_loop3A_99, %parallel_loop3A_269 : vector<16xi32>
        %parallel_loop3A_271 = tpu.vector_load_idx %arg7[%parallel_loop3A_270] : memref<25951xf32, #tpu.memory_space<vmem>>[vector<16xi32>], vector<16xf32>,
        %parallel_loop3A_272 = arith.constant 21 : i32
        %parallel_loop3A_273 = arith.index_cast %parallel_loop3A_272 : i32 to index
        %parallel_loop3A_274 = arith.index_cast %parallel_loop3A_95 : i32 to index
        %parallel_loop3A_275 = tpu.vector_load %arg9[%parallel_loop3A_273, %parallel_loop3A_274] {strides = array<i32>} : memref<64x128xf32, #tpu.memory_space<vmem>>, vector<16xf32>,
        tpu.vector_store %arg9[%parallel_loop3A_273, %parallel_loop3A_274], %parallel_loop3A_271 {strides = array<i32>} : memref<64x128xf32, #tpu.memory_space<vmem>>, vector<16xf32>,
        %parallel_loop3A_276 = arith.constant 22 : i32
        %parallel_loop3A_277 = vector.broadcast %parallel_loop3A_276 : i32 to vector<16xi32>
        %parallel_loop3A_278 = arith.addi %parallel_loop3A_99, %parallel_loop3A_277 : vector<16xi32>
        %parallel_loop3A_279 = tpu.vector_load_idx %arg7[%parallel_loop3A_278] : memref<25951xf32, #tpu.memory_space<vmem>>[vector<16xi32>], vector<16xf32>,
        %parallel_loop3A_280 = arith.constant 22 : i32
        %parallel_loop3A_281 = arith.index_cast %parallel_loop3A_280 : i32 to index
        %parallel_loop3A_282 = arith.index_cast %parallel_loop3A_95 : i32 to index
        %parallel_loop3A_283 = tpu.vector_load %arg9[%parallel_loop3A_281, %parallel_loop3A_282] {strides = array<i32>} : memref<64x128xf32, #tpu.memory_space<vmem>>, vector<16xf32>,
        tpu.vector_store %arg9[%parallel_loop3A_281, %parallel_loop3A_282], %parallel_loop3A_279 {strides = array<i32>} : memref<64x128xf32, #tpu.memory_space<vmem>>, vector<16xf32>,
        %parallel_loop3A_284 = arith.constant 23 : i32
        %parallel_loop3A_285 = vector.broadcast %parallel_loop3A_284 : i32 to vector<16xi32>
        %parallel_loop3A_286 = arith.addi %parallel_loop3A_99, %parallel_loop3A_285 : vector<16xi32>
        %parallel_loop3A_287 = tpu.vector_load_idx %arg7[%parallel_loop3A_286] : memref<25951xf32, #tpu.memory_space<vmem>>[vector<16xi32>], vector<16xf32>,
        %parallel_loop3A_288 = arith.constant 23 : i32
        %parallel_loop3A_289 = arith.index_cast %parallel_loop3A_288 : i32 to index
        %parallel_loop3A_290 = arith.index_cast %parallel_loop3A_95 : i32 to index
        %parallel_loop3A_291 = tpu.vector_load %arg9[%parallel_loop3A_289, %parallel_loop3A_290] {strides = array<i32>} : memref<64x128xf32, #tpu.memory_space<vmem>>, vector<16xf32>,
        tpu.vector_store %arg9[%parallel_loop3A_289, %parallel_loop3A_290], %parallel_loop3A_287 {strides = array<i32>} : memref<64x128xf32, #tpu.memory_space<vmem>>, vector<16xf32>,
        %parallel_loop3A_292 = arith.constant 24 : i32
        %parallel_loop3A_293 = vector.broadcast %parallel_loop3A_292 : i32 to vector<16xi32>
        %parallel_loop3A_294 = arith.addi %parallel_loop3A_99, %parallel_loop3A_293 : vector<16xi32>
        %parallel_loop3A_295 = tpu.vector_load_idx %arg7[%parallel_loop3A_294] : memref<25951xf32, #tpu.memory_space<vmem>>[vector<16xi32>], vector<16xf32>,
        %parallel_loop3A_296 = arith.constant 24 : i32
        %parallel_loop3A_297 = arith.index_cast %parallel_loop3A_296 : i32 to index
        %parallel_loop3A_298 = arith.index_cast %parallel_loop3A_95 : i32 to index
        %parallel_loop3A_299 = tpu.vector_load %arg9[%parallel_loop3A_297, %parallel_loop3A_298] {strides = array<i32>} : memref<64x128xf32, #tpu.memory_space<vmem>>, vector<16xf32>,
        tpu.vector_store %arg9[%parallel_loop3A_297, %parallel_loop3A_298], %parallel_loop3A_295 {strides = array<i32>} : memref<64x128xf32, #tpu.memory_space<vmem>>, vector<16xf32>,
        %parallel_loop3A_300 = arith.constant 25 : i32
        %parallel_loop3A_301 = vector.broadcast %parallel_loop3A_300 : i32 to vector<16xi32>
        %parallel_loop3A_302 = arith.addi %parallel_loop3A_99, %parallel_loop3A_301 : vector<16xi32>
        %parallel_loop3A_303 = tpu.vector_load_idx %arg7[%parallel_loop3A_302] : memref<25951xf32, #tpu.memory_space<vmem>>[vector<16xi32>], vector<16xf32>,
        %parallel_loop3A_304 = arith.constant 25 : i32
        %parallel_loop3A_305 = arith.index_cast %parallel_loop3A_304 : i32 to index
        %parallel_loop3A_306 = arith.index_cast %parallel_loop3A_95 : i32 to index
        %parallel_loop3A_307 = tpu.vector_load %arg9[%parallel_loop3A_305, %parallel_loop3A_306] {strides = array<i32>} : memref<64x128xf32, #tpu.memory_space<vmem>>, vector<16xf32>,
        tpu.vector_store %arg9[%parallel_loop3A_305, %parallel_loop3A_306], %parallel_loop3A_303 {strides = array<i32>} : memref<64x128xf32, #tpu.memory_space<vmem>>, vector<16xf32>,
        %parallel_loop3A_308 = arith.constant 26 : i32
        %parallel_loop3A_309 = vector.broadcast %parallel_loop3A_308 : i32 to vector<16xi32>
        %parallel_loop3A_310 = arith.addi %parallel_loop3A_99, %parallel_loop3A_309 : vector<16xi32>
        %parallel_loop3A_311 = tpu.vector_load_idx %arg7[%parallel_loop3A_310] : memref<25951xf32, #tpu.memory_space<vmem>>[vector<16xi32>], vector<16xf32>,
        %parallel_loop3A_312 = arith.constant 26 : i32
        %parallel_loop3A_313 = arith.index_cast %parallel_loop3A_312 : i32 to index
        %parallel_loop3A_314 = arith.index_cast %parallel_loop3A_95 : i32 to index
        %parallel_loop3A_315 = tpu.vector_load %arg9[%parallel_loop3A_313, %parallel_loop3A_314] {strides = array<i32>} : memref<64x128xf32, #tpu.memory_space<vmem>>, vector<16xf32>,
        tpu.vector_store %arg9[%parallel_loop3A_313, %parallel_loop3A_314], %parallel_loop3A_311 {strides = array<i32>} : memref<64x128xf32, #tpu.memory_space<vmem>>, vector<16xf32>,
        %parallel_loop3A_316 = arith.constant 27 : i32
        %parallel_loop3A_317 = vector.broadcast %parallel_loop3A_316 : i32 to vector<16xi32>
        %parallel_loop3A_318 = arith.addi %parallel_loop3A_99, %parallel_loop3A_317 : vector<16xi32>
        %parallel_loop3A_319 = tpu.vector_load_idx %arg7[%parallel_loop3A_318] : memref<25951xf32, #tpu.memory_space<vmem>>[vector<16xi32>], vector<16xf32>,
        %parallel_loop3A_320 = arith.constant 27 : i32
        %parallel_loop3A_321 = arith.index_cast %parallel_loop3A_320 : i32 to index
        %parallel_loop3A_322 = arith.index_cast %parallel_loop3A_95 : i32 to index
        %parallel_loop3A_323 = tpu.vector_load %arg9[%parallel_loop3A_321, %parallel_loop3A_322] {strides = array<i32>} : memref<64x128xf32, #tpu.memory_space<vmem>>, vector<16xf32>,
        tpu.vector_store %arg9[%parallel_loop3A_321, %parallel_loop3A_322], %parallel_loop3A_319 {strides = array<i32>} : memref<64x128xf32, #tpu.memory_space<vmem>>, vector<16xf32>,
        %parallel_loop3A_324 = arith.constant 28 : i32
        %parallel_loop3A_325 = vector.broadcast %parallel_loop3A_324 : i32 to vector<16xi32>
        %parallel_loop3A_326 = arith.addi %parallel_loop3A_99, %parallel_loop3A_325 : vector<16xi32>
        %parallel_loop3A_327 = tpu.vector_load_idx %arg7[%parallel_loop3A_326] : memref<25951xf32, #tpu.memory_space<vmem>>[vector<16xi32>], vector<16xf32>,
        %parallel_loop3A_328 = arith.constant 28 : i32
        %parallel_loop3A_329 = arith.index_cast %parallel_loop3A_328 : i32 to index
        %parallel_loop3A_330 = arith.index_cast %parallel_loop3A_95 : i32 to index
        %parallel_loop3A_331 = tpu.vector_load %arg9[%parallel_loop3A_329, %parallel_loop3A_330] {strides = array<i32>} : memref<64x128xf32, #tpu.memory_space<vmem>>, vector<16xf32>,
        tpu.vector_store %arg9[%parallel_loop3A_329, %parallel_loop3A_330], %parallel_loop3A_327 {strides = array<i32>} : memref<64x128xf32, #tpu.memory_space<vmem>>, vector<16xf32>,
        %parallel_loop3A_332 = arith.constant 29 : i32
        %parallel_loop3A_333 = vector.broadcast %parallel_loop3A_332 : i32 to vector<16xi32>
        %parallel_loop3A_334 = arith.addi %parallel_loop3A_99, %parallel_loop3A_333 : vector<16xi32>
        %parallel_loop3A_335 = tpu.vector_load_idx %arg7[%parallel_loop3A_334] : memref<25951xf32, #tpu.memory_space<vmem>>[vector<16xi32>], vector<16xf32>,
        %parallel_loop3A_336 = arith.constant 29 : i32
        %parallel_loop3A_337 = arith.index_cast %parallel_loop3A_336 : i32 to index
        %parallel_loop3A_338 = arith.index_cast %parallel_loop3A_95 : i32 to index
        %parallel_loop3A_339 = tpu.vector_load %arg9[%parallel_loop3A_337, %parallel_loop3A_338] {strides = array<i32>} : memref<64x128xf32, #tpu.memory_space<vmem>>, vector<16xf32>,
        tpu.vector_store %arg9[%parallel_loop3A_337, %parallel_loop3A_338], %parallel_loop3A_335 {strides = array<i32>} : memref<64x128xf32, #tpu.memory_space<vmem>>, vector<16xf32>,
        %parallel_loop3A_340 = arith.constant 30 : i32
        %parallel_loop3A_341 = vector.broadcast %parallel_loop3A_340 : i32 to vector<16xi32>
        %parallel_loop3A_342 = arith.addi %parallel_loop3A_99, %parallel_loop3A_341 : vector<16xi32>
        %parallel_loop3A_343 = tpu.vector_load_idx %arg7[%parallel_loop3A_342] : memref<25951xf32, #tpu.memory_space<vmem>>[vector<16xi32>], vector<16xf32>,
        %parallel_loop3A_344 = arith.constant 30 : i32
        %parallel_loop3A_345 = arith.index_cast %parallel_loop3A_344 : i32 to index
        %parallel_loop3A_346 = arith.index_cast %parallel_loop3A_95 : i32 to index
        %parallel_loop3A_347 = tpu.vector_load %arg9[%parallel_loop3A_345, %parallel_loop3A_346] {strides = array<i32>} : memref<64x128xf32, #tpu.memory_space<vmem>>, vector<16xf32>,
        tpu.vector_store %arg9[%parallel_loop3A_345, %parallel_loop3A_346], %parallel_loop3A_343 {strides = array<i32>} : memref<64x128xf32, #tpu.memory_space<vmem>>, vector<16xf32>,
        %parallel_loop3A_348 = arith.constant 31 : i32
        %parallel_loop3A_349 = vector.broadcast %parallel_loop3A_348 : i32 to vector<16xi32>
        %parallel_loop3A_350 = arith.addi %parallel_loop3A_99, %parallel_loop3A_349 : vector<16xi32>
        %parallel_loop3A_351 = tpu.vector_load_idx %arg7[%parallel_loop3A_350] : memref<25951xf32, #tpu.memory_space<vmem>>[vector<16xi32>], vector<16xf32>,
        %parallel_loop3A_352 = arith.constant 31 : i32
        %parallel_loop3A_353 = arith.index_cast %parallel_loop3A_352 : i32 to index
        %parallel_loop3A_354 = arith.index_cast %parallel_loop3A_95 : i32 to index
        %parallel_loop3A_355 = tpu.vector_load %arg9[%parallel_loop3A_353, %parallel_loop3A_354] {strides = array<i32>} : memref<64x128xf32, #tpu.memory_space<vmem>>, vector<16xf32>,
        tpu.vector_store %arg9[%parallel_loop3A_353, %parallel_loop3A_354], %parallel_loop3A_351 {strides = array<i32>} : memref<64x128xf32, #tpu.memory_space<vmem>>, vector<16xf32>,
        %parallel_loop3A_356 = arith.constant 32 : i32
        %parallel_loop3A_357 = vector.broadcast %parallel_loop3A_356 : i32 to vector<16xi32>
        %parallel_loop3A_358 = arith.addi %parallel_loop3A_99, %parallel_loop3A_357 : vector<16xi32>
        %parallel_loop3A_359 = tpu.vector_load_idx %arg7[%parallel_loop3A_358] : memref<25951xf32, #tpu.memory_space<vmem>>[vector<16xi32>], vector<16xf32>,
        %parallel_loop3A_360 = arith.constant 32 : i32
        %parallel_loop3A_361 = arith.index_cast %parallel_loop3A_360 : i32 to index
        %parallel_loop3A_362 = arith.index_cast %parallel_loop3A_95 : i32 to index
        %parallel_loop3A_363 = tpu.vector_load %arg9[%parallel_loop3A_361, %parallel_loop3A_362] {strides = array<i32>} : memref<64x128xf32, #tpu.memory_space<vmem>>, vector<16xf32>,
        tpu.vector_store %arg9[%parallel_loop3A_361, %parallel_loop3A_362], %parallel_loop3A_359 {strides = array<i32>} : memref<64x128xf32, #tpu.memory_space<vmem>>, vector<16xf32>,
        %parallel_loop3A_364 = arith.constant 33 : i32
        %parallel_loop3A_365 = vector.broadcast %parallel_loop3A_364 : i32 to vector<16xi32>
        %parallel_loop3A_366 = arith.addi %parallel_loop3A_99, %parallel_loop3A_365 : vector<16xi32>
        %parallel_loop3A_367 = tpu.vector_load_idx %arg7[%parallel_loop3A_366] : memref<25951xf32, #tpu.memory_space<vmem>>[vector<16xi32>], vector<16xf32>,
        %parallel_loop3A_368 = arith.constant 33 : i32
        %parallel_loop3A_369 = arith.index_cast %parallel_loop3A_368 : i32 to index
        %parallel_loop3A_370 = arith.index_cast %parallel_loop3A_95 : i32 to index
        %parallel_loop3A_371 = tpu.vector_load %arg9[%parallel_loop3A_369, %parallel_loop3A_370] {strides = array<i32>} : memref<64x128xf32, #tpu.memory_space<vmem>>, vector<16xf32>,
        tpu.vector_store %arg9[%parallel_loop3A_369, %parallel_loop3A_370], %parallel_loop3A_367 {strides = array<i32>} : memref<64x128xf32, #tpu.memory_space<vmem>>, vector<16xf32>,
        %parallel_loop3A_372 = arith.constant 34 : i32
        %parallel_loop3A_373 = vector.broadcast %parallel_loop3A_372 : i32 to vector<16xi32>
        %parallel_loop3A_374 = arith.addi %parallel_loop3A_99, %parallel_loop3A_373 : vector<16xi32>
        %parallel_loop3A_375 = tpu.vector_load_idx %arg7[%parallel_loop3A_374] : memref<25951xf32, #tpu.memory_space<vmem>>[vector<16xi32>], vector<16xf32>,
        %parallel_loop3A_376 = arith.constant 34 : i32
        %parallel_loop3A_377 = arith.index_cast %parallel_loop3A_376 : i32 to index
        %parallel_loop3A_378 = arith.index_cast %parallel_loop3A_95 : i32 to index
        %parallel_loop3A_379 = tpu.vector_load %arg9[%parallel_loop3A_377, %parallel_loop3A_378] {strides = array<i32>} : memref<64x128xf32, #tpu.memory_space<vmem>>, vector<16xf32>,
        tpu.vector_store %arg9[%parallel_loop3A_377, %parallel_loop3A_378], %parallel_loop3A_375 {strides = array<i32>} : memref<64x128xf32, #tpu.memory_space<vmem>>, vector<16xf32>,
        %parallel_loop3A_380 = arith.constant 35 : i32
        %parallel_loop3A_381 = vector.broadcast %parallel_loop3A_380 : i32 to vector<16xi32>
        %parallel_loop3A_382 = arith.addi %parallel_loop3A_99, %parallel_loop3A_381 : vector<16xi32>
        %parallel_loop3A_383 = tpu.vector_load_idx %arg7[%parallel_loop3A_382] : memref<25951xf32, #tpu.memory_space<vmem>>[vector<16xi32>], vector<16xf32>,
        %parallel_loop3A_384 = arith.constant 35 : i32
        %parallel_loop3A_385 = arith.index_cast %parallel_loop3A_384 : i32 to index
        %parallel_loop3A_386 = arith.index_cast %parallel_loop3A_95 : i32 to index
        %parallel_loop3A_387 = tpu.vector_load %arg9[%parallel_loop3A_385, %parallel_loop3A_386] {strides = array<i32>} : memref<64x128xf32, #tpu.memory_space<vmem>>, vector<16xf32>,
        tpu.vector_store %arg9[%parallel_loop3A_385, %parallel_loop3A_386], %parallel_loop3A_383 {strides = array<i32>} : memref<64x128xf32, #tpu.memory_space<vmem>>, vector<16xf32>,
        %parallel_loop3A_388 = arith.constant 36 : i32
        %parallel_loop3A_389 = vector.broadcast %parallel_loop3A_388 : i32 to vector<16xi32>
        %parallel_loop3A_390 = arith.addi %parallel_loop3A_99, %parallel_loop3A_389 : vector<16xi32>
        %parallel_loop3A_391 = tpu.vector_load_idx %arg7[%parallel_loop3A_390] : memref<25951xf32, #tpu.memory_space<vmem>>[vector<16xi32>], vector<16xf32>,
        %parallel_loop3A_392 = arith.constant 36 : i32
        %parallel_loop3A_393 = arith.index_cast %parallel_loop3A_392 : i32 to index
        %parallel_loop3A_394 = arith.index_cast %parallel_loop3A_95 : i32 to index
        %parallel_loop3A_395 = tpu.vector_load %arg9[%parallel_loop3A_393, %parallel_loop3A_394] {strides = array<i32>} : memref<64x128xf32, #tpu.memory_space<vmem>>, vector<16xf32>,
        tpu.vector_store %arg9[%parallel_loop3A_393, %parallel_loop3A_394], %parallel_loop3A_391 {strides = array<i32>} : memref<64x128xf32, #tpu.memory_space<vmem>>, vector<16xf32>,
        %parallel_loop3A_396 = arith.constant 37 : i32
        %parallel_loop3A_397 = vector.broadcast %parallel_loop3A_396 : i32 to vector<16xi32>
        %parallel_loop3A_398 = arith.addi %parallel_loop3A_99, %parallel_loop3A_397 : vector<16xi32>
        %parallel_loop3A_399 = tpu.vector_load_idx %arg7[%parallel_loop3A_398] : memref<25951xf32, #tpu.memory_space<vmem>>[vector<16xi32>], vector<16xf32>,
        %parallel_loop3A_400 = arith.constant 37 : i32
        %parallel_loop3A_401 = arith.index_cast %parallel_loop3A_400 : i32 to index
        %parallel_loop3A_402 = arith.index_cast %parallel_loop3A_95 : i32 to index
        %parallel_loop3A_403 = tpu.vector_load %arg9[%parallel_loop3A_401, %parallel_loop3A_402] {strides = array<i32>} : memref<64x128xf32, #tpu.memory_space<vmem>>, vector<16xf32>,
        tpu.vector_store %arg9[%parallel_loop3A_401, %parallel_loop3A_402], %parallel_loop3A_399 {strides = array<i32>} : memref<64x128xf32, #tpu.memory_space<vmem>>, vector<16xf32>,
        %parallel_loop3A_404 = arith.constant 38 : i32
        %parallel_loop3A_405 = vector.broadcast %parallel_loop3A_404 : i32 to vector<16xi32>
        %parallel_loop3A_406 = arith.addi %parallel_loop3A_99, %parallel_loop3A_405 : vector<16xi32>
        %parallel_loop3A_407 = tpu.vector_load_idx %arg7[%parallel_loop3A_406] : memref<25951xf32, #tpu.memory_space<vmem>>[vector<16xi32>], vector<16xf32>,
        %parallel_loop3A_408 = arith.constant 38 : i32
        %parallel_loop3A_409 = arith.index_cast %parallel_loop3A_408 : i32 to index
        %parallel_loop3A_410 = arith.index_cast %parallel_loop3A_95 : i32 to index
        %parallel_loop3A_411 = tpu.vector_load %arg9[%parallel_loop3A_409, %parallel_loop3A_410] {strides = array<i32>} : memref<64x128xf32, #tpu.memory_space<vmem>>, vector<16xf32>,
        tpu.vector_store %arg9[%parallel_loop3A_409, %parallel_loop3A_410], %parallel_loop3A_407 {strides = array<i32>} : memref<64x128xf32, #tpu.memory_space<vmem>>, vector<16xf32>,
        %parallel_loop3A_412 = arith.constant 39 : i32
        %parallel_loop3A_413 = vector.broadcast %parallel_loop3A_412 : i32 to vector<16xi32>
        %parallel_loop3A_414 = arith.addi %parallel_loop3A_99, %parallel_loop3A_413 : vector<16xi32>
        %parallel_loop3A_415 = tpu.vector_load_idx %arg7[%parallel_loop3A_414] : memref<25951xf32, #tpu.memory_space<vmem>>[vector<16xi32>], vector<16xf32>,
        %parallel_loop3A_416 = arith.constant 39 : i32
        %parallel_loop3A_417 = arith.index_cast %parallel_loop3A_416 : i32 to index
        %parallel_loop3A_418 = arith.index_cast %parallel_loop3A_95 : i32 to index
        %parallel_loop3A_419 = tpu.vector_load %arg9[%parallel_loop3A_417, %parallel_loop3A_418] {strides = array<i32>} : memref<64x128xf32, #tpu.memory_space<vmem>>, vector<16xf32>,
        tpu.vector_store %arg9[%parallel_loop3A_417, %parallel_loop3A_418], %parallel_loop3A_415 {strides = array<i32>} : memref<64x128xf32, #tpu.memory_space<vmem>>, vector<16xf32>,
        %parallel_loop3A_420 = arith.constant 40 : i32
        %parallel_loop3A_421 = vector.broadcast %parallel_loop3A_420 : i32 to vector<16xi32>
        %parallel_loop3A_422 = arith.addi %parallel_loop3A_99, %parallel_loop3A_421 : vector<16xi32>
        %parallel_loop3A_423 = tpu.vector_load_idx %arg7[%parallel_loop3A_422] : memref<25951xf32, #tpu.memory_space<vmem>>[vector<16xi32>], vector<16xf32>,
        %parallel_loop3A_424 = arith.constant 40 : i32
        %parallel_loop3A_425 = arith.index_cast %parallel_loop3A_424 : i32 to index
        %parallel_loop3A_426 = arith.index_cast %parallel_loop3A_95 : i32 to index
        %parallel_loop3A_427 = tpu.vector_load %arg9[%parallel_loop3A_425, %parallel_loop3A_426] {strides = array<i32>} : memref<64x128xf32, #tpu.memory_space<vmem>>, vector<16xf32>,
        tpu.vector_store %arg9[%parallel_loop3A_425, %parallel_loop3A_426], %parallel_loop3A_423 {strides = array<i32>} : memref<64x128xf32, #tpu.memory_space<vmem>>, vector<16xf32>,
        %parallel_loop3A_428 = arith.constant 41 : i32
        %parallel_loop3A_429 = vector.broadcast %parallel_loop3A_428 : i32 to vector<16xi32>
        %parallel_loop3A_430 = arith.addi %parallel_loop3A_99, %parallel_loop3A_429 : vector<16xi32>
        %parallel_loop3A_431 = tpu.vector_load_idx %arg7[%parallel_loop3A_430] : memref<25951xf32, #tpu.memory_space<vmem>>[vector<16xi32>], vector<16xf32>,
        %parallel_loop3A_432 = arith.constant 41 : i32
        %parallel_loop3A_433 = arith.index_cast %parallel_loop3A_432 : i32 to index
        %parallel_loop3A_434 = arith.index_cast %parallel_loop3A_95 : i32 to index
        %parallel_loop3A_435 = tpu.vector_load %arg9[%parallel_loop3A_433, %parallel_loop3A_434] {strides = array<i32>} : memref<64x128xf32, #tpu.memory_space<vmem>>, vector<16xf32>,
        tpu.vector_store %arg9[%parallel_loop3A_433, %parallel_loop3A_434], %parallel_loop3A_431 {strides = array<i32>} : memref<64x128xf32, #tpu.memory_space<vmem>>, vector<16xf32>,
        %parallel_loop3A_436 = arith.constant 42 : i32
        %parallel_loop3A_437 = vector.broadcast %parallel_loop3A_436 : i32 to vector<16xi32>
        %parallel_loop3A_438 = arith.addi %parallel_loop3A_99, %parallel_loop3A_437 : vector<16xi32>
        %parallel_loop3A_439 = tpu.vector_load_idx %arg7[%parallel_loop3A_438] : memref<25951xf32, #tpu.memory_space<vmem>>[vector<16xi32>], vector<16xf32>,
        %parallel_loop3A_440 = arith.constant 42 : i32
        %parallel_loop3A_441 = arith.index_cast %parallel_loop3A_440 : i32 to index
        %parallel_loop3A_442 = arith.index_cast %parallel_loop3A_95 : i32 to index
        %parallel_loop3A_443 = tpu.vector_load %arg9[%parallel_loop3A_441, %parallel_loop3A_442] {strides = array<i32>} : memref<64x128xf32, #tpu.memory_space<vmem>>, vector<16xf32>,
        tpu.vector_store %arg9[%parallel_loop3A_441, %parallel_loop3A_442], %parallel_loop3A_439 {strides = array<i32>} : memref<64x128xf32, #tpu.memory_space<vmem>>, vector<16xf32>,
        %parallel_loop3A_444 = arith.constant 43 : i32
        %parallel_loop3A_445 = vector.broadcast %parallel_loop3A_444 : i32 to vector<16xi32>
        %parallel_loop3A_446 = arith.addi %parallel_loop3A_99, %parallel_loop3A_445 : vector<16xi32>
        %parallel_loop3A_447 = tpu.vector_load_idx %arg7[%parallel_loop3A_446] : memref<25951xf32, #tpu.memory_space<vmem>>[vector<16xi32>], vector<16xf32>,
        %parallel_loop3A_448 = arith.constant 43 : i32
        %parallel_loop3A_449 = arith.index_cast %parallel_loop3A_448 : i32 to index
        %parallel_loop3A_450 = arith.index_cast %parallel_loop3A_95 : i32 to index
        %parallel_loop3A_451 = tpu.vector_load %arg9[%parallel_loop3A_449, %parallel_loop3A_450] {strides = array<i32>} : memref<64x128xf32, #tpu.memory_space<vmem>>, vector<16xf32>,
        tpu.vector_store %arg9[%parallel_loop3A_449, %parallel_loop3A_450], %parallel_loop3A_447 {strides = array<i32>} : memref<64x128xf32, #tpu.memory_space<vmem>>, vector<16xf32>,
        %parallel_loop3A_452 = arith.constant 44 : i32
        %parallel_loop3A_453 = vector.broadcast %parallel_loop3A_452 : i32 to vector<16xi32>
        %parallel_loop3A_454 = arith.addi %parallel_loop3A_99, %parallel_loop3A_453 : vector<16xi32>
        %parallel_loop3A_455 = tpu.vector_load_idx %arg7[%parallel_loop3A_454] : memref<25951xf32, #tpu.memory_space<vmem>>[vector<16xi32>], vector<16xf32>,
        %parallel_loop3A_456 = arith.constant 44 : i32
        %parallel_loop3A_457 = arith.index_cast %parallel_loop3A_456 : i32 to index
        %parallel_loop3A_458 = arith.index_cast %parallel_loop3A_95 : i32 to index
        %parallel_loop3A_459 = tpu.vector_load %arg9[%parallel_loop3A_457, %parallel_loop3A_458] {strides = array<i32>} : memref<64x128xf32, #tpu.memory_space<vmem>>, vector<16xf32>,
        tpu.vector_store %arg9[%parallel_loop3A_457, %parallel_loop3A_458], %parallel_loop3A_455 {strides = array<i32>} : memref<64x128xf32, #tpu.memory_space<vmem>>, vector<16xf32>,
        %parallel_loop3A_460 = arith.constant 45 : i32
        %parallel_loop3A_461 = vector.broadcast %parallel_loop3A_460 : i32 to vector<16xi32>
        %parallel_loop3A_462 = arith.addi %parallel_loop3A_99, %parallel_loop3A_461 : vector<16xi32>
        %parallel_loop3A_463 = tpu.vector_load_idx %arg7[%parallel_loop3A_462] : memref<25951xf32, #tpu.memory_space<vmem>>[vector<16xi32>], vector<16xf32>,
        %parallel_loop3A_464 = arith.constant 45 : i32
        %parallel_loop3A_465 = arith.index_cast %parallel_loop3A_464 : i32 to index
        %parallel_loop3A_466 = arith.index_cast %parallel_loop3A_95 : i32 to index
        %parallel_loop3A_467 = tpu.vector_load %arg9[%parallel_loop3A_465, %parallel_loop3A_466] {strides = array<i32>} : memref<64x128xf32, #tpu.memory_space<vmem>>, vector<16xf32>,
        tpu.vector_store %arg9[%parallel_loop3A_465, %parallel_loop3A_466], %parallel_loop3A_463 {strides = array<i32>} : memref<64x128xf32, #tpu.memory_space<vmem>>, vector<16xf32>,
        %parallel_loop3A_468 = arith.constant 46 : i32
        %parallel_loop3A_469 = vector.broadcast %parallel_loop3A_468 : i32 to vector<16xi32>
        %parallel_loop3A_470 = arith.addi %parallel_loop3A_99, %parallel_loop3A_469 : vector<16xi32>
        %parallel_loop3A_471 = tpu.vector_load_idx %arg7[%parallel_loop3A_470] : memref<25951xf32, #tpu.memory_space<vmem>>[vector<16xi32>], vector<16xf32>,
        %parallel_loop3A_472 = arith.constant 46 : i32
        %parallel_loop3A_473 = arith.index_cast %parallel_loop3A_472 : i32 to index
        %parallel_loop3A_474 = arith.index_cast %parallel_loop3A_95 : i32 to index
        %parallel_loop3A_475 = tpu.vector_load %arg9[%parallel_loop3A_473, %parallel_loop3A_474] {strides = array<i32>} : memref<64x128xf32, #tpu.memory_space<vmem>>, vector<16xf32>,
        tpu.vector_store %arg9[%parallel_loop3A_473, %parallel_loop3A_474], %parallel_loop3A_471 {strides = array<i32>} : memref<64x128xf32, #tpu.memory_space<vmem>>, vector<16xf32>,
        %parallel_loop3A_476 = arith.constant 47 : i32
        %parallel_loop3A_477 = vector.broadcast %parallel_loop3A_476 : i32 to vector<16xi32>
        %parallel_loop3A_478 = arith.addi %parallel_loop3A_99, %parallel_loop3A_477 : vector<16xi32>
        %parallel_loop3A_479 = tpu.vector_load_idx %arg7[%parallel_loop3A_478] : memref<25951xf32, #tpu.memory_space<vmem>>[vector<16xi32>], vector<16xf32>,
        %parallel_loop3A_480 = arith.constant 47 : i32
        %parallel_loop3A_481 = arith.index_cast %parallel_loop3A_480 : i32 to index
        %parallel_loop3A_482 = arith.index_cast %parallel_loop3A_95 : i32 to index
        %parallel_loop3A_483 = tpu.vector_load %arg9[%parallel_loop3A_481, %parallel_loop3A_482] {strides = array<i32>} : memref<64x128xf32, #tpu.memory_space<vmem>>, vector<16xf32>,
        tpu.vector_store %arg9[%parallel_loop3A_481, %parallel_loop3A_482], %parallel_loop3A_479 {strides = array<i32>} : memref<64x128xf32, #tpu.memory_space<vmem>>, vector<16xf32>,
        %parallel_loop3A_484 = arith.constant 48 : i32
        %parallel_loop3A_485 = vector.broadcast %parallel_loop3A_484 : i32 to vector<16xi32>
        %parallel_loop3A_486 = arith.addi %parallel_loop3A_99, %parallel_loop3A_485 : vector<16xi32>
        %parallel_loop3A_487 = tpu.vector_load_idx %arg7[%parallel_loop3A_486] : memref<25951xf32, #tpu.memory_space<vmem>>[vector<16xi32>], vector<16xf32>,
        %parallel_loop3A_488 = arith.constant 48 : i32
        %parallel_loop3A_489 = arith.index_cast %parallel_loop3A_488 : i32 to index
        %parallel_loop3A_490 = arith.index_cast %parallel_loop3A_95 : i32 to index
        %parallel_loop3A_491 = tpu.vector_load %arg9[%parallel_loop3A_489, %parallel_loop3A_490] {strides = array<i32>} : memref<64x128xf32, #tpu.memory_space<vmem>>, vector<16xf32>,
        tpu.vector_store %arg9[%parallel_loop3A_489, %parallel_loop3A_490], %parallel_loop3A_487 {strides = array<i32>} : memref<64x128xf32, #tpu.memory_space<vmem>>, vector<16xf32>,
        %parallel_loop3A_492 = arith.constant 49 : i32
        %parallel_loop3A_493 = vector.broadcast %parallel_loop3A_492 : i32 to vector<16xi32>
        %parallel_loop3A_494 = arith.addi %parallel_loop3A_99, %parallel_loop3A_493 : vector<16xi32>
        %parallel_loop3A_495 = tpu.vector_load_idx %arg7[%parallel_loop3A_494] : memref<25951xf32, #tpu.memory_space<vmem>>[vector<16xi32>], vector<16xf32>,
        %parallel_loop3A_496 = arith.constant 49 : i32
        %parallel_loop3A_497 = arith.index_cast %parallel_loop3A_496 : i32 to index
        %parallel_loop3A_498 = arith.index_cast %parallel_loop3A_95 : i32 to index
        %parallel_loop3A_499 = tpu.vector_load %arg9[%parallel_loop3A_497, %parallel_loop3A_498] {strides = array<i32>} : memref<64x128xf32, #tpu.memory_space<vmem>>, vector<16xf32>,
        tpu.vector_store %arg9[%parallel_loop3A_497, %parallel_loop3A_498], %parallel_loop3A_495 {strides = array<i32>} : memref<64x128xf32, #tpu.memory_space<vmem>>, vector<16xf32>,
        %parallel_loop3A_500 = arith.constant 50 : i32
        %parallel_loop3A_501 = vector.broadcast %parallel_loop3A_500 : i32 to vector<16xi32>
        %parallel_loop3A_502 = arith.addi %parallel_loop3A_99, %parallel_loop3A_501 : vector<16xi32>
        %parallel_loop3A_503 = tpu.vector_load_idx %arg7[%parallel_loop3A_502] : memref<25951xf32, #tpu.memory_space<vmem>>[vector<16xi32>], vector<16xf32>,
        %parallel_loop3A_504 = arith.constant 50 : i32
        %parallel_loop3A_505 = arith.index_cast %parallel_loop3A_504 : i32 to index
        %parallel_loop3A_506 = arith.index_cast %parallel_loop3A_95 : i32 to index
        %parallel_loop3A_507 = tpu.vector_load %arg9[%parallel_loop3A_505, %parallel_loop3A_506] {strides = array<i32>} : memref<64x128xf32, #tpu.memory_space<vmem>>, vector<16xf32>,
        tpu.vector_store %arg9[%parallel_loop3A_505, %parallel_loop3A_506], %parallel_loop3A_503 {strides = array<i32>} : memref<64x128xf32, #tpu.memory_space<vmem>>, vector<16xf32>,
        %parallel_loop3A_508 = arith.constant 51 : i32
        %parallel_loop3A_509 = vector.broadcast %parallel_loop3A_508 : i32 to vector<16xi32>
        %parallel_loop3A_510 = arith.addi %parallel_loop3A_99, %parallel_loop3A_509 : vector<16xi32>
        %parallel_loop3A_511 = tpu.vector_load_idx %arg7[%parallel_loop3A_510] : memref<25951xf32, #tpu.memory_space<vmem>>[vector<16xi32>], vector<16xf32>,
        %parallel_loop3A_512 = arith.constant 51 : i32
        %parallel_loop3A_513 = arith.index_cast %parallel_loop3A_512 : i32 to index
        %parallel_loop3A_514 = arith.index_cast %parallel_loop3A_95 : i32 to index
        %parallel_loop3A_515 = tpu.vector_load %arg9[%parallel_loop3A_513, %parallel_loop3A_514] {strides = array<i32>} : memref<64x128xf32, #tpu.memory_space<vmem>>, vector<16xf32>,
        tpu.vector_store %arg9[%parallel_loop3A_513, %parallel_loop3A_514], %parallel_loop3A_511 {strides = array<i32>} : memref<64x128xf32, #tpu.memory_space<vmem>>, vector<16xf32>,
        %parallel_loop3A_516 = arith.constant 52 : i32
        %parallel_loop3A_517 = vector.broadcast %parallel_loop3A_516 : i32 to vector<16xi32>
        %parallel_loop3A_518 = arith.addi %parallel_loop3A_99, %parallel_loop3A_517 : vector<16xi32>
        %parallel_loop3A_519 = tpu.vector_load_idx %arg7[%parallel_loop3A_518] : memref<25951xf32, #tpu.memory_space<vmem>>[vector<16xi32>], vector<16xf32>,
        %parallel_loop3A_520 = arith.constant 52 : i32
        %parallel_loop3A_521 = arith.index_cast %parallel_loop3A_520 : i32 to index
        %parallel_loop3A_522 = arith.index_cast %parallel_loop3A_95 : i32 to index
        %parallel_loop3A_523 = tpu.vector_load %arg9[%parallel_loop3A_521, %parallel_loop3A_522] {strides = array<i32>} : memref<64x128xf32, #tpu.memory_space<vmem>>, vector<16xf32>,
        tpu.vector_store %arg9[%parallel_loop3A_521, %parallel_loop3A_522], %parallel_loop3A_519 {strides = array<i32>} : memref<64x128xf32, #tpu.memory_space<vmem>>, vector<16xf32>,
        %parallel_loop3A_524 = arith.constant 53 : i32
        %parallel_loop3A_525 = vector.broadcast %parallel_loop3A_524 : i32 to vector<16xi32>
        %parallel_loop3A_526 = arith.addi %parallel_loop3A_99, %parallel_loop3A_525 : vector<16xi32>
        %parallel_loop3A_527 = tpu.vector_load_idx %arg7[%parallel_loop3A_526] : memref<25951xf32, #tpu.memory_space<vmem>>[vector<16xi32>], vector<16xf32>,
        %parallel_loop3A_528 = arith.constant 53 : i32
        %parallel_loop3A_529 = arith.index_cast %parallel_loop3A_528 : i32 to index
        %parallel_loop3A_530 = arith.index_cast %parallel_loop3A_95 : i32 to index
        %parallel_loop3A_531 = tpu.vector_load %arg9[%parallel_loop3A_529, %parallel_loop3A_530] {strides = array<i32>} : memref<64x128xf32, #tpu.memory_space<vmem>>, vector<16xf32>,
        tpu.vector_store %arg9[%parallel_loop3A_529, %parallel_loop3A_530], %parallel_loop3A_527 {strides = array<i32>} : memref<64x128xf32, #tpu.memory_space<vmem>>, vector<16xf32>,
        %parallel_loop3A_532 = arith.constant 54 : i32
        %parallel_loop3A_533 = vector.broadcast %parallel_loop3A_532 : i32 to vector<16xi32>
        %parallel_loop3A_534 = arith.addi %parallel_loop3A_99, %parallel_loop3A_533 : vector<16xi32>
        %parallel_loop3A_535 = tpu.vector_load_idx %arg7[%parallel_loop3A_534] : memref<25951xf32, #tpu.memory_space<vmem>>[vector<16xi32>], vector<16xf32>,
        %parallel_loop3A_536 = arith.constant 54 : i32
        %parallel_loop3A_537 = arith.index_cast %parallel_loop3A_536 : i32 to index
        %parallel_loop3A_538 = arith.index_cast %parallel_loop3A_95 : i32 to index
        %parallel_loop3A_539 = tpu.vector_load %arg9[%parallel_loop3A_537, %parallel_loop3A_538] {strides = array<i32>} : memref<64x128xf32, #tpu.memory_space<vmem>>, vector<16xf32>,
        tpu.vector_store %arg9[%parallel_loop3A_537, %parallel_loop3A_538], %parallel_loop3A_535 {strides = array<i32>} : memref<64x128xf32, #tpu.memory_space<vmem>>, vector<16xf32>,
        %parallel_loop3A_540 = arith.constant 55 : i32
        %parallel_loop3A_541 = vector.broadcast %parallel_loop3A_540 : i32 to vector<16xi32>
        %parallel_loop3A_542 = arith.addi %parallel_loop3A_99, %parallel_loop3A_541 : vector<16xi32>
        %parallel_loop3A_543 = tpu.vector_load_idx %arg7[%parallel_loop3A_542] : memref<25951xf32, #tpu.memory_space<vmem>>[vector<16xi32>], vector<16xf32>,
        %parallel_loop3A_544 = arith.constant 55 : i32
        %parallel_loop3A_545 = arith.index_cast %parallel_loop3A_544 : i32 to index
        %parallel_loop3A_546 = arith.index_cast %parallel_loop3A_95 : i32 to index
        %parallel_loop3A_547 = tpu.vector_load %arg9[%parallel_loop3A_545, %parallel_loop3A_546] {strides = array<i32>} : memref<64x128xf32, #tpu.memory_space<vmem>>, vector<16xf32>,
        tpu.vector_store %arg9[%parallel_loop3A_545, %parallel_loop3A_546], %parallel_loop3A_543 {strides = array<i32>} : memref<64x128xf32, #tpu.memory_space<vmem>>, vector<16xf32>,
        %parallel_loop3A_548 = arith.constant 56 : i32
        %parallel_loop3A_549 = vector.broadcast %parallel_loop3A_548 : i32 to vector<16xi32>
        %parallel_loop3A_550 = arith.addi %parallel_loop3A_99, %parallel_loop3A_549 : vector<16xi32>
        %parallel_loop3A_551 = tpu.vector_load_idx %arg7[%parallel_loop3A_550] : memref<25951xf32, #tpu.memory_space<vmem>>[vector<16xi32>], vector<16xf32>,
        %parallel_loop3A_552 = arith.constant 56 : i32
        %parallel_loop3A_553 = arith.index_cast %parallel_loop3A_552 : i32 to index
        %parallel_loop3A_554 = arith.index_cast %parallel_loop3A_95 : i32 to index
        %parallel_loop3A_555 = tpu.vector_load %arg9[%parallel_loop3A_553, %parallel_loop3A_554] {strides = array<i32>} : memref<64x128xf32, #tpu.memory_space<vmem>>, vector<16xf32>,
        tpu.vector_store %arg9[%parallel_loop3A_553, %parallel_loop3A_554], %parallel_loop3A_551 {strides = array<i32>} : memref<64x128xf32, #tpu.memory_space<vmem>>, vector<16xf32>,
        %parallel_loop3A_556 = arith.constant 57 : i32
        %parallel_loop3A_557 = vector.broadcast %parallel_loop3A_556 : i32 to vector<16xi32>
        %parallel_loop3A_558 = arith.addi %parallel_loop3A_99, %parallel_loop3A_557 : vector<16xi32>
        %parallel_loop3A_559 = tpu.vector_load_idx %arg7[%parallel_loop3A_558] : memref<25951xf32, #tpu.memory_space<vmem>>[vector<16xi32>], vector<16xf32>,
        %parallel_loop3A_560 = arith.constant 57 : i32
        %parallel_loop3A_561 = arith.index_cast %parallel_loop3A_560 : i32 to index
        %parallel_loop3A_562 = arith.index_cast %parallel_loop3A_95 : i32 to index
        %parallel_loop3A_563 = tpu.vector_load %arg9[%parallel_loop3A_561, %parallel_loop3A_562] {strides = array<i32>} : memref<64x128xf32, #tpu.memory_space<vmem>>, vector<16xf32>,
        tpu.vector_store %arg9[%parallel_loop3A_561, %parallel_loop3A_562], %parallel_loop3A_559 {strides = array<i32>} : memref<64x128xf32, #tpu.memory_space<vmem>>, vector<16xf32>,
        %parallel_loop3A_564 = arith.constant 58 : i32
        %parallel_loop3A_565 = vector.broadcast %parallel_loop3A_564 : i32 to vector<16xi32>
        %parallel_loop3A_566 = arith.addi %parallel_loop3A_99, %parallel_loop3A_565 : vector<16xi32>
        %parallel_loop3A_567 = tpu.vector_load_idx %arg7[%parallel_loop3A_566] : memref<25951xf32, #tpu.memory_space<vmem>>[vector<16xi32>], vector<16xf32>,
        %parallel_loop3A_568 = arith.constant 58 : i32
        %parallel_loop3A_569 = arith.index_cast %parallel_loop3A_568 : i32 to index
        %parallel_loop3A_570 = arith.index_cast %parallel_loop3A_95 : i32 to index
        %parallel_loop3A_571 = tpu.vector_load %arg9[%parallel_loop3A_569, %parallel_loop3A_570] {strides = array<i32>} : memref<64x128xf32, #tpu.memory_space<vmem>>, vector<16xf32>,
        tpu.vector_store %arg9[%parallel_loop3A_569, %parallel_loop3A_570], %parallel_loop3A_567 {strides = array<i32>} : memref<64x128xf32, #tpu.memory_space<vmem>>, vector<16xf32>,
        %parallel_loop3A_572 = arith.constant 59 : i32
        %parallel_loop3A_573 = vector.broadcast %parallel_loop3A_572 : i32 to vector<16xi32>
        %parallel_loop3A_574 = arith.addi %parallel_loop3A_99, %parallel_loop3A_573 : vector<16xi32>
        %parallel_loop3A_575 = tpu.vector_load_idx %arg7[%parallel_loop3A_574] : memref<25951xf32, #tpu.memory_space<vmem>>[vector<16xi32>], vector<16xf32>,
        %parallel_loop3A_576 = arith.constant 59 : i32
        %parallel_loop3A_577 = arith.index_cast %parallel_loop3A_576 : i32 to index
        %parallel_loop3A_578 = arith.index_cast %parallel_loop3A_95 : i32 to index
        %parallel_loop3A_579 = tpu.vector_load %arg9[%parallel_loop3A_577, %parallel_loop3A_578] {strides = array<i32>} : memref<64x128xf32, #tpu.memory_space<vmem>>, vector<16xf32>,
        tpu.vector_store %arg9[%parallel_loop3A_577, %parallel_loop3A_578], %parallel_loop3A_575 {strides = array<i32>} : memref<64x128xf32, #tpu.memory_space<vmem>>, vector<16xf32>,
        %parallel_loop3A_580 = arith.constant 60 : i32
        %parallel_loop3A_581 = vector.broadcast %parallel_loop3A_580 : i32 to vector<16xi32>
        %parallel_loop3A_582 = arith.addi %parallel_loop3A_99, %parallel_loop3A_581 : vector<16xi32>
        %parallel_loop3A_583 = tpu.vector_load_idx %arg7[%parallel_loop3A_582] : memref<25951xf32, #tpu.memory_space<vmem>>[vector<16xi32>], vector<16xf32>,
        %parallel_loop3A_584 = arith.constant 60 : i32
        %parallel_loop3A_585 = arith.index_cast %parallel_loop3A_584 : i32 to index
        %parallel_loop3A_586 = arith.index_cast %parallel_loop3A_95 : i32 to index
        %parallel_loop3A_587 = tpu.vector_load %arg9[%parallel_loop3A_585, %parallel_loop3A_586] {strides = array<i32>} : memref<64x128xf32, #tpu.memory_space<vmem>>, vector<16xf32>,
        tpu.vector_store %arg9[%parallel_loop3A_585, %parallel_loop3A_586], %parallel_loop3A_583 {strides = array<i32>} : memref<64x128xf32, #tpu.memory_space<vmem>>, vector<16xf32>,
        %parallel_loop3A_588 = arith.constant 61 : i32
        %parallel_loop3A_589 = vector.broadcast %parallel_loop3A_588 : i32 to vector<16xi32>
        %parallel_loop3A_590 = arith.addi %parallel_loop3A_99, %parallel_loop3A_589 : vector<16xi32>
        %parallel_loop3A_591 = tpu.vector_load_idx %arg7[%parallel_loop3A_590] : memref<25951xf32, #tpu.memory_space<vmem>>[vector<16xi32>], vector<16xf32>,
        %parallel_loop3A_592 = arith.constant 61 : i32
        %parallel_loop3A_593 = arith.index_cast %parallel_loop3A_592 : i32 to index
        %parallel_loop3A_594 = arith.index_cast %parallel_loop3A_95 : i32 to index
        %parallel_loop3A_595 = tpu.vector_load %arg9[%parallel_loop3A_593, %parallel_loop3A_594] {strides = array<i32>} : memref<64x128xf32, #tpu.memory_space<vmem>>, vector<16xf32>,
        tpu.vector_store %arg9[%parallel_loop3A_593, %parallel_loop3A_594], %parallel_loop3A_591 {strides = array<i32>} : memref<64x128xf32, #tpu.memory_space<vmem>>, vector<16xf32>,
        %parallel_loop3A_596 = arith.constant 62 : i32
        %parallel_loop3A_597 = vector.broadcast %parallel_loop3A_596 : i32 to vector<16xi32>
        %parallel_loop3A_598 = arith.addi %parallel_loop3A_99, %parallel_loop3A_597 : vector<16xi32>
        %parallel_loop3A_599 = tpu.vector_load_idx %arg7[%parallel_loop3A_598] : memref<25951xf32, #tpu.memory_space<vmem>>[vector<16xi32>], vector<16xf32>,
        %parallel_loop3A_600 = arith.constant 62 : i32
        %parallel_loop3A_601 = arith.index_cast %parallel_loop3A_600 : i32 to index
        %parallel_loop3A_602 = arith.index_cast %parallel_loop3A_95 : i32 to index
        %parallel_loop3A_603 = tpu.vector_load %arg9[%parallel_loop3A_601, %parallel_loop3A_602] {strides = array<i32>} : memref<64x128xf32, #tpu.memory_space<vmem>>, vector<16xf32>,
        tpu.vector_store %arg9[%parallel_loop3A_601, %parallel_loop3A_602], %parallel_loop3A_599 {strides = array<i32>} : memref<64x128xf32, #tpu.memory_space<vmem>>, vector<16xf32>,
        %parallel_loop3A_604 = arith.constant 63 : i32
        %parallel_loop3A_605 = vector.broadcast %parallel_loop3A_604 : i32 to vector<16xi32>
        %parallel_loop3A_606 = arith.addi %parallel_loop3A_99, %parallel_loop3A_605 : vector<16xi32>
        %parallel_loop3A_607 = tpu.vector_load_idx %arg7[%parallel_loop3A_606] : memref<25951xf32, #tpu.memory_space<vmem>>[vector<16xi32>], vector<16xf32>,
        %parallel_loop3A_608 = arith.constant 63 : i32
        %parallel_loop3A_609 = arith.index_cast %parallel_loop3A_608 : i32 to index
        %parallel_loop3A_610 = arith.index_cast %parallel_loop3A_95 : i32 to index
        %parallel_loop3A_611 = tpu.vector_load %arg9[%parallel_loop3A_609, %parallel_loop3A_610] {strides = array<i32>} : memref<64x128xf32, #tpu.memory_space<vmem>>, vector<16xf32>,
        tpu.vector_store %arg9[%parallel_loop3A_609, %parallel_loop3A_610], %parallel_loop3A_607 {strides = array<i32>} : memref<64x128xf32, #tpu.memory_space<vmem>>, vector<16xf32>,
      } {sc.loop_unroll_factor = 4 : i64, sc.parallel_access}
      %dma_start3A_63 = arith.constant 0 : i32
      %dma_start3A_64 = tpu.memref_slice %arg4[%mul3A_51, %dma_start3A_63, %mul3A_2] : memref<200x64x4096xf32, #tpu.memory_space<hbm>> -> memref<1x64x128xf32, #tpu.memory_space<hbm>>
      %dma_start3A_65 = tpu.memref_squeeze %dma_start3A_64 : memref<1x64x128xf32, #tpu.memory_space<hbm>> -> memref<64x128xf32, #tpu.memory_space<hbm>>
      %dma_start3A_66 = arith.constant 0 : i32
      %dma_start3A_67 = tpu.memref_slice %arg4[%mul3A_51, %dma_start3A_66, %mul3A_2] : memref<200x64x4096xf32, #tpu.memory_space<hbm>> -> memref<1x64x128xf32, #tpu.memory_space<hbm>>
      %dma_start3A_68 = tpu.memref_squeeze %dma_start3A_67 : memref<1x64x128xf32, #tpu.memory_space<hbm>> -> memref<64x128xf32, #tpu.memory_space<hbm>>
      tpu.enqueue_dma source(%arg9 : memref<64x128xf32, #tpu.memory_space<vmem>>) target(%dma_start3A_68 : memref<64x128xf32, #tpu.memory_space<hbm>>) target_semaphore(%arg11 : memref<!tpu.dma_semaphore, #tpu.memory_space<semaphore_mem>>)
      %add3A_69 = arith.constant 1 : i32
      %add3A_70 = arith.addi %mul3A_51, %add3A_69 : i32
      %dma_wait3A_71 = arith.constant 0 : i32
      %dma_wait3A_72 = tpu.memref_slice %arg4[%add3A_70, %dma_wait3A_71, %mul3A_2] : memref<200x64x4096xf32, #tpu.memory_space<hbm>> -> memref<1x64x128xf32, #tpu.memory_space<hbm>>
      %dma_wait3A_73 = tpu.memref_squeeze %dma_wait3A_72 : memref<1x64x128xf32, #tpu.memory_space<hbm>> -> memref<64x128xf32, #tpu.memory_space<hbm>>
      %dma_wait3A_74 = arith.constant 0 : i32
      %dma_wait3A_75 = tpu.memref_slice %arg4[%add3A_70, %dma_wait3A_74, %mul3A_2] : memref<200x64x4096xf32, #tpu.memory_space<hbm>> -> memref<1x64x128xf32, #tpu.memory_space<hbm>>
      %dma_wait3A_76 = tpu.memref_squeeze %dma_wait3A_75 : memref<1x64x128xf32, #tpu.memory_space<hbm>> -> memref<64x128xf32, #tpu.memory_space<hbm>>
      tpu.wait_dma2 semaphore(%arg12 : memref<!tpu.dma_semaphore, #tpu.memory_space<semaphore_mem>>) src(%arg10 : memref<64x128xf32, #tpu.memory_space<vmem>>) dst(%dma_wait3A_76 : memref<64x128xf32, #tpu.memory_space<hbm>>)
      %add3A_77 = arith.constant 1 : i32
      %add3A_78 = arith.addi %mul3A_51, %add3A_77 : i32
      %mul3A_79 = arith.constant 65 : i32
      %mul3A_80 = arith.muli %add3A_78, %mul3A_79 : i32
      %parallel_loop3A_81 = arith.constant 0 : i32
      %parallel_loop3A_82 = arith.constant 8 : i32
      %parallel_loop3A_83 = arith.constant 1 : i32
      scf.for %parallel_loop3A_93 = %parallel_loop3A_81 to %parallel_loop3A_82 step %parallel_loop3A_83  : i32 {
        %parallel_loop3A_94 = arith.constant 16 : i32
        %parallel_loop3A_95 = arith.muli %parallel_loop3A_93, %parallel_loop3A_94 : i32
        %parallel_loop3A_96 = arith.index_cast %parallel_loop3A_95 : i32 to index
        %parallel_loop3A_97 = tpu.vector_load %arg8[%parallel_loop3A_96] {strides = array<i32>} : memref<128xi32, #tpu.memory_space<vmem>>, vector<16xi32>,
        %parallel_loop3A_98 = vector.broadcast %mul3A_80 : i32 to vector<16xi32>
        %parallel_loop3A_99 = arith.addi %parallel_loop3A_97, %parallel_loop3A_98 : vector<16xi32>
        %parallel_loop3A_100 = arith.constant 0 : i32
        %parallel_loop3A_101 = vector.broadcast %parallel_loop3A_100 : i32 to vector<16xi32>
        %parallel_loop3A_102 = arith.addi %parallel_loop3A_99, %parallel_loop3A_101 : vector<16xi32>
        %parallel_loop3A_103 = tpu.vector_load_idx %arg7[%parallel_loop3A_102] : memref<25951xf32, #tpu.memory_space<vmem>>[vector<16xi32>], vector<16xf32>,
        %parallel_loop3A_104 = arith.constant 0 : i32
        %parallel_loop3A_105 = arith.index_cast %parallel_loop3A_104 : i32 to index
        %parallel_loop3A_106 = arith.index_cast %parallel_loop3A_95 : i32 to index
        %parallel_loop3A_107 = tpu.vector_load %arg10[%parallel_loop3A_105, %parallel_loop3A_106] {strides = array<i32>} : memref<64x128xf32, #tpu.memory_space<vmem>>, vector<16xf32>,
        tpu.vector_store %arg10[%parallel_loop3A_105, %parallel_loop3A_106], %parallel_loop3A_103 {strides = array<i32>} : memref<64x128xf32, #tpu.memory_space<vmem>>, vector<16xf32>,
        %parallel_loop3A_108 = arith.constant 1 : i32
        %parallel_loop3A_109 = vector.broadcast %parallel_loop3A_108 : i32 to vector<16xi32>
        %parallel_loop3A_110 = arith.addi %parallel_loop3A_99, %parallel_loop3A_109 : vector<16xi32>
        %parallel_loop3A_111 = tpu.vector_load_idx %arg7[%parallel_loop3A_110] : memref<25951xf32, #tpu.memory_space<vmem>>[vector<16xi32>], vector<16xf32>,
        %parallel_loop3A_112 = arith.constant 1 : i32
        %parallel_loop3A_113 = arith.index_cast %parallel_loop3A_112 : i32 to index
        %parallel_loop3A_114 = arith.index_cast %parallel_loop3A_95 : i32 to index
        %parallel_loop3A_115 = tpu.vector_load %arg10[%parallel_loop3A_113, %parallel_loop3A_114] {strides = array<i32>} : memref<64x128xf32, #tpu.memory_space<vmem>>, vector<16xf32>,
        tpu.vector_store %arg10[%parallel_loop3A_113, %parallel_loop3A_114], %parallel_loop3A_111 {strides = array<i32>} : memref<64x128xf32, #tpu.memory_space<vmem>>, vector<16xf32>,
        %parallel_loop3A_116 = arith.constant 2 : i32
        %parallel_loop3A_117 = vector.broadcast %parallel_loop3A_116 : i32 to vector<16xi32>
        %parallel_loop3A_118 = arith.addi %parallel_loop3A_99, %parallel_loop3A_117 : vector<16xi32>
        %parallel_loop3A_119 = tpu.vector_load_idx %arg7[%parallel_loop3A_118] : memref<25951xf32, #tpu.memory_space<vmem>>[vector<16xi32>], vector<16xf32>,
        %parallel_loop3A_120 = arith.constant 2 : i32
        %parallel_loop3A_121 = arith.index_cast %parallel_loop3A_120 : i32 to index
        %parallel_loop3A_122 = arith.index_cast %parallel_loop3A_95 : i32 to index
        %parallel_loop3A_123 = tpu.vector_load %arg10[%parallel_loop3A_121, %parallel_loop3A_122] {strides = array<i32>} : memref<64x128xf32, #tpu.memory_space<vmem>>, vector<16xf32>,
        tpu.vector_store %arg10[%parallel_loop3A_121, %parallel_loop3A_122], %parallel_loop3A_119 {strides = array<i32>} : memref<64x128xf32, #tpu.memory_space<vmem>>, vector<16xf32>,
        %parallel_loop3A_124 = arith.constant 3 : i32
        %parallel_loop3A_125 = vector.broadcast %parallel_loop3A_124 : i32 to vector<16xi32>
        %parallel_loop3A_126 = arith.addi %parallel_loop3A_99, %parallel_loop3A_125 : vector<16xi32>
        %parallel_loop3A_127 = tpu.vector_load_idx %arg7[%parallel_loop3A_126] : memref<25951xf32, #tpu.memory_space<vmem>>[vector<16xi32>], vector<16xf32>,
        %parallel_loop3A_128 = arith.constant 3 : i32
        %parallel_loop3A_129 = arith.index_cast %parallel_loop3A_128 : i32 to index
        %parallel_loop3A_130 = arith.index_cast %parallel_loop3A_95 : i32 to index
        %parallel_loop3A_131 = tpu.vector_load %arg10[%parallel_loop3A_129, %parallel_loop3A_130] {strides = array<i32>} : memref<64x128xf32, #tpu.memory_space<vmem>>, vector<16xf32>,
        tpu.vector_store %arg10[%parallel_loop3A_129, %parallel_loop3A_130], %parallel_loop3A_127 {strides = array<i32>} : memref<64x128xf32, #tpu.memory_space<vmem>>, vector<16xf32>,
        %parallel_loop3A_132 = arith.constant 4 : i32
        %parallel_loop3A_133 = vector.broadcast %parallel_loop3A_132 : i32 to vector<16xi32>
        %parallel_loop3A_134 = arith.addi %parallel_loop3A_99, %parallel_loop3A_133 : vector<16xi32>
        %parallel_loop3A_135 = tpu.vector_load_idx %arg7[%parallel_loop3A_134] : memref<25951xf32, #tpu.memory_space<vmem>>[vector<16xi32>], vector<16xf32>,
        %parallel_loop3A_136 = arith.constant 4 : i32
        %parallel_loop3A_137 = arith.index_cast %parallel_loop3A_136 : i32 to index
        %parallel_loop3A_138 = arith.index_cast %parallel_loop3A_95 : i32 to index
        %parallel_loop3A_139 = tpu.vector_load %arg10[%parallel_loop3A_137, %parallel_loop3A_138] {strides = array<i32>} : memref<64x128xf32, #tpu.memory_space<vmem>>, vector<16xf32>,
        tpu.vector_store %arg10[%parallel_loop3A_137, %parallel_loop3A_138], %parallel_loop3A_135 {strides = array<i32>} : memref<64x128xf32, #tpu.memory_space<vmem>>, vector<16xf32>,
        %parallel_loop3A_140 = arith.constant 5 : i32
        %parallel_loop3A_141 = vector.broadcast %parallel_loop3A_140 : i32 to vector<16xi32>
        %parallel_loop3A_142 = arith.addi %parallel_loop3A_99, %parallel_loop3A_141 : vector<16xi32>
        %parallel_loop3A_143 = tpu.vector_load_idx %arg7[%parallel_loop3A_142] : memref<25951xf32, #tpu.memory_space<vmem>>[vector<16xi32>], vector<16xf32>,
        %parallel_loop3A_144 = arith.constant 5 : i32
        %parallel_loop3A_145 = arith.index_cast %parallel_loop3A_144 : i32 to index
        %parallel_loop3A_146 = arith.index_cast %parallel_loop3A_95 : i32 to index
        %parallel_loop3A_147 = tpu.vector_load %arg10[%parallel_loop3A_145, %parallel_loop3A_146] {strides = array<i32>} : memref<64x128xf32, #tpu.memory_space<vmem>>, vector<16xf32>,
        tpu.vector_store %arg10[%parallel_loop3A_145, %parallel_loop3A_146], %parallel_loop3A_143 {strides = array<i32>} : memref<64x128xf32, #tpu.memory_space<vmem>>, vector<16xf32>,
        %parallel_loop3A_148 = arith.constant 6 : i32
        %parallel_loop3A_149 = vector.broadcast %parallel_loop3A_148 : i32 to vector<16xi32>
        %parallel_loop3A_150 = arith.addi %parallel_loop3A_99, %parallel_loop3A_149 : vector<16xi32>
        %parallel_loop3A_151 = tpu.vector_load_idx %arg7[%parallel_loop3A_150] : memref<25951xf32, #tpu.memory_space<vmem>>[vector<16xi32>], vector<16xf32>,
        %parallel_loop3A_152 = arith.constant 6 : i32
        %parallel_loop3A_153 = arith.index_cast %parallel_loop3A_152 : i32 to index
        %parallel_loop3A_154 = arith.index_cast %parallel_loop3A_95 : i32 to index
        %parallel_loop3A_155 = tpu.vector_load %arg10[%parallel_loop3A_153, %parallel_loop3A_154] {strides = array<i32>} : memref<64x128xf32, #tpu.memory_space<vmem>>, vector<16xf32>,
        tpu.vector_store %arg10[%parallel_loop3A_153, %parallel_loop3A_154], %parallel_loop3A_151 {strides = array<i32>} : memref<64x128xf32, #tpu.memory_space<vmem>>, vector<16xf32>,
        %parallel_loop3A_156 = arith.constant 7 : i32
        %parallel_loop3A_157 = vector.broadcast %parallel_loop3A_156 : i32 to vector<16xi32>
        %parallel_loop3A_158 = arith.addi %parallel_loop3A_99, %parallel_loop3A_157 : vector<16xi32>
        %parallel_loop3A_159 = tpu.vector_load_idx %arg7[%parallel_loop3A_158] : memref<25951xf32, #tpu.memory_space<vmem>>[vector<16xi32>], vector<16xf32>,
        %parallel_loop3A_160 = arith.constant 7 : i32
        %parallel_loop3A_161 = arith.index_cast %parallel_loop3A_160 : i32 to index
        %parallel_loop3A_162 = arith.index_cast %parallel_loop3A_95 : i32 to index
        %parallel_loop3A_163 = tpu.vector_load %arg10[%parallel_loop3A_161, %parallel_loop3A_162] {strides = array<i32>} : memref<64x128xf32, #tpu.memory_space<vmem>>, vector<16xf32>,
        tpu.vector_store %arg10[%parallel_loop3A_161, %parallel_loop3A_162], %parallel_loop3A_159 {strides = array<i32>} : memref<64x128xf32, #tpu.memory_space<vmem>>, vector<16xf32>,
        %parallel_loop3A_164 = arith.constant 8 : i32
        %parallel_loop3A_165 = vector.broadcast %parallel_loop3A_164 : i32 to vector<16xi32>
        %parallel_loop3A_166 = arith.addi %parallel_loop3A_99, %parallel_loop3A_165 : vector<16xi32>
        %parallel_loop3A_167 = tpu.vector_load_idx %arg7[%parallel_loop3A_166] : memref<25951xf32, #tpu.memory_space<vmem>>[vector<16xi32>], vector<16xf32>,
        %parallel_loop3A_168 = arith.constant 8 : i32
        %parallel_loop3A_169 = arith.index_cast %parallel_loop3A_168 : i32 to index
        %parallel_loop3A_170 = arith.index_cast %parallel_loop3A_95 : i32 to index
        %parallel_loop3A_171 = tpu.vector_load %arg10[%parallel_loop3A_169, %parallel_loop3A_170] {strides = array<i32>} : memref<64x128xf32, #tpu.memory_space<vmem>>, vector<16xf32>,
        tpu.vector_store %arg10[%parallel_loop3A_169, %parallel_loop3A_170], %parallel_loop3A_167 {strides = array<i32>} : memref<64x128xf32, #tpu.memory_space<vmem>>, vector<16xf32>,
        %parallel_loop3A_172 = arith.constant 9 : i32
        %parallel_loop3A_173 = vector.broadcast %parallel_loop3A_172 : i32 to vector<16xi32>
        %parallel_loop3A_174 = arith.addi %parallel_loop3A_99, %parallel_loop3A_173 : vector<16xi32>
        %parallel_loop3A_175 = tpu.vector_load_idx %arg7[%parallel_loop3A_174] : memref<25951xf32, #tpu.memory_space<vmem>>[vector<16xi32>], vector<16xf32>,
        %parallel_loop3A_176 = arith.constant 9 : i32
        %parallel_loop3A_177 = arith.index_cast %parallel_loop3A_176 : i32 to index
        %parallel_loop3A_178 = arith.index_cast %parallel_loop3A_95 : i32 to index
        %parallel_loop3A_179 = tpu.vector_load %arg10[%parallel_loop3A_177, %parallel_loop3A_178] {strides = array<i32>} : memref<64x128xf32, #tpu.memory_space<vmem>>, vector<16xf32>,
        tpu.vector_store %arg10[%parallel_loop3A_177, %parallel_loop3A_178], %parallel_loop3A_175 {strides = array<i32>} : memref<64x128xf32, #tpu.memory_space<vmem>>, vector<16xf32>,
        %parallel_loop3A_180 = arith.constant 10 : i32
        %parallel_loop3A_181 = vector.broadcast %parallel_loop3A_180 : i32 to vector<16xi32>
        %parallel_loop3A_182 = arith.addi %parallel_loop3A_99, %parallel_loop3A_181 : vector<16xi32>
        %parallel_loop3A_183 = tpu.vector_load_idx %arg7[%parallel_loop3A_182] : memref<25951xf32, #tpu.memory_space<vmem>>[vector<16xi32>], vector<16xf32>,
        %parallel_loop3A_184 = arith.constant 10 : i32
        %parallel_loop3A_185 = arith.index_cast %parallel_loop3A_184 : i32 to index
        %parallel_loop3A_186 = arith.index_cast %parallel_loop3A_95 : i32 to index
        %parallel_loop3A_187 = tpu.vector_load %arg10[%parallel_loop3A_185, %parallel_loop3A_186] {strides = array<i32>} : memref<64x128xf32, #tpu.memory_space<vmem>>, vector<16xf32>,
        tpu.vector_store %arg10[%parallel_loop3A_185, %parallel_loop3A_186], %parallel_loop3A_183 {strides = array<i32>} : memref<64x128xf32, #tpu.memory_space<vmem>>, vector<16xf32>,
        %parallel_loop3A_188 = arith.constant 11 : i32
        %parallel_loop3A_189 = vector.broadcast %parallel_loop3A_188 : i32 to vector<16xi32>
        %parallel_loop3A_190 = arith.addi %parallel_loop3A_99, %parallel_loop3A_189 : vector<16xi32>
        %parallel_loop3A_191 = tpu.vector_load_idx %arg7[%parallel_loop3A_190] : memref<25951xf32, #tpu.memory_space<vmem>>[vector<16xi32>], vector<16xf32>,
        %parallel_loop3A_192 = arith.constant 11 : i32
        %parallel_loop3A_193 = arith.index_cast %parallel_loop3A_192 : i32 to index
        %parallel_loop3A_194 = arith.index_cast %parallel_loop3A_95 : i32 to index
        %parallel_loop3A_195 = tpu.vector_load %arg10[%parallel_loop3A_193, %parallel_loop3A_194] {strides = array<i32>} : memref<64x128xf32, #tpu.memory_space<vmem>>, vector<16xf32>,
        tpu.vector_store %arg10[%parallel_loop3A_193, %parallel_loop3A_194], %parallel_loop3A_191 {strides = array<i32>} : memref<64x128xf32, #tpu.memory_space<vmem>>, vector<16xf32>,
        %parallel_loop3A_196 = arith.constant 12 : i32
        %parallel_loop3A_197 = vector.broadcast %parallel_loop3A_196 : i32 to vector<16xi32>
        %parallel_loop3A_198 = arith.addi %parallel_loop3A_99, %parallel_loop3A_197 : vector<16xi32>
        %parallel_loop3A_199 = tpu.vector_load_idx %arg7[%parallel_loop3A_198] : memref<25951xf32, #tpu.memory_space<vmem>>[vector<16xi32>], vector<16xf32>,
        %parallel_loop3A_200 = arith.constant 12 : i32
        %parallel_loop3A_201 = arith.index_cast %parallel_loop3A_200 : i32 to index
        %parallel_loop3A_202 = arith.index_cast %parallel_loop3A_95 : i32 to index
        %parallel_loop3A_203 = tpu.vector_load %arg10[%parallel_loop3A_201, %parallel_loop3A_202] {strides = array<i32>} : memref<64x128xf32, #tpu.memory_space<vmem>>, vector<16xf32>,
        tpu.vector_store %arg10[%parallel_loop3A_201, %parallel_loop3A_202], %parallel_loop3A_199 {strides = array<i32>} : memref<64x128xf32, #tpu.memory_space<vmem>>, vector<16xf32>,
        %parallel_loop3A_204 = arith.constant 13 : i32
        %parallel_loop3A_205 = vector.broadcast %parallel_loop3A_204 : i32 to vector<16xi32>
        %parallel_loop3A_206 = arith.addi %parallel_loop3A_99, %parallel_loop3A_205 : vector<16xi32>
        %parallel_loop3A_207 = tpu.vector_load_idx %arg7[%parallel_loop3A_206] : memref<25951xf32, #tpu.memory_space<vmem>>[vector<16xi32>], vector<16xf32>,
        %parallel_loop3A_208 = arith.constant 13 : i32
        %parallel_loop3A_209 = arith.index_cast %parallel_loop3A_208 : i32 to index
        %parallel_loop3A_210 = arith.index_cast %parallel_loop3A_95 : i32 to index
        %parallel_loop3A_211 = tpu.vector_load %arg10[%parallel_loop3A_209, %parallel_loop3A_210] {strides = array<i32>} : memref<64x128xf32, #tpu.memory_space<vmem>>, vector<16xf32>,
        tpu.vector_store %arg10[%parallel_loop3A_209, %parallel_loop3A_210], %parallel_loop3A_207 {strides = array<i32>} : memref<64x128xf32, #tpu.memory_space<vmem>>, vector<16xf32>,
        %parallel_loop3A_212 = arith.constant 14 : i32
        %parallel_loop3A_213 = vector.broadcast %parallel_loop3A_212 : i32 to vector<16xi32>
        %parallel_loop3A_214 = arith.addi %parallel_loop3A_99, %parallel_loop3A_213 : vector<16xi32>
        %parallel_loop3A_215 = tpu.vector_load_idx %arg7[%parallel_loop3A_214] : memref<25951xf32, #tpu.memory_space<vmem>>[vector<16xi32>], vector<16xf32>,
        %parallel_loop3A_216 = arith.constant 14 : i32
        %parallel_loop3A_217 = arith.index_cast %parallel_loop3A_216 : i32 to index
        %parallel_loop3A_218 = arith.index_cast %parallel_loop3A_95 : i32 to index
        %parallel_loop3A_219 = tpu.vector_load %arg10[%parallel_loop3A_217, %parallel_loop3A_218] {strides = array<i32>} : memref<64x128xf32, #tpu.memory_space<vmem>>, vector<16xf32>,
        tpu.vector_store %arg10[%parallel_loop3A_217, %parallel_loop3A_218], %parallel_loop3A_215 {strides = array<i32>} : memref<64x128xf32, #tpu.memory_space<vmem>>, vector<16xf32>,
        %parallel_loop3A_220 = arith.constant 15 : i32
        %parallel_loop3A_221 = vector.broadcast %parallel_loop3A_220 : i32 to vector<16xi32>
        %parallel_loop3A_222 = arith.addi %parallel_loop3A_99, %parallel_loop3A_221 : vector<16xi32>
        %parallel_loop3A_223 = tpu.vector_load_idx %arg7[%parallel_loop3A_222] : memref<25951xf32, #tpu.memory_space<vmem>>[vector<16xi32>], vector<16xf32>,
        %parallel_loop3A_224 = arith.constant 15 : i32
        %parallel_loop3A_225 = arith.index_cast %parallel_loop3A_224 : i32 to index
        %parallel_loop3A_226 = arith.index_cast %parallel_loop3A_95 : i32 to index
        %parallel_loop3A_227 = tpu.vector_load %arg10[%parallel_loop3A_225, %parallel_loop3A_226] {strides = array<i32>} : memref<64x128xf32, #tpu.memory_space<vmem>>, vector<16xf32>,
        tpu.vector_store %arg10[%parallel_loop3A_225, %parallel_loop3A_226], %parallel_loop3A_223 {strides = array<i32>} : memref<64x128xf32, #tpu.memory_space<vmem>>, vector<16xf32>,
        %parallel_loop3A_228 = arith.constant 16 : i32
        %parallel_loop3A_229 = vector.broadcast %parallel_loop3A_228 : i32 to vector<16xi32>
        %parallel_loop3A_230 = arith.addi %parallel_loop3A_99, %parallel_loop3A_229 : vector<16xi32>
        %parallel_loop3A_231 = tpu.vector_load_idx %arg7[%parallel_loop3A_230] : memref<25951xf32, #tpu.memory_space<vmem>>[vector<16xi32>], vector<16xf32>,
        %parallel_loop3A_232 = arith.constant 16 : i32
        %parallel_loop3A_233 = arith.index_cast %parallel_loop3A_232 : i32 to index
        %parallel_loop3A_234 = arith.index_cast %parallel_loop3A_95 : i32 to index
        %parallel_loop3A_235 = tpu.vector_load %arg10[%parallel_loop3A_233, %parallel_loop3A_234] {strides = array<i32>} : memref<64x128xf32, #tpu.memory_space<vmem>>, vector<16xf32>,
        tpu.vector_store %arg10[%parallel_loop3A_233, %parallel_loop3A_234], %parallel_loop3A_231 {strides = array<i32>} : memref<64x128xf32, #tpu.memory_space<vmem>>, vector<16xf32>,
        %parallel_loop3A_236 = arith.constant 17 : i32
        %parallel_loop3A_237 = vector.broadcast %parallel_loop3A_236 : i32 to vector<16xi32>
        %parallel_loop3A_238 = arith.addi %parallel_loop3A_99, %parallel_loop3A_237 : vector<16xi32>
        %parallel_loop3A_239 = tpu.vector_load_idx %arg7[%parallel_loop3A_238] : memref<25951xf32, #tpu.memory_space<vmem>>[vector<16xi32>], vector<16xf32>,
        %parallel_loop3A_240 = arith.constant 17 : i32
        %parallel_loop3A_241 = arith.index_cast %parallel_loop3A_240 : i32 to index
        %parallel_loop3A_242 = arith.index_cast %parallel_loop3A_95 : i32 to index
        %parallel_loop3A_243 = tpu.vector_load %arg10[%parallel_loop3A_241, %parallel_loop3A_242] {strides = array<i32>} : memref<64x128xf32, #tpu.memory_space<vmem>>, vector<16xf32>,
        tpu.vector_store %arg10[%parallel_loop3A_241, %parallel_loop3A_242], %parallel_loop3A_239 {strides = array<i32>} : memref<64x128xf32, #tpu.memory_space<vmem>>, vector<16xf32>,
        %parallel_loop3A_244 = arith.constant 18 : i32
        %parallel_loop3A_245 = vector.broadcast %parallel_loop3A_244 : i32 to vector<16xi32>
        %parallel_loop3A_246 = arith.addi %parallel_loop3A_99, %parallel_loop3A_245 : vector<16xi32>
        %parallel_loop3A_247 = tpu.vector_load_idx %arg7[%parallel_loop3A_246] : memref<25951xf32, #tpu.memory_space<vmem>>[vector<16xi32>], vector<16xf32>,
        %parallel_loop3A_248 = arith.constant 18 : i32
        %parallel_loop3A_249 = arith.index_cast %parallel_loop3A_248 : i32 to index
        %parallel_loop3A_250 = arith.index_cast %parallel_loop3A_95 : i32 to index
        %parallel_loop3A_251 = tpu.vector_load %arg10[%parallel_loop3A_249, %parallel_loop3A_250] {strides = array<i32>} : memref<64x128xf32, #tpu.memory_space<vmem>>, vector<16xf32>,
        tpu.vector_store %arg10[%parallel_loop3A_249, %parallel_loop3A_250], %parallel_loop3A_247 {strides = array<i32>} : memref<64x128xf32, #tpu.memory_space<vmem>>, vector<16xf32>,
        %parallel_loop3A_252 = arith.constant 19 : i32
        %parallel_loop3A_253 = vector.broadcast %parallel_loop3A_252 : i32 to vector<16xi32>
        %parallel_loop3A_254 = arith.addi %parallel_loop3A_99, %parallel_loop3A_253 : vector<16xi32>
        %parallel_loop3A_255 = tpu.vector_load_idx %arg7[%parallel_loop3A_254] : memref<25951xf32, #tpu.memory_space<vmem>>[vector<16xi32>], vector<16xf32>,
        %parallel_loop3A_256 = arith.constant 19 : i32
        %parallel_loop3A_257 = arith.index_cast %parallel_loop3A_256 : i32 to index
        %parallel_loop3A_258 = arith.index_cast %parallel_loop3A_95 : i32 to index
        %parallel_loop3A_259 = tpu.vector_load %arg10[%parallel_loop3A_257, %parallel_loop3A_258] {strides = array<i32>} : memref<64x128xf32, #tpu.memory_space<vmem>>, vector<16xf32>,
        tpu.vector_store %arg10[%parallel_loop3A_257, %parallel_loop3A_258], %parallel_loop3A_255 {strides = array<i32>} : memref<64x128xf32, #tpu.memory_space<vmem>>, vector<16xf32>,
        %parallel_loop3A_260 = arith.constant 20 : i32
        %parallel_loop3A_261 = vector.broadcast %parallel_loop3A_260 : i32 to vector<16xi32>
        %parallel_loop3A_262 = arith.addi %parallel_loop3A_99, %parallel_loop3A_261 : vector<16xi32>
        %parallel_loop3A_263 = tpu.vector_load_idx %arg7[%parallel_loop3A_262] : memref<25951xf32, #tpu.memory_space<vmem>>[vector<16xi32>], vector<16xf32>,
        %parallel_loop3A_264 = arith.constant 20 : i32
        %parallel_loop3A_265 = arith.index_cast %parallel_loop3A_264 : i32 to index
        %parallel_loop3A_266 = arith.index_cast %parallel_loop3A_95 : i32 to index
        %parallel_loop3A_267 = tpu.vector_load %arg10[%parallel_loop3A_265, %parallel_loop3A_266] {strides = array<i32>} : memref<64x128xf32, #tpu.memory_space<vmem>>, vector<16xf32>,
        tpu.vector_store %arg10[%parallel_loop3A_265, %parallel_loop3A_266], %parallel_loop3A_263 {strides = array<i32>} : memref<64x128xf32, #tpu.memory_space<vmem>>, vector<16xf32>,
        %parallel_loop3A_268 = arith.constant 21 : i32
        %parallel_loop3A_269 = vector.broadcast %parallel_loop3A_268 : i32 to vector<16xi32>
        %parallel_loop3A_270 = arith.addi %parallel_loop3A_99, %parallel_loop3A_269 : vector<16xi32>
        %parallel_loop3A_271 = tpu.vector_load_idx %arg7[%parallel_loop3A_270] : memref<25951xf32, #tpu.memory_space<vmem>>[vector<16xi32>], vector<16xf32>,
        %parallel_loop3A_272 = arith.constant 21 : i32
        %parallel_loop3A_273 = arith.index_cast %parallel_loop3A_272 : i32 to index
        %parallel_loop3A_274 = arith.index_cast %parallel_loop3A_95 : i32 to index
        %parallel_loop3A_275 = tpu.vector_load %arg10[%parallel_loop3A_273, %parallel_loop3A_274] {strides = array<i32>} : memref<64x128xf32, #tpu.memory_space<vmem>>, vector<16xf32>,
        tpu.vector_store %arg10[%parallel_loop3A_273, %parallel_loop3A_274], %parallel_loop3A_271 {strides = array<i32>} : memref<64x128xf32, #tpu.memory_space<vmem>>, vector<16xf32>,
        %parallel_loop3A_276 = arith.constant 22 : i32
        %parallel_loop3A_277 = vector.broadcast %parallel_loop3A_276 : i32 to vector<16xi32>
        %parallel_loop3A_278 = arith.addi %parallel_loop3A_99, %parallel_loop3A_277 : vector<16xi32>
        %parallel_loop3A_279 = tpu.vector_load_idx %arg7[%parallel_loop3A_278] : memref<25951xf32, #tpu.memory_space<vmem>>[vector<16xi32>], vector<16xf32>,
        %parallel_loop3A_280 = arith.constant 22 : i32
        %parallel_loop3A_281 = arith.index_cast %parallel_loop3A_280 : i32 to index
        %parallel_loop3A_282 = arith.index_cast %parallel_loop3A_95 : i32 to index
        %parallel_loop3A_283 = tpu.vector_load %arg10[%parallel_loop3A_281, %parallel_loop3A_282] {strides = array<i32>} : memref<64x128xf32, #tpu.memory_space<vmem>>, vector<16xf32>,
        tpu.vector_store %arg10[%parallel_loop3A_281, %parallel_loop3A_282], %parallel_loop3A_279 {strides = array<i32>} : memref<64x128xf32, #tpu.memory_space<vmem>>, vector<16xf32>,
        %parallel_loop3A_284 = arith.constant 23 : i32
        %parallel_loop3A_285 = vector.broadcast %parallel_loop3A_284 : i32 to vector<16xi32>
        %parallel_loop3A_286 = arith.addi %parallel_loop3A_99, %parallel_loop3A_285 : vector<16xi32>
        %parallel_loop3A_287 = tpu.vector_load_idx %arg7[%parallel_loop3A_286] : memref<25951xf32, #tpu.memory_space<vmem>>[vector<16xi32>], vector<16xf32>,
        %parallel_loop3A_288 = arith.constant 23 : i32
        %parallel_loop3A_289 = arith.index_cast %parallel_loop3A_288 : i32 to index
        %parallel_loop3A_290 = arith.index_cast %parallel_loop3A_95 : i32 to index
        %parallel_loop3A_291 = tpu.vector_load %arg10[%parallel_loop3A_289, %parallel_loop3A_290] {strides = array<i32>} : memref<64x128xf32, #tpu.memory_space<vmem>>, vector<16xf32>,
        tpu.vector_store %arg10[%parallel_loop3A_289, %parallel_loop3A_290], %parallel_loop3A_287 {strides = array<i32>} : memref<64x128xf32, #tpu.memory_space<vmem>>, vector<16xf32>,
        %parallel_loop3A_292 = arith.constant 24 : i32
        %parallel_loop3A_293 = vector.broadcast %parallel_loop3A_292 : i32 to vector<16xi32>
        %parallel_loop3A_294 = arith.addi %parallel_loop3A_99, %parallel_loop3A_293 : vector<16xi32>
        %parallel_loop3A_295 = tpu.vector_load_idx %arg7[%parallel_loop3A_294] : memref<25951xf32, #tpu.memory_space<vmem>>[vector<16xi32>], vector<16xf32>,
        %parallel_loop3A_296 = arith.constant 24 : i32
        %parallel_loop3A_297 = arith.index_cast %parallel_loop3A_296 : i32 to index
        %parallel_loop3A_298 = arith.index_cast %parallel_loop3A_95 : i32 to index
        %parallel_loop3A_299 = tpu.vector_load %arg10[%parallel_loop3A_297, %parallel_loop3A_298] {strides = array<i32>} : memref<64x128xf32, #tpu.memory_space<vmem>>, vector<16xf32>,
        tpu.vector_store %arg10[%parallel_loop3A_297, %parallel_loop3A_298], %parallel_loop3A_295 {strides = array<i32>} : memref<64x128xf32, #tpu.memory_space<vmem>>, vector<16xf32>,
        %parallel_loop3A_300 = arith.constant 25 : i32
        %parallel_loop3A_301 = vector.broadcast %parallel_loop3A_300 : i32 to vector<16xi32>
        %parallel_loop3A_302 = arith.addi %parallel_loop3A_99, %parallel_loop3A_301 : vector<16xi32>
        %parallel_loop3A_303 = tpu.vector_load_idx %arg7[%parallel_loop3A_302] : memref<25951xf32, #tpu.memory_space<vmem>>[vector<16xi32>], vector<16xf32>,
        %parallel_loop3A_304 = arith.constant 25 : i32
        %parallel_loop3A_305 = arith.index_cast %parallel_loop3A_304 : i32 to index
        %parallel_loop3A_306 = arith.index_cast %parallel_loop3A_95 : i32 to index
        %parallel_loop3A_307 = tpu.vector_load %arg10[%parallel_loop3A_305, %parallel_loop3A_306] {strides = array<i32>} : memref<64x128xf32, #tpu.memory_space<vmem>>, vector<16xf32>,
        tpu.vector_store %arg10[%parallel_loop3A_305, %parallel_loop3A_306], %parallel_loop3A_303 {strides = array<i32>} : memref<64x128xf32, #tpu.memory_space<vmem>>, vector<16xf32>,
        %parallel_loop3A_308 = arith.constant 26 : i32
        %parallel_loop3A_309 = vector.broadcast %parallel_loop3A_308 : i32 to vector<16xi32>
        %parallel_loop3A_310 = arith.addi %parallel_loop3A_99, %parallel_loop3A_309 : vector<16xi32>
        %parallel_loop3A_311 = tpu.vector_load_idx %arg7[%parallel_loop3A_310] : memref<25951xf32, #tpu.memory_space<vmem>>[vector<16xi32>], vector<16xf32>,
        %parallel_loop3A_312 = arith.constant 26 : i32
        %parallel_loop3A_313 = arith.index_cast %parallel_loop3A_312 : i32 to index
        %parallel_loop3A_314 = arith.index_cast %parallel_loop3A_95 : i32 to index
        %parallel_loop3A_315 = tpu.vector_load %arg10[%parallel_loop3A_313, %parallel_loop3A_314] {strides = array<i32>} : memref<64x128xf32, #tpu.memory_space<vmem>>, vector<16xf32>,
        tpu.vector_store %arg10[%parallel_loop3A_313, %parallel_loop3A_314], %parallel_loop3A_311 {strides = array<i32>} : memref<64x128xf32, #tpu.memory_space<vmem>>, vector<16xf32>,
        %parallel_loop3A_316 = arith.constant 27 : i32
        %parallel_loop3A_317 = vector.broadcast %parallel_loop3A_316 : i32 to vector<16xi32>
        %parallel_loop3A_318 = arith.addi %parallel_loop3A_99, %parallel_loop3A_317 : vector<16xi32>
        %parallel_loop3A_319 = tpu.vector_load_idx %arg7[%parallel_loop3A_318] : memref<25951xf32, #tpu.memory_space<vmem>>[vector<16xi32>], vector<16xf32>,
        %parallel_loop3A_320 = arith.constant 27 : i32
        %parallel_loop3A_321 = arith.index_cast %parallel_loop3A_320 : i32 to index
        %parallel_loop3A_322 = arith.index_cast %parallel_loop3A_95 : i32 to index
        %parallel_loop3A_323 = tpu.vector_load %arg10[%parallel_loop3A_321, %parallel_loop3A_322] {strides = array<i32>} : memref<64x128xf32, #tpu.memory_space<vmem>>, vector<16xf32>,
        tpu.vector_store %arg10[%parallel_loop3A_321, %parallel_loop3A_322], %parallel_loop3A_319 {strides = array<i32>} : memref<64x128xf32, #tpu.memory_space<vmem>>, vector<16xf32>,
        %parallel_loop3A_324 = arith.constant 28 : i32
        %parallel_loop3A_325 = vector.broadcast %parallel_loop3A_324 : i32 to vector<16xi32>
        %parallel_loop3A_326 = arith.addi %parallel_loop3A_99, %parallel_loop3A_325 : vector<16xi32>
        %parallel_loop3A_327 = tpu.vector_load_idx %arg7[%parallel_loop3A_326] : memref<25951xf32, #tpu.memory_space<vmem>>[vector<16xi32>], vector<16xf32>,
        %parallel_loop3A_328 = arith.constant 28 : i32
        %parallel_loop3A_329 = arith.index_cast %parallel_loop3A_328 : i32 to index
        %parallel_loop3A_330 = arith.index_cast %parallel_loop3A_95 : i32 to index
        %parallel_loop3A_331 = tpu.vector_load %arg10[%parallel_loop3A_329, %parallel_loop3A_330] {strides = array<i32>} : memref<64x128xf32, #tpu.memory_space<vmem>>, vector<16xf32>,
        tpu.vector_store %arg10[%parallel_loop3A_329, %parallel_loop3A_330], %parallel_loop3A_327 {strides = array<i32>} : memref<64x128xf32, #tpu.memory_space<vmem>>, vector<16xf32>,
        %parallel_loop3A_332 = arith.constant 29 : i32
        %parallel_loop3A_333 = vector.broadcast %parallel_loop3A_332 : i32 to vector<16xi32>
        %parallel_loop3A_334 = arith.addi %parallel_loop3A_99, %parallel_loop3A_333 : vector<16xi32>
        %parallel_loop3A_335 = tpu.vector_load_idx %arg7[%parallel_loop3A_334] : memref<25951xf32, #tpu.memory_space<vmem>>[vector<16xi32>], vector<16xf32>,
        %parallel_loop3A_336 = arith.constant 29 : i32
        %parallel_loop3A_337 = arith.index_cast %parallel_loop3A_336 : i32 to index
        %parallel_loop3A_338 = arith.index_cast %parallel_loop3A_95 : i32 to index
        %parallel_loop3A_339 = tpu.vector_load %arg10[%parallel_loop3A_337, %parallel_loop3A_338] {strides = array<i32>} : memref<64x128xf32, #tpu.memory_space<vmem>>, vector<16xf32>,
        tpu.vector_store %arg10[%parallel_loop3A_337, %parallel_loop3A_338], %parallel_loop3A_335 {strides = array<i32>} : memref<64x128xf32, #tpu.memory_space<vmem>>, vector<16xf32>,
        %parallel_loop3A_340 = arith.constant 30 : i32
        %parallel_loop3A_341 = vector.broadcast %parallel_loop3A_340 : i32 to vector<16xi32>
        %parallel_loop3A_342 = arith.addi %parallel_loop3A_99, %parallel_loop3A_341 : vector<16xi32>
        %parallel_loop3A_343 = tpu.vector_load_idx %arg7[%parallel_loop3A_342] : memref<25951xf32, #tpu.memory_space<vmem>>[vector<16xi32>], vector<16xf32>,
        %parallel_loop3A_344 = arith.constant 30 : i32
        %parallel_loop3A_345 = arith.index_cast %parallel_loop3A_344 : i32 to index
        %parallel_loop3A_346 = arith.index_cast %parallel_loop3A_95 : i32 to index
        %parallel_loop3A_347 = tpu.vector_load %arg10[%parallel_loop3A_345, %parallel_loop3A_346] {strides = array<i32>} : memref<64x128xf32, #tpu.memory_space<vmem>>, vector<16xf32>,
        tpu.vector_store %arg10[%parallel_loop3A_345, %parallel_loop3A_346], %parallel_loop3A_343 {strides = array<i32>} : memref<64x128xf32, #tpu.memory_space<vmem>>, vector<16xf32>,
        %parallel_loop3A_348 = arith.constant 31 : i32
        %parallel_loop3A_349 = vector.broadcast %parallel_loop3A_348 : i32 to vector<16xi32>
        %parallel_loop3A_350 = arith.addi %parallel_loop3A_99, %parallel_loop3A_349 : vector<16xi32>
        %parallel_loop3A_351 = tpu.vector_load_idx %arg7[%parallel_loop3A_350] : memref<25951xf32, #tpu.memory_space<vmem>>[vector<16xi32>], vector<16xf32>,
        %parallel_loop3A_352 = arith.constant 31 : i32
        %parallel_loop3A_353 = arith.index_cast %parallel_loop3A_352 : i32 to index
        %parallel_loop3A_354 = arith.index_cast %parallel_loop3A_95 : i32 to index
        %parallel_loop3A_355 = tpu.vector_load %arg10[%parallel_loop3A_353, %parallel_loop3A_354] {strides = array<i32>} : memref<64x128xf32, #tpu.memory_space<vmem>>, vector<16xf32>,
        tpu.vector_store %arg10[%parallel_loop3A_353, %parallel_loop3A_354], %parallel_loop3A_351 {strides = array<i32>} : memref<64x128xf32, #tpu.memory_space<vmem>>, vector<16xf32>,
        %parallel_loop3A_356 = arith.constant 32 : i32
        %parallel_loop3A_357 = vector.broadcast %parallel_loop3A_356 : i32 to vector<16xi32>
        %parallel_loop3A_358 = arith.addi %parallel_loop3A_99, %parallel_loop3A_357 : vector<16xi32>
        %parallel_loop3A_359 = tpu.vector_load_idx %arg7[%parallel_loop3A_358] : memref<25951xf32, #tpu.memory_space<vmem>>[vector<16xi32>], vector<16xf32>,
        %parallel_loop3A_360 = arith.constant 32 : i32
        %parallel_loop3A_361 = arith.index_cast %parallel_loop3A_360 : i32 to index
        %parallel_loop3A_362 = arith.index_cast %parallel_loop3A_95 : i32 to index
        %parallel_loop3A_363 = tpu.vector_load %arg10[%parallel_loop3A_361, %parallel_loop3A_362] {strides = array<i32>} : memref<64x128xf32, #tpu.memory_space<vmem>>, vector<16xf32>,
        tpu.vector_store %arg10[%parallel_loop3A_361, %parallel_loop3A_362], %parallel_loop3A_359 {strides = array<i32>} : memref<64x128xf32, #tpu.memory_space<vmem>>, vector<16xf32>,
        %parallel_loop3A_364 = arith.constant 33 : i32
        %parallel_loop3A_365 = vector.broadcast %parallel_loop3A_364 : i32 to vector<16xi32>
        %parallel_loop3A_366 = arith.addi %parallel_loop3A_99, %parallel_loop3A_365 : vector<16xi32>
        %parallel_loop3A_367 = tpu.vector_load_idx %arg7[%parallel_loop3A_366] : memref<25951xf32, #tpu.memory_space<vmem>>[vector<16xi32>], vector<16xf32>,
        %parallel_loop3A_368 = arith.constant 33 : i32
        %parallel_loop3A_369 = arith.index_cast %parallel_loop3A_368 : i32 to index
        %parallel_loop3A_370 = arith.index_cast %parallel_loop3A_95 : i32 to index
        %parallel_loop3A_371 = tpu.vector_load %arg10[%parallel_loop3A_369, %parallel_loop3A_370] {strides = array<i32>} : memref<64x128xf32, #tpu.memory_space<vmem>>, vector<16xf32>,
        tpu.vector_store %arg10[%parallel_loop3A_369, %parallel_loop3A_370], %parallel_loop3A_367 {strides = array<i32>} : memref<64x128xf32, #tpu.memory_space<vmem>>, vector<16xf32>,
        %parallel_loop3A_372 = arith.constant 34 : i32
        %parallel_loop3A_373 = vector.broadcast %parallel_loop3A_372 : i32 to vector<16xi32>
        %parallel_loop3A_374 = arith.addi %parallel_loop3A_99, %parallel_loop3A_373 : vector<16xi32>
        %parallel_loop3A_375 = tpu.vector_load_idx %arg7[%parallel_loop3A_374] : memref<25951xf32, #tpu.memory_space<vmem>>[vector<16xi32>], vector<16xf32>,
        %parallel_loop3A_376 = arith.constant 34 : i32
        %parallel_loop3A_377 = arith.index_cast %parallel_loop3A_376 : i32 to index
        %parallel_loop3A_378 = arith.index_cast %parallel_loop3A_95 : i32 to index
        %parallel_loop3A_379 = tpu.vector_load %arg10[%parallel_loop3A_377, %parallel_loop3A_378] {strides = array<i32>} : memref<64x128xf32, #tpu.memory_space<vmem>>, vector<16xf32>,
        tpu.vector_store %arg10[%parallel_loop3A_377, %parallel_loop3A_378], %parallel_loop3A_375 {strides = array<i32>} : memref<64x128xf32, #tpu.memory_space<vmem>>, vector<16xf32>,
        %parallel_loop3A_380 = arith.constant 35 : i32
        %parallel_loop3A_381 = vector.broadcast %parallel_loop3A_380 : i32 to vector<16xi32>
        %parallel_loop3A_382 = arith.addi %parallel_loop3A_99, %parallel_loop3A_381 : vector<16xi32>
        %parallel_loop3A_383 = tpu.vector_load_idx %arg7[%parallel_loop3A_382] : memref<25951xf32, #tpu.memory_space<vmem>>[vector<16xi32>], vector<16xf32>,
        %parallel_loop3A_384 = arith.constant 35 : i32
        %parallel_loop3A_385 = arith.index_cast %parallel_loop3A_384 : i32 to index
        %parallel_loop3A_386 = arith.index_cast %parallel_loop3A_95 : i32 to index
        %parallel_loop3A_387 = tpu.vector_load %arg10[%parallel_loop3A_385, %parallel_loop3A_386] {strides = array<i32>} : memref<64x128xf32, #tpu.memory_space<vmem>>, vector<16xf32>,
        tpu.vector_store %arg10[%parallel_loop3A_385, %parallel_loop3A_386], %parallel_loop3A_383 {strides = array<i32>} : memref<64x128xf32, #tpu.memory_space<vmem>>, vector<16xf32>,
        %parallel_loop3A_388 = arith.constant 36 : i32
        %parallel_loop3A_389 = vector.broadcast %parallel_loop3A_388 : i32 to vector<16xi32>
        %parallel_loop3A_390 = arith.addi %parallel_loop3A_99, %parallel_loop3A_389 : vector<16xi32>
        %parallel_loop3A_391 = tpu.vector_load_idx %arg7[%parallel_loop3A_390] : memref<25951xf32, #tpu.memory_space<vmem>>[vector<16xi32>], vector<16xf32>,
        %parallel_loop3A_392 = arith.constant 36 : i32
        %parallel_loop3A_393 = arith.index_cast %parallel_loop3A_392 : i32 to index
        %parallel_loop3A_394 = arith.index_cast %parallel_loop3A_95 : i32 to index
        %parallel_loop3A_395 = tpu.vector_load %arg10[%parallel_loop3A_393, %parallel_loop3A_394] {strides = array<i32>} : memref<64x128xf32, #tpu.memory_space<vmem>>, vector<16xf32>,
        tpu.vector_store %arg10[%parallel_loop3A_393, %parallel_loop3A_394], %parallel_loop3A_391 {strides = array<i32>} : memref<64x128xf32, #tpu.memory_space<vmem>>, vector<16xf32>,
        %parallel_loop3A_396 = arith.constant 37 : i32
        %parallel_loop3A_397 = vector.broadcast %parallel_loop3A_396 : i32 to vector<16xi32>
        %parallel_loop3A_398 = arith.addi %parallel_loop3A_99, %parallel_loop3A_397 : vector<16xi32>
        %parallel_loop3A_399 = tpu.vector_load_idx %arg7[%parallel_loop3A_398] : memref<25951xf32, #tpu.memory_space<vmem>>[vector<16xi32>], vector<16xf32>,
        %parallel_loop3A_400 = arith.constant 37 : i32
        %parallel_loop3A_401 = arith.index_cast %parallel_loop3A_400 : i32 to index
        %parallel_loop3A_402 = arith.index_cast %parallel_loop3A_95 : i32 to index
        %parallel_loop3A_403 = tpu.vector_load %arg10[%parallel_loop3A_401, %parallel_loop3A_402] {strides = array<i32>} : memref<64x128xf32, #tpu.memory_space<vmem>>, vector<16xf32>,
        tpu.vector_store %arg10[%parallel_loop3A_401, %parallel_loop3A_402], %parallel_loop3A_399 {strides = array<i32>} : memref<64x128xf32, #tpu.memory_space<vmem>>, vector<16xf32>,
        %parallel_loop3A_404 = arith.constant 38 : i32
        %parallel_loop3A_405 = vector.broadcast %parallel_loop3A_404 : i32 to vector<16xi32>
        %parallel_loop3A_406 = arith.addi %parallel_loop3A_99, %parallel_loop3A_405 : vector<16xi32>
        %parallel_loop3A_407 = tpu.vector_load_idx %arg7[%parallel_loop3A_406] : memref<25951xf32, #tpu.memory_space<vmem>>[vector<16xi32>], vector<16xf32>,
        %parallel_loop3A_408 = arith.constant 38 : i32
        %parallel_loop3A_409 = arith.index_cast %parallel_loop3A_408 : i32 to index
        %parallel_loop3A_410 = arith.index_cast %parallel_loop3A_95 : i32 to index
        %parallel_loop3A_411 = tpu.vector_load %arg10[%parallel_loop3A_409, %parallel_loop3A_410] {strides = array<i32>} : memref<64x128xf32, #tpu.memory_space<vmem>>, vector<16xf32>,
        tpu.vector_store %arg10[%parallel_loop3A_409, %parallel_loop3A_410], %parallel_loop3A_407 {strides = array<i32>} : memref<64x128xf32, #tpu.memory_space<vmem>>, vector<16xf32>,
        %parallel_loop3A_412 = arith.constant 39 : i32
        %parallel_loop3A_413 = vector.broadcast %parallel_loop3A_412 : i32 to vector<16xi32>
        %parallel_loop3A_414 = arith.addi %parallel_loop3A_99, %parallel_loop3A_413 : vector<16xi32>
        %parallel_loop3A_415 = tpu.vector_load_idx %arg7[%parallel_loop3A_414] : memref<25951xf32, #tpu.memory_space<vmem>>[vector<16xi32>], vector<16xf32>,
        %parallel_loop3A_416 = arith.constant 39 : i32
        %parallel_loop3A_417 = arith.index_cast %parallel_loop3A_416 : i32 to index
        %parallel_loop3A_418 = arith.index_cast %parallel_loop3A_95 : i32 to index
        %parallel_loop3A_419 = tpu.vector_load %arg10[%parallel_loop3A_417, %parallel_loop3A_418] {strides = array<i32>} : memref<64x128xf32, #tpu.memory_space<vmem>>, vector<16xf32>,
        tpu.vector_store %arg10[%parallel_loop3A_417, %parallel_loop3A_418], %parallel_loop3A_415 {strides = array<i32>} : memref<64x128xf32, #tpu.memory_space<vmem>>, vector<16xf32>,
        %parallel_loop3A_420 = arith.constant 40 : i32
        %parallel_loop3A_421 = vector.broadcast %parallel_loop3A_420 : i32 to vector<16xi32>
        %parallel_loop3A_422 = arith.addi %parallel_loop3A_99, %parallel_loop3A_421 : vector<16xi32>
        %parallel_loop3A_423 = tpu.vector_load_idx %arg7[%parallel_loop3A_422] : memref<25951xf32, #tpu.memory_space<vmem>>[vector<16xi32>], vector<16xf32>,
        %parallel_loop3A_424 = arith.constant 40 : i32
        %parallel_loop3A_425 = arith.index_cast %parallel_loop3A_424 : i32 to index
        %parallel_loop3A_426 = arith.index_cast %parallel_loop3A_95 : i32 to index
        %parallel_loop3A_427 = tpu.vector_load %arg10[%parallel_loop3A_425, %parallel_loop3A_426] {strides = array<i32>} : memref<64x128xf32, #tpu.memory_space<vmem>>, vector<16xf32>,
        tpu.vector_store %arg10[%parallel_loop3A_425, %parallel_loop3A_426], %parallel_loop3A_423 {strides = array<i32>} : memref<64x128xf32, #tpu.memory_space<vmem>>, vector<16xf32>,
        %parallel_loop3A_428 = arith.constant 41 : i32
        %parallel_loop3A_429 = vector.broadcast %parallel_loop3A_428 : i32 to vector<16xi32>
        %parallel_loop3A_430 = arith.addi %parallel_loop3A_99, %parallel_loop3A_429 : vector<16xi32>
        %parallel_loop3A_431 = tpu.vector_load_idx %arg7[%parallel_loop3A_430] : memref<25951xf32, #tpu.memory_space<vmem>>[vector<16xi32>], vector<16xf32>,
        %parallel_loop3A_432 = arith.constant 41 : i32
        %parallel_loop3A_433 = arith.index_cast %parallel_loop3A_432 : i32 to index
        %parallel_loop3A_434 = arith.index_cast %parallel_loop3A_95 : i32 to index
        %parallel_loop3A_435 = tpu.vector_load %arg10[%parallel_loop3A_433, %parallel_loop3A_434] {strides = array<i32>} : memref<64x128xf32, #tpu.memory_space<vmem>>, vector<16xf32>,
        tpu.vector_store %arg10[%parallel_loop3A_433, %parallel_loop3A_434], %parallel_loop3A_431 {strides = array<i32>} : memref<64x128xf32, #tpu.memory_space<vmem>>, vector<16xf32>,
        %parallel_loop3A_436 = arith.constant 42 : i32
        %parallel_loop3A_437 = vector.broadcast %parallel_loop3A_436 : i32 to vector<16xi32>
        %parallel_loop3A_438 = arith.addi %parallel_loop3A_99, %parallel_loop3A_437 : vector<16xi32>
        %parallel_loop3A_439 = tpu.vector_load_idx %arg7[%parallel_loop3A_438] : memref<25951xf32, #tpu.memory_space<vmem>>[vector<16xi32>], vector<16xf32>,
        %parallel_loop3A_440 = arith.constant 42 : i32
        %parallel_loop3A_441 = arith.index_cast %parallel_loop3A_440 : i32 to index
        %parallel_loop3A_442 = arith.index_cast %parallel_loop3A_95 : i32 to index
        %parallel_loop3A_443 = tpu.vector_load %arg10[%parallel_loop3A_441, %parallel_loop3A_442] {strides = array<i32>} : memref<64x128xf32, #tpu.memory_space<vmem>>, vector<16xf32>,
        tpu.vector_store %arg10[%parallel_loop3A_441, %parallel_loop3A_442], %parallel_loop3A_439 {strides = array<i32>} : memref<64x128xf32, #tpu.memory_space<vmem>>, vector<16xf32>,
        %parallel_loop3A_444 = arith.constant 43 : i32
        %parallel_loop3A_445 = vector.broadcast %parallel_loop3A_444 : i32 to vector<16xi32>
        %parallel_loop3A_446 = arith.addi %parallel_loop3A_99, %parallel_loop3A_445 : vector<16xi32>
        %parallel_loop3A_447 = tpu.vector_load_idx %arg7[%parallel_loop3A_446] : memref<25951xf32, #tpu.memory_space<vmem>>[vector<16xi32>], vector<16xf32>,
        %parallel_loop3A_448 = arith.constant 43 : i32
        %parallel_loop3A_449 = arith.index_cast %parallel_loop3A_448 : i32 to index
        %parallel_loop3A_450 = arith.index_cast %parallel_loop3A_95 : i32 to index
        %parallel_loop3A_451 = tpu.vector_load %arg10[%parallel_loop3A_449, %parallel_loop3A_450] {strides = array<i32>} : memref<64x128xf32, #tpu.memory_space<vmem>>, vector<16xf32>,
        tpu.vector_store %arg10[%parallel_loop3A_449, %parallel_loop3A_450], %parallel_loop3A_447 {strides = array<i32>} : memref<64x128xf32, #tpu.memory_space<vmem>>, vector<16xf32>,
        %parallel_loop3A_452 = arith.constant 44 : i32
        %parallel_loop3A_453 = vector.broadcast %parallel_loop3A_452 : i32 to vector<16xi32>
        %parallel_loop3A_454 = arith.addi %parallel_loop3A_99, %parallel_loop3A_453 : vector<16xi32>
        %parallel_loop3A_455 = tpu.vector_load_idx %arg7[%parallel_loop3A_454] : memref<25951xf32, #tpu.memory_space<vmem>>[vector<16xi32>], vector<16xf32>,
        %parallel_loop3A_456 = arith.constant 44 : i32
        %parallel_loop3A_457 = arith.index_cast %parallel_loop3A_456 : i32 to index
        %parallel_loop3A_458 = arith.index_cast %parallel_loop3A_95 : i32 to index
        %parallel_loop3A_459 = tpu.vector_load %arg10[%parallel_loop3A_457, %parallel_loop3A_458] {strides = array<i32>} : memref<64x128xf32, #tpu.memory_space<vmem>>, vector<16xf32>,
        tpu.vector_store %arg10[%parallel_loop3A_457, %parallel_loop3A_458], %parallel_loop3A_455 {strides = array<i32>} : memref<64x128xf32, #tpu.memory_space<vmem>>, vector<16xf32>,
        %parallel_loop3A_460 = arith.constant 45 : i32
        %parallel_loop3A_461 = vector.broadcast %parallel_loop3A_460 : i32 to vector<16xi32>
        %parallel_loop3A_462 = arith.addi %parallel_loop3A_99, %parallel_loop3A_461 : vector<16xi32>
        %parallel_loop3A_463 = tpu.vector_load_idx %arg7[%parallel_loop3A_462] : memref<25951xf32, #tpu.memory_space<vmem>>[vector<16xi32>], vector<16xf32>,
        %parallel_loop3A_464 = arith.constant 45 : i32
        %parallel_loop3A_465 = arith.index_cast %parallel_loop3A_464 : i32 to index
        %parallel_loop3A_466 = arith.index_cast %parallel_loop3A_95 : i32 to index
        %parallel_loop3A_467 = tpu.vector_load %arg10[%parallel_loop3A_465, %parallel_loop3A_466] {strides = array<i32>} : memref<64x128xf32, #tpu.memory_space<vmem>>, vector<16xf32>,
        tpu.vector_store %arg10[%parallel_loop3A_465, %parallel_loop3A_466], %parallel_loop3A_463 {strides = array<i32>} : memref<64x128xf32, #tpu.memory_space<vmem>>, vector<16xf32>,
        %parallel_loop3A_468 = arith.constant 46 : i32
        %parallel_loop3A_469 = vector.broadcast %parallel_loop3A_468 : i32 to vector<16xi32>
        %parallel_loop3A_470 = arith.addi %parallel_loop3A_99, %parallel_loop3A_469 : vector<16xi32>
        %parallel_loop3A_471 = tpu.vector_load_idx %arg7[%parallel_loop3A_470] : memref<25951xf32, #tpu.memory_space<vmem>>[vector<16xi32>], vector<16xf32>,
        %parallel_loop3A_472 = arith.constant 46 : i32
        %parallel_loop3A_473 = arith.index_cast %parallel_loop3A_472 : i32 to index
        %parallel_loop3A_474 = arith.index_cast %parallel_loop3A_95 : i32 to index
        %parallel_loop3A_475 = tpu.vector_load %arg10[%parallel_loop3A_473, %parallel_loop3A_474] {strides = array<i32>} : memref<64x128xf32, #tpu.memory_space<vmem>>, vector<16xf32>,
        tpu.vector_store %arg10[%parallel_loop3A_473, %parallel_loop3A_474], %parallel_loop3A_471 {strides = array<i32>} : memref<64x128xf32, #tpu.memory_space<vmem>>, vector<16xf32>,
        %parallel_loop3A_476 = arith.constant 47 : i32
        %parallel_loop3A_477 = vector.broadcast %parallel_loop3A_476 : i32 to vector<16xi32>
        %parallel_loop3A_478 = arith.addi %parallel_loop3A_99, %parallel_loop3A_477 : vector<16xi32>
        %parallel_loop3A_479 = tpu.vector_load_idx %arg7[%parallel_loop3A_478] : memref<25951xf32, #tpu.memory_space<vmem>>[vector<16xi32>], vector<16xf32>,
        %parallel_loop3A_480 = arith.constant 47 : i32
        %parallel_loop3A_481 = arith.index_cast %parallel_loop3A_480 : i32 to index
        %parallel_loop3A_482 = arith.index_cast %parallel_loop3A_95 : i32 to index
        %parallel_loop3A_483 = tpu.vector_load %arg10[%parallel_loop3A_481, %parallel_loop3A_482] {strides = array<i32>} : memref<64x128xf32, #tpu.memory_space<vmem>>, vector<16xf32>,
        tpu.vector_store %arg10[%parallel_loop3A_481, %parallel_loop3A_482], %parallel_loop3A_479 {strides = array<i32>} : memref<64x128xf32, #tpu.memory_space<vmem>>, vector<16xf32>,
        %parallel_loop3A_484 = arith.constant 48 : i32
        %parallel_loop3A_485 = vector.broadcast %parallel_loop3A_484 : i32 to vector<16xi32>
        %parallel_loop3A_486 = arith.addi %parallel_loop3A_99, %parallel_loop3A_485 : vector<16xi32>
        %parallel_loop3A_487 = tpu.vector_load_idx %arg7[%parallel_loop3A_486] : memref<25951xf32, #tpu.memory_space<vmem>>[vector<16xi32>], vector<16xf32>,
        %parallel_loop3A_488 = arith.constant 48 : i32
        %parallel_loop3A_489 = arith.index_cast %parallel_loop3A_488 : i32 to index
        %parallel_loop3A_490 = arith.index_cast %parallel_loop3A_95 : i32 to index
        %parallel_loop3A_491 = tpu.vector_load %arg10[%parallel_loop3A_489, %parallel_loop3A_490] {strides = array<i32>} : memref<64x128xf32, #tpu.memory_space<vmem>>, vector<16xf32>,
        tpu.vector_store %arg10[%parallel_loop3A_489, %parallel_loop3A_490], %parallel_loop3A_487 {strides = array<i32>} : memref<64x128xf32, #tpu.memory_space<vmem>>, vector<16xf32>,
        %parallel_loop3A_492 = arith.constant 49 : i32
        %parallel_loop3A_493 = vector.broadcast %parallel_loop3A_492 : i32 to vector<16xi32>
        %parallel_loop3A_494 = arith.addi %parallel_loop3A_99, %parallel_loop3A_493 : vector<16xi32>
        %parallel_loop3A_495 = tpu.vector_load_idx %arg7[%parallel_loop3A_494] : memref<25951xf32, #tpu.memory_space<vmem>>[vector<16xi32>], vector<16xf32>,
        %parallel_loop3A_496 = arith.constant 49 : i32
        %parallel_loop3A_497 = arith.index_cast %parallel_loop3A_496 : i32 to index
        %parallel_loop3A_498 = arith.index_cast %parallel_loop3A_95 : i32 to index
        %parallel_loop3A_499 = tpu.vector_load %arg10[%parallel_loop3A_497, %parallel_loop3A_498] {strides = array<i32>} : memref<64x128xf32, #tpu.memory_space<vmem>>, vector<16xf32>,
        tpu.vector_store %arg10[%parallel_loop3A_497, %parallel_loop3A_498], %parallel_loop3A_495 {strides = array<i32>} : memref<64x128xf32, #tpu.memory_space<vmem>>, vector<16xf32>,
        %parallel_loop3A_500 = arith.constant 50 : i32
        %parallel_loop3A_501 = vector.broadcast %parallel_loop3A_500 : i32 to vector<16xi32>
        %parallel_loop3A_502 = arith.addi %parallel_loop3A_99, %parallel_loop3A_501 : vector<16xi32>
        %parallel_loop3A_503 = tpu.vector_load_idx %arg7[%parallel_loop3A_502] : memref<25951xf32, #tpu.memory_space<vmem>>[vector<16xi32>], vector<16xf32>,
        %parallel_loop3A_504 = arith.constant 50 : i32
        %parallel_loop3A_505 = arith.index_cast %parallel_loop3A_504 : i32 to index
        %parallel_loop3A_506 = arith.index_cast %parallel_loop3A_95 : i32 to index
        %parallel_loop3A_507 = tpu.vector_load %arg10[%parallel_loop3A_505, %parallel_loop3A_506] {strides = array<i32>} : memref<64x128xf32, #tpu.memory_space<vmem>>, vector<16xf32>,
        tpu.vector_store %arg10[%parallel_loop3A_505, %parallel_loop3A_506], %parallel_loop3A_503 {strides = array<i32>} : memref<64x128xf32, #tpu.memory_space<vmem>>, vector<16xf32>,
        %parallel_loop3A_508 = arith.constant 51 : i32
        %parallel_loop3A_509 = vector.broadcast %parallel_loop3A_508 : i32 to vector<16xi32>
        %parallel_loop3A_510 = arith.addi %parallel_loop3A_99, %parallel_loop3A_509 : vector<16xi32>
        %parallel_loop3A_511 = tpu.vector_load_idx %arg7[%parallel_loop3A_510] : memref<25951xf32, #tpu.memory_space<vmem>>[vector<16xi32>], vector<16xf32>,
        %parallel_loop3A_512 = arith.constant 51 : i32
        %parallel_loop3A_513 = arith.index_cast %parallel_loop3A_512 : i32 to index
        %parallel_loop3A_514 = arith.index_cast %parallel_loop3A_95 : i32 to index
        %parallel_loop3A_515 = tpu.vector_load %arg10[%parallel_loop3A_513, %parallel_loop3A_514] {strides = array<i32>} : memref<64x128xf32, #tpu.memory_space<vmem>>, vector<16xf32>,
        tpu.vector_store %arg10[%parallel_loop3A_513, %parallel_loop3A_514], %parallel_loop3A_511 {strides = array<i32>} : memref<64x128xf32, #tpu.memory_space<vmem>>, vector<16xf32>,
        %parallel_loop3A_516 = arith.constant 52 : i32
        %parallel_loop3A_517 = vector.broadcast %parallel_loop3A_516 : i32 to vector<16xi32>
        %parallel_loop3A_518 = arith.addi %parallel_loop3A_99, %parallel_loop3A_517 : vector<16xi32>
        %parallel_loop3A_519 = tpu.vector_load_idx %arg7[%parallel_loop3A_518] : memref<25951xf32, #tpu.memory_space<vmem>>[vector<16xi32>], vector<16xf32>,
        %parallel_loop3A_520 = arith.constant 52 : i32
        %parallel_loop3A_521 = arith.index_cast %parallel_loop3A_520 : i32 to index
        %parallel_loop3A_522 = arith.index_cast %parallel_loop3A_95 : i32 to index
        %parallel_loop3A_523 = tpu.vector_load %arg10[%parallel_loop3A_521, %parallel_loop3A_522] {strides = array<i32>} : memref<64x128xf32, #tpu.memory_space<vmem>>, vector<16xf32>,
        tpu.vector_store %arg10[%parallel_loop3A_521, %parallel_loop3A_522], %parallel_loop3A_519 {strides = array<i32>} : memref<64x128xf32, #tpu.memory_space<vmem>>, vector<16xf32>,
        %parallel_loop3A_524 = arith.constant 53 : i32
        %parallel_loop3A_525 = vector.broadcast %parallel_loop3A_524 : i32 to vector<16xi32>
        %parallel_loop3A_526 = arith.addi %parallel_loop3A_99, %parallel_loop3A_525 : vector<16xi32>
        %parallel_loop3A_527 = tpu.vector_load_idx %arg7[%parallel_loop3A_526] : memref<25951xf32, #tpu.memory_space<vmem>>[vector<16xi32>], vector<16xf32>,
        %parallel_loop3A_528 = arith.constant 53 : i32
        %parallel_loop3A_529 = arith.index_cast %parallel_loop3A_528 : i32 to index
        %parallel_loop3A_530 = arith.index_cast %parallel_loop3A_95 : i32 to index
        %parallel_loop3A_531 = tpu.vector_load %arg10[%parallel_loop3A_529, %parallel_loop3A_530] {strides = array<i32>} : memref<64x128xf32, #tpu.memory_space<vmem>>, vector<16xf32>,
        tpu.vector_store %arg10[%parallel_loop3A_529, %parallel_loop3A_530], %parallel_loop3A_527 {strides = array<i32>} : memref<64x128xf32, #tpu.memory_space<vmem>>, vector<16xf32>,
        %parallel_loop3A_532 = arith.constant 54 : i32
        %parallel_loop3A_533 = vector.broadcast %parallel_loop3A_532 : i32 to vector<16xi32>
        %parallel_loop3A_534 = arith.addi %parallel_loop3A_99, %parallel_loop3A_533 : vector<16xi32>
        %parallel_loop3A_535 = tpu.vector_load_idx %arg7[%parallel_loop3A_534] : memref<25951xf32, #tpu.memory_space<vmem>>[vector<16xi32>], vector<16xf32>,
        %parallel_loop3A_536 = arith.constant 54 : i32
        %parallel_loop3A_537 = arith.index_cast %parallel_loop3A_536 : i32 to index
        %parallel_loop3A_538 = arith.index_cast %parallel_loop3A_95 : i32 to index
        %parallel_loop3A_539 = tpu.vector_load %arg10[%parallel_loop3A_537, %parallel_loop3A_538] {strides = array<i32>} : memref<64x128xf32, #tpu.memory_space<vmem>>, vector<16xf32>,
        tpu.vector_store %arg10[%parallel_loop3A_537, %parallel_loop3A_538], %parallel_loop3A_535 {strides = array<i32>} : memref<64x128xf32, #tpu.memory_space<vmem>>, vector<16xf32>,
        %parallel_loop3A_540 = arith.constant 55 : i32
        %parallel_loop3A_541 = vector.broadcast %parallel_loop3A_540 : i32 to vector<16xi32>
        %parallel_loop3A_542 = arith.addi %parallel_loop3A_99, %parallel_loop3A_541 : vector<16xi32>
        %parallel_loop3A_543 = tpu.vector_load_idx %arg7[%parallel_loop3A_542] : memref<25951xf32, #tpu.memory_space<vmem>>[vector<16xi32>], vector<16xf32>,
        %parallel_loop3A_544 = arith.constant 55 : i32
        %parallel_loop3A_545 = arith.index_cast %parallel_loop3A_544 : i32 to index
        %parallel_loop3A_546 = arith.index_cast %parallel_loop3A_95 : i32 to index
        %parallel_loop3A_547 = tpu.vector_load %arg10[%parallel_loop3A_545, %parallel_loop3A_546] {strides = array<i32>} : memref<64x128xf32, #tpu.memory_space<vmem>>, vector<16xf32>,
        tpu.vector_store %arg10[%parallel_loop3A_545, %parallel_loop3A_546], %parallel_loop3A_543 {strides = array<i32>} : memref<64x128xf32, #tpu.memory_space<vmem>>, vector<16xf32>,
        %parallel_loop3A_548 = arith.constant 56 : i32
        %parallel_loop3A_549 = vector.broadcast %parallel_loop3A_548 : i32 to vector<16xi32>
        %parallel_loop3A_550 = arith.addi %parallel_loop3A_99, %parallel_loop3A_549 : vector<16xi32>
        %parallel_loop3A_551 = tpu.vector_load_idx %arg7[%parallel_loop3A_550] : memref<25951xf32, #tpu.memory_space<vmem>>[vector<16xi32>], vector<16xf32>,
        %parallel_loop3A_552 = arith.constant 56 : i32
        %parallel_loop3A_553 = arith.index_cast %parallel_loop3A_552 : i32 to index
        %parallel_loop3A_554 = arith.index_cast %parallel_loop3A_95 : i32 to index
        %parallel_loop3A_555 = tpu.vector_load %arg10[%parallel_loop3A_553, %parallel_loop3A_554] {strides = array<i32>} : memref<64x128xf32, #tpu.memory_space<vmem>>, vector<16xf32>,
        tpu.vector_store %arg10[%parallel_loop3A_553, %parallel_loop3A_554], %parallel_loop3A_551 {strides = array<i32>} : memref<64x128xf32, #tpu.memory_space<vmem>>, vector<16xf32>,
        %parallel_loop3A_556 = arith.constant 57 : i32
        %parallel_loop3A_557 = vector.broadcast %parallel_loop3A_556 : i32 to vector<16xi32>
        %parallel_loop3A_558 = arith.addi %parallel_loop3A_99, %parallel_loop3A_557 : vector<16xi32>
        %parallel_loop3A_559 = tpu.vector_load_idx %arg7[%parallel_loop3A_558] : memref<25951xf32, #tpu.memory_space<vmem>>[vector<16xi32>], vector<16xf32>,
        %parallel_loop3A_560 = arith.constant 57 : i32
        %parallel_loop3A_561 = arith.index_cast %parallel_loop3A_560 : i32 to index
        %parallel_loop3A_562 = arith.index_cast %parallel_loop3A_95 : i32 to index
        %parallel_loop3A_563 = tpu.vector_load %arg10[%parallel_loop3A_561, %parallel_loop3A_562] {strides = array<i32>} : memref<64x128xf32, #tpu.memory_space<vmem>>, vector<16xf32>,
        tpu.vector_store %arg10[%parallel_loop3A_561, %parallel_loop3A_562], %parallel_loop3A_559 {strides = array<i32>} : memref<64x128xf32, #tpu.memory_space<vmem>>, vector<16xf32>,
        %parallel_loop3A_564 = arith.constant 58 : i32
        %parallel_loop3A_565 = vector.broadcast %parallel_loop3A_564 : i32 to vector<16xi32>
        %parallel_loop3A_566 = arith.addi %parallel_loop3A_99, %parallel_loop3A_565 : vector<16xi32>
        %parallel_loop3A_567 = tpu.vector_load_idx %arg7[%parallel_loop3A_566] : memref<25951xf32, #tpu.memory_space<vmem>>[vector<16xi32>], vector<16xf32>,
        %parallel_loop3A_568 = arith.constant 58 : i32
        %parallel_loop3A_569 = arith.index_cast %parallel_loop3A_568 : i32 to index
        %parallel_loop3A_570 = arith.index_cast %parallel_loop3A_95 : i32 to index
        %parallel_loop3A_571 = tpu.vector_load %arg10[%parallel_loop3A_569, %parallel_loop3A_570] {strides = array<i32>} : memref<64x128xf32, #tpu.memory_space<vmem>>, vector<16xf32>,
        tpu.vector_store %arg10[%parallel_loop3A_569, %parallel_loop3A_570], %parallel_loop3A_567 {strides = array<i32>} : memref<64x128xf32, #tpu.memory_space<vmem>>, vector<16xf32>,
        %parallel_loop3A_572 = arith.constant 59 : i32
        %parallel_loop3A_573 = vector.broadcast %parallel_loop3A_572 : i32 to vector<16xi32>
        %parallel_loop3A_574 = arith.addi %parallel_loop3A_99, %parallel_loop3A_573 : vector<16xi32>
        %parallel_loop3A_575 = tpu.vector_load_idx %arg7[%parallel_loop3A_574] : memref<25951xf32, #tpu.memory_space<vmem>>[vector<16xi32>], vector<16xf32>,
        %parallel_loop3A_576 = arith.constant 59 : i32
        %parallel_loop3A_577 = arith.index_cast %parallel_loop3A_576 : i32 to index
        %parallel_loop3A_578 = arith.index_cast %parallel_loop3A_95 : i32 to index
        %parallel_loop3A_579 = tpu.vector_load %arg10[%parallel_loop3A_577, %parallel_loop3A_578] {strides = array<i32>} : memref<64x128xf32, #tpu.memory_space<vmem>>, vector<16xf32>,
        tpu.vector_store %arg10[%parallel_loop3A_577, %parallel_loop3A_578], %parallel_loop3A_575 {strides = array<i32>} : memref<64x128xf32, #tpu.memory_space<vmem>>, vector<16xf32>,
        %parallel_loop3A_580 = arith.constant 60 : i32
        %parallel_loop3A_581 = vector.broadcast %parallel_loop3A_580 : i32 to vector<16xi32>
        %parallel_loop3A_582 = arith.addi %parallel_loop3A_99, %parallel_loop3A_581 : vector<16xi32>
        %parallel_loop3A_583 = tpu.vector_load_idx %arg7[%parallel_loop3A_582] : memref<25951xf32, #tpu.memory_space<vmem>>[vector<16xi32>], vector<16xf32>,
        %parallel_loop3A_584 = arith.constant 60 : i32
        %parallel_loop3A_585 = arith.index_cast %parallel_loop3A_584 : i32 to index
        %parallel_loop3A_586 = arith.index_cast %parallel_loop3A_95 : i32 to index
        %parallel_loop3A_587 = tpu.vector_load %arg10[%parallel_loop3A_585, %parallel_loop3A_586] {strides = array<i32>} : memref<64x128xf32, #tpu.memory_space<vmem>>, vector<16xf32>,
        tpu.vector_store %arg10[%parallel_loop3A_585, %parallel_loop3A_586], %parallel_loop3A_583 {strides = array<i32>} : memref<64x128xf32, #tpu.memory_space<vmem>>, vector<16xf32>,
        %parallel_loop3A_588 = arith.constant 61 : i32
        %parallel_loop3A_589 = vector.broadcast %parallel_loop3A_588 : i32 to vector<16xi32>
        %parallel_loop3A_590 = arith.addi %parallel_loop3A_99, %parallel_loop3A_589 : vector<16xi32>
        %parallel_loop3A_591 = tpu.vector_load_idx %arg7[%parallel_loop3A_590] : memref<25951xf32, #tpu.memory_space<vmem>>[vector<16xi32>], vector<16xf32>,
        %parallel_loop3A_592 = arith.constant 61 : i32
        %parallel_loop3A_593 = arith.index_cast %parallel_loop3A_592 : i32 to index
        %parallel_loop3A_594 = arith.index_cast %parallel_loop3A_95 : i32 to index
        %parallel_loop3A_595 = tpu.vector_load %arg10[%parallel_loop3A_593, %parallel_loop3A_594] {strides = array<i32>} : memref<64x128xf32, #tpu.memory_space<vmem>>, vector<16xf32>,
        tpu.vector_store %arg10[%parallel_loop3A_593, %parallel_loop3A_594], %parallel_loop3A_591 {strides = array<i32>} : memref<64x128xf32, #tpu.memory_space<vmem>>, vector<16xf32>,
        %parallel_loop3A_596 = arith.constant 62 : i32
        %parallel_loop3A_597 = vector.broadcast %parallel_loop3A_596 : i32 to vector<16xi32>
        %parallel_loop3A_598 = arith.addi %parallel_loop3A_99, %parallel_loop3A_597 : vector<16xi32>
        %parallel_loop3A_599 = tpu.vector_load_idx %arg7[%parallel_loop3A_598] : memref<25951xf32, #tpu.memory_space<vmem>>[vector<16xi32>], vector<16xf32>,
        %parallel_loop3A_600 = arith.constant 62 : i32
        %parallel_loop3A_601 = arith.index_cast %parallel_loop3A_600 : i32 to index
        %parallel_loop3A_602 = arith.index_cast %parallel_loop3A_95 : i32 to index
        %parallel_loop3A_603 = tpu.vector_load %arg10[%parallel_loop3A_601, %parallel_loop3A_602] {strides = array<i32>} : memref<64x128xf32, #tpu.memory_space<vmem>>, vector<16xf32>,
        tpu.vector_store %arg10[%parallel_loop3A_601, %parallel_loop3A_602], %parallel_loop3A_599 {strides = array<i32>} : memref<64x128xf32, #tpu.memory_space<vmem>>, vector<16xf32>,
        %parallel_loop3A_604 = arith.constant 63 : i32
        %parallel_loop3A_605 = vector.broadcast %parallel_loop3A_604 : i32 to vector<16xi32>
        %parallel_loop3A_606 = arith.addi %parallel_loop3A_99, %parallel_loop3A_605 : vector<16xi32>
        %parallel_loop3A_607 = tpu.vector_load_idx %arg7[%parallel_loop3A_606] : memref<25951xf32, #tpu.memory_space<vmem>>[vector<16xi32>], vector<16xf32>,
        %parallel_loop3A_608 = arith.constant 63 : i32
        %parallel_loop3A_609 = arith.index_cast %parallel_loop3A_608 : i32 to index
        %parallel_loop3A_610 = arith.index_cast %parallel_loop3A_95 : i32 to index
        %parallel_loop3A_611 = tpu.vector_load %arg10[%parallel_loop3A_609, %parallel_loop3A_610] {strides = array<i32>} : memref<64x128xf32, #tpu.memory_space<vmem>>, vector<16xf32>,
        tpu.vector_store %arg10[%parallel_loop3A_609, %parallel_loop3A_610], %parallel_loop3A_607 {strides = array<i32>} : memref<64x128xf32, #tpu.memory_space<vmem>>, vector<16xf32>,
      } {sc.loop_unroll_factor = 4 : i64, sc.parallel_access}
      %add3A_84 = arith.constant 1 : i32
      %add3A_85 = arith.addi %mul3A_51, %add3A_84 : i32
      %dma_start3A_86 = arith.constant 0 : i32
      %dma_start3A_87 = tpu.memref_slice %arg4[%add3A_85, %dma_start3A_86, %mul3A_2] : memref<200x64x4096xf32, #tpu.memory_space<hbm>> -> memref<1x64x128xf32, #tpu.memory_space<hbm>>
      %dma_start3A_88 = tpu.memref_squeeze %dma_start3A_87 : memref<1x64x128xf32, #tpu.memory_space<hbm>> -> memref<64x128xf32, #tpu.memory_space<hbm>>
      %dma_start3A_89 = arith.constant 0 : i32
      %dma_start3A_90 = tpu.memref_slice %arg4[%add3A_85, %dma_start3A_89, %mul3A_2] : memref<200x64x4096xf32, #tpu.memory_space<hbm>> -> memref<1x64x128xf32, #tpu.memory_space<hbm>>
      %dma_start3A_91 = tpu.memref_squeeze %dma_start3A_90 : memref<1x64x128xf32, #tpu.memory_space<hbm>> -> memref<64x128xf32, #tpu.memory_space<hbm>>
      tpu.enqueue_dma source(%arg10 : memref<64x128xf32, #tpu.memory_space<vmem>>) target(%dma_start3A_91 : memref<64x128xf32, #tpu.memory_space<hbm>>) target_semaphore(%arg12 : memref<!tpu.dma_semaphore, #tpu.memory_space<semaphore_mem>>)
      %scan3A_92 = arith.constant 0 : i32
      scf.yield %scan3A_92 : i32
    }
    %scan3A_34 = arith.constant 99 : i32
    %dma_wait3A = arith.constant 0 : i32
    %dma_wait3A_35 = arith.constant 0 : i32
    %dma_wait3A_36 = tpu.memref_slice %arg4[%dma_wait3A, %dma_wait3A_35, %mul3A_2] : memref<200x64x4096xf32, #tpu.memory_space<hbm>> -> memref<1x64x128xf32, #tpu.memory_space<hbm>>
    %dma_wait3A_37 = tpu.memref_squeeze %dma_wait3A_36 : memref<1x64x128xf32, #tpu.memory_space<hbm>> -> memref<64x128xf32, #tpu.memory_space<hbm>>
    %dma_wait3A_38 = arith.constant 0 : i32
    %dma_wait3A_39 = tpu.memref_slice %arg4[%dma_wait3A, %dma_wait3A_38, %mul3A_2] : memref<200x64x4096xf32, #tpu.memory_space<hbm>> -> memref<1x64x128xf32, #tpu.memory_space<hbm>>
    %dma_wait3A_40 = tpu.memref_squeeze %dma_wait3A_39 : memref<1x64x128xf32, #tpu.memory_space<hbm>> -> memref<64x128xf32, #tpu.memory_space<hbm>>
    tpu.wait_dma2 semaphore(%arg11 : memref<!tpu.dma_semaphore, #tpu.memory_space<semaphore_mem>>) src(%arg9 : memref<64x128xf32, #tpu.memory_space<vmem>>) dst(%dma_wait3A_40 : memref<64x128xf32, #tpu.memory_space<hbm>>)
    %dma_wait3A_41 = arith.constant 1 : i32
    %dma_wait3A_42 = arith.constant 0 : i32
    %dma_wait3A_43 = tpu.memref_slice %arg4[%dma_wait3A_41, %dma_wait3A_42, %mul3A_2] : memref<200x64x4096xf32, #tpu.memory_space<hbm>> -> memref<1x64x128xf32, #tpu.memory_space<hbm>>
    %dma_wait3A_44 = tpu.memref_squeeze %dma_wait3A_43 : memref<1x64x128xf32, #tpu.memory_space<hbm>> -> memref<64x128xf32, #tpu.memory_space<hbm>>
    %dma_wait3A_45 = arith.constant 0 : i32
    %dma_wait3A_46 = tpu.memref_slice %arg4[%dma_wait3A_41, %dma_wait3A_45, %mul3A_2] : memref<200x64x4096xf32, #tpu.memory_space<hbm>> -> memref<1x64x128xf32, #tpu.memory_space<hbm>>
    %dma_wait3A_47 = tpu.memref_squeeze %dma_wait3A_46 : memref<1x64x128xf32, #tpu.memory_space<hbm>> -> memref<64x128xf32, #tpu.memory_space<hbm>>
    tpu.wait_dma2 semaphore(%arg12 : memref<!tpu.dma_semaphore, #tpu.memory_space<semaphore_mem>>) src(%arg10 : memref<64x128xf32, #tpu.memory_space<vmem>>) dst(%dma_wait3A_47 : memref<64x128xf32, #tpu.memory_space<hbm>>)
    return
  }
}

</mosaic_0001>

<sc_bundles>
// kernel: _run.3.cloned.1.call-start
scs
__scs_entry_jumppad:
0x0: {  	(pc) =	sbr.rel $0x88, $3  }
0x1: {  	(tag) =	ssettag $0x0;
	lr =	simm.s32 $0x1  }
0x2: {  	[smem:$0x3F9F] =	sst lr;
	_ =	strace $0xD0000000  }
0x3: {  	_ = 	snop  }
0x4: {  	_ = 	snop  }
0x5: {  	_ = 	snop  }
0x6: {  	_ = 	snop  }
0x7: {  	_ = 	snop  }
__scs_overlays_trampoline_lowered:
0x8: {  	[smem:$0x3FAE] =	sst s0  }
0x9: {  	[smem:$0x3FAF] =	sst s1  }
0xa: {  	[smem:$0x3FB0] =	sst s2  }
0xb: {  	[smem:$0x3FB1] =	sst s3  }
0xc: {  	[smem:$0x3FB2] =	sst s4  }
0xd: {  	[smem:$0x3FB3] =	sst s5  }
0xe: {  	[smem:$0x3FB4] =	sst s6  }
0xf: {  	[smem:$0x3FB5] =	sst s7  }
0x10: {  	[smem:$0x3FB6] =	sst s8  }
0x11: {  	[smem:$0x3FB7] =	sst s9;
	s0 =	simm.s32 @!p0 $0x0  }
0x12: {  	s1 =	sld [smem:$0x3F9D];
	s0 =	simm.s32 @p0 $0x1  }
0x13: {  	[smem:$0x3FB8] =	sst s0;
	s0 =	simm.s32 @!p1 $0x0  }
0x14: {  	s2 =	sld [smem:$0x3F9C];
	s0 =	simm.s32 @p1 $0x1  }
0x15: {  	[smem:$0x3FB9] =	sst s0;
	s0 =	simm.s32 @!p2 $0x0  }
0x16: {  	s3 =	sld [smem:$0x3FDB];
	s0 =	simm.s32 @p2 $0x1  }
0x17: {  	s4 =	simm.s32 $0x1BF5;
	[smem:$0x3FBB] =	sst s0  }
0x18: {  	s0 =	sld [smem:$0x3F9E];
	_ =	swait.ge [sflag:s4], $0x0  }
0x19: {  	s7 =	sld [smem:$0x3F9F]  }
0x1a: {  	s8 =	sadd.s32 $0xFFFFE003, lr  }
0x1b: {  	s9 =	sadd.s32 $0xFFFFFEF7, lr;
	s5 =	simm.s32 $0xFFFFFFFF;
	p2 =	slt.u32 s8, $0xFFFFF086  }
0x1c: {  	p1 =	slt.u32 s9, $0xF7A;
	s5 =	simm.s32 @!p2 $0x0  }
0x1d: {  	s5 =	simm.s32 @p1 $0x1;
	p0 =	seq.s32 s7, s2  }
0x1e: {  	s7 =	smul.u32 @!p0 $0xF7A, s2;
	p2 =	seq.s32 @!p0 s5, $0x0  }
0x1f: {  	s9 =	smul.u32 $0xF7A, s1;
	s8 =	simm.s32 @!p0 $0x1BF5;
	p2 =	por !p2, p0  }
0x20: {  	[sflag:s8] =	ssyncset.s32 @!p0 $0xFFFFF086;
	s6 =	sadd.s32 @!p0 s3, s7;
	s7 =	simm.s32 @!p0 $0x108  }
0x21: {  	s3 =	sadd.s32 s3, s9;
	s6 =	sadd.s32 @!p0 $0x88, s6;
	s7 =	simm.s32 @p2 $0x1082  }
0x22: {  	[simem:s7], [sflag:s8] =	dma.local @!p0 [hbm:s6], $0xF7A  }
0x23: {  	s9 =	sor.u32 $0xD0000000, s2;
	s6 =	simm.s32 $0x108;
	_ =	swait.ge @!p0 [sflag:s8], $0x0  }
0x24: {  	s3 =	sadd.s32 $0x88, s3;
	s6 =	simm.s32 @!p1 $0x1082;
	[sflag:s4] =	ssyncset.s32 $0xFFFFF086  }
0x25: {  	[simem:s6], [sflag:s4] =	dma.local [hbm:s3], $0xF7A  }
0x26: {  	[smem:$0x3F9F] =	sst s1;
	(tag) =	ssettag s2;
	_ =	strace s9  }
0x27: {  	s1 =	sld [smem:$0x3FAF]  }
0x28: {  	s2 =	sld [smem:$0x3FB0]  }
0x29: {  	s4 =	sld [smem:$0x3FB2]  }
0x2a: {  	p0 =	seq.s32 s5, $0x0;
	s5 =	sld [smem:$0x3FB3]  }
0x2b: {  	s6 =	sld [smem:$0x3FB4]  }
0x2c: {  	s7 =	sld [smem:$0x3FB5]  }
0x2d: {  	s3 =	simm.s32 $0x108;
	s8 =	sld [smem:$0x3FB6]  }
0x2e: {  	s3 =	simm.s32 @!p0 $0x1082;
	s9 =	sld [smem:$0x3FB7]  }
0x2f: {  	lr =	sadd.s32 s0, s3;
	s0 =	sld [smem:$0x3FAE]  }
0x30: {  	s3 =	sld [smem:$0x3FB1]  }
0x31: {  	[smem:$0x3FBA] =	sst s10  }
0x32: {  	s10 =	sld [smem:$0x3FB8];
	_ =	sdelay $0x3  }
0x33: {  	p0 =	seq.s32 s10, $0x1;
	s10 =	sld [smem:$0x3FBA];
	_ =	sdelay $0x3  }
0x34: {  	[smem:$0x3FBA] =	sst s10  }
0x35: {  	s10 =	sld [smem:$0x3FB9];
	_ =	sdelay $0x3  }
0x36: {  	p1 =	seq.s32 s10, $0x1;
	s10 =	sld [smem:$0x3FBA];
	_ =	sdelay $0x3  }
0x37: {  	[smem:$0x3FBA] =	sst s10  }
0x38: {  	s10 =	sld [smem:$0x3FBB]  }
0x39: {  	_ = 	snop;
	(pc) =	sbr.ind lr, $3  }
0x3a: {  	_ = 	snop  }
0x3b: {  	_ = 	snop  }
0x3c: {  	p2 =	seq.s32 s10, $0x1;
	s10 =	sld [smem:$0x3FBA]  }
0x3d: {  	_ =	shalt  }
0x3e: {  	_ =	shalt  }
0x3f: {  	_ =	shalt  }
0x40: {  	_ =	shalt  }
0x41: {  	_ =	shalt  }
0x42: {  	_ =	shalt  }
0x43: {  	_ =	shalt  }
0x44: {  	_ =	shalt  }
0x45: {  	_ =	shalt  }
0x46: {  	_ =	shalt  }
0x47: {  	_ =	shalt  }
0x48: {  	_ =	shalt  }
0x49: {  	_ =	shalt  }
0x4a: {  	_ =	shalt  }
0x4b: {  	_ =	shalt  }
0x4c: {  	_ =	shalt  }
0x4d: {  	_ =	shalt  }
0x4e: {  	_ =	shalt  }
0x4f: {  	_ =	shalt  }
0x50: {  	_ =	shalt  }
0x51: {  	_ =	shalt  }
0x52: {  	_ =	shalt  }
0x53: {  	_ =	shalt  }
0x54: {  	_ =	shalt  }
0x55: {  	_ =	shalt  }
0x56: {  	_ =	shalt  }
0x57: {  	_ =	shalt  }
0x58: {  	_ =	shalt  }
0x59: {  	_ =	shalt  }
0x5a: {  	_ =	shalt  }
0x5b: {  	_ =	shalt  }
0x5c: {  	_ =	shalt  }
0x5d: {  	_ =	shalt  }
0x5e: {  	_ =	shalt  }
0x5f: {  	_ =	shalt  }
0x60: {  	_ =	shalt  }
0x61: {  	_ =	shalt  }
0x62: {  	_ =	shalt  }
0x63: {  	_ =	shalt  }
0x64: {  	_ =	shalt  }
0x65: {  	_ =	shalt  }
0x66: {  	_ =	shalt  }
0x67: {  	_ =	shalt  }
0x68: {  	_ =	shalt  }
0x69: {  	_ =	shalt  }
0x6a: {  	_ =	shalt  }
0x6b: {  	_ =	shalt  }
0x6c: {  	_ =	shalt  }
0x6d: {  	_ =	shalt  }
0x6e: {  	_ =	shalt  }
0x6f: {  	_ =	shalt  }
0x70: {  	_ =	shalt  }
0x71: {  	_ =	shalt  }
0x72: {  	_ =	shalt  }
0x73: {  	_ =	shalt  }
0x74: {  	_ =	shalt  }
0x75: {  	_ =	shalt  }
0x76: {  	_ =	shalt  }
0x77: {  	_ =	shalt  }
0x78: {  	_ =	shalt  }
0x79: {  	_ =	shalt  }
0x7a: {  	_ =	shalt  }
0x7b: {  	_ =	shalt  }
0x7c: {  	_ =	shalt  }
0x7d: {  	_ =	shalt  }
0x7e: {  	_ =	shalt  }
0x7f: {  	_ =	shalt  }
0x80: {  	_ =	shalt  }
0x81: {  	_ =	shalt  }
0x82: {  	_ =	shalt  }
0x83: {  	_ =	shalt  }
0x84: {  	_ =	shalt  }
0x85: {  	_ =	shalt  }
0x86: {  	_ =	shalt  }
0x87: {  	_ =	shalt  }
.Lfunc_end0:
.L_simem_size_0:
called_computation_lowered:
.L_overlay_start_0:
0x88: {  	s2 =	sld [smem:$0x3FD9]  }
0x89: {  	s3 =	sld [smem:$0x3FFE];
	_ =	sdelay $0x1  }
0x8a: {  	s1 =	srdreg.scid  }
0x8b: {  	s0 =	sand.u32 $0x1, s1  }
0x8c: {  	s18 =	sshll.u32 s0, $0xA;
	s2 =	sadd.s32 s3, s2  }
0x8d: {  	s2 =	sadd.s32 s2, s18  }
0x8e: {  	[smem:$0x3FC6] =	sst s2  }
0x8f: {  	_ = 	snop  }
0x90: {  	s2 =	sld [smem:$0x3FC9]  }
0x91: {  	s19 =	sld [smem:$0x3FC8]  }
0x92: {  	s4 =	sld [smem:$0x3FD0];
	(tm) =	ssettm $0x1  }
0x93: {  	s5 =	sld [smem:$0x3FFB];
	_ =	sdelay $0x3  }
0x94: {  	_ =	strace s5  }
0x95: {  	s5 =	sld [smem:$0x3FFC];
	_ =	sdelay $0x3  }
0x96: {  	_ =	strace s5  }
0x97: {  	s5 =	sld [smem:$0x3FFD];
	_ =	sdelay $0x3  }
0x98: {  	_ =	strace s5  }
0x99: {  	_ =	strace $0x8FFFFFFF  }
0x9a: {  	s20 =	sld [smem:$0x3FDB];
	_ =	sdelay $0x1  }
0x9b: {  	s6 =	simm.s32 $_scs_section_size  }
0x9c: {  	s7 =	simm.s32 $_size__tile_overlayer_lowered;
	s8 =	simm.s32 $_tile_overlayer_lowered  }
0x9d: {  	s23 =	simm.s32 $0x1BFF;
	s22 =	sshll.u32 s8, $0x1;
	s5 =	sadd.s32 s6, s20  }
0x9e: {  	s9 =	simm.s32 $0x0;
	s21 =	sshll.u32 s7, $0x1;
	s7 =	sadd.s32 s22, s5  }
0x9f: {  	[timem:s9], [sflag:s23] =	dma.local [hbm:s7], s21  }
0xa0: {  	_ =	swait.ge [sflag:s23], s21  }
0xa1: {  	s6 =	ssub.s32 $0x0, s21;
	[sflag:s23] =	ssyncset.done $0x0  }
0xa2: {  	[sflag:s23] =	ssyncadd.s32 s6;
	_ =	sdelay $0x1  }
0xa3: {  	s24 =	simm.s32 $0x1B8B  }
0xa4: {  	_ =	swait.ge [sflag:s24], $0x1  }
0xa5: {  	[sflag:s24] =	ssyncset.done $0x0  }
0xa6: {  	s25 =	simm.s32 $0x1B8E;
	[sflag:s24] =	ssyncadd.s32 $0xFFFFFFFF  }
0xa7: {  	s26 =	simm.s32 $execute0_lowered;
	[smem:$0x3FD2] =	sst s25  }
0xa8: {  	s6 =	sshll.u32 s26, $0x1;
	_ =	strace $0x80000046;
	[dreg:$0x1] =	wrdreg $0xFFFFFFFF  }
0xa9: {  	s28 =	simm.s32 $_size_execute0_lowered;
	s5 =	sadd.s32 s5, s6;
	[dreg:$0x0] =	wrdreg $0x0  }
0xaa: {  	s6 =	sshll.u32 s28, $0x1;
	[dreg:$0x2] =	wrdreg s5  }
0xab: {  	[dreg:$0x3] =	wrdreg s6  }
0xac: {  	[dreg:$0x4] =	wrdreg $0xC0  }
0xad: {  	_ =	task [dreg:s9], $0x5FFFF  }
0xae: {  	[dreg:$0x1] =	wrdreg $0xFFFFFFFF  }
0xaf: {  	[dreg:$0x0] =	wrdreg $0x60  }
0xb0: {  	[dreg:$0x2] =	wrdreg s2  }
0xb1: {  	[dreg:$0x3] =	wrdreg s19  }
0xb2: {  	[dreg:$0x4] =	wrdreg s4  }
0xb3: {  	[dreg:$0x5] =	wrdreg $0x9  }
0xb4: {  	_ =	task.clear_ibuf [dreg:s9], $0x6FFFF;
	_ =	strace $0x90000046  }
0xb5: {  	s29 =	simm.s32 $0x9;
	_ =	strace $0x80000048  }
0xb6: {  	_ =	swait.ge [sflag:s29], $0x1  }
0xb7: {  	[sflag:s29] =	ssyncadd.s32 $0xFFFFFFFF  }
0xb8: {  	_ =	strace $0x90000048  }
0xb9: {  	_ =	sfence  }
0xba: {  	s30 =	sld [smem:$0x0];
	_ =	sdelay $0x2  }
0xbb: {  	s31 =	sshll.u32 s1, $0xD;
	s1 =	sshrl.u32 s1, $0x2  }
0xbc: {  	s3 =	sand.u32 $0x4000, s31;
	s1 =	sadd.s32 s1, s30  }
0xbd: {  	s0 =	sor.u32 s3, s0;
	s1 =	sshll.u32 s1, $0x11  }
0xbe: {  	s0 =	sor.u32 s1, s0  }
0xbf: {  	s0 =	sadd.s32 $0x8F2B, s0  }
0xc0: {  	[sflag:s0] =	ssyncadd.remote.s32 $0x1  }
0xc1: {  	_ =	sfence.sel $0xFFFF  }
0xc2: {  	[dreg:$0x0] =	wrdreg $0xFFFFFFFF;
	(pc) =	sbr.abs _section_cstart, $3  }
0xc3: {  	[dreg:$0x1] =	wrdreg $0xFFFFFFFF  }
0xc4: {  	_ =	task.clear_ibuf [dreg:s9], $0x2FFFF;
	_ =	strace $0x9FFFFFFF  }
0xc5: {  	(tm) =	ssettm $0x7FFFFFFF  }
tec
execute0_lowered:
.L_overlay_start_1:
0x0: {  	(tag) =	ssettag $0x1  }
0x1: {  	s5 =	rddreg [dreg:$0x0]  }
0x2: {  	s2 =	rddreg [dreg:$0x1]  }
0x3: {  	s3 =	rddreg [dreg:$0x2];
	s4 =	srdreg.scid  }
0x4: {  	s0 =	stileid.u32;
	s11 =	simm.s32 $0x6400;
	s12 =	simm.s32 $0x7D80  }
0x5: {  	s13 =	simm.s32 $0x400;
	s14 =	simm.s32 $0x8000;
	s15 =	simm.s32 $0xE380  }
0x6: {  	s16 =	simm.s32 $0x10380;
	s17 =	simm.s32 $0x1;
	s18 =	simm.s32 $0x2  }
0x7: {  	s19 =	simm.s32 $0x0;
	s6 =	sand.u32 $0x1, s4;
	s7 =	sshll.u32 s0, $0x1  }
0x8: {  	s4 =	simm.s32 $0x0;
	s8 =	ssub.s32 $0x2, s6;
	s6 =	sor.u32 s6, s7  }
0x9: {  	[smem:$0x7FF] =	sst s4;
	s30 =	sshrl.u32 s8, $0x1;
	s9 =	smul.u32 $0xC80, s6  }
0xa: {  	v0 =	vlaneseq.u32;
	_ =	strace $0x80000047;
	s31 =	sshll.u32 s6, $0x7;
	s6 =	sshll.u32 s6, $0xA  }
0xb: {  	v6 =	vimm.s32 $0x0;
	v1 =	vadd.s32 $0x650E, v0;
	v2 =	vadd.s32 $0x651E, v0;
	s10 =	ssub.s32 s8, s30;
	s7 =	sadd.s32 s3, s31;
	s5 =	sadd.s32 s5, s9  }
0xc: {  	v3 =	vadd.s32 $0x652E, v0;
	v4 =	vadd.s32 $0x653E, v0;
	v5 =	vmul.u32 $0xC8, v0;
	s8 =	sadd.s32 $0x8000, s7;
	s9 =	smax.u32 s10, $0x1;
	s10 =	simm.s32 $0x3  }
.LBB2_1:
0xd: {  	[tilespmem:s4], [sflag:$0x3] =	stream.linear.gather [hbm4b:s5+s4], $0x6400, $0x38;
	[tilespmem:$0x12380] =	vst v63  }
0xe: {  	_ =	swait.ge [sflag:s10], $0x6400  }
0xf: {  	[sflag:s10] =	ssyncset.done $0x0  }
0x10: {  	s20 =	simm.s32 $0x0;
	[sflag:s10] =	ssyncadd.s32 $0xFFFF9C00  }
0x11: {  	[tilespmem:s11], [sflag:$0x3] =	stream.linear.gather [hbm4b:s2+s4], $0x1980, $0x38;
	[tilespmem:$0x12380] =	vst v63  }
0x12: {  	s22 =	simm.s32 $0x41;
	s21 =	smax.u32 s20, $0x94;
	_ =	swait.ge [sflag:s10], $0x1980  }
0x13: {  	s20 =	smax.u32 s20, $0x95;
	s21 =	smin.u32 s21, $0xF8;
	[sflag:s10] =	ssyncset.done $0x0  }
0x14: {  	s20 =	smin.u32 s20, $0xF9;
	s29 =	sshll.u32 s21, $0x6;
	[sflag:s10] =	ssyncadd.s32 $0xFFFFE680  }
0x15: {  	s24 =	simm.s32 $0x0;
	v8 =	vadd.s32 s22, v0;
	s28 =	sshll.u32 s20, $0x6;
	v7 =	vld [tilespmem:s29+$0x3F00]  }
0x16: {  	s25 =	simm.s32 $0x2;
	v10 =	vadd.s32 s24, v0;
	v9 =	vld [tilespmem:s28+$0x3EC0]  }
0x17: {  	s26 =	smax.u32 s25, $0x94  }
0x18: {  	s21 =	smin.u32 s26, $0xF8  }
0x19: {  	s22 =	simm.s32 $0xC3;
	s21 =	sshll.u32 s21, $0x6  }
0x1a: {  	s30 =	simm.s32 $0x51;
	v12 =	vadd.s32 s22, v0;
	s20 =	smax.u32 s25, $0x95;
	v11 =	vld [tilespmem:s21+$0x3F00];
	[tilespmem:v8+s12+$0x0] =	vst.idx.msk $0xffff, v7  }
0x1b: {  	s23 =	simm.s32 $0x10;
	s20 =	smin.u32 s20, $0xF9;
	[tilespmem:v10+s12+$0x0] =	vst.idx.msk $0xffff, v9;
	v8 =	vadd.s32 s30, v0;
	v7 =	vld [tilespmem:s29+$0x3F10]  }
0x1c: {  	s31 =	simm.s32 $0x82;
	s20 =	sshll.u32 s20, $0x6;
	v9 =	vadd.s32 s23, v0;
	v10 =	vld [tilespmem:s28+$0x3ED0]  }
0x1d: {  	v14 =	vadd.s32 s31, v0;
	v13 =	vld [tilespmem:s20+$0x3EC0];
	_ =	sdelay $0x1  }
0x1e: {  	[tilespmem:v12+s12+$0x0] =	vst.idx.msk $0xffff, v11  }
0x1f: {  	s0 =	simm.s32 $0x61;
	s24 =	simm.s32 $0x20;
	s25 =	simm.s32 $0x4;
	v22 =	vld [tilespmem:s21+$0x3F10];
	[tilespmem:v8+s12+$0x0] =	vst.idx.msk $0xffff, v7  }
0x20: {  	v15 =	vadd.s32 s0, v0;
	v16 =	vadd.s32 s24, v0;
	s24 =	simm.s32 $0x92;
	s0 =	smax.u32 s25, $0x95;
	[tilespmem:v9+s12+$0x0] =	vst.idx.msk $0xffff, v10;
	v10 =	vld [tilespmem:s29+$0x3F20]  }
0x21: {  	s1 =	smax.u32 s25, $0x94;
	s0 =	smin.u32 s0, $0xF9;
	s30 =	simm.s32 $0xD3;
	[tilespmem:v14+s12+$0x0] =	vst.idx.msk $0xffff, v13;
	v12 =	vld [tilespmem:s28+$0x3EE0]  }
0x22: {  	s26 =	simm.s32 $0x30;
	s23 =	smin.u32 s1, $0xF8;
	v11 =	vadd.s32 s24, v0;
	s24 =	sshll.u32 s0, $0x6;
	v23 =	vadd.s32 s30, v0;
	v14 =	vld [tilespmem:s20+$0x3ED0]  }
0x23: {  	s23 =	sshll.u32 s23, $0x6;
	v18 =	vld [tilespmem:s24+$0x3EC0];
	v7 =	vadd.s32 s26, v0;
	s26 =	simm.s32 $0x145  }
0x24: {  	s31 =	simm.s32 $0xA2;
	s0 =	simm.s32 $0x104;
	s1 =	simm.s32 $0x114;
	v17 =	vld [tilespmem:s23+$0x3F00];
	v20 =	vadd.s32 s26, v0  }
0x25: {  	s30 =	simm.s32 $0xB2;
	v19 =	vadd.s32 s0, v0;
	v21 =	vadd.s32 s1, v0;
	s1 =	simm.s32 $0x71;
	v9 =	vadd.s32 s31, v0;
	[tilespmem:v15+s12+$0x0] =	vst.idx.msk $0xffff, v10  }
0x26: {  	s0 =	simm.s32 $0x134;
	v8 =	vadd.s32 s30, v0;
	s31 =	simm.s32 $0x124;
	[tilespmem:v16+s12+$0x0] =	vst.idx.msk $0xffff, v12;
	v15 =	vadd.s32 s1, v0;
	v13 =	vld [tilespmem:s29+$0x3F30]  }
0x27: {  	[tilespmem:v23+s12+$0x0] =	vst.idx.msk $0xffff, v22;
	v10 =	vadd.s32 s31, v0;
	v12 =	vadd.s32 s0, v0;
	s29 =	simm.s32 $0xE3;
	v16 =	vld [tilespmem:s28+$0x3EF0];
	s28 =	simm.s32 $0x145  }
.LBB2_2:
0x28: {  	s25 =	sadd.s32 $0x2, s25;
	[tilespmem:v11+s12+$0x0] =	vst.idx.msk $0xffff, v14;
	v22 =	vld [tilespmem:s21+$0x3F20];
	v23 =	vadd.s32 s29, v0;
	v11 =	vmov v21;
	s30 =	sadd.s32 $0x10, s26  }
0x29: {  	s26 =	sadd.s32 $0x82, s26;
	s0 =	smax.u32 s25, $0x95;
	s29 =	smax.u32 s25, $0x94;
	[tilespmem:v20+s12+$0x0] =	vst.idx.msk $0xffff, v17;
	v24 =	vld [tilespmem:s20+$0x3EE0]  }
0x2a: {  	p0 =	slt.u32 s25, $0x18C;
	v26 =	vadd.s32 s30, v0;
	s0 =	smin.u32 s0, $0xF9;
	s29 =	smin.u32 s29, $0xF8;
	[tilespmem:v19+s12+$0x0] =	vst.idx.msk $0xffff, v18;
	v25 =	vld [tilespmem:s23+$0x3F10]  }
.Ltmp0:
0x2b: {  	s0 =	sshll.u32 s0, $0x6;
	s29 =	sshll.u32 s29, $0x6;
	v14 =	vld [tilespmem:s24+$0x3ED0];
	[tilespmem:v15+s12+$0x0] =	vst.idx.msk $0xffff, v13;
	(pc) =	sbr.rel @p0 .LBB2_2-.Ltmp0, $4  }
0x2c: {  	s30 =	sadd.s32 $0xFFFFFFBF, s26;
	s31 =	sadd.s32 $0xFFFFFFCF, s26;
	s1 =	sadd.s32 $0xFFFFFFDF, s26;
	v20 =	vadd.s32 s26, v0;
	v17 =	vld [tilespmem:s29+$0x3F00];
	[tilespmem:v7+s12+$0x0] =	vst.idx.msk $0xffff, v16;
	v7 =	vmov v8;
	v8 =	vmov v12  }
0x2d: {  	v19 =	vadd.s32 s30, v0;
	v21 =	vadd.s32 s31, v0;
	s30 =	sadd.s32 $0xFFFFFFEF, s26;
	s31 =	sadd.s32 $0x30, s22;
	s22 =	smov.u32 s28;
	v18 =	vld [tilespmem:s0+$0x3EC0];
	[tilespmem:v23+s12+$0x0] =	vst.idx.msk $0xffff, v22  }
0x2e: {  	s28 =	smov.u32 s26;
	v15 =	vadd.s32 s31, v0;
	[tilespmem:v9+s12+$0x0] =	vst.idx.msk $0xffff, v24;
	v13 =	vld [tilespmem:s21+$0x3F30];
	v9 =	vmov v10;
	v10 =	vadd.s32 s1, v0;
	s21 =	smov.u32 s23;
	s23 =	smov.u32 s29  }
0x2f: {  	v12 =	vadd.s32 s30, v0;
	s29 =	sadd.s32 $0x20, s22;
	[tilespmem:v26+s12+$0x0] =	vst.idx.msk $0xffff, v25;
	v16 =	vld [tilespmem:s20+$0x3EF0];
	s20 =	smov.u32 s24;
	s24 =	smov.u32 s0  }
0x30: {  	_ =	sdelay $0x3  }
0x31: {  	s0 =	sadd.s32 $0x10, s26;
	[tilespmem:v20+s12+$0x0] =	vst.idx.msk $0xffff, v17  }
0x32: {  	v53 =	vadd.s32 s0, v0;
	[tilespmem:v19+s12+$0x0] =	vst.idx.msk $0xffff, v18;
	v17 =	vld [tilespmem:s23+$0x3F10]  }
0x33: {  	v19 =	vld [tilespmem:s24+$0x3ED0];
	_ =	sdelay $0x2  }
0x34: {  	[tilespmem:v11+s12+$0x0] =	vst.idx.msk $0xffff, v14;
	v54 =	vld [tilespmem:s21+$0x3F20];
	v55 =	vadd.s32 s29, v0  }
0x35: {  	s29 =	sadd.s32 $0x20, s28;
	v56 =	vld [tilespmem:s20+$0x3EE0];
	[tilespmem:v53+s12+$0x0] =	vst.idx.msk $0xffff, v17  }
0x36: {  	v57 =	vadd.s32 s29, v0;
	[tilespmem:v21+s12+$0x0] =	vst.idx.msk $0xffff, v19;
	v17 =	vld [tilespmem:s23+$0x3F20]  }
0x37: {  	v19 =	vld [tilespmem:s24+$0x3EE0];
	_ =	sdelay $0x1  }
0x38: {  	s30 =	sadd.s32 $0x30, s22;
	[tilespmem:v55+s12+$0x0] =	vst.idx.msk $0xffff, v54  }
0x39: {  	v59 =	vadd.s32 s30, v0;
	[tilespmem:v9+s12+$0x0] =	vst.idx.msk $0xffff, v56;
	v58 =	vld [tilespmem:s21+$0x3F30]  }
0x3a: {  	s31 =	sadd.s32 $0x30, s28;
	v60 =	vld [tilespmem:s20+$0x3EF0];
	[tilespmem:v57+s12+$0x0] =	vst.idx.msk $0xffff, v17  }
0x3b: {  	v62 =	vadd.s32 s31, v0;
	[tilespmem:v10+s12+$0x0] =	vst.idx.msk $0xffff, v19;
	v61 =	vld [tilespmem:s23+$0x3F30]  }
0x3c: {  	[tilespmem:v15+s12+$0x0] =	vst.idx.msk $0xffff, v13;
	v63 =	vld [tilespmem:s24+$0x3EF0]  }
0x3d: {  	[tilespmem:v7+s12+$0x0] =	vst.idx.msk $0xffff, v16  }
0x3e: {  	[tilespmem:v59+s12+$0x0] =	vst.idx.msk $0xffff, v58  }
0x3f: {  	[tilespmem:v8+s12+$0x0] =	vst.idx.msk $0xffff, v60  }
0x40: {  	[tilespmem:v62+s12+$0x0] =	vst.idx.msk $0xffff, v61  }
0x41: {  	[tilespmem:v12+s12+$0x0] =	vst.idx.msk $0xffff, v63  }
0x42: {  	v7 =	vld [tilespmem:$0x7D00];
	_ =	sdelay $0x4  }
0x43: {  	[tilespmem:v1+s12+$0x0] =	vst.idx.msk $0xffff, v7  }
0x44: {  	v7 =	vld [tilespmem:$0x7D10];
	_ =	sdelay $0x4  }
0x45: {  	[tilespmem:v2+s12+$0x0] =	vst.idx.msk $0xffff, v7  }
0x46: {  	v7 =	vld [tilespmem:$0x7D20];
	_ =	sdelay $0x4  }
0x47: {  	[tilespmem:v3+s12+$0x0] =	vst.idx.msk $0xffff, v7  }
0x48: {  	v7 =	vld [tilespmem:$0x7D30];
	_ =	sdelay $0x4  }
0x49: {  	s22 =	simm.s32 $0x0;
	s21 =	simm.s32 $0x0;
	[tilespmem:v4+s12+$0x0] =	vst.idx.msk $0xffff, v7  }
.LBB2_4:
0x4a: {  	s23 =	sshll.u32 s22, $0x4  }
0x4b: {  	v7 =	vmov s23  }
0x4c: {  	v7 =	vmul.u32 $0xC8, v7;
	_ =	sdelay $0x1  }
0x4d: {  	v8 =	vadd.s32 s21, v7  }
0x4e: {  	v8 =	vbroadcast v8, $0x0;
	_ =	sdelay $0x1  }
0x4f: {  	v8 =	vadd.s32 v5, v8  }
0x50: {  	s20 =	simm.s32 $0x1  }
0x51: {  	v9 =	vadd.s32 s20, v7  }
0x52: {  	v9 =	vbroadcast v9, $0x0;
	_ =	sdelay $0x1  }
0x53: {  	v11 =	vadd.s32 v5, v9;
	v8 =	vld.idx.msk [tilespmem:v8+s4+$0x0], $0xffff  }
0x54: {  	v10 =	vimm.f32 $0.0e+00;
	s25 =	simm.s32 $0x2;
	s24 =	simm.s32 $0x0;
	v9 =	vimm.f32 $0.0e+00  }
.LBB2_5:
0x55: {  	p0 =	sne.s32 s25, $0xC7;
	s0 =	scvt.s32.f32 s24;
	s24 =	smov.u32 s20  }
.Ltmp1:
0x56: {  	v12 =	vadd.s32 s25, v7;
	s20 =	smov.u32 s25;
	s25 =	sadd.s32 $0x1, s25;
	(pc) =	sbr.rel @p0 .LBB2_5-.Ltmp1, $4  }
0x57: {  	v12 =	vbroadcast v12, $0x0  }
0x58: {  	v13 =	vmul.f32 s0, v8;
	v10 =	vadd.f32 v8, v10;
	v8 =	vld.idx.msk [tilespmem:v11+s4+$0x0], $0xffff  }
0x59: {  	v11 =	vadd.s32 v5, v12  }
0x5a: {  	v9 =	vadd.f32 v13, v9  }
0x5b: {  	_ =	sdelay $0x3  }
0x5c: {  	v7 =	vld.idx.msk [tilespmem:v11+s4+$0x0], $0xffff;
	_ =	sdelay $0x2  }
0x5d: {  	v10 =	vadd.f32 v8, v10;
	_ =	sdelay $0x1  }
0x5e: {  	v10 =	vadd.f32 v7, v10;
	_ =	sdelay $0x1  }
0x5f: {  	v10 =	vmax.f32 v10, $1.000000000e+00  }
0x60: {  	(erf) = vrcp.f32 v10;
	_ =	sdelay $0x1  }
0x61: {  	s0 =	scvt.s32.f32 s24  }
0x62: {  	s31 =	scvt.s32.f32 s20  }
0x63: {  	v8 =	vmul.f32 s0, v8  }
0x64: {  	v7 =	vmul.f32 s31, v7  }
0x65: {  	v8 =	vadd.f32 v8, v9;
	_ =	sdelay $0x1  }
0x66: {  	v8 =	vadd.f32 v7, v8  }
0x67: {  	v7 =	vpop (erf)  }
0x68: {  	v7 =	vmul.f32 v7, v8;
	_ =	sdelay $0x1  }
0x69: {  	v7 =	vtrunc.f32 v7  }
0x6a: {  	v9 =	vcvt.f32.s32 v7;
	_ =	sdelay $0x1  }
0x6b: {  	v7 =	vcvt.s32.f32 v9  }
0x6c: {  	s20 =	sor.u32 $0x10, s23  }
0x6d: {  	v11 =	vmul.f32 v7, v10;
	v7 =	vmov s20  }
0x6e: {  	v7 =	vmul.u32 $0xC8, v7  }
0x6f: {  	s24 =	simm.s32 $0x0;
	v8 =	vsub.f32 v8, v11  }
0x70: {  	v11 =	vadd.s32 s24, v7  }
0x71: {  	vm0 =	vge.f32 v8, v10;
	v10 =	vbroadcast v11, $0x0  }
0x72: {  	v11 =	vsel vm0, $0xFFFFFFFF, v6  }
0x73: {  	vm15 =	vlt.f32 v8, $0.0e+00;
	v9 =	vsub.s32 v11, v9;
	v11 =	vadd.s32 v5, v10  }
0x74: {  	s25 =	simm.s32 $0x1;
	v8 =	vsel vm15, $0x1, v6  }
0x75: {  	v8 =	vadd.s32 v8, v9;
	v9 =	vadd.s32 s25, v7  }
0x76: {  	v8 =	vadd.s32 $0xC7, v8;
	v12 =	vbroadcast v9, $0x0  }
0x77: {  	v8 =	vmul.u32 $0x41, v8  }
0x78: {  	v9 =	vld.idx.msk [tilespmem:v11+s4+$0x0], $0xffff;
	v11 =	vadd.s32 v5, v12  }
0x79: {  	v10 =	vimm.f32 $0.0e+00;
	[tilespmem:s23+$0xE300] =	vst v8;
	s23 =	simm.s32 $0x2;
	v8 =	vimm.f32 $0.0e+00  }
.LBB2_7:
0x7a: {  	p0 =	sne.s32 s23, $0xC7;
	s0 =	scvt.s32.f32 s24;
	s24 =	smov.u32 s25  }
.Ltmp2:
0x7b: {  	v12 =	vadd.s32 s23, v7;
	s25 =	smov.u32 s23;
	s23 =	sadd.s32 $0x1, s23;
	(pc) =	sbr.rel @p0 .LBB2_7-.Ltmp2, $4  }
0x7c: {  	v12 =	vbroadcast v12, $0x0  }
0x7d: {  	v13 =	vmul.f32 s0, v9;
	v10 =	vadd.f32 v9, v10;
	v9 =	vld.idx.msk [tilespmem:v11+s4+$0x0], $0xffff  }
0x7e: {  	v11 =	vadd.s32 v5, v12  }
0x7f: {  	v8 =	vadd.f32 v13, v8  }
0x80: {  	_ =	sdelay $0x3  }
0x81: {  	v7 =	vld.idx.msk [tilespmem:v11+s4+$0x0], $0xffff;
	_ =	sdelay $0x2  }
0x82: {  	v10 =	vadd.f32 v9, v10;
	_ =	sdelay $0x1  }
0x83: {  	v10 =	vadd.f32 v7, v10;
	_ =	sdelay $0x1  }
0x84: {  	v10 =	vmax.f32 v10, $1.000000000e+00  }
0x85: {  	(erf) = vrcp.f32 v10  }
0x86: {  	s0 =	scvt.s32.f32 s24;
	_ =	sdelay $0x1  }
0x87: {  	v61 =	vmul.f32 s0, v9  }
0x88: {  	s30 =	scvt.s32.f32 s25  }
0x89: {  	v8 =	vadd.f32 v61, v8  }
0x8a: {  	v7 =	vmul.f32 s30, v7;
	_ =	sdelay $0x1  }
0x8b: {  	v7 =	vadd.f32 v7, v8  }
0x8c: {  	v8 =	vpop (erf)  }
0x8d: {  	v8 =	vmul.f32 v8, v7;
	_ =	sdelay $0x1  }
0x8e: {  	v8 =	vtrunc.f32 v8  }
0x8f: {  	v8 =	vcvt.f32.s32 v8;
	_ =	sdelay $0x1  }
0x90: {  	v62 =	vcvt.s32.f32 v8;
	_ =	sdelay $0x1  }
0x91: {  	v9 =	vmul.f32 v62, v10;
	_ =	sdelay $0x1  }
0x92: {  	v7 =	vsub.f32 v7, v9;
	_ =	sdelay $0x1  }
0x93: {  	vm0 =	vge.f32 v7, v10  }
0x94: {  	vm15 =	vlt.f32 v7, $0.0e+00;
	v63 =	vsel vm0, $0xFFFFFFFF, v6  }
0x95: {  	p1 =	slt.u32 s22, $0x6;
	v7 =	vsel vm15, $0x1, v6;
	v8 =	vsub.s32 v63, v8  }
.Ltmp3:
0x96: {  	v7 =	vadd.s32 v7, v8;
	(pc) =	sbr.rel @p1 .LBB2_4-.Ltmp3, $4  }
0x97: {  	v7 =	vadd.s32 $0xC7, v7  }
0x98: {  	v7 =	vmul.u32 $0x41, v7  }
0x99: {  	s31 =	sadd.s32 $0x2, s22  }
0x9a: {  	p0 =	por $0x1, $0x1;
	s22 =	smov.u32 s31;
	[tilespmem:s20+$0xE300] =	vst v7;
	s20 =	simm.s32 $0x0  }
.LBB2_9:
0x9b: {  	v7 =	vld [tilespmem:s20+$0xE300];
	_ =	sdelay $0x7  }
0x9c: {  	v8 =	vld.idx.msk [tilespmem:v7+s12+$0x0], $0xffff  }
0x9d: {  	v9 =	vadd.s32 $0x1, v7;
	_ =	sdelay $0x3  }
0x9e: {  	[tilespmem:s20+$0xE380] =	vst v8  }
0x9f: {  	v8 =	vld.idx.msk [tilespmem:v9+s12+$0x0], $0xffff  }
0xa0: {  	v34 =	vadd.s32 $0x2, v7;
	_ =	sdelay $0x3  }
0xa1: {  	[tilespmem:s20+$0xE400] =	vst v8  }
0xa2: {  	v8 =	vld.idx.msk [tilespmem:v34+s12+$0x0], $0xffff  }
0xa3: {  	v35 =	vadd.s32 $0x3, v7;
	_ =	sdelay $0x3  }
0xa4: {  	[tilespmem:s20+$0xE480] =	vst v8  }
0xa5: {  	v8 =	vld.idx.msk [tilespmem:v35+s12+$0x0], $0xffff  }
0xa6: {  	v36 =	vadd.s32 $0x4, v7;
	_ =	sdelay $0x3  }
0xa7: {  	[tilespmem:s20+$0xE500] =	vst v8  }
0xa8: {  	v8 =	vld.idx.msk [tilespmem:v36+s12+$0x0], $0xffff  }
0xa9: {  	v37 =	vadd.s32 $0x5, v7;
	_ =	sdelay $0x3  }
0xaa: {  	[tilespmem:s20+$0xE580] =	vst v8  }
0xab: {  	v8 =	vld.idx.msk [tilespmem:v37+s12+$0x0], $0xffff  }
0xac: {  	v38 =	vadd.s32 $0x6, v7;
	_ =	sdelay $0x3  }
0xad: {  	[tilespmem:s20+$0xE600] =	vst v8  }
0xae: {  	v8 =	vld.idx.msk [tilespmem:v38+s12+$0x0], $0xffff  }
0xaf: {  	v39 =	vadd.s32 $0x7, v7;
	_ =	sdelay $0x3  }
0xb0: {  	[tilespmem:s20+$0xE680] =	vst v8  }
0xb1: {  	v8 =	vld.idx.msk [tilespmem:v39+s12+$0x0], $0xffff;
	_ =	sdelay $0x4  }
0xb2: {  	[tilespmem:s20+$0xE700] =	vst v8  }
0xb3: {  	v10 =	vld [tilespmem:s20+$0xE310]  }
0xb4: {  	v9 =	vld [tilespmem:s20+$0xE320]  }
0xb5: {  	v8 =	vld [tilespmem:s20+$0xE330];
	_ =	sdelay $0x5  }
0xb6: {  	v11 =	vld.idx.msk [tilespmem:v10+s12+$0x0], $0xffff  }
0xb7: {  	v12 =	vadd.s32 $0x1, v10;
	v13 =	vld.idx.msk [tilespmem:v9+s12+$0x0], $0xffff  }
0xb8: {  	v14 =	vadd.s32 $0x1, v9;
	v15 =	vld.idx.msk [tilespmem:v8+s12+$0x0], $0xffff  }
0xb9: {  	v16 =	vadd.s32 $0x1, v8;
	_ =	sdelay $0x1  }
0xba: {  	[tilespmem:s20+$0xE390] =	vst v11  }
0xbb: {  	[tilespmem:s20+$0xE3A0] =	vst v13;
	v11 =	vld.idx.msk [tilespmem:v12+s12+$0x0], $0xffff  }
0xbc: {  	v40 =	vadd.s32 $0x2, v10;
	[tilespmem:s20+$0xE3B0] =	vst v15;
	v13 =	vld.idx.msk [tilespmem:v14+s12+$0x0], $0xffff  }
0xbd: {  	v41 =	vadd.s32 $0x2, v9;
	v15 =	vld.idx.msk [tilespmem:v16+s12+$0x0], $0xffff  }
0xbe: {  	v42 =	vadd.s32 $0x2, v8;
	_ =	sdelay $0x1  }
0xbf: {  	[tilespmem:s20+$0xE410] =	vst v11  }
0xc0: {  	[tilespmem:s20+$0xE420] =	vst v13;
	v11 =	vld.idx.msk [tilespmem:v40+s12+$0x0], $0xffff  }
0xc1: {  	v43 =	vadd.s32 $0x3, v10;
	[tilespmem:s20+$0xE430] =	vst v15;
	v13 =	vld.idx.msk [tilespmem:v41+s12+$0x0], $0xffff  }
0xc2: {  	v44 =	vadd.s32 $0x3, v9;
	v15 =	vld.idx.msk [tilespmem:v42+s12+$0x0], $0xffff  }
0xc3: {  	v45 =	vadd.s32 $0x3, v8;
	_ =	sdelay $0x1  }
0xc4: {  	[tilespmem:s20+$0xE490] =	vst v11  }
0xc5: {  	[tilespmem:s20+$0xE4A0] =	vst v13;
	v11 =	vld.idx.msk [tilespmem:v43+s12+$0x0], $0xffff  }
0xc6: {  	v46 =	vadd.s32 $0x4, v10;
	[tilespmem:s20+$0xE4B0] =	vst v15;
	v13 =	vld.idx.msk [tilespmem:v44+s12+$0x0], $0xffff  }
0xc7: {  	v47 =	vadd.s32 $0x4, v9;
	v15 =	vld.idx.msk [tilespmem:v45+s12+$0x0], $0xffff  }
0xc8: {  	v48 =	vadd.s32 $0x4, v8;
	_ =	sdelay $0x1  }
0xc9: {  	[tilespmem:s20+$0xE510] =	vst v11  }
0xca: {  	[tilespmem:s20+$0xE520] =	vst v13;
	v11 =	vld.idx.msk [tilespmem:v46+s12+$0x0], $0xffff  }
0xcb: {  	v49 =	vadd.s32 $0x5, v10;
	[tilespmem:s20+$0xE530] =	vst v15;
	v13 =	vld.idx.msk [tilespmem:v47+s12+$0x0], $0xffff  }
0xcc: {  	v50 =	vadd.s32 $0x5, v9;
	v15 =	vld.idx.msk [tilespmem:v48+s12+$0x0], $0xffff  }
0xcd: {  	v51 =	vadd.s32 $0x5, v8;
	_ =	sdelay $0x1  }
0xce: {  	[tilespmem:s20+$0xE590] =	vst v11  }
0xcf: {  	[tilespmem:s20+$0xE5A0] =	vst v13;
	v11 =	vld.idx.msk [tilespmem:v49+s12+$0x0], $0xffff  }
0xd0: {  	v52 =	vadd.s32 $0x6, v10;
	[tilespmem:s20+$0xE5B0] =	vst v15;
	v13 =	vld.idx.msk [tilespmem:v50+s12+$0x0], $0xffff  }
0xd1: {  	v53 =	vadd.s32 $0x6, v9;
	v15 =	vld.idx.msk [tilespmem:v51+s12+$0x0], $0xffff  }
0xd2: {  	v54 =	vadd.s32 $0x6, v8;
	_ =	sdelay $0x1  }
0xd3: {  	[tilespmem:s20+$0xE610] =	vst v11  }
0xd4: {  	[tilespmem:s20+$0xE620] =	vst v13;
	v11 =	vld.idx.msk [tilespmem:v52+s12+$0x0], $0xffff  }
0xd5: {  	v55 =	vadd.s32 $0x7, v10;
	[tilespmem:s20+$0xE630] =	vst v15;
	v13 =	vld.idx.msk [tilespmem:v53+s12+$0x0], $0xffff  }
0xd6: {  	v56 =	vadd.s32 $0x7, v9;
	v15 =	vld.idx.msk [tilespmem:v54+s12+$0x0], $0xffff  }
0xd7: {  	v57 =	vadd.s32 $0x7, v8;
	_ =	sdelay $0x1  }
0xd8: {  	[tilespmem:s20+$0xE690] =	vst v11  }
0xd9: {  	v58 =	vadd.s32 $0x8, v7;
	[tilespmem:s20+$0xE6A0] =	vst v13;
	v12 =	vld.idx.msk [tilespmem:v55+s12+$0x0], $0xffff  }
0xda: {  	v59 =	vadd.s32 $0x8, v10;
	[tilespmem:s20+$0xE6B0] =	vst v15;
	v14 =	vld.idx.msk [tilespmem:v56+s12+$0x0], $0xffff  }
0xdb: {  	v60 =	vadd.s32 $0x8, v9;
	v16 =	vld.idx.msk [tilespmem:v57+s12+$0x0], $0xffff  }
0xdc: {  	v17 =	vadd.s32 $0x8, v8;
	_ =	sdelay $0x1  }
0xdd: {  	v11 =	vld.idx.msk [tilespmem:v58+s12+$0x0], $0xffff;
	[tilespmem:s20+$0xE710] =	vst v12  }
0xde: {  	v61 =	vadd.s32 $0x9, v7;
	[tilespmem:s20+$0xE720] =	vst v14;
	v13 =	vld.idx.msk [tilespmem:v59+s12+$0x0], $0xffff  }
0xdf: {  	v62 =	vadd.s32 $0x9, v10;
	[tilespmem:s20+$0xE730] =	vst v16;
	v15 =	vld.idx.msk [tilespmem:v60+s12+$0x0], $0xffff  }
0xe0: {  	v63 =	vadd.s32 $0x9, v9;
	v17 =	vld.idx.msk [tilespmem:v17+s12+$0x0], $0xffff  }
0xe1: {  	v18 =	vadd.s32 $0x9, v8  }
0xe2: {  	[tilespmem:s20+$0xE780] =	vst v11  }
0xe3: {  	v11 =	vld.idx.msk [tilespmem:v61+s12+$0x0], $0xffff;
	[tilespmem:s20+$0xE790] =	vst v13  }
0xe4: {  	v21 =	vadd.s32 $0xA, v7;
	[tilespmem:s20+$0xE7A0] =	vst v15;
	v13 =	vld.idx.msk [tilespmem:v62+s12+$0x0], $0xffff  }
0xe5: {  	v22 =	vadd.s32 $0xA, v10;
	[tilespmem:s20+$0xE7B0] =	vst v17;
	v15 =	vld.idx.msk [tilespmem:v63+s12+$0x0], $0xffff  }
0xe6: {  	v23 =	vadd.s32 $0xA, v9;
	v17 =	vld.idx.msk [tilespmem:v18+s12+$0x0], $0xffff  }
0xe7: {  	v24 =	vadd.s32 $0xA, v8  }
0xe8: {  	[tilespmem:s20+$0xE800] =	vst v11  }
0xe9: {  	v11 =	vld.idx.msk [tilespmem:v21+s12+$0x0], $0xffff;
	[tilespmem:s20+$0xE810] =	vst v13  }
0xea: {  	v25 =	vadd.s32 $0xB, v7;
	[tilespmem:s20+$0xE820] =	vst v15;
	v13 =	vld.idx.msk [tilespmem:v22+s12+$0x0], $0xffff  }
0xeb: {  	v26 =	vadd.s32 $0xB, v10;
	[tilespmem:s20+$0xE830] =	vst v17;
	v15 =	vld.idx.msk [tilespmem:v23+s12+$0x0], $0xffff  }
0xec: {  	v27 =	vadd.s32 $0xB, v9;
	v17 =	vld.idx.msk [tilespmem:v24+s12+$0x0], $0xffff  }
0xed: {  	v28 =	vadd.s32 $0xB, v8  }
0xee: {  	[tilespmem:s20+$0xE880] =	vst v11  }
0xef: {  	v11 =	vld.idx.msk [tilespmem:v25+s12+$0x0], $0xffff;
	[tilespmem:s20+$0xE890] =	vst v13  }
0xf0: {  	v29 =	vadd.s32 $0xC, v7;
	[tilespmem:s20+$0xE8A0] =	vst v15;
	v13 =	vld.idx.msk [tilespmem:v26+s12+$0x0], $0xffff  }
0xf1: {  	v30 =	vadd.s32 $0xC, v10;
	[tilespmem:s20+$0xE8B0] =	vst v17;
	v15 =	vld.idx.msk [tilespmem:v27+s12+$0x0], $0xffff  }
0xf2: {  	v31 =	vadd.s32 $0xC, v9;
	v17 =	vld.idx.msk [tilespmem:v28+s12+$0x0], $0xffff  }
0xf3: {  	v32 =	vadd.s32 $0xC, v8  }
0xf4: {  	[tilespmem:s20+$0xE900] =	vst v11  }
0xf5: {  	v11 =	vld.idx.msk [tilespmem:v29+s12+$0x0], $0xffff;
	[tilespmem:s20+$0xE910] =	vst v13  }
0xf6: {  	v33 =	vadd.s32 $0xD, v7;
	[tilespmem:s20+$0xE920] =	vst v15;
	v13 =	vld.idx.msk [tilespmem:v30+s12+$0x0], $0xffff  }
0xf7: {  	v34 =	vadd.s32 $0xD, v10;
	[tilespmem:s20+$0xE930] =	vst v17;
	v15 =	vld.idx.msk [tilespmem:v31+s12+$0x0], $0xffff  }
0xf8: {  	v35 =	vadd.s32 $0xD, v9;
	v17 =	vld.idx.msk [tilespmem:v32+s12+$0x0], $0xffff  }
0xf9: {  	v36 =	vadd.s32 $0xD, v8  }
0xfa: {  	[tilespmem:s20+$0xE980] =	vst v11  }
0xfb: {  	v11 =	vld.idx.msk [tilespmem:v33+s12+$0x0], $0xffff;
	[tilespmem:s20+$0xE990] =	vst v13  }
0xfc: {  	v37 =	vadd.s32 $0xE, v7;
	[tilespmem:s20+$0xE9A0] =	vst v15;
	v13 =	vld.idx.msk [tilespmem:v34+s12+$0x0], $0xffff  }
0xfd: {  	v38 =	vadd.s32 $0xE, v10;
	[tilespmem:s20+$0xE9B0] =	vst v17;
	v15 =	vld.idx.msk [tilespmem:v35+s12+$0x0], $0xffff  }
0xfe: {  	v39 =	vadd.s32 $0xE, v9;
	v17 =	vld.idx.msk [tilespmem:v36+s12+$0x0], $0xffff  }
0xff: {  	v40 =	vadd.s32 $0xE, v8  }
0x100: {  	[tilespmem:s20+$0xEA00] =	vst v11  }
0x101: {  	v11 =	vld.idx.msk [tilespmem:v37+s12+$0x0], $0xffff;
	[tilespmem:s20+$0xEA10] =	vst v13  }
0x102: {  	v41 =	vadd.s32 $0xF, v7;
	[tilespmem:s20+$0xEA20] =	vst v15;
	v13 =	vld.idx.msk [tilespmem:v38+s12+$0x0], $0xffff  }
0x103: {  	v42 =	vadd.s32 $0xF, v10;
	[tilespmem:s20+$0xEA30] =	vst v17;
	v15 =	vld.idx.msk [tilespmem:v39+s12+$0x0], $0xffff  }
0x104: {  	v43 =	vadd.s32 $0xF, v9;
	v17 =	vld.idx.msk [tilespmem:v40+s12+$0x0], $0xffff  }
0x105: {  	v44 =	vadd.s32 $0xF, v8  }
0x106: {  	[tilespmem:s20+$0xEA80] =	vst v11  }
0x107: {  	v11 =	vld.idx.msk [tilespmem:v41+s12+$0x0], $0xffff;
	[tilespmem:s20+$0xEA90] =	vst v13  }
0x108: {  	v45 =	vadd.s32 $0x10, v7;
	[tilespmem:s20+$0xEAA0] =	vst v15;
	v13 =	vld.idx.msk [tilespmem:v42+s12+$0x0], $0xffff  }
0x109: {  	v46 =	vadd.s32 $0x10, v10;
	[tilespmem:s20+$0xEAB0] =	vst v17;
	v15 =	vld.idx.msk [tilespmem:v43+s12+$0x0], $0xffff  }
0x10a: {  	v47 =	vadd.s32 $0x10, v9;
	v17 =	vld.idx.msk [tilespmem:v44+s12+$0x0], $0xffff  }
0x10b: {  	v48 =	vadd.s32 $0x10, v8  }
0x10c: {  	[tilespmem:s20+$0xEB00] =	vst v11  }
0x10d: {  	v11 =	vld.idx.msk [tilespmem:v45+s12+$0x0], $0xffff;
	[tilespmem:s20+$0xEB10] =	vst v13  }
0x10e: {  	v49 =	vadd.s32 $0x11, v7;
	[tilespmem:s20+$0xEB20] =	vst v15;
	v13 =	vld.idx.msk [tilespmem:v46+s12+$0x0], $0xffff  }
0x10f: {  	v50 =	vadd.s32 $0x11, v10;
	[tilespmem:s20+$0xEB30] =	vst v17;
	v15 =	vld.idx.msk [tilespmem:v47+s12+$0x0], $0xffff  }
0x110: {  	v51 =	vadd.s32 $0x11, v9;
	v17 =	vld.idx.msk [tilespmem:v48+s12+$0x0], $0xffff  }
0x111: {  	v52 =	vadd.s32 $0x11, v8  }
0x112: {  	[tilespmem:s20+$0xEB80] =	vst v11  }
0x113: {  	v11 =	vld.idx.msk [tilespmem:v49+s12+$0x0], $0xffff;
	[tilespmem:s20+$0xEB90] =	vst v13  }
0x114: {  	v53 =	vadd.s32 $0x12, v7;
	[tilespmem:s20+$0xEBA0] =	vst v15;
	v13 =	vld.idx.msk [tilespmem:v50+s12+$0x0], $0xffff  }
0x115: {  	v54 =	vadd.s32 $0x12, v10;
	[tilespmem:s20+$0xEBB0] =	vst v17;
	v15 =	vld.idx.msk [tilespmem:v51+s12+$0x0], $0xffff  }
0x116: {  	v55 =	vadd.s32 $0x12, v9;
	v17 =	vld.idx.msk [tilespmem:v52+s12+$0x0], $0xffff  }
0x117: {  	v56 =	vadd.s32 $0x12, v8  }
0x118: {  	[tilespmem:s20+$0xEC00] =	vst v11  }
0x119: {  	v11 =	vld.idx.msk [tilespmem:v53+s12+$0x0], $0xffff;
	[tilespmem:s20+$0xEC10] =	vst v13  }
0x11a: {  	v57 =	vadd.s32 $0x13, v7;
	[tilespmem:s20+$0xEC20] =	vst v15;
	v13 =	vld.idx.msk [tilespmem:v54+s12+$0x0], $0xffff  }
0x11b: {  	v58 =	vadd.s32 $0x13, v10;
	[tilespmem:s20+$0xEC30] =	vst v17;
	v15 =	vld.idx.msk [tilespmem:v55+s12+$0x0], $0xffff  }
0x11c: {  	v59 =	vadd.s32 $0x13, v9;
	v17 =	vld.idx.msk [tilespmem:v56+s12+$0x0], $0xffff  }
0x11d: {  	v60 =	vadd.s32 $0x13, v8  }
0x11e: {  	[tilespmem:s20+$0xEC80] =	vst v11  }
0x11f: {  	v11 =	vld.idx.msk [tilespmem:v57+s12+$0x0], $0xffff;
	[tilespmem:s20+$0xEC90] =	vst v13  }
0x120: {  	v61 =	vadd.s32 $0x14, v7;
	[tilespmem:s20+$0xECA0] =	vst v15;
	v13 =	vld.idx.msk [tilespmem:v58+s12+$0x0], $0xffff  }
0x121: {  	v62 =	vadd.s32 $0x14, v10;
	[tilespmem:s20+$0xECB0] =	vst v17;
	v15 =	vld.idx.msk [tilespmem:v59+s12+$0x0], $0xffff  }
0x122: {  	v63 =	vadd.s32 $0x14, v9;
	v17 =	vld.idx.msk [tilespmem:v60+s12+$0x0], $0xffff  }
0x123: {  	v21 =	vadd.s32 $0x14, v8  }
0x124: {  	[tilespmem:s20+$0xED00] =	vst v11  }
0x125: {  	v11 =	vld.idx.msk [tilespmem:v61+s12+$0x0], $0xffff;
	[tilespmem:s20+$0xED10] =	vst v13  }
0x126: {  	v22 =	vadd.s32 $0x15, v7;
	[tilespmem:s20+$0xED20] =	vst v15;
	v13 =	vld.idx.msk [tilespmem:v62+s12+$0x0], $0xffff  }
0x127: {  	v23 =	vadd.s32 $0x15, v10;
	[tilespmem:s20+$0xED30] =	vst v17;
	v15 =	vld.idx.msk [tilespmem:v63+s12+$0x0], $0xffff  }
0x128: {  	v24 =	vadd.s32 $0x15, v9;
	v17 =	vld.idx.msk [tilespmem:v21+s12+$0x0], $0xffff  }
0x129: {  	v25 =	vadd.s32 $0x15, v8  }
0x12a: {  	[tilespmem:s20+$0xED80] =	vst v11  }
0x12b: {  	v11 =	vld.idx.msk [tilespmem:v22+s12+$0x0], $0xffff;
	[tilespmem:s20+$0xED90] =	vst v13  }
0x12c: {  	v26 =	vadd.s32 $0x16, v7;
	[tilespmem:s20+$0xEDA0] =	vst v15;
	v13 =	vld.idx.msk [tilespmem:v23+s12+$0x0], $0xffff  }
0x12d: {  	v27 =	vadd.s32 $0x16, v10;
	[tilespmem:s20+$0xEDB0] =	vst v17;
	v15 =	vld.idx.msk [tilespmem:v24+s12+$0x0], $0xffff  }
0x12e: {  	v28 =	vadd.s32 $0x16, v9;
	v17 =	vld.idx.msk [tilespmem:v25+s12+$0x0], $0xffff  }
0x12f: {  	v29 =	vadd.s32 $0x16, v8  }
0x130: {  	[tilespmem:s20+$0xEE00] =	vst v11  }
0x131: {  	v11 =	vld.idx.msk [tilespmem:v26+s12+$0x0], $0xffff;
	[tilespmem:s20+$0xEE10] =	vst v13  }
0x132: {  	v30 =	vadd.s32 $0x17, v7;
	[tilespmem:s20+$0xEE20] =	vst v15;
	v13 =	vld.idx.msk [tilespmem:v27+s12+$0x0], $0xffff  }
0x133: {  	v31 =	vadd.s32 $0x17, v10;
	[tilespmem:s20+$0xEE30] =	vst v17;
	v15 =	vld.idx.msk [tilespmem:v28+s12+$0x0], $0xffff  }
0x134: {  	v32 =	vadd.s32 $0x17, v9;
	v17 =	vld.idx.msk [tilespmem:v29+s12+$0x0], $0xffff  }
0x135: {  	v33 =	vadd.s32 $0x17, v8  }
0x136: {  	[tilespmem:s20+$0xEE80] =	vst v11  }
0x137: {  	v11 =	vld.idx.msk [tilespmem:v30+s12+$0x0], $0xffff;
	[tilespmem:s20+$0xEE90] =	vst v13  }
0x138: {  	v34 =	vadd.s32 $0x18, v7;
	[tilespmem:s20+$0xEEA0] =	vst v15;
	v13 =	vld.idx.msk [tilespmem:v31+s12+$0x0], $0xffff  }
0x139: {  	v35 =	vadd.s32 $0x18, v10;
	[tilespmem:s20+$0xEEB0] =	vst v17;
	v15 =	vld.idx.msk [tilespmem:v32+s12+$0x0], $0xffff  }
0x13a: {  	v36 =	vadd.s32 $0x18, v9;
	v17 =	vld.idx.msk [tilespmem:v33+s12+$0x0], $0xffff  }
0x13b: {  	v37 =	vadd.s32 $0x18, v8  }
0x13c: {  	[tilespmem:s20+$0xEF00] =	vst v11  }
0x13d: {  	v11 =	vld.idx.msk [tilespmem:v34+s12+$0x0], $0xffff;
	[tilespmem:s20+$0xEF10] =	vst v13  }
0x13e: {  	v38 =	vadd.s32 $0x19, v7;
	[tilespmem:s20+$0xEF20] =	vst v15;
	v13 =	vld.idx.msk [tilespmem:v35+s12+$0x0], $0xffff  }
0x13f: {  	v39 =	vadd.s32 $0x19, v10;
	[tilespmem:s20+$0xEF30] =	vst v17;
	v15 =	vld.idx.msk [tilespmem:v36+s12+$0x0], $0xffff  }
0x140: {  	v40 =	vadd.s32 $0x19, v9;
	v17 =	vld.idx.msk [tilespmem:v37+s12+$0x0], $0xffff  }
0x141: {  	v41 =	vadd.s32 $0x19, v8  }
0x142: {  	[tilespmem:s20+$0xEF80] =	vst v11  }
0x143: {  	v11 =	vld.idx.msk [tilespmem:v38+s12+$0x0], $0xffff;
	[tilespmem:s20+$0xEF90] =	vst v13  }
0x144: {  	v42 =	vadd.s32 $0x1A, v7;
	[tilespmem:s20+$0xEFA0] =	vst v15;
	v13 =	vld.idx.msk [tilespmem:v39+s12+$0x0], $0xffff  }
0x145: {  	v43 =	vadd.s32 $0x1A, v10;
	[tilespmem:s20+$0xEFB0] =	vst v17;
	v15 =	vld.idx.msk [tilespmem:v40+s12+$0x0], $0xffff  }
0x146: {  	v44 =	vadd.s32 $0x1A, v9;
	v17 =	vld.idx.msk [tilespmem:v41+s12+$0x0], $0xffff  }
0x147: {  	v45 =	vadd.s32 $0x1A, v8  }
0x148: {  	[tilespmem:s20+$0xF000] =	vst v11  }
0x149: {  	v11 =	vld.idx.msk [tilespmem:v42+s12+$0x0], $0xffff;
	[tilespmem:s20+$0xF010] =	vst v13  }
0x14a: {  	v46 =	vadd.s32 $0x1B, v7;
	[tilespmem:s20+$0xF020] =	vst v15;
	v13 =	vld.idx.msk [tilespmem:v43+s12+$0x0], $0xffff  }
0x14b: {  	v47 =	vadd.s32 $0x1B, v10;
	[tilespmem:s20+$0xF030] =	vst v17;
	v15 =	vld.idx.msk [tilespmem:v44+s12+$0x0], $0xffff  }
0x14c: {  	v48 =	vadd.s32 $0x1B, v9;
	v17 =	vld.idx.msk [tilespmem:v45+s12+$0x0], $0xffff  }
0x14d: {  	v49 =	vadd.s32 $0x1B, v8  }
0x14e: {  	[tilespmem:s20+$0xF080] =	vst v11  }
0x14f: {  	v11 =	vld.idx.msk [tilespmem:v46+s12+$0x0], $0xffff;
	[tilespmem:s20+$0xF090] =	vst v13  }
0x150: {  	v50 =	vadd.s32 $0x1C, v7;
	[tilespmem:s20+$0xF0A0] =	vst v15;
	v13 =	vld.idx.msk [tilespmem:v47+s12+$0x0], $0xffff  }
0x151: {  	v51 =	vadd.s32 $0x1C, v10;
	[tilespmem:s20+$0xF0B0] =	vst v17;
	v15 =	vld.idx.msk [tilespmem:v48+s12+$0x0], $0xffff  }
0x152: {  	v52 =	vadd.s32 $0x1C, v9;
	v17 =	vld.idx.msk [tilespmem:v49+s12+$0x0], $0xffff  }
0x153: {  	v53 =	vadd.s32 $0x1C, v8  }
0x154: {  	[tilespmem:s20+$0xF100] =	vst v11  }
0x155: {  	v11 =	vld.idx.msk [tilespmem:v50+s12+$0x0], $0xffff;
	[tilespmem:s20+$0xF110] =	vst v13  }
0x156: {  	v54 =	vadd.s32 $0x1D, v7;
	[tilespmem:s20+$0xF120] =	vst v15;
	v13 =	vld.idx.msk [tilespmem:v51+s12+$0x0], $0xffff  }
0x157: {  	v55 =	vadd.s32 $0x1D, v10;
	[tilespmem:s20+$0xF130] =	vst v17;
	v15 =	vld.idx.msk [tilespmem:v52+s12+$0x0], $0xffff  }
0x158: {  	v56 =	vadd.s32 $0x1D, v9;
	v17 =	vld.idx.msk [tilespmem:v53+s12+$0x0], $0xffff  }
0x159: {  	v57 =	vadd.s32 $0x1D, v8  }
0x15a: {  	[tilespmem:s20+$0xF180] =	vst v11  }
0x15b: {  	v11 =	vld.idx.msk [tilespmem:v54+s12+$0x0], $0xffff;
	[tilespmem:s20+$0xF190] =	vst v13  }
0x15c: {  	v58 =	vadd.s32 $0x1E, v7;
	[tilespmem:s20+$0xF1A0] =	vst v15;
	v13 =	vld.idx.msk [tilespmem:v55+s12+$0x0], $0xffff  }
0x15d: {  	v59 =	vadd.s32 $0x1E, v10;
	[tilespmem:s20+$0xF1B0] =	vst v17;
	v15 =	vld.idx.msk [tilespmem:v56+s12+$0x0], $0xffff  }
0x15e: {  	v60 =	vadd.s32 $0x1E, v9;
	v17 =	vld.idx.msk [tilespmem:v57+s12+$0x0], $0xffff  }
0x15f: {  	v61 =	vadd.s32 $0x1E, v8  }
0x160: {  	[tilespmem:s20+$0xF200] =	vst v11  }
0x161: {  	v11 =	vld.idx.msk [tilespmem:v58+s12+$0x0], $0xffff;
	[tilespmem:s20+$0xF210] =	vst v13  }
0x162: {  	v62 =	vadd.s32 $0x1F, v7;
	[tilespmem:s20+$0xF220] =	vst v15;
	v13 =	vld.idx.msk [tilespmem:v59+s12+$0x0], $0xffff  }
0x163: {  	v63 =	vadd.s32 $0x1F, v10;
	[tilespmem:s20+$0xF230] =	vst v17;
	v15 =	vld.idx.msk [tilespmem:v60+s12+$0x0], $0xffff  }
0x164: {  	v21 =	vadd.s32 $0x1F, v9;
	v17 =	vld.idx.msk [tilespmem:v61+s12+$0x0], $0xffff  }
0x165: {  	v22 =	vadd.s32 $0x1F, v8  }
0x166: {  	[tilespmem:s20+$0xF280] =	vst v11  }
0x167: {  	v11 =	vld.idx.msk [tilespmem:v62+s12+$0x0], $0xffff;
	[tilespmem:s20+$0xF290] =	vst v13  }
0x168: {  	v23 =	vadd.s32 $0x20, v7;
	[tilespmem:s20+$0xF2A0] =	vst v15;
	v13 =	vld.idx.msk [tilespmem:v63+s12+$0x0], $0xffff  }
0x169: {  	v24 =	vadd.s32 $0x20, v10;
	[tilespmem:s20+$0xF2B0] =	vst v17;
	v15 =	vld.idx.msk [tilespmem:v21+s12+$0x0], $0xffff  }
0x16a: {  	v25 =	vadd.s32 $0x20, v9;
	v17 =	vld.idx.msk [tilespmem:v22+s12+$0x0], $0xffff  }
0x16b: {  	v26 =	vadd.s32 $0x20, v8  }
0x16c: {  	[tilespmem:s20+$0xF300] =	vst v11  }
0x16d: {  	v11 =	vld.idx.msk [tilespmem:v23+s12+$0x0], $0xffff;
	[tilespmem:s20+$0xF310] =	vst v13  }
0x16e: {  	v27 =	vadd.s32 $0x21, v7;
	[tilespmem:s20+$0xF320] =	vst v15;
	v13 =	vld.idx.msk [tilespmem:v24+s12+$0x0], $0xffff  }
0x16f: {  	v28 =	vadd.s32 $0x21, v10;
	[tilespmem:s20+$0xF330] =	vst v17;
	v15 =	vld.idx.msk [tilespmem:v25+s12+$0x0], $0xffff  }
0x170: {  	v29 =	vadd.s32 $0x21, v9;
	v17 =	vld.idx.msk [tilespmem:v26+s12+$0x0], $0xffff  }
0x171: {  	v30 =	vadd.s32 $0x21, v8  }
0x172: {  	[tilespmem:s20+$0xF380] =	vst v11  }
0x173: {  	v11 =	vld.idx.msk [tilespmem:v27+s12+$0x0], $0xffff;
	[tilespmem:s20+$0xF390] =	vst v13  }
0x174: {  	v31 =	vadd.s32 $0x22, v7;
	[tilespmem:s20+$0xF3A0] =	vst v15;
	v13 =	vld.idx.msk [tilespmem:v28+s12+$0x0], $0xffff  }
0x175: {  	v32 =	vadd.s32 $0x22, v10;
	[tilespmem:s20+$0xF3B0] =	vst v17;
	v15 =	vld.idx.msk [tilespmem:v29+s12+$0x0], $0xffff  }
0x176: {  	v33 =	vadd.s32 $0x22, v9;
	v17 =	vld.idx.msk [tilespmem:v30+s12+$0x0], $0xffff  }
0x177: {  	v34 =	vadd.s32 $0x22, v8  }
0x178: {  	[tilespmem:s20+$0xF400] =	vst v11  }
0x179: {  	v11 =	vld.idx.msk [tilespmem:v31+s12+$0x0], $0xffff;
	[tilespmem:s20+$0xF410] =	vst v13  }
0x17a: {  	v35 =	vadd.s32 $0x23, v7;
	[tilespmem:s20+$0xF420] =	vst v15;
	v13 =	vld.idx.msk [tilespmem:v32+s12+$0x0], $0xffff  }
0x17b: {  	v36 =	vadd.s32 $0x23, v10;
	[tilespmem:s20+$0xF430] =	vst v17;
	v15 =	vld.idx.msk [tilespmem:v33+s12+$0x0], $0xffff  }
0x17c: {  	v37 =	vadd.s32 $0x23, v9;
	v17 =	vld.idx.msk [tilespmem:v34+s12+$0x0], $0xffff  }
0x17d: {  	v38 =	vadd.s32 $0x23, v8  }
0x17e: {  	[tilespmem:s20+$0xF480] =	vst v11  }
0x17f: {  	v11 =	vld.idx.msk [tilespmem:v35+s12+$0x0], $0xffff;
	[tilespmem:s20+$0xF490] =	vst v13  }
0x180: {  	v39 =	vadd.s32 $0x24, v7;
	[tilespmem:s20+$0xF4A0] =	vst v15;
	v13 =	vld.idx.msk [tilespmem:v36+s12+$0x0], $0xffff  }
0x181: {  	v40 =	vadd.s32 $0x24, v10;
	[tilespmem:s20+$0xF4B0] =	vst v17;
	v15 =	vld.idx.msk [tilespmem:v37+s12+$0x0], $0xffff  }
0x182: {  	v41 =	vadd.s32 $0x24, v9;
	v17 =	vld.idx.msk [tilespmem:v38+s12+$0x0], $0xffff  }
0x183: {  	v42 =	vadd.s32 $0x24, v8  }
0x184: {  	[tilespmem:s20+$0xF500] =	vst v11  }
0x185: {  	v11 =	vld.idx.msk [tilespmem:v39+s12+$0x0], $0xffff;
	[tilespmem:s20+$0xF510] =	vst v13  }
0x186: {  	v43 =	vadd.s32 $0x25, v7;
	[tilespmem:s20+$0xF520] =	vst v15;
	v13 =	vld.idx.msk [tilespmem:v40+s12+$0x0], $0xffff  }
0x187: {  	v44 =	vadd.s32 $0x25, v10;
	[tilespmem:s20+$0xF530] =	vst v17;
	v15 =	vld.idx.msk [tilespmem:v41+s12+$0x0], $0xffff  }
0x188: {  	v45 =	vadd.s32 $0x25, v9;
	v17 =	vld.idx.msk [tilespmem:v42+s12+$0x0], $0xffff  }
0x189: {  	v46 =	vadd.s32 $0x25, v8  }
0x18a: {  	[tilespmem:s20+$0xF580] =	vst v11  }
0x18b: {  	v11 =	vld.idx.msk [tilespmem:v43+s12+$0x0], $0xffff;
	[tilespmem:s20+$0xF590] =	vst v13  }
0x18c: {  	v47 =	vadd.s32 $0x26, v7;
	[tilespmem:s20+$0xF5A0] =	vst v15;
	v13 =	vld.idx.msk [tilespmem:v44+s12+$0x0], $0xffff  }
0x18d: {  	v48 =	vadd.s32 $0x26, v10;
	[tilespmem:s20+$0xF5B0] =	vst v17;
	v15 =	vld.idx.msk [tilespmem:v45+s12+$0x0], $0xffff  }
0x18e: {  	v49 =	vadd.s32 $0x26, v9;
	v17 =	vld.idx.msk [tilespmem:v46+s12+$0x0], $0xffff  }
0x18f: {  	v50 =	vadd.s32 $0x26, v8  }
0x190: {  	[tilespmem:s20+$0xF600] =	vst v11  }
0x191: {  	v11 =	vld.idx.msk [tilespmem:v47+s12+$0x0], $0xffff;
	[tilespmem:s20+$0xF610] =	vst v13  }
0x192: {  	v51 =	vadd.s32 $0x27, v7;
	[tilespmem:s20+$0xF620] =	vst v15;
	v13 =	vld.idx.msk [tilespmem:v48+s12+$0x0], $0xffff  }
0x193: {  	v52 =	vadd.s32 $0x27, v10;
	[tilespmem:s20+$0xF630] =	vst v17;
	v15 =	vld.idx.msk [tilespmem:v49+s12+$0x0], $0xffff  }
0x194: {  	v53 =	vadd.s32 $0x27, v9;
	v17 =	vld.idx.msk [tilespmem:v50+s12+$0x0], $0xffff  }
0x195: {  	v54 =	vadd.s32 $0x27, v8  }
0x196: {  	[tilespmem:s20+$0xF680] =	vst v11  }
0x197: {  	v11 =	vld.idx.msk [tilespmem:v51+s12+$0x0], $0xffff;
	[tilespmem:s20+$0xF690] =	vst v13  }
0x198: {  	v55 =	vadd.s32 $0x28, v7;
	[tilespmem:s20+$0xF6A0] =	vst v15;
	v13 =	vld.idx.msk [tilespmem:v52+s12+$0x0], $0xffff  }
0x199: {  	v56 =	vadd.s32 $0x28, v10;
	[tilespmem:s20+$0xF6B0] =	vst v17;
	v15 =	vld.idx.msk [tilespmem:v53+s12+$0x0], $0xffff  }
0x19a: {  	v57 =	vadd.s32 $0x28, v9;
	v17 =	vld.idx.msk [tilespmem:v54+s12+$0x0], $0xffff  }
0x19b: {  	v58 =	vadd.s32 $0x28, v8  }
0x19c: {  	[tilespmem:s20+$0xF700] =	vst v11  }
0x19d: {  	v11 =	vld.idx.msk [tilespmem:v55+s12+$0x0], $0xffff;
	[tilespmem:s20+$0xF710] =	vst v13  }
0x19e: {  	v59 =	vadd.s32 $0x29, v7;
	[tilespmem:s20+$0xF720] =	vst v15;
	v13 =	vld.idx.msk [tilespmem:v56+s12+$0x0], $0xffff  }
0x19f: {  	v60 =	vadd.s32 $0x29, v10;
	[tilespmem:s20+$0xF730] =	vst v17;
	v15 =	vld.idx.msk [tilespmem:v57+s12+$0x0], $0xffff  }
0x1a0: {  	v61 =	vadd.s32 $0x29, v9;
	v17 =	vld.idx.msk [tilespmem:v58+s12+$0x0], $0xffff  }
0x1a1: {  	v62 =	vadd.s32 $0x29, v8  }
0x1a2: {  	[tilespmem:s20+$0xF780] =	vst v11  }
0x1a3: {  	v11 =	vld.idx.msk [tilespmem:v59+s12+$0x0], $0xffff;
	[tilespmem:s20+$0xF790] =	vst v13  }
0x1a4: {  	v63 =	vadd.s32 $0x2A, v7;
	[tilespmem:s20+$0xF7A0] =	vst v15;
	v13 =	vld.idx.msk [tilespmem:v60+s12+$0x0], $0xffff  }
0x1a5: {  	v21 =	vadd.s32 $0x2A, v10;
	[tilespmem:s20+$0xF7B0] =	vst v17;
	v15 =	vld.idx.msk [tilespmem:v61+s12+$0x0], $0xffff  }
0x1a6: {  	v22 =	vadd.s32 $0x2A, v9;
	v17 =	vld.idx.msk [tilespmem:v62+s12+$0x0], $0xffff  }
0x1a7: {  	v23 =	vadd.s32 $0x2A, v8  }
0x1a8: {  	[tilespmem:s20+$0xF800] =	vst v11  }
0x1a9: {  	v11 =	vld.idx.msk [tilespmem:v63+s12+$0x0], $0xffff;
	[tilespmem:s20+$0xF810] =	vst v13  }
0x1aa: {  	v24 =	vadd.s32 $0x2B, v7;
	[tilespmem:s20+$0xF820] =	vst v15;
	v13 =	vld.idx.msk [tilespmem:v21+s12+$0x0], $0xffff  }
0x1ab: {  	v25 =	vadd.s32 $0x2B, v10;
	[tilespmem:s20+$0xF830] =	vst v17;
	v15 =	vld.idx.msk [tilespmem:v22+s12+$0x0], $0xffff  }
0x1ac: {  	v26 =	vadd.s32 $0x2B, v9;
	v17 =	vld.idx.msk [tilespmem:v23+s12+$0x0], $0xffff  }
0x1ad: {  	v27 =	vadd.s32 $0x2B, v8  }
0x1ae: {  	[tilespmem:s20+$0xF880] =	vst v11  }
0x1af: {  	v11 =	vld.idx.msk [tilespmem:v24+s12+$0x0], $0xffff;
	[tilespmem:s20+$0xF890] =	vst v13  }
0x1b0: {  	v28 =	vadd.s32 $0x2C, v7;
	[tilespmem:s20+$0xF8A0] =	vst v15;
	v13 =	vld.idx.msk [tilespmem:v25+s12+$0x0], $0xffff  }
0x1b1: {  	v29 =	vadd.s32 $0x2C, v10;
	[tilespmem:s20+$0xF8B0] =	vst v17;
	v15 =	vld.idx.msk [tilespmem:v26+s12+$0x0], $0xffff  }
0x1b2: {  	v30 =	vadd.s32 $0x2C, v9;
	v17 =	vld.idx.msk [tilespmem:v27+s12+$0x0], $0xffff  }
0x1b3: {  	v31 =	vadd.s32 $0x2C, v8  }
0x1b4: {  	[tilespmem:s20+$0xF900] =	vst v11  }
0x1b5: {  	v11 =	vld.idx.msk [tilespmem:v28+s12+$0x0], $0xffff;
	[tilespmem:s20+$0xF910] =	vst v13  }
0x1b6: {  	v32 =	vadd.s32 $0x2D, v7;
	[tilespmem:s20+$0xF920] =	vst v15;
	v13 =	vld.idx.msk [tilespmem:v29+s12+$0x0], $0xffff  }
0x1b7: {  	v33 =	vadd.s32 $0x2D, v10;
	[tilespmem:s20+$0xF930] =	vst v17;
	v15 =	vld.idx.msk [tilespmem:v30+s12+$0x0], $0xffff  }
0x1b8: {  	v34 =	vadd.s32 $0x2D, v9;
	v17 =	vld.idx.msk [tilespmem:v31+s12+$0x0], $0xffff  }
0x1b9: {  	v35 =	vadd.s32 $0x2D, v8  }
0x1ba: {  	[tilespmem:s20+$0xF980] =	vst v11  }
0x1bb: {  	v11 =	vld.idx.msk [tilespmem:v32+s12+$0x0], $0xffff;
	[tilespmem:s20+$0xF990] =	vst v13  }
0x1bc: {  	v36 =	vadd.s32 $0x2E, v7;
	[tilespmem:s20+$0xF9A0] =	vst v15;
	v13 =	vld.idx.msk [tilespmem:v33+s12+$0x0], $0xffff  }
0x1bd: {  	v37 =	vadd.s32 $0x2E, v10;
	[tilespmem:s20+$0xF9B0] =	vst v17;
	v15 =	vld.idx.msk [tilespmem:v34+s12+$0x0], $0xffff  }
0x1be: {  	v38 =	vadd.s32 $0x2E, v9;
	v17 =	vld.idx.msk [tilespmem:v35+s12+$0x0], $0xffff  }
0x1bf: {  	v39 =	vadd.s32 $0x2E, v8  }
0x1c0: {  	[tilespmem:s20+$0xFA00] =	vst v11  }
0x1c1: {  	v11 =	vld.idx.msk [tilespmem:v36+s12+$0x0], $0xffff;
	[tilespmem:s20+$0xFA10] =	vst v13  }
0x1c2: {  	v40 =	vadd.s32 $0x2F, v7;
	[tilespmem:s20+$0xFA20] =	vst v15;
	v13 =	vld.idx.msk [tilespmem:v37+s12+$0x0], $0xffff  }
0x1c3: {  	v41 =	vadd.s32 $0x2F, v10;
	[tilespmem:s20+$0xFA30] =	vst v17;
	v15 =	vld.idx.msk [tilespmem:v38+s12+$0x0], $0xffff  }
0x1c4: {  	v42 =	vadd.s32 $0x2F, v9;
	v17 =	vld.idx.msk [tilespmem:v39+s12+$0x0], $0xffff  }
0x1c5: {  	v43 =	vadd.s32 $0x2F, v8  }
0x1c6: {  	[tilespmem:s20+$0xFA80] =	vst v11  }
0x1c7: {  	v11 =	vld.idx.msk [tilespmem:v40+s12+$0x0], $0xffff;
	[tilespmem:s20+$0xFA90] =	vst v13  }
0x1c8: {  	v44 =	vadd.s32 $0x30, v7;
	[tilespmem:s20+$0xFAA0] =	vst v15;
	v13 =	vld.idx.msk [tilespmem:v41+s12+$0x0], $0xffff  }
0x1c9: {  	v45 =	vadd.s32 $0x30, v10;
	[tilespmem:s20+$0xFAB0] =	vst v17;
	v15 =	vld.idx.msk [tilespmem:v42+s12+$0x0], $0xffff  }
0x1ca: {  	v46 =	vadd.s32 $0x30, v9;
	v17 =	vld.idx.msk [tilespmem:v43+s12+$0x0], $0xffff  }
0x1cb: {  	v47 =	vadd.s32 $0x30, v8  }
0x1cc: {  	[tilespmem:s20+$0xFB00] =	vst v11  }
0x1cd: {  	v11 =	vld.idx.msk [tilespmem:v44+s12+$0x0], $0xffff;
	[tilespmem:s20+$0xFB10] =	vst v13  }
0x1ce: {  	v48 =	vadd.s32 $0x31, v7;
	[tilespmem:s20+$0xFB20] =	vst v15;
	v13 =	vld.idx.msk [tilespmem:v45+s12+$0x0], $0xffff  }
0x1cf: {  	v49 =	vadd.s32 $0x31, v10;
	[tilespmem:s20+$0xFB30] =	vst v17;
	v15 =	vld.idx.msk [tilespmem:v46+s12+$0x0], $0xffff  }
0x1d0: {  	v50 =	vadd.s32 $0x31, v9;
	v17 =	vld.idx.msk [tilespmem:v47+s12+$0x0], $0xffff  }
0x1d1: {  	v51 =	vadd.s32 $0x31, v8  }
0x1d2: {  	[tilespmem:s20+$0xFB80] =	vst v11  }
0x1d3: {  	v11 =	vld.idx.msk [tilespmem:v48+s12+$0x0], $0xffff;
	[tilespmem:s20+$0xFB90] =	vst v13  }
0x1d4: {  	v52 =	vadd.s32 $0x32, v7;
	[tilespmem:s20+$0xFBA0] =	vst v15;
	v13 =	vld.idx.msk [tilespmem:v49+s12+$0x0], $0xffff  }
0x1d5: {  	v53 =	vadd.s32 $0x32, v10;
	[tilespmem:s20+$0xFBB0] =	vst v17;
	v15 =	vld.idx.msk [tilespmem:v50+s12+$0x0], $0xffff  }
0x1d6: {  	v54 =	vadd.s32 $0x32, v9;
	v17 =	vld.idx.msk [tilespmem:v51+s12+$0x0], $0xffff  }
0x1d7: {  	v55 =	vadd.s32 $0x32, v8  }
0x1d8: {  	[tilespmem:s20+$0xFC00] =	vst v11  }
0x1d9: {  	v11 =	vld.idx.msk [tilespmem:v52+s12+$0x0], $0xffff;
	[tilespmem:s20+$0xFC10] =	vst v13  }
0x1da: {  	v56 =	vadd.s32 $0x33, v7;
	[tilespmem:s20+$0xFC20] =	vst v15;
	v13 =	vld.idx.msk [tilespmem:v53+s12+$0x0], $0xffff  }
0x1db: {  	v57 =	vadd.s32 $0x33, v10;
	[tilespmem:s20+$0xFC30] =	vst v17;
	v15 =	vld.idx.msk [tilespmem:v54+s12+$0x0], $0xffff  }
0x1dc: {  	v58 =	vadd.s32 $0x33, v9;
	v17 =	vld.idx.msk [tilespmem:v55+s12+$0x0], $0xffff  }
0x1dd: {  	v59 =	vadd.s32 $0x33, v8  }
0x1de: {  	[tilespmem:s20+$0xFC80] =	vst v11  }
0x1df: {  	v11 =	vld.idx.msk [tilespmem:v56+s12+$0x0], $0xffff;
	[tilespmem:s20+$0xFC90] =	vst v13  }
0x1e0: {  	v60 =	vadd.s32 $0x34, v7;
	[tilespmem:s20+$0xFCA0] =	vst v15;
	v13 =	vld.idx.msk [tilespmem:v57+s12+$0x0], $0xffff  }
0x1e1: {  	v61 =	vadd.s32 $0x34, v10;
	[tilespmem:s20+$0xFCB0] =	vst v17;
	v15 =	vld.idx.msk [tilespmem:v58+s12+$0x0], $0xffff  }
0x1e2: {  	v62 =	vadd.s32 $0x34, v9;
	v17 =	vld.idx.msk [tilespmem:v59+s12+$0x0], $0xffff  }
0x1e3: {  	v63 =	vadd.s32 $0x34, v8  }
0x1e4: {  	[tilespmem:s20+$0xFD00] =	vst v11  }
0x1e5: {  	v11 =	vld.idx.msk [tilespmem:v60+s12+$0x0], $0xffff;
	[tilespmem:s20+$0xFD10] =	vst v13  }
0x1e6: {  	v21 =	vadd.s32 $0x35, v7;
	[tilespmem:s20+$0xFD20] =	vst v15;
	v13 =	vld.idx.msk [tilespmem:v61+s12+$0x0], $0xffff  }
0x1e7: {  	v22 =	vadd.s32 $0x35, v10;
	[tilespmem:s20+$0xFD30] =	vst v17;
	v15 =	vld.idx.msk [tilespmem:v62+s12+$0x0], $0xffff  }
0x1e8: {  	v23 =	vadd.s32 $0x35, v9;
	v17 =	vld.idx.msk [tilespmem:v63+s12+$0x0], $0xffff  }
0x1e9: {  	v24 =	vadd.s32 $0x35, v8  }
0x1ea: {  	[tilespmem:s20+$0xFD80] =	vst v11  }
0x1eb: {  	v11 =	vld.idx.msk [tilespmem:v21+s12+$0x0], $0xffff;
	[tilespmem:s20+$0xFD90] =	vst v13  }
0x1ec: {  	v25 =	vadd.s32 $0x36, v7;
	[tilespmem:s20+$0xFDA0] =	vst v15;
	v13 =	vld.idx.msk [tilespmem:v22+s12+$0x0], $0xffff  }
0x1ed: {  	v26 =	vadd.s32 $0x36, v10;
	[tilespmem:s20+$0xFDB0] =	vst v17;
	v15 =	vld.idx.msk [tilespmem:v23+s12+$0x0], $0xffff  }
0x1ee: {  	v27 =	vadd.s32 $0x36, v9;
	v17 =	vld.idx.msk [tilespmem:v24+s12+$0x0], $0xffff  }
0x1ef: {  	v28 =	vadd.s32 $0x36, v8  }
0x1f0: {  	[tilespmem:s20+$0xFE00] =	vst v11  }
0x1f1: {  	v11 =	vld.idx.msk [tilespmem:v25+s12+$0x0], $0xffff;
	[tilespmem:s20+$0xFE10] =	vst v13  }
0x1f2: {  	v29 =	vadd.s32 $0x37, v7;
	[tilespmem:s20+$0xFE20] =	vst v15;
	v13 =	vld.idx.msk [tilespmem:v26+s12+$0x0], $0xffff  }
0x1f3: {  	v30 =	vadd.s32 $0x37, v10;
	[tilespmem:s20+$0xFE30] =	vst v17;
	v15 =	vld.idx.msk [tilespmem:v27+s12+$0x0], $0xffff  }
0x1f4: {  	v31 =	vadd.s32 $0x37, v9;
	v17 =	vld.idx.msk [tilespmem:v28+s12+$0x0], $0xffff  }
0x1f5: {  	v32 =	vadd.s32 $0x37, v8  }
0x1f6: {  	[tilespmem:s20+$0xFE80] =	vst v11  }
0x1f7: {  	v11 =	vld.idx.msk [tilespmem:v29+s12+$0x0], $0xffff;
	[tilespmem:s20+$0xFE90] =	vst v13  }
0x1f8: {  	v33 =	vadd.s32 $0x38, v7;
	[tilespmem:s20+$0xFEA0] =	vst v15;
	v13 =	vld.idx.msk [tilespmem:v30+s12+$0x0], $0xffff  }
0x1f9: {  	v34 =	vadd.s32 $0x38, v10;
	[tilespmem:s20+$0xFEB0] =	vst v17;
	v15 =	vld.idx.msk [tilespmem:v31+s12+$0x0], $0xffff  }
0x1fa: {  	v35 =	vadd.s32 $0x38, v9;
	v17 =	vld.idx.msk [tilespmem:v32+s12+$0x0], $0xffff  }
0x1fb: {  	v36 =	vadd.s32 $0x38, v8  }
0x1fc: {  	[tilespmem:s20+$0xFF00] =	vst v11  }
0x1fd: {  	v11 =	vld.idx.msk [tilespmem:v33+s12+$0x0], $0xffff;
	[tilespmem:s20+$0xFF10] =	vst v13  }
0x1fe: {  	v37 =	vadd.s32 $0x39, v7;
	[tilespmem:s20+$0xFF20] =	vst v15;
	v13 =	vld.idx.msk [tilespmem:v34+s12+$0x0], $0xffff  }
0x1ff: {  	v38 =	vadd.s32 $0x39, v10;
	[tilespmem:s20+$0xFF30] =	vst v17;
	v15 =	vld.idx.msk [tilespmem:v35+s12+$0x0], $0xffff  }
0x200: {  	v39 =	vadd.s32 $0x39, v9;
	v17 =	vld.idx.msk [tilespmem:v36+s12+$0x0], $0xffff  }
0x201: {  	v40 =	vadd.s32 $0x39, v8  }
0x202: {  	[tilespmem:s20+$0xFF80] =	vst v11  }
0x203: {  	v11 =	vld.idx.msk [tilespmem:v37+s12+$0x0], $0xffff;
	[tilespmem:s20+$0xFF90] =	vst v13  }
0x204: {  	v41 =	vadd.s32 $0x3A, v7;
	[tilespmem:s20+$0xFFA0] =	vst v15;
	v13 =	vld.idx.msk [tilespmem:v38+s12+$0x0], $0xffff  }
0x205: {  	v42 =	vadd.s32 $0x3A, v10;
	[tilespmem:s20+$0xFFB0] =	vst v17;
	v15 =	vld.idx.msk [tilespmem:v39+s12+$0x0], $0xffff  }
0x206: {  	v43 =	vadd.s32 $0x3A, v9;
	v17 =	vld.idx.msk [tilespmem:v40+s12+$0x0], $0xffff  }
0x207: {  	v44 =	vadd.s32 $0x3A, v8  }
0x208: {  	[tilespmem:s20+$0x10000] =	vst v11  }
0x209: {  	v11 =	vld.idx.msk [tilespmem:v41+s12+$0x0], $0xffff;
	[tilespmem:s20+$0x10010] =	vst v13  }
0x20a: {  	v45 =	vadd.s32 $0x3B, v7;
	[tilespmem:s20+$0x10020] =	vst v15;
	v13 =	vld.idx.msk [tilespmem:v42+s12+$0x0], $0xffff  }
0x20b: {  	v46 =	vadd.s32 $0x3B, v10;
	[tilespmem:s20+$0x10030] =	vst v17;
	v15 =	vld.idx.msk [tilespmem:v43+s12+$0x0], $0xffff  }
0x20c: {  	v47 =	vadd.s32 $0x3B, v9;
	v17 =	vld.idx.msk [tilespmem:v44+s12+$0x0], $0xffff  }
0x20d: {  	v48 =	vadd.s32 $0x3B, v8  }
0x20e: {  	[tilespmem:s20+$0x10080] =	vst v11  }
0x20f: {  	v11 =	vld.idx.msk [tilespmem:v45+s12+$0x0], $0xffff;
	[tilespmem:s20+$0x10090] =	vst v13  }
0x210: {  	v49 =	vadd.s32 $0x3C, v7;
	[tilespmem:s20+$0x100A0] =	vst v15;
	v13 =	vld.idx.msk [tilespmem:v46+s12+$0x0], $0xffff  }
0x211: {  	v50 =	vadd.s32 $0x3C, v10;
	[tilespmem:s20+$0x100B0] =	vst v17;
	v15 =	vld.idx.msk [tilespmem:v47+s12+$0x0], $0xffff  }
0x212: {  	v51 =	vadd.s32 $0x3C, v9;
	v17 =	vld.idx.msk [tilespmem:v48+s12+$0x0], $0xffff  }
0x213: {  	v52 =	vadd.s32 $0x3C, v8  }
0x214: {  	[tilespmem:s20+$0x10100] =	vst v11  }
0x215: {  	v11 =	vld.idx.msk [tilespmem:v49+s12+$0x0], $0xffff;
	[tilespmem:s20+$0x10110] =	vst v13  }
0x216: {  	v53 =	vadd.s32 $0x3D, v7;
	[tilespmem:s20+$0x10120] =	vst v15;
	v13 =	vld.idx.msk [tilespmem:v50+s12+$0x0], $0xffff  }
0x217: {  	v54 =	vadd.s32 $0x3D, v10;
	[tilespmem:s20+$0x10130] =	vst v17;
	v15 =	vld.idx.msk [tilespmem:v51+s12+$0x0], $0xffff  }
0x218: {  	v55 =	vadd.s32 $0x3D, v9;
	v17 =	vld.idx.msk [tilespmem:v52+s12+$0x0], $0xffff  }
0x219: {  	v56 =	vadd.s32 $0x3D, v8  }
0x21a: {  	[tilespmem:s20+$0x10180] =	vst v11  }
0x21b: {  	v11 =	vld.idx.msk [tilespmem:v53+s12+$0x0], $0xffff;
	[tilespmem:s20+$0x10190] =	vst v13  }
0x21c: {  	v57 =	vadd.s32 $0x3E, v7;
	[tilespmem:s20+$0x101A0] =	vst v15;
	v13 =	vld.idx.msk [tilespmem:v54+s12+$0x0], $0xffff  }
0x21d: {  	v58 =	vadd.s32 $0x3E, v10;
	[tilespmem:s20+$0x101B0] =	vst v17;
	v15 =	vld.idx.msk [tilespmem:v55+s12+$0x0], $0xffff  }
0x21e: {  	v59 =	vadd.s32 $0x3E, v9;
	v17 =	vld.idx.msk [tilespmem:v56+s12+$0x0], $0xffff  }
0x21f: {  	v60 =	vadd.s32 $0x3E, v8  }
0x220: {  	[tilespmem:s20+$0x10200] =	vst v11  }
0x221: {  	v11 =	vld.idx.msk [tilespmem:v57+s12+$0x0], $0xffff;
	[tilespmem:s20+$0x10210] =	vst v13  }
0x222: {  	v7 =	vadd.s32 $0x3F, v7;
	[tilespmem:s20+$0x10220] =	vst v15;
	v61 =	vld.idx.msk [tilespmem:v58+s12+$0x0], $0xffff  }
0x223: {  	v10 =	vadd.s32 $0x3F, v10;
	[tilespmem:s20+$0x10230] =	vst v17;
	v62 =	vld.idx.msk [tilespmem:v59+s12+$0x0], $0xffff  }
0x224: {  	v9 =	vadd.s32 $0x3F, v9;
	v63 =	vld.idx.msk [tilespmem:v60+s12+$0x0], $0xffff  }
0x225: {  	v8 =	vadd.s32 $0x3F, v8  }
0x226: {  	[tilespmem:s20+$0x10280] =	vst v11  }
0x227: {  	v7 =	vld.idx.msk [tilespmem:v7+s12+$0x0], $0xffff;
	[tilespmem:s20+$0x10290] =	vst v61  }
0x228: {  	[tilespmem:s20+$0x102A0] =	vst v62;
	v10 =	vld.idx.msk [tilespmem:v10+s12+$0x0], $0xffff  }
0x229: {  	[tilespmem:s20+$0x102B0] =	vst v63;
	v9 =	vld.idx.msk [tilespmem:v9+s12+$0x0], $0xffff  }
0x22a: {  	p1 =	por p0, p0;
	v8 =	vld.idx.msk [tilespmem:v8+s12+$0x0], $0xffff  }
.Ltmp4:
0x22b: {  	_ = 	snop;
	(pc) =	sbr.rel @p1 .LBB2_9-.Ltmp4, $4  }
0x22c: {  	[tilespmem:s20+$0x10300] =	vst v7  }
0x22d: {  	[tilespmem:s20+$0x10310] =	vst v10  }
0x22e: {  	[tilespmem:s20+$0x10320] =	vst v9  }
0x22f: {  	p0 =	por $0x0, $0x0;
	[tilespmem:s20+$0x10330] =	vst v8;
	s20 =	simm.s32 $0x40  }
0x230: {  	[hbm4b:s7+s13] =	stream.strided.scatter [tilespmem:s15], [sflag:$0x1], $0x2000, s14, s13, $0x38;
	[tilespmem:$0x12380] =	vst v63  }
0x231: {  	s20 =	simm.s32 $0x0;
	p0 =	por $0x1, $0x1  }
.LBB2_11:
0x232: {  	v7 =	vld [tilespmem:s20+$0xE300];
	_ =	sdelay $0x4  }
0x233: {  	v8 =	vadd.s32 $0x41, v7;
	_ =	sdelay $0x4  }
0x234: {  	v8 =	vld.idx.msk [tilespmem:v8+s12+$0x0], $0xffff  }
0x235: {  	v9 =	vadd.s32 $0x42, v7;
	_ =	sdelay $0x3  }
0x236: {  	[tilespmem:s20+$0x10380] =	vst v8  }
0x237: {  	v8 =	vld.idx.msk [tilespmem:v9+s12+$0x0], $0xffff  }
0x238: {  	v32 =	vadd.s32 $0x43, v7;
	_ =	sdelay $0x3  }
0x239: {  	[tilespmem:s20+$0x10400] =	vst v8  }
0x23a: {  	v8 =	vld.idx.msk [tilespmem:v32+s12+$0x0], $0xffff  }
0x23b: {  	v33 =	vadd.s32 $0x44, v7;
	_ =	sdelay $0x3  }
0x23c: {  	[tilespmem:s20+$0x10480] =	vst v8  }
0x23d: {  	v8 =	vld.idx.msk [tilespmem:v33+s12+$0x0], $0xffff  }
0x23e: {  	v34 =	vadd.s32 $0x45, v7;
	_ =	sdelay $0x3  }
0x23f: {  	[tilespmem:s20+$0x10500] =	vst v8  }
0x240: {  	v8 =	vld.idx.msk [tilespmem:v34+s12+$0x0], $0xffff  }
0x241: {  	v35 =	vadd.s32 $0x46, v7;
	_ =	sdelay $0x3  }
0x242: {  	[tilespmem:s20+$0x10580] =	vst v8  }
0x243: {  	v8 =	vld.idx.msk [tilespmem:v35+s12+$0x0], $0xffff  }
0x244: {  	v36 =	vadd.s32 $0x47, v7;
	_ =	sdelay $0x3  }
0x245: {  	[tilespmem:s20+$0x10600] =	vst v8  }
0x246: {  	v8 =	vld.idx.msk [tilespmem:v36+s12+$0x0], $0xffff  }
0x247: {  	v37 =	vadd.s32 $0x48, v7;
	_ =	sdelay $0x3  }
0x248: {  	[tilespmem:s20+$0x10680] =	vst v8  }
0x249: {  	v8 =	vld.idx.msk [tilespmem:v37+s12+$0x0], $0xffff;
	_ =	sdelay $0x4  }
0x24a: {  	[tilespmem:s20+$0x10700] =	vst v8  }
0x24b: {  	v10 =	vld [tilespmem:s20+$0xE310]  }
0x24c: {  	v9 =	vld [tilespmem:s20+$0xE320]  }
0x24d: {  	v8 =	vld [tilespmem:s20+$0xE330];
	_ =	sdelay $0x2  }
0x24e: {  	v11 =	vadd.s32 $0x41, v10  }
0x24f: {  	v12 =	vadd.s32 $0x41, v9  }
0x250: {  	v13 =	vadd.s32 $0x41, v8;
	_ =	sdelay $0x2  }
0x251: {  	v11 =	vld.idx.msk [tilespmem:v11+s12+$0x0], $0xffff  }
0x252: {  	v14 =	vadd.s32 $0x42, v10;
	v12 =	vld.idx.msk [tilespmem:v12+s12+$0x0], $0xffff  }
0x253: {  	v15 =	vadd.s32 $0x42, v9;
	v13 =	vld.idx.msk [tilespmem:v13+s12+$0x0], $0xffff  }
0x254: {  	v16 =	vadd.s32 $0x42, v8;
	_ =	sdelay $0x1  }
0x255: {  	[tilespmem:s20+$0x10390] =	vst v11  }
0x256: {  	[tilespmem:s20+$0x103A0] =	vst v12;
	v11 =	vld.idx.msk [tilespmem:v14+s12+$0x0], $0xffff  }
0x257: {  	v38 =	vadd.s32 $0x43, v10;
	[tilespmem:s20+$0x103B0] =	vst v13;
	v39 =	vld.idx.msk [tilespmem:v15+s12+$0x0], $0xffff  }
0x258: {  	v40 =	vadd.s32 $0x43, v9;
	v41 =	vld.idx.msk [tilespmem:v16+s12+$0x0], $0xffff  }
0x259: {  	v42 =	vadd.s32 $0x43, v8;
	_ =	sdelay $0x1  }
0x25a: {  	[tilespmem:s20+$0x10410] =	vst v11  }
0x25b: {  	[tilespmem:s20+$0x10420] =	vst v39;
	v11 =	vld.idx.msk [tilespmem:v38+s12+$0x0], $0xffff  }
0x25c: {  	v43 =	vadd.s32 $0x44, v10;
	[tilespmem:s20+$0x10430] =	vst v41;
	v13 =	vld.idx.msk [tilespmem:v40+s12+$0x0], $0xffff  }
0x25d: {  	v44 =	vadd.s32 $0x44, v9;
	v15 =	vld.idx.msk [tilespmem:v42+s12+$0x0], $0xffff  }
0x25e: {  	v45 =	vadd.s32 $0x44, v8;
	_ =	sdelay $0x1  }
0x25f: {  	[tilespmem:s20+$0x10490] =	vst v11  }
0x260: {  	[tilespmem:s20+$0x104A0] =	vst v13;
	v11 =	vld.idx.msk [tilespmem:v43+s12+$0x0], $0xffff  }
0x261: {  	v46 =	vadd.s32 $0x45, v10;
	[tilespmem:s20+$0x104B0] =	vst v15;
	v13 =	vld.idx.msk [tilespmem:v44+s12+$0x0], $0xffff  }
0x262: {  	v47 =	vadd.s32 $0x45, v9;
	v15 =	vld.idx.msk [tilespmem:v45+s12+$0x0], $0xffff  }
0x263: {  	v48 =	vadd.s32 $0x45, v8;
	_ =	sdelay $0x1  }
0x264: {  	[tilespmem:s20+$0x10510] =	vst v11  }
0x265: {  	[tilespmem:s20+$0x10520] =	vst v13;
	v11 =	vld.idx.msk [tilespmem:v46+s12+$0x0], $0xffff  }
0x266: {  	v49 =	vadd.s32 $0x46, v10;
	[tilespmem:s20+$0x10530] =	vst v15;
	v13 =	vld.idx.msk [tilespmem:v47+s12+$0x0], $0xffff  }
0x267: {  	v50 =	vadd.s32 $0x46, v9;
	v15 =	vld.idx.msk [tilespmem:v48+s12+$0x0], $0xffff  }
0x268: {  	v51 =	vadd.s32 $0x46, v8;
	_ =	sdelay $0x1  }
0x269: {  	[tilespmem:s20+$0x10590] =	vst v11  }
0x26a: {  	[tilespmem:s20+$0x105A0] =	vst v13;
	v11 =	vld.idx.msk [tilespmem:v49+s12+$0x0], $0xffff  }
0x26b: {  	v52 =	vadd.s32 $0x47, v10;
	[tilespmem:s20+$0x105B0] =	vst v15;
	v13 =	vld.idx.msk [tilespmem:v50+s12+$0x0], $0xffff  }
0x26c: {  	v53 =	vadd.s32 $0x47, v9;
	v15 =	vld.idx.msk [tilespmem:v51+s12+$0x0], $0xffff  }
0x26d: {  	v54 =	vadd.s32 $0x47, v8;
	_ =	sdelay $0x1  }
0x26e: {  	[tilespmem:s20+$0x10610] =	vst v11  }
0x26f: {  	[tilespmem:s20+$0x10620] =	vst v13;
	v11 =	vld.idx.msk [tilespmem:v52+s12+$0x0], $0xffff  }
0x270: {  	v55 =	vadd.s32 $0x48, v10;
	[tilespmem:s20+$0x10630] =	vst v15;
	v13 =	vld.idx.msk [tilespmem:v53+s12+$0x0], $0xffff  }
0x271: {  	v56 =	vadd.s32 $0x48, v9;
	v15 =	vld.idx.msk [tilespmem:v54+s12+$0x0], $0xffff  }
0x272: {  	v57 =	vadd.s32 $0x48, v8;
	_ =	sdelay $0x1  }
0x273: {  	[tilespmem:s20+$0x10690] =	vst v11  }
0x274: {  	v58 =	vadd.s32 $0x49, v7;
	[tilespmem:s20+$0x106A0] =	vst v13;
	v12 =	vld.idx.msk [tilespmem:v55+s12+$0x0], $0xffff  }
0x275: {  	v59 =	vadd.s32 $0x49, v10;
	[tilespmem:s20+$0x106B0] =	vst v15;
	v14 =	vld.idx.msk [tilespmem:v56+s12+$0x0], $0xffff  }
0x276: {  	v60 =	vadd.s32 $0x49, v9;
	v16 =	vld.idx.msk [tilespmem:v57+s12+$0x0], $0xffff  }
0x277: {  	v17 =	vadd.s32 $0x49, v8;
	_ =	sdelay $0x1  }
0x278: {  	v11 =	vld.idx.msk [tilespmem:v58+s12+$0x0], $0xffff;
	[tilespmem:s20+$0x10710] =	vst v12  }
0x279: {  	v61 =	vadd.s32 $0x4A, v7;
	[tilespmem:s20+$0x10720] =	vst v14;
	v13 =	vld.idx.msk [tilespmem:v59+s12+$0x0], $0xffff  }
0x27a: {  	v62 =	vadd.s32 $0x4A, v10;
	[tilespmem:s20+$0x10730] =	vst v16;
	v15 =	vld.idx.msk [tilespmem:v60+s12+$0x0], $0xffff  }
0x27b: {  	v63 =	vadd.s32 $0x4A, v9;
	v17 =	vld.idx.msk [tilespmem:v17+s12+$0x0], $0xffff  }
0x27c: {  	v18 =	vadd.s32 $0x4A, v8  }
0x27d: {  	[tilespmem:s20+$0x10780] =	vst v11  }
0x27e: {  	v11 =	vld.idx.msk [tilespmem:v61+s12+$0x0], $0xffff;
	[tilespmem:s20+$0x10790] =	vst v13  }
0x27f: {  	v21 =	vadd.s32 $0x4B, v7;
	[tilespmem:s20+$0x107A0] =	vst v15;
	v13 =	vld.idx.msk [tilespmem:v62+s12+$0x0], $0xffff  }
0x280: {  	v22 =	vadd.s32 $0x4B, v10;
	[tilespmem:s20+$0x107B0] =	vst v17;
	v15 =	vld.idx.msk [tilespmem:v63+s12+$0x0], $0xffff  }
0x281: {  	v23 =	vadd.s32 $0x4B, v9;
	v17 =	vld.idx.msk [tilespmem:v18+s12+$0x0], $0xffff  }
0x282: {  	v24 =	vadd.s32 $0x4B, v8  }
0x283: {  	[tilespmem:s20+$0x10800] =	vst v11  }
0x284: {  	v11 =	vld.idx.msk [tilespmem:v21+s12+$0x0], $0xffff;
	[tilespmem:s20+$0x10810] =	vst v13  }
0x285: {  	v25 =	vadd.s32 $0x4C, v7;
	[tilespmem:s20+$0x10820] =	vst v15;
	v13 =	vld.idx.msk [tilespmem:v22+s12+$0x0], $0xffff  }
0x286: {  	v26 =	vadd.s32 $0x4C, v10;
	[tilespmem:s20+$0x10830] =	vst v17;
	v15 =	vld.idx.msk [tilespmem:v23+s12+$0x0], $0xffff  }
0x287: {  	v27 =	vadd.s32 $0x4C, v9;
	v17 =	vld.idx.msk [tilespmem:v24+s12+$0x0], $0xffff  }
0x288: {  	v28 =	vadd.s32 $0x4C, v8  }
0x289: {  	[tilespmem:s20+$0x10880] =	vst v11  }
0x28a: {  	v11 =	vld.idx.msk [tilespmem:v25+s12+$0x0], $0xffff;
	[tilespmem:s20+$0x10890] =	vst v13  }
0x28b: {  	v29 =	vadd.s32 $0x4D, v7;
	[tilespmem:s20+$0x108A0] =	vst v15;
	v13 =	vld.idx.msk [tilespmem:v26+s12+$0x0], $0xffff  }
0x28c: {  	v30 =	vadd.s32 $0x4D, v10;
	[tilespmem:s20+$0x108B0] =	vst v17;
	v15 =	vld.idx.msk [tilespmem:v27+s12+$0x0], $0xffff  }
0x28d: {  	v31 =	vadd.s32 $0x4D, v9;
	v17 =	vld.idx.msk [tilespmem:v28+s12+$0x0], $0xffff  }
0x28e: {  	v32 =	vadd.s32 $0x4D, v8  }
0x28f: {  	[tilespmem:s20+$0x10900] =	vst v11  }
0x290: {  	v11 =	vld.idx.msk [tilespmem:v29+s12+$0x0], $0xffff;
	[tilespmem:s20+$0x10910] =	vst v13  }
0x291: {  	v33 =	vadd.s32 $0x4E, v7;
	[tilespmem:s20+$0x10920] =	vst v15;
	v13 =	vld.idx.msk [tilespmem:v30+s12+$0x0], $0xffff  }
0x292: {  	v34 =	vadd.s32 $0x4E, v10;
	[tilespmem:s20+$0x10930] =	vst v17;
	v15 =	vld.idx.msk [tilespmem:v31+s12+$0x0], $0xffff  }
0x293: {  	v35 =	vadd.s32 $0x4E, v9;
	v17 =	vld.idx.msk [tilespmem:v32+s12+$0x0], $0xffff  }
0x294: {  	v36 =	vadd.s32 $0x4E, v8  }
0x295: {  	[tilespmem:s20+$0x10980] =	vst v11  }
0x296: {  	v11 =	vld.idx.msk [tilespmem:v33+s12+$0x0], $0xffff;
	[tilespmem:s20+$0x10990] =	vst v13  }
0x297: {  	v37 =	vadd.s32 $0x4F, v7;
	[tilespmem:s20+$0x109A0] =	vst v15;
	v13 =	vld.idx.msk [tilespmem:v34+s12+$0x0], $0xffff  }
0x298: {  	v38 =	vadd.s32 $0x4F, v10;
	[tilespmem:s20+$0x109B0] =	vst v17;
	v15 =	vld.idx.msk [tilespmem:v35+s12+$0x0], $0xffff  }
0x299: {  	v39 =	vadd.s32 $0x4F, v9;
	v17 =	vld.idx.msk [tilespmem:v36+s12+$0x0], $0xffff  }
0x29a: {  	v40 =	vadd.s32 $0x4F, v8  }
0x29b: {  	[tilespmem:s20+$0x10A00] =	vst v11  }
0x29c: {  	v11 =	vld.idx.msk [tilespmem:v37+s12+$0x0], $0xffff;
	[tilespmem:s20+$0x10A10] =	vst v13  }
0x29d: {  	v41 =	vadd.s32 $0x50, v7;
	[tilespmem:s20+$0x10A20] =	vst v15;
	v13 =	vld.idx.msk [tilespmem:v38+s12+$0x0], $0xffff  }
0x29e: {  	v42 =	vadd.s32 $0x50, v10;
	[tilespmem:s20+$0x10A30] =	vst v17;
	v15 =	vld.idx.msk [tilespmem:v39+s12+$0x0], $0xffff  }
0x29f: {  	v43 =	vadd.s32 $0x50, v9;
	v17 =	vld.idx.msk [tilespmem:v40+s12+$0x0], $0xffff  }
0x2a0: {  	v44 =	vadd.s32 $0x50, v8  }
0x2a1: {  	[tilespmem:s20+$0x10A80] =	vst v11  }
0x2a2: {  	v11 =	vld.idx.msk [tilespmem:v41+s12+$0x0], $0xffff;
	[tilespmem:s20+$0x10A90] =	vst v13  }
0x2a3: {  	v45 =	vadd.s32 $0x51, v7;
	[tilespmem:s20+$0x10AA0] =	vst v15;
	v13 =	vld.idx.msk [tilespmem:v42+s12+$0x0], $0xffff  }
0x2a4: {  	v46 =	vadd.s32 $0x51, v10;
	[tilespmem:s20+$0x10AB0] =	vst v17;
	v15 =	vld.idx.msk [tilespmem:v43+s12+$0x0], $0xffff  }
0x2a5: {  	v47 =	vadd.s32 $0x51, v9;
	v17 =	vld.idx.msk [tilespmem:v44+s12+$0x0], $0xffff  }
0x2a6: {  	v48 =	vadd.s32 $0x51, v8  }
0x2a7: {  	[tilespmem:s20+$0x10B00] =	vst v11  }
0x2a8: {  	v11 =	vld.idx.msk [tilespmem:v45+s12+$0x0], $0xffff;
	[tilespmem:s20+$0x10B10] =	vst v13  }
0x2a9: {  	v49 =	vadd.s32 $0x52, v7;
	[tilespmem:s20+$0x10B20] =	vst v15;
	v13 =	vld.idx.msk [tilespmem:v46+s12+$0x0], $0xffff  }
0x2aa: {  	v50 =	vadd.s32 $0x52, v10;
	[tilespmem:s20+$0x10B30] =	vst v17;
	v15 =	vld.idx.msk [tilespmem:v47+s12+$0x0], $0xffff  }
0x2ab: {  	v51 =	vadd.s32 $0x52, v9;
	v17 =	vld.idx.msk [tilespmem:v48+s12+$0x0], $0xffff  }
0x2ac: {  	v52 =	vadd.s32 $0x52, v8  }
0x2ad: {  	[tilespmem:s20+$0x10B80] =	vst v11  }
0x2ae: {  	v11 =	vld.idx.msk [tilespmem:v49+s12+$0x0], $0xffff;
	[tilespmem:s20+$0x10B90] =	vst v13  }
0x2af: {  	v53 =	vadd.s32 $0x53, v7;
	[tilespmem:s20+$0x10BA0] =	vst v15;
	v13 =	vld.idx.msk [tilespmem:v50+s12+$0x0], $0xffff  }
0x2b0: {  	v54 =	vadd.s32 $0x53, v10;
	[tilespmem:s20+$0x10BB0] =	vst v17;
	v15 =	vld.idx.msk [tilespmem:v51+s12+$0x0], $0xffff  }
0x2b1: {  	v55 =	vadd.s32 $0x53, v9;
	v17 =	vld.idx.msk [tilespmem:v52+s12+$0x0], $0xffff  }
0x2b2: {  	v56 =	vadd.s32 $0x53, v8  }
0x2b3: {  	[tilespmem:s20+$0x10C00] =	vst v11  }
0x2b4: {  	v11 =	vld.idx.msk [tilespmem:v53+s12+$0x0], $0xffff;
	[tilespmem:s20+$0x10C10] =	vst v13  }
0x2b5: {  	v57 =	vadd.s32 $0x54, v7;
	[tilespmem:s20+$0x10C20] =	vst v15;
	v13 =	vld.idx.msk [tilespmem:v54+s12+$0x0], $0xffff  }
0x2b6: {  	v58 =	vadd.s32 $0x54, v10;
	[tilespmem:s20+$0x10C30] =	vst v17;
	v15 =	vld.idx.msk [tilespmem:v55+s12+$0x0], $0xffff  }
0x2b7: {  	v59 =	vadd.s32 $0x54, v9;
	v17 =	vld.idx.msk [tilespmem:v56+s12+$0x0], $0xffff  }
0x2b8: {  	v60 =	vadd.s32 $0x54, v8  }
0x2b9: {  	[tilespmem:s20+$0x10C80] =	vst v11  }
0x2ba: {  	v11 =	vld.idx.msk [tilespmem:v57+s12+$0x0], $0xffff;
	[tilespmem:s20+$0x10C90] =	vst v13  }
0x2bb: {  	v61 =	vadd.s32 $0x55, v7;
	[tilespmem:s20+$0x10CA0] =	vst v15;
	v13 =	vld.idx.msk [tilespmem:v58+s12+$0x0], $0xffff  }
0x2bc: {  	v62 =	vadd.s32 $0x55, v10;
	[tilespmem:s20+$0x10CB0] =	vst v17;
	v15 =	vld.idx.msk [tilespmem:v59+s12+$0x0], $0xffff  }
0x2bd: {  	v63 =	vadd.s32 $0x55, v9;
	v17 =	vld.idx.msk [tilespmem:v60+s12+$0x0], $0xffff  }
0x2be: {  	v21 =	vadd.s32 $0x55, v8  }
0x2bf: {  	[tilespmem:s20+$0x10D00] =	vst v11  }
0x2c0: {  	v11 =	vld.idx.msk [tilespmem:v61+s12+$0x0], $0xffff;
	[tilespmem:s20+$0x10D10] =	vst v13  }
0x2c1: {  	v22 =	vadd.s32 $0x56, v7;
	[tilespmem:s20+$0x10D20] =	vst v15;
	v13 =	vld.idx.msk [tilespmem:v62+s12+$0x0], $0xffff  }
0x2c2: {  	v23 =	vadd.s32 $0x56, v10;
	[tilespmem:s20+$0x10D30] =	vst v17;
	v15 =	vld.idx.msk [tilespmem:v63+s12+$0x0], $0xffff  }
0x2c3: {  	v24 =	vadd.s32 $0x56, v9;
	v17 =	vld.idx.msk [tilespmem:v21+s12+$0x0], $0xffff  }
0x2c4: {  	v25 =	vadd.s32 $0x56, v8  }
0x2c5: {  	[tilespmem:s20+$0x10D80] =	vst v11  }
0x2c6: {  	v11 =	vld.idx.msk [tilespmem:v22+s12+$0x0], $0xffff;
	[tilespmem:s20+$0x10D90] =	vst v13  }
0x2c7: {  	v26 =	vadd.s32 $0x57, v7;
	[tilespmem:s20+$0x10DA0] =	vst v15;
	v13 =	vld.idx.msk [tilespmem:v23+s12+$0x0], $0xffff  }
0x2c8: {  	v27 =	vadd.s32 $0x57, v10;
	[tilespmem:s20+$0x10DB0] =	vst v17;
	v15 =	vld.idx.msk [tilespmem:v24+s12+$0x0], $0xffff  }
0x2c9: {  	v28 =	vadd.s32 $0x57, v9;
	v17 =	vld.idx.msk [tilespmem:v25+s12+$0x0], $0xffff  }
0x2ca: {  	v29 =	vadd.s32 $0x57, v8  }
0x2cb: {  	[tilespmem:s20+$0x10E00] =	vst v11  }
0x2cc: {  	v11 =	vld.idx.msk [tilespmem:v26+s12+$0x0], $0xffff;
	[tilespmem:s20+$0x10E10] =	vst v13  }
0x2cd: {  	v30 =	vadd.s32 $0x58, v7;
	[tilespmem:s20+$0x10E20] =	vst v15;
	v13 =	vld.idx.msk [tilespmem:v27+s12+$0x0], $0xffff  }
0x2ce: {  	v31 =	vadd.s32 $0x58, v10;
	[tilespmem:s20+$0x10E30] =	vst v17;
	v15 =	vld.idx.msk [tilespmem:v28+s12+$0x0], $0xffff  }
0x2cf: {  	v32 =	vadd.s32 $0x58, v9;
	v17 =	vld.idx.msk [tilespmem:v29+s12+$0x0], $0xffff  }
0x2d0: {  	v33 =	vadd.s32 $0x58, v8  }
0x2d1: {  	[tilespmem:s20+$0x10E80] =	vst v11  }
0x2d2: {  	v11 =	vld.idx.msk [tilespmem:v30+s12+$0x0], $0xffff;
	[tilespmem:s20+$0x10E90] =	vst v13  }
0x2d3: {  	v34 =	vadd.s32 $0x59, v7;
	[tilespmem:s20+$0x10EA0] =	vst v15;
	v13 =	vld.idx.msk [tilespmem:v31+s12+$0x0], $0xffff  }
0x2d4: {  	v35 =	vadd.s32 $0x59, v10;
	[tilespmem:s20+$0x10EB0] =	vst v17;
	v15 =	vld.idx.msk [tilespmem:v32+s12+$0x0], $0xffff  }
0x2d5: {  	v36 =	vadd.s32 $0x59, v9;
	v17 =	vld.idx.msk [tilespmem:v33+s12+$0x0], $0xffff  }
0x2d6: {  	v37 =	vadd.s32 $0x59, v8  }
0x2d7: {  	[tilespmem:s20+$0x10F00] =	vst v11  }
0x2d8: {  	v11 =	vld.idx.msk [tilespmem:v34+s12+$0x0], $0xffff;
	[tilespmem:s20+$0x10F10] =	vst v13  }
0x2d9: {  	v38 =	vadd.s32 $0x5A, v7;
	[tilespmem:s20+$0x10F20] =	vst v15;
	v13 =	vld.idx.msk [tilespmem:v35+s12+$0x0], $0xffff  }
0x2da: {  	v39 =	vadd.s32 $0x5A, v10;
	[tilespmem:s20+$0x10F30] =	vst v17;
	v15 =	vld.idx.msk [tilespmem:v36+s12+$0x0], $0xffff  }
0x2db: {  	v40 =	vadd.s32 $0x5A, v9;
	v17 =	vld.idx.msk [tilespmem:v37+s12+$0x0], $0xffff  }
0x2dc: {  	v41 =	vadd.s32 $0x5A, v8  }
0x2dd: {  	[tilespmem:s20+$0x10F80] =	vst v11  }
0x2de: {  	v11 =	vld.idx.msk [tilespmem:v38+s12+$0x0], $0xffff;
	[tilespmem:s20+$0x10F90] =	vst v13  }
0x2df: {  	v42 =	vadd.s32 $0x5B, v7;
	[tilespmem:s20+$0x10FA0] =	vst v15;
	v13 =	vld.idx.msk [tilespmem:v39+s12+$0x0], $0xffff  }
0x2e0: {  	v43 =	vadd.s32 $0x5B, v10;
	[tilespmem:s20+$0x10FB0] =	vst v17;
	v15 =	vld.idx.msk [tilespmem:v40+s12+$0x0], $0xffff  }
0x2e1: {  	v44 =	vadd.s32 $0x5B, v9;
	v17 =	vld.idx.msk [tilespmem:v41+s12+$0x0], $0xffff  }
0x2e2: {  	v45 =	vadd.s32 $0x5B, v8  }
0x2e3: {  	[tilespmem:s20+$0x11000] =	vst v11  }
0x2e4: {  	v11 =	vld.idx.msk [tilespmem:v42+s12+$0x0], $0xffff;
	[tilespmem:s20+$0x11010] =	vst v13  }
0x2e5: {  	v46 =	vadd.s32 $0x5C, v7;
	[tilespmem:s20+$0x11020] =	vst v15;
	v13 =	vld.idx.msk [tilespmem:v43+s12+$0x0], $0xffff  }
0x2e6: {  	v47 =	vadd.s32 $0x5C, v10;
	[tilespmem:s20+$0x11030] =	vst v17;
	v15 =	vld.idx.msk [tilespmem:v44+s12+$0x0], $0xffff  }
0x2e7: {  	v48 =	vadd.s32 $0x5C, v9;
	v17 =	vld.idx.msk [tilespmem:v45+s12+$0x0], $0xffff  }
0x2e8: {  	v49 =	vadd.s32 $0x5C, v8  }
0x2e9: {  	[tilespmem:s20+$0x11080] =	vst v11  }
0x2ea: {  	v11 =	vld.idx.msk [tilespmem:v46+s12+$0x0], $0xffff;
	[tilespmem:s20+$0x11090] =	vst v13  }
0x2eb: {  	v50 =	vadd.s32 $0x5D, v7;
	[tilespmem:s20+$0x110A0] =	vst v15;
	v13 =	vld.idx.msk [tilespmem:v47+s12+$0x0], $0xffff  }
0x2ec: {  	v51 =	vadd.s32 $0x5D, v10;
	[tilespmem:s20+$0x110B0] =	vst v17;
	v15 =	vld.idx.msk [tilespmem:v48+s12+$0x0], $0xffff  }
0x2ed: {  	v52 =	vadd.s32 $0x5D, v9;
	v17 =	vld.idx.msk [tilespmem:v49+s12+$0x0], $0xffff  }
0x2ee: {  	v53 =	vadd.s32 $0x5D, v8  }
0x2ef: {  	[tilespmem:s20+$0x11100] =	vst v11  }
0x2f0: {  	v11 =	vld.idx.msk [tilespmem:v50+s12+$0x0], $0xffff;
	[tilespmem:s20+$0x11110] =	vst v13  }
0x2f1: {  	v54 =	vadd.s32 $0x5E, v7;
	[tilespmem:s20+$0x11120] =	vst v15;
	v13 =	vld.idx.msk [tilespmem:v51+s12+$0x0], $0xffff  }
0x2f2: {  	v55 =	vadd.s32 $0x5E, v10;
	[tilespmem:s20+$0x11130] =	vst v17;
	v15 =	vld.idx.msk [tilespmem:v52+s12+$0x0], $0xffff  }
0x2f3: {  	v56 =	vadd.s32 $0x5E, v9;
	v17 =	vld.idx.msk [tilespmem:v53+s12+$0x0], $0xffff  }
0x2f4: {  	v57 =	vadd.s32 $0x5E, v8  }
0x2f5: {  	[tilespmem:s20+$0x11180] =	vst v11  }
0x2f6: {  	v11 =	vld.idx.msk [tilespmem:v54+s12+$0x0], $0xffff;
	[tilespmem:s20+$0x11190] =	vst v13  }
0x2f7: {  	v58 =	vadd.s32 $0x5F, v7;
	[tilespmem:s20+$0x111A0] =	vst v15;
	v13 =	vld.idx.msk [tilespmem:v55+s12+$0x0], $0xffff  }
0x2f8: {  	v59 =	vadd.s32 $0x5F, v10;
	[tilespmem:s20+$0x111B0] =	vst v17;
	v15 =	vld.idx.msk [tilespmem:v56+s12+$0x0], $0xffff  }
0x2f9: {  	v60 =	vadd.s32 $0x5F, v9;
	v17 =	vld.idx.msk [tilespmem:v57+s12+$0x0], $0xffff  }
0x2fa: {  	v61 =	vadd.s32 $0x5F, v8  }
0x2fb: {  	[tilespmem:s20+$0x11200] =	vst v11  }
0x2fc: {  	v11 =	vld.idx.msk [tilespmem:v58+s12+$0x0], $0xffff;
	[tilespmem:s20+$0x11210] =	vst v13  }
0x2fd: {  	v62 =	vadd.s32 $0x60, v7;
	[tilespmem:s20+$0x11220] =	vst v15;
	v13 =	vld.idx.msk [tilespmem:v59+s12+$0x0], $0xffff  }
0x2fe: {  	v63 =	vadd.s32 $0x60, v10;
	[tilespmem:s20+$0x11230] =	vst v17;
	v15 =	vld.idx.msk [tilespmem:v60+s12+$0x0], $0xffff  }
0x2ff: {  	v21 =	vadd.s32 $0x60, v9;
	v17 =	vld.idx.msk [tilespmem:v61+s12+$0x0], $0xffff  }
0x300: {  	v22 =	vadd.s32 $0x60, v8  }
0x301: {  	[tilespmem:s20+$0x11280] =	vst v11  }
0x302: {  	v11 =	vld.idx.msk [tilespmem:v62+s12+$0x0], $0xffff;
	[tilespmem:s20+$0x11290] =	vst v13  }
0x303: {  	v23 =	vadd.s32 $0x61, v7;
	[tilespmem:s20+$0x112A0] =	vst v15;
	v13 =	vld.idx.msk [tilespmem:v63+s12+$0x0], $0xffff  }
0x304: {  	v24 =	vadd.s32 $0x61, v10;
	[tilespmem:s20+$0x112B0] =	vst v17;
	v15 =	vld.idx.msk [tilespmem:v21+s12+$0x0], $0xffff  }
0x305: {  	v25 =	vadd.s32 $0x61, v9;
	v17 =	vld.idx.msk [tilespmem:v22+s12+$0x0], $0xffff  }
0x306: {  	v26 =	vadd.s32 $0x61, v8  }
0x307: {  	[tilespmem:s20+$0x11300] =	vst v11  }
0x308: {  	v11 =	vld.idx.msk [tilespmem:v23+s12+$0x0], $0xffff;
	[tilespmem:s20+$0x11310] =	vst v13  }
0x309: {  	v27 =	vadd.s32 $0x62, v7;
	[tilespmem:s20+$0x11320] =	vst v15;
	v13 =	vld.idx.msk [tilespmem:v24+s12+$0x0], $0xffff  }
0x30a: {  	v28 =	vadd.s32 $0x62, v10;
	[tilespmem:s20+$0x11330] =	vst v17;
	v15 =	vld.idx.msk [tilespmem:v25+s12+$0x0], $0xffff  }
0x30b: {  	v29 =	vadd.s32 $0x62, v9;
	v17 =	vld.idx.msk [tilespmem:v26+s12+$0x0], $0xffff  }
0x30c: {  	v30 =	vadd.s32 $0x62, v8  }
0x30d: {  	[tilespmem:s20+$0x11380] =	vst v11  }
0x30e: {  	v11 =	vld.idx.msk [tilespmem:v27+s12+$0x0], $0xffff;
	[tilespmem:s20+$0x11390] =	vst v13  }
0x30f: {  	v31 =	vadd.s32 $0x63, v7;
	[tilespmem:s20+$0x113A0] =	vst v15;
	v13 =	vld.idx.msk [tilespmem:v28+s12+$0x0], $0xffff  }
0x310: {  	v32 =	vadd.s32 $0x63, v10;
	[tilespmem:s20+$0x113B0] =	vst v17;
	v15 =	vld.idx.msk [tilespmem:v29+s12+$0x0], $0xffff  }
0x311: {  	v33 =	vadd.s32 $0x63, v9;
	v17 =	vld.idx.msk [tilespmem:v30+s12+$0x0], $0xffff  }
0x312: {  	v34 =	vadd.s32 $0x63, v8  }
0x313: {  	[tilespmem:s20+$0x11400] =	vst v11  }
0x314: {  	v11 =	vld.idx.msk [tilespmem:v31+s12+$0x0], $0xffff;
	[tilespmem:s20+$0x11410] =	vst v13  }
0x315: {  	v35 =	vadd.s32 $0x64, v7;
	[tilespmem:s20+$0x11420] =	vst v15;
	v13 =	vld.idx.msk [tilespmem:v32+s12+$0x0], $0xffff  }
0x316: {  	v36 =	vadd.s32 $0x64, v10;
	[tilespmem:s20+$0x11430] =	vst v17;
	v15 =	vld.idx.msk [tilespmem:v33+s12+$0x0], $0xffff  }
0x317: {  	v37 =	vadd.s32 $0x64, v9;
	v17 =	vld.idx.msk [tilespmem:v34+s12+$0x0], $0xffff  }
0x318: {  	v38 =	vadd.s32 $0x64, v8  }
0x319: {  	[tilespmem:s20+$0x11480] =	vst v11  }
0x31a: {  	v11 =	vld.idx.msk [tilespmem:v35+s12+$0x0], $0xffff;
	[tilespmem:s20+$0x11490] =	vst v13  }
0x31b: {  	v39 =	vadd.s32 $0x65, v7;
	[tilespmem:s20+$0x114A0] =	vst v15;
	v13 =	vld.idx.msk [tilespmem:v36+s12+$0x0], $0xffff  }
0x31c: {  	v40 =	vadd.s32 $0x65, v10;
	[tilespmem:s20+$0x114B0] =	vst v17;
	v15 =	vld.idx.msk [tilespmem:v37+s12+$0x0], $0xffff  }
0x31d: {  	v41 =	vadd.s32 $0x65, v9;
	v17 =	vld.idx.msk [tilespmem:v38+s12+$0x0], $0xffff  }
0x31e: {  	v42 =	vadd.s32 $0x65, v8  }
0x31f: {  	[tilespmem:s20+$0x11500] =	vst v11  }
0x320: {  	v11 =	vld.idx.msk [tilespmem:v39+s12+$0x0], $0xffff;
	[tilespmem:s20+$0x11510] =	vst v13  }
0x321: {  	v43 =	vadd.s32 $0x66, v7;
	[tilespmem:s20+$0x11520] =	vst v15;
	v13 =	vld.idx.msk [tilespmem:v40+s12+$0x0], $0xffff  }
0x322: {  	v44 =	vadd.s32 $0x66, v10;
	[tilespmem:s20+$0x11530] =	vst v17;
	v15 =	vld.idx.msk [tilespmem:v41+s12+$0x0], $0xffff  }
0x323: {  	v45 =	vadd.s32 $0x66, v9;
	v17 =	vld.idx.msk [tilespmem:v42+s12+$0x0], $0xffff  }
0x324: {  	v46 =	vadd.s32 $0x66, v8  }
0x325: {  	[tilespmem:s20+$0x11580] =	vst v11  }
0x326: {  	v11 =	vld.idx.msk [tilespmem:v43+s12+$0x0], $0xffff;
	[tilespmem:s20+$0x11590] =	vst v13  }
0x327: {  	v47 =	vadd.s32 $0x67, v7;
	[tilespmem:s20+$0x115A0] =	vst v15;
	v13 =	vld.idx.msk [tilespmem:v44+s12+$0x0], $0xffff  }
0x328: {  	v48 =	vadd.s32 $0x67, v10;
	[tilespmem:s20+$0x115B0] =	vst v17;
	v15 =	vld.idx.msk [tilespmem:v45+s12+$0x0], $0xffff  }
0x329: {  	v49 =	vadd.s32 $0x67, v9;
	v17 =	vld.idx.msk [tilespmem:v46+s12+$0x0], $0xffff  }
0x32a: {  	v50 =	vadd.s32 $0x67, v8  }
0x32b: {  	[tilespmem:s20+$0x11600] =	vst v11  }
0x32c: {  	v11 =	vld.idx.msk [tilespmem:v47+s12+$0x0], $0xffff;
	[tilespmem:s20+$0x11610] =	vst v13  }
0x32d: {  	v51 =	vadd.s32 $0x68, v7;
	[tilespmem:s20+$0x11620] =	vst v15;
	v13 =	vld.idx.msk [tilespmem:v48+s12+$0x0], $0xffff  }
0x32e: {  	v52 =	vadd.s32 $0x68, v10;
	[tilespmem:s20+$0x11630] =	vst v17;
	v15 =	vld.idx.msk [tilespmem:v49+s12+$0x0], $0xffff  }
0x32f: {  	v53 =	vadd.s32 $0x68, v9;
	v17 =	vld.idx.msk [tilespmem:v50+s12+$0x0], $0xffff  }
0x330: {  	v54 =	vadd.s32 $0x68, v8  }
0x331: {  	[tilespmem:s20+$0x11680] =	vst v11  }
0x332: {  	v11 =	vld.idx.msk [tilespmem:v51+s12+$0x0], $0xffff;
	[tilespmem:s20+$0x11690] =	vst v13  }
0x333: {  	v55 =	vadd.s32 $0x69, v7;
	[tilespmem:s20+$0x116A0] =	vst v15;
	v13 =	vld.idx.msk [tilespmem:v52+s12+$0x0], $0xffff  }
0x334: {  	v56 =	vadd.s32 $0x69, v10;
	[tilespmem:s20+$0x116B0] =	vst v17;
	v15 =	vld.idx.msk [tilespmem:v53+s12+$0x0], $0xffff  }
0x335: {  	v57 =	vadd.s32 $0x69, v9;
	v17 =	vld.idx.msk [tilespmem:v54+s12+$0x0], $0xffff  }
0x336: {  	v58 =	vadd.s32 $0x69, v8  }
0x337: {  	[tilespmem:s20+$0x11700] =	vst v11  }
0x338: {  	v11 =	vld.idx.msk [tilespmem:v55+s12+$0x0], $0xffff;
	[tilespmem:s20+$0x11710] =	vst v13  }
0x339: {  	v59 =	vadd.s32 $0x6A, v7;
	[tilespmem:s20+$0x11720] =	vst v15;
	v13 =	vld.idx.msk [tilespmem:v56+s12+$0x0], $0xffff  }
0x33a: {  	v60 =	vadd.s32 $0x6A, v10;
	[tilespmem:s20+$0x11730] =	vst v17;
	v15 =	vld.idx.msk [tilespmem:v57+s12+$0x0], $0xffff  }
0x33b: {  	v61 =	vadd.s32 $0x6A, v9;
	v17 =	vld.idx.msk [tilespmem:v58+s12+$0x0], $0xffff  }
0x33c: {  	v62 =	vadd.s32 $0x6A, v8  }
0x33d: {  	[tilespmem:s20+$0x11780] =	vst v11  }
0x33e: {  	v11 =	vld.idx.msk [tilespmem:v59+s12+$0x0], $0xffff;
	[tilespmem:s20+$0x11790] =	vst v13  }
0x33f: {  	v63 =	vadd.s32 $0x6B, v7;
	[tilespmem:s20+$0x117A0] =	vst v15;
	v13 =	vld.idx.msk [tilespmem:v60+s12+$0x0], $0xffff  }
0x340: {  	v21 =	vadd.s32 $0x6B, v10;
	[tilespmem:s20+$0x117B0] =	vst v17;
	v15 =	vld.idx.msk [tilespmem:v61+s12+$0x0], $0xffff  }
0x341: {  	v22 =	vadd.s32 $0x6B, v9;
	v17 =	vld.idx.msk [tilespmem:v62+s12+$0x0], $0xffff  }
0x342: {  	v23 =	vadd.s32 $0x6B, v8  }
0x343: {  	[tilespmem:s20+$0x11800] =	vst v11  }
0x344: {  	v11 =	vld.idx.msk [tilespmem:v63+s12+$0x0], $0xffff;
	[tilespmem:s20+$0x11810] =	vst v13  }
0x345: {  	v24 =	vadd.s32 $0x6C, v7;
	[tilespmem:s20+$0x11820] =	vst v15;
	v13 =	vld.idx.msk [tilespmem:v21+s12+$0x0], $0xffff  }
0x346: {  	v25 =	vadd.s32 $0x6C, v10;
	[tilespmem:s20+$0x11830] =	vst v17;
	v15 =	vld.idx.msk [tilespmem:v22+s12+$0x0], $0xffff  }
0x347: {  	v26 =	vadd.s32 $0x6C, v9;
	v17 =	vld.idx.msk [tilespmem:v23+s12+$0x0], $0xffff  }
0x348: {  	v27 =	vadd.s32 $0x6C, v8  }
0x349: {  	[tilespmem:s20+$0x11880] =	vst v11  }
0x34a: {  	v11 =	vld.idx.msk [tilespmem:v24+s12+$0x0], $0xffff;
	[tilespmem:s20+$0x11890] =	vst v13  }
0x34b: {  	v28 =	vadd.s32 $0x6D, v7;
	[tilespmem:s20+$0x118A0] =	vst v15;
	v13 =	vld.idx.msk [tilespmem:v25+s12+$0x0], $0xffff  }
0x34c: {  	v29 =	vadd.s32 $0x6D, v10;
	[tilespmem:s20+$0x118B0] =	vst v17;
	v15 =	vld.idx.msk [tilespmem:v26+s12+$0x0], $0xffff  }
0x34d: {  	v30 =	vadd.s32 $0x6D, v9;
	v17 =	vld.idx.msk [tilespmem:v27+s12+$0x0], $0xffff  }
0x34e: {  	v31 =	vadd.s32 $0x6D, v8  }
0x34f: {  	[tilespmem:s20+$0x11900] =	vst v11  }
0x350: {  	v11 =	vld.idx.msk [tilespmem:v28+s12+$0x0], $0xffff;
	[tilespmem:s20+$0x11910] =	vst v13  }
0x351: {  	v32 =	vadd.s32 $0x6E, v7;
	[tilespmem:s20+$0x11920] =	vst v15;
	v13 =	vld.idx.msk [tilespmem:v29+s12+$0x0], $0xffff  }
0x352: {  	v33 =	vadd.s32 $0x6E, v10;
	[tilespmem:s20+$0x11930] =	vst v17;
	v15 =	vld.idx.msk [tilespmem:v30+s12+$0x0], $0xffff  }
0x353: {  	v34 =	vadd.s32 $0x6E, v9;
	v17 =	vld.idx.msk [tilespmem:v31+s12+$0x0], $0xffff  }
0x354: {  	v35 =	vadd.s32 $0x6E, v8  }
0x355: {  	[tilespmem:s20+$0x11980] =	vst v11  }
0x356: {  	v11 =	vld.idx.msk [tilespmem:v32+s12+$0x0], $0xffff;
	[tilespmem:s20+$0x11990] =	vst v13  }
0x357: {  	v36 =	vadd.s32 $0x6F, v7;
	[tilespmem:s20+$0x119A0] =	vst v15;
	v13 =	vld.idx.msk [tilespmem:v33+s12+$0x0], $0xffff  }
0x358: {  	v37 =	vadd.s32 $0x6F, v10;
	[tilespmem:s20+$0x119B0] =	vst v17;
	v15 =	vld.idx.msk [tilespmem:v34+s12+$0x0], $0xffff  }
0x359: {  	v38 =	vadd.s32 $0x6F, v9;
	v17 =	vld.idx.msk [tilespmem:v35+s12+$0x0], $0xffff  }
0x35a: {  	v39 =	vadd.s32 $0x6F, v8  }
0x35b: {  	[tilespmem:s20+$0x11A00] =	vst v11  }
0x35c: {  	v11 =	vld.idx.msk [tilespmem:v36+s12+$0x0], $0xffff;
	[tilespmem:s20+$0x11A10] =	vst v13  }
0x35d: {  	v40 =	vadd.s32 $0x70, v7;
	[tilespmem:s20+$0x11A20] =	vst v15;
	v13 =	vld.idx.msk [tilespmem:v37+s12+$0x0], $0xffff  }
0x35e: {  	v41 =	vadd.s32 $0x70, v10;
	[tilespmem:s20+$0x11A30] =	vst v17;
	v15 =	vld.idx.msk [tilespmem:v38+s12+$0x0], $0xffff  }
0x35f: {  	v42 =	vadd.s32 $0x70, v9;
	v17 =	vld.idx.msk [tilespmem:v39+s12+$0x0], $0xffff  }
0x360: {  	v43 =	vadd.s32 $0x70, v8  }
0x361: {  	[tilespmem:s20+$0x11A80] =	vst v11  }
0x362: {  	v11 =	vld.idx.msk [tilespmem:v40+s12+$0x0], $0xffff;
	[tilespmem:s20+$0x11A90] =	vst v13  }
0x363: {  	v44 =	vadd.s32 $0x71, v7;
	[tilespmem:s20+$0x11AA0] =	vst v15;
	v13 =	vld.idx.msk [tilespmem:v41+s12+$0x0], $0xffff  }
0x364: {  	v45 =	vadd.s32 $0x71, v10;
	[tilespmem:s20+$0x11AB0] =	vst v17;
	v15 =	vld.idx.msk [tilespmem:v42+s12+$0x0], $0xffff  }
0x365: {  	v46 =	vadd.s32 $0x71, v9;
	v17 =	vld.idx.msk [tilespmem:v43+s12+$0x0], $0xffff  }
0x366: {  	v47 =	vadd.s32 $0x71, v8  }
0x367: {  	[tilespmem:s20+$0x11B00] =	vst v11  }
0x368: {  	v11 =	vld.idx.msk [tilespmem:v44+s12+$0x0], $0xffff;
	[tilespmem:s20+$0x11B10] =	vst v13  }
0x369: {  	v48 =	vadd.s32 $0x72, v7;
	[tilespmem:s20+$0x11B20] =	vst v15;
	v13 =	vld.idx.msk [tilespmem:v45+s12+$0x0], $0xffff  }
0x36a: {  	v49 =	vadd.s32 $0x72, v10;
	[tilespmem:s20+$0x11B30] =	vst v17;
	v15 =	vld.idx.msk [tilespmem:v46+s12+$0x0], $0xffff  }
0x36b: {  	v50 =	vadd.s32 $0x72, v9;
	v17 =	vld.idx.msk [tilespmem:v47+s12+$0x0], $0xffff  }
0x36c: {  	v51 =	vadd.s32 $0x72, v8  }
0x36d: {  	[tilespmem:s20+$0x11B80] =	vst v11  }
0x36e: {  	v11 =	vld.idx.msk [tilespmem:v48+s12+$0x0], $0xffff;
	[tilespmem:s20+$0x11B90] =	vst v13  }
0x36f: {  	v52 =	vadd.s32 $0x73, v7;
	[tilespmem:s20+$0x11BA0] =	vst v15;
	v13 =	vld.idx.msk [tilespmem:v49+s12+$0x0], $0xffff  }
0x370: {  	v53 =	vadd.s32 $0x73, v10;
	[tilespmem:s20+$0x11BB0] =	vst v17;
	v15 =	vld.idx.msk [tilespmem:v50+s12+$0x0], $0xffff  }
0x371: {  	v54 =	vadd.s32 $0x73, v9;
	v17 =	vld.idx.msk [tilespmem:v51+s12+$0x0], $0xffff  }
0x372: {  	v55 =	vadd.s32 $0x73, v8  }
0x373: {  	[tilespmem:s20+$0x11C00] =	vst v11  }
0x374: {  	v11 =	vld.idx.msk [tilespmem:v52+s12+$0x0], $0xffff;
	[tilespmem:s20+$0x11C10] =	vst v13  }
0x375: {  	v56 =	vadd.s32 $0x74, v7;
	[tilespmem:s20+$0x11C20] =	vst v15;
	v13 =	vld.idx.msk [tilespmem:v53+s12+$0x0], $0xffff  }
0x376: {  	v57 =	vadd.s32 $0x74, v10;
	[tilespmem:s20+$0x11C30] =	vst v17;
	v15 =	vld.idx.msk [tilespmem:v54+s12+$0x0], $0xffff  }
0x377: {  	v58 =	vadd.s32 $0x74, v9;
	v17 =	vld.idx.msk [tilespmem:v55+s12+$0x0], $0xffff  }
0x378: {  	v59 =	vadd.s32 $0x74, v8  }
0x379: {  	[tilespmem:s20+$0x11C80] =	vst v11  }
0x37a: {  	v11 =	vld.idx.msk [tilespmem:v56+s12+$0x0], $0xffff;
	[tilespmem:s20+$0x11C90] =	vst v13  }
0x37b: {  	v60 =	vadd.s32 $0x75, v7;
	[tilespmem:s20+$0x11CA0] =	vst v15;
	v13 =	vld.idx.msk [tilespmem:v57+s12+$0x0], $0xffff  }
0x37c: {  	v61 =	vadd.s32 $0x75, v10;
	[tilespmem:s20+$0x11CB0] =	vst v17;
	v15 =	vld.idx.msk [tilespmem:v58+s12+$0x0], $0xffff  }
0x37d: {  	v62 =	vadd.s32 $0x75, v9;
	v17 =	vld.idx.msk [tilespmem:v59+s12+$0x0], $0xffff  }
0x37e: {  	v63 =	vadd.s32 $0x75, v8  }
0x37f: {  	[tilespmem:s20+$0x11D00] =	vst v11  }
0x380: {  	v11 =	vld.idx.msk [tilespmem:v60+s12+$0x0], $0xffff;
	[tilespmem:s20+$0x11D10] =	vst v13  }
0x381: {  	v21 =	vadd.s32 $0x76, v7;
	[tilespmem:s20+$0x11D20] =	vst v15;
	v13 =	vld.idx.msk [tilespmem:v61+s12+$0x0], $0xffff  }
0x382: {  	v22 =	vadd.s32 $0x76, v10;
	[tilespmem:s20+$0x11D30] =	vst v17;
	v15 =	vld.idx.msk [tilespmem:v62+s12+$0x0], $0xffff  }
0x383: {  	v23 =	vadd.s32 $0x76, v9;
	v17 =	vld.idx.msk [tilespmem:v63+s12+$0x0], $0xffff  }
0x384: {  	v24 =	vadd.s32 $0x76, v8  }
0x385: {  	[tilespmem:s20+$0x11D80] =	vst v11  }
0x386: {  	v11 =	vld.idx.msk [tilespmem:v21+s12+$0x0], $0xffff;
	[tilespmem:s20+$0x11D90] =	vst v13  }
0x387: {  	v25 =	vadd.s32 $0x77, v7;
	[tilespmem:s20+$0x11DA0] =	vst v15;
	v13 =	vld.idx.msk [tilespmem:v22+s12+$0x0], $0xffff  }
0x388: {  	v26 =	vadd.s32 $0x77, v10;
	[tilespmem:s20+$0x11DB0] =	vst v17;
	v15 =	vld.idx.msk [tilespmem:v23+s12+$0x0], $0xffff  }
0x389: {  	v27 =	vadd.s32 $0x77, v9;
	v17 =	vld.idx.msk [tilespmem:v24+s12+$0x0], $0xffff  }
0x38a: {  	v28 =	vadd.s32 $0x77, v8  }
0x38b: {  	[tilespmem:s20+$0x11E00] =	vst v11  }
0x38c: {  	v11 =	vld.idx.msk [tilespmem:v25+s12+$0x0], $0xffff;
	[tilespmem:s20+$0x11E10] =	vst v13  }
0x38d: {  	v29 =	vadd.s32 $0x78, v7;
	[tilespmem:s20+$0x11E20] =	vst v15;
	v13 =	vld.idx.msk [tilespmem:v26+s12+$0x0], $0xffff  }
0x38e: {  	v30 =	vadd.s32 $0x78, v10;
	[tilespmem:s20+$0x11E30] =	vst v17;
	v15 =	vld.idx.msk [tilespmem:v27+s12+$0x0], $0xffff  }
0x38f: {  	v31 =	vadd.s32 $0x78, v9;
	v17 =	vld.idx.msk [tilespmem:v28+s12+$0x0], $0xffff  }
0x390: {  	v32 =	vadd.s32 $0x78, v8  }
0x391: {  	[tilespmem:s20+$0x11E80] =	vst v11  }
0x392: {  	v11 =	vld.idx.msk [tilespmem:v29+s12+$0x0], $0xffff;
	[tilespmem:s20+$0x11E90] =	vst v13  }
0x393: {  	v33 =	vadd.s32 $0x79, v7;
	[tilespmem:s20+$0x11EA0] =	vst v15;
	v13 =	vld.idx.msk [tilespmem:v30+s12+$0x0], $0xffff  }
0x394: {  	v34 =	vadd.s32 $0x79, v10;
	[tilespmem:s20+$0x11EB0] =	vst v17;
	v15 =	vld.idx.msk [tilespmem:v31+s12+$0x0], $0xffff  }
0x395: {  	v35 =	vadd.s32 $0x79, v9;
	v17 =	vld.idx.msk [tilespmem:v32+s12+$0x0], $0xffff  }
0x396: {  	v36 =	vadd.s32 $0x79, v8  }
0x397: {  	[tilespmem:s20+$0x11F00] =	vst v11  }
0x398: {  	v11 =	vld.idx.msk [tilespmem:v33+s12+$0x0], $0xffff;
	[tilespmem:s20+$0x11F10] =	vst v13  }
0x399: {  	v37 =	vadd.s32 $0x7A, v7;
	[tilespmem:s20+$0x11F20] =	vst v15;
	v13 =	vld.idx.msk [tilespmem:v34+s12+$0x0], $0xffff  }
0x39a: {  	v38 =	vadd.s32 $0x7A, v10;
	[tilespmem:s20+$0x11F30] =	vst v17;
	v15 =	vld.idx.msk [tilespmem:v35+s12+$0x0], $0xffff  }
0x39b: {  	v39 =	vadd.s32 $0x7A, v9;
	v17 =	vld.idx.msk [tilespmem:v36+s12+$0x0], $0xffff  }
0x39c: {  	v40 =	vadd.s32 $0x7A, v8  }
0x39d: {  	[tilespmem:s20+$0x11F80] =	vst v11  }
0x39e: {  	v11 =	vld.idx.msk [tilespmem:v37+s12+$0x0], $0xffff;
	[tilespmem:s20+$0x11F90] =	vst v13  }
0x39f: {  	v41 =	vadd.s32 $0x7B, v7;
	[tilespmem:s20+$0x11FA0] =	vst v15;
	v13 =	vld.idx.msk [tilespmem:v38+s12+$0x0], $0xffff  }
0x3a0: {  	v42 =	vadd.s32 $0x7B, v10;
	[tilespmem:s20+$0x11FB0] =	vst v17;
	v15 =	vld.idx.msk [tilespmem:v39+s12+$0x0], $0xffff  }
0x3a1: {  	v43 =	vadd.s32 $0x7B, v9;
	v17 =	vld.idx.msk [tilespmem:v40+s12+$0x0], $0xffff  }
0x3a2: {  	v44 =	vadd.s32 $0x7B, v8  }
0x3a3: {  	[tilespmem:s20+$0x12000] =	vst v11  }
0x3a4: {  	v11 =	vld.idx.msk [tilespmem:v41+s12+$0x0], $0xffff;
	[tilespmem:s20+$0x12010] =	vst v13  }
0x3a5: {  	v45 =	vadd.s32 $0x7C, v7;
	[tilespmem:s20+$0x12020] =	vst v15;
	v13 =	vld.idx.msk [tilespmem:v42+s12+$0x0], $0xffff  }
0x3a6: {  	v46 =	vadd.s32 $0x7C, v10;
	[tilespmem:s20+$0x12030] =	vst v17;
	v15 =	vld.idx.msk [tilespmem:v43+s12+$0x0], $0xffff  }
0x3a7: {  	v47 =	vadd.s32 $0x7C, v9;
	v17 =	vld.idx.msk [tilespmem:v44+s12+$0x0], $0xffff  }
0x3a8: {  	v48 =	vadd.s32 $0x7C, v8  }
0x3a9: {  	[tilespmem:s20+$0x12080] =	vst v11  }
0x3aa: {  	v11 =	vld.idx.msk [tilespmem:v45+s12+$0x0], $0xffff;
	[tilespmem:s20+$0x12090] =	vst v13  }
0x3ab: {  	v49 =	vadd.s32 $0x7D, v7;
	[tilespmem:s20+$0x120A0] =	vst v15;
	v13 =	vld.idx.msk [tilespmem:v46+s12+$0x0], $0xffff  }
0x3ac: {  	v50 =	vadd.s32 $0x7D, v10;
	[tilespmem:s20+$0x120B0] =	vst v17;
	v15 =	vld.idx.msk [tilespmem:v47+s12+$0x0], $0xffff  }
0x3ad: {  	v51 =	vadd.s32 $0x7D, v9;
	v17 =	vld.idx.msk [tilespmem:v48+s12+$0x0], $0xffff  }
0x3ae: {  	v52 =	vadd.s32 $0x7D, v8  }
0x3af: {  	[tilespmem:s20+$0x12100] =	vst v11  }
0x3b0: {  	v11 =	vld.idx.msk [tilespmem:v49+s12+$0x0], $0xffff;
	[tilespmem:s20+$0x12110] =	vst v13  }
0x3b1: {  	v53 =	vadd.s32 $0x7E, v7;
	[tilespmem:s20+$0x12120] =	vst v15;
	v13 =	vld.idx.msk [tilespmem:v50+s12+$0x0], $0xffff  }
0x3b2: {  	v54 =	vadd.s32 $0x7E, v10;
	[tilespmem:s20+$0x12130] =	vst v17;
	v15 =	vld.idx.msk [tilespmem:v51+s12+$0x0], $0xffff  }
0x3b3: {  	v55 =	vadd.s32 $0x7E, v9;
	v17 =	vld.idx.msk [tilespmem:v52+s12+$0x0], $0xffff  }
0x3b4: {  	v56 =	vadd.s32 $0x7E, v8  }
0x3b5: {  	[tilespmem:s20+$0x12180] =	vst v11  }
0x3b6: {  	v11 =	vld.idx.msk [tilespmem:v53+s12+$0x0], $0xffff;
	[tilespmem:s20+$0x12190] =	vst v13  }
0x3b7: {  	v57 =	vadd.s32 $0x7F, v7;
	[tilespmem:s20+$0x121A0] =	vst v15;
	v13 =	vld.idx.msk [tilespmem:v54+s12+$0x0], $0xffff  }
0x3b8: {  	v58 =	vadd.s32 $0x7F, v10;
	[tilespmem:s20+$0x121B0] =	vst v17;
	v15 =	vld.idx.msk [tilespmem:v55+s12+$0x0], $0xffff  }
0x3b9: {  	v59 =	vadd.s32 $0x7F, v9;
	v17 =	vld.idx.msk [tilespmem:v56+s12+$0x0], $0xffff  }
0x3ba: {  	v60 =	vadd.s32 $0x7F, v8  }
0x3bb: {  	[tilespmem:s20+$0x12200] =	vst v11  }
0x3bc: {  	v11 =	vld.idx.msk [tilespmem:v57+s12+$0x0], $0xffff;
	[tilespmem:s20+$0x12210] =	vst v13  }
0x3bd: {  	v7 =	vadd.s32 $0x80, v7;
	[tilespmem:s20+$0x12220] =	vst v15;
	v61 =	vld.idx.msk [tilespmem:v58+s12+$0x0], $0xffff  }
0x3be: {  	v10 =	vadd.s32 $0x80, v10;
	[tilespmem:s20+$0x12230] =	vst v17;
	v62 =	vld.idx.msk [tilespmem:v59+s12+$0x0], $0xffff  }
0x3bf: {  	v9 =	vadd.s32 $0x80, v9;
	v63 =	vld.idx.msk [tilespmem:v60+s12+$0x0], $0xffff  }
0x3c0: {  	v8 =	vadd.s32 $0x80, v8  }
0x3c1: {  	[tilespmem:s20+$0x12280] =	vst v11  }
0x3c2: {  	v7 =	vld.idx.msk [tilespmem:v7+s12+$0x0], $0xffff;
	[tilespmem:s20+$0x12290] =	vst v61  }
0x3c3: {  	[tilespmem:s20+$0x122A0] =	vst v62;
	v10 =	vld.idx.msk [tilespmem:v10+s12+$0x0], $0xffff  }
0x3c4: {  	[tilespmem:s20+$0x122B0] =	vst v63;
	v9 =	vld.idx.msk [tilespmem:v9+s12+$0x0], $0xffff  }
0x3c5: {  	p1 =	por p0, p0;
	v8 =	vld.idx.msk [tilespmem:v8+s12+$0x0], $0xffff  }
.Ltmp5:
0x3c6: {  	_ = 	snop;
	(pc) =	sbr.rel @p1 .LBB2_11-.Ltmp5, $4  }
0x3c7: {  	[tilespmem:s20+$0x12300] =	vst v7  }
0x3c8: {  	[tilespmem:s20+$0x12310] =	vst v10  }
0x3c9: {  	[tilespmem:s20+$0x12320] =	vst v9  }
0x3ca: {  	p0 =	por $0x0, $0x0;
	[tilespmem:s20+$0x12330] =	vst v8;
	s20 =	simm.s32 $0x40  }
0x3cb: {  	[hbm4b:s8+s13] =	stream.strided.scatter [tilespmem:s16], [sflag:$0x2], $0x2000, s14, s13, $0x38;
	[tilespmem:$0x12380] =	vst v63  }
0x3cc: {  	s20 =	simm.s32 $0x1  }
.LBB2_13:
0x3cd: {  	s0 =	sshll.u32 s20, $0x13  }
0x3ce: {  	_ =	swait.ge [sflag:s17], $0x2000;
	s1 =	smul.u32 $0x82, s20;
	s0 =	sor.u32 s6, s0  }
0x3cf: {  	s22 =	simm.s32 $0x0;
	[sflag:s17] =	ssyncset.done $0x0;
	s0 =	sshrl.u32 s0, $0x3  }
0x3d0: {  	p0 =	por $0x1, $0x1;
	[sflag:s17] =	ssyncadd.s32 $0xFFFFE000;
	v7 =	vmov s1;
	s21 =	sadd.s32 s3, s0  }
.LBB2_14:
0x3d1: {  	v8 =	vld [tilespmem:s22+$0xE300];
	_ =	sdelay $0x4  }
0x3d2: {  	v8 =	vadd.s32 v7, v8;
	_ =	sdelay $0x4  }
0x3d3: {  	v9 =	vld.idx.msk [tilespmem:v8+s12+$0x0], $0xffff  }
0x3d4: {  	v10 =	vadd.s32 $0x1, v8;
	_ =	sdelay $0x3  }
0x3d5: {  	[tilespmem:s22+$0xE380] =	vst v9  }
0x3d6: {  	v9 =	vld.idx.msk [tilespmem:v10+s12+$0x0], $0xffff  }
0x3d7: {  	v32 =	vadd.s32 $0x2, v8;
	_ =	sdelay $0x3  }
0x3d8: {  	[tilespmem:s22+$0xE400] =	vst v9  }
0x3d9: {  	v9 =	vld.idx.msk [tilespmem:v32+s12+$0x0], $0xffff  }
0x3da: {  	v33 =	vadd.s32 $0x3, v8;
	_ =	sdelay $0x3  }
0x3db: {  	[tilespmem:s22+$0xE480] =	vst v9  }
0x3dc: {  	v9 =	vld.idx.msk [tilespmem:v33+s12+$0x0], $0xffff  }
0x3dd: {  	v34 =	vadd.s32 $0x4, v8;
	_ =	sdelay $0x3  }
0x3de: {  	[tilespmem:s22+$0xE500] =	vst v9  }
0x3df: {  	v9 =	vld.idx.msk [tilespmem:v34+s12+$0x0], $0xffff  }
0x3e0: {  	v35 =	vadd.s32 $0x5, v8;
	_ =	sdelay $0x3  }
0x3e1: {  	[tilespmem:s22+$0xE580] =	vst v9  }
0x3e2: {  	v9 =	vld.idx.msk [tilespmem:v35+s12+$0x0], $0xffff  }
0x3e3: {  	v36 =	vadd.s32 $0x6, v8;
	_ =	sdelay $0x3  }
0x3e4: {  	[tilespmem:s22+$0xE600] =	vst v9  }
0x3e5: {  	v9 =	vld.idx.msk [tilespmem:v36+s12+$0x0], $0xffff  }
0x3e6: {  	v37 =	vadd.s32 $0x7, v8;
	_ =	sdelay $0x3  }
0x3e7: {  	[tilespmem:s22+$0xE680] =	vst v9  }
0x3e8: {  	v9 =	vld.idx.msk [tilespmem:v37+s12+$0x0], $0xffff;
	_ =	sdelay $0x4  }
0x3e9: {  	[tilespmem:s22+$0xE700] =	vst v9  }
0x3ea: {  	v9 =	vld [tilespmem:s22+$0xE310]  }
0x3eb: {  	v38 =	vld [tilespmem:s22+$0xE320]  }
0x3ec: {  	v12 =	vld [tilespmem:s22+$0xE330];
	_ =	sdelay $0x2  }
0x3ed: {  	v11 =	vadd.s32 v7, v9  }
0x3ee: {  	v10 =	vadd.s32 v7, v38  }
0x3ef: {  	v9 =	vadd.s32 v7, v12;
	_ =	sdelay $0x2  }
0x3f0: {  	v39 =	vld.idx.msk [tilespmem:v11+s12+$0x0], $0xffff  }
0x3f1: {  	v13 =	vadd.s32 $0x1, v11;
	v14 =	vld.idx.msk [tilespmem:v10+s12+$0x0], $0xffff  }
0x3f2: {  	v15 =	vadd.s32 $0x1, v10;
	v16 =	vld.idx.msk [tilespmem:v9+s12+$0x0], $0xffff  }
0x3f3: {  	v17 =	vadd.s32 $0x1, v9;
	_ =	sdelay $0x1  }
0x3f4: {  	[tilespmem:s22+$0xE390] =	vst v39  }
0x3f5: {  	[tilespmem:s22+$0xE3A0] =	vst v14;
	v12 =	vld.idx.msk [tilespmem:v13+s12+$0x0], $0xffff  }
0x3f6: {  	v40 =	vadd.s32 $0x2, v11;
	[tilespmem:s22+$0xE3B0] =	vst v16;
	v14 =	vld.idx.msk [tilespmem:v15+s12+$0x0], $0xffff  }
0x3f7: {  	v41 =	vadd.s32 $0x2, v10;
	v16 =	vld.idx.msk [tilespmem:v17+s12+$0x0], $0xffff  }
0x3f8: {  	v42 =	vadd.s32 $0x2, v9;
	_ =	sdelay $0x1  }
0x3f9: {  	[tilespmem:s22+$0xE410] =	vst v12  }
0x3fa: {  	[tilespmem:s22+$0xE420] =	vst v14;
	v12 =	vld.idx.msk [tilespmem:v40+s12+$0x0], $0xffff  }
0x3fb: {  	v43 =	vadd.s32 $0x3, v11;
	[tilespmem:s22+$0xE430] =	vst v16;
	v14 =	vld.idx.msk [tilespmem:v41+s12+$0x0], $0xffff  }
0x3fc: {  	v44 =	vadd.s32 $0x3, v10;
	v16 =	vld.idx.msk [tilespmem:v42+s12+$0x0], $0xffff  }
0x3fd: {  	v45 =	vadd.s32 $0x3, v9;
	_ =	sdelay $0x1  }
0x3fe: {  	[tilespmem:s22+$0xE490] =	vst v12  }
0x3ff: {  	[tilespmem:s22+$0xE4A0] =	vst v14;
	v12 =	vld.idx.msk [tilespmem:v43+s12+$0x0], $0xffff  }
0x400: {  	v46 =	vadd.s32 $0x4, v11;
	[tilespmem:s22+$0xE4B0] =	vst v16;
	v14 =	vld.idx.msk [tilespmem:v44+s12+$0x0], $0xffff  }
0x401: {  	v47 =	vadd.s32 $0x4, v10;
	v16 =	vld.idx.msk [tilespmem:v45+s12+$0x0], $0xffff  }
0x402: {  	v48 =	vadd.s32 $0x4, v9;
	_ =	sdelay $0x1  }
0x403: {  	[tilespmem:s22+$0xE510] =	vst v12  }
0x404: {  	[tilespmem:s22+$0xE520] =	vst v14;
	v12 =	vld.idx.msk [tilespmem:v46+s12+$0x0], $0xffff  }
0x405: {  	v49 =	vadd.s32 $0x5, v11;
	[tilespmem:s22+$0xE530] =	vst v16;
	v14 =	vld.idx.msk [tilespmem:v47+s12+$0x0], $0xffff  }
0x406: {  	v50 =	vadd.s32 $0x5, v10;
	v16 =	vld.idx.msk [tilespmem:v48+s12+$0x0], $0xffff  }
0x407: {  	v51 =	vadd.s32 $0x5, v9;
	_ =	sdelay $0x1  }
0x408: {  	[tilespmem:s22+$0xE590] =	vst v12  }
0x409: {  	[tilespmem:s22+$0xE5A0] =	vst v14;
	v12 =	vld.idx.msk [tilespmem:v49+s12+$0x0], $0xffff  }
0x40a: {  	v52 =	vadd.s32 $0x6, v11;
	[tilespmem:s22+$0xE5B0] =	vst v16;
	v14 =	vld.idx.msk [tilespmem:v50+s12+$0x0], $0xffff  }
0x40b: {  	v53 =	vadd.s32 $0x6, v10;
	v16 =	vld.idx.msk [tilespmem:v51+s12+$0x0], $0xffff  }
0x40c: {  	v54 =	vadd.s32 $0x6, v9;
	_ =	sdelay $0x1  }
0x40d: {  	[tilespmem:s22+$0xE610] =	vst v12  }
0x40e: {  	[tilespmem:s22+$0xE620] =	vst v14;
	v12 =	vld.idx.msk [tilespmem:v52+s12+$0x0], $0xffff  }
0x40f: {  	v55 =	vadd.s32 $0x7, v11;
	[tilespmem:s22+$0xE630] =	vst v16;
	v14 =	vld.idx.msk [tilespmem:v53+s12+$0x0], $0xffff  }
0x410: {  	v56 =	vadd.s32 $0x7, v10;
	v16 =	vld.idx.msk [tilespmem:v54+s12+$0x0], $0xffff  }
0x411: {  	v57 =	vadd.s32 $0x7, v9;
	_ =	sdelay $0x1  }
0x412: {  	[tilespmem:s22+$0xE690] =	vst v12  }
0x413: {  	v58 =	vadd.s32 $0x8, v8;
	[tilespmem:s22+$0xE6A0] =	vst v14;
	v13 =	vld.idx.msk [tilespmem:v55+s12+$0x0], $0xffff  }
0x414: {  	v59 =	vadd.s32 $0x8, v11;
	[tilespmem:s22+$0xE6B0] =	vst v16;
	v15 =	vld.idx.msk [tilespmem:v56+s12+$0x0], $0xffff  }
0x415: {  	v60 =	vadd.s32 $0x8, v10;
	v17 =	vld.idx.msk [tilespmem:v57+s12+$0x0], $0xffff  }
0x416: {  	v18 =	vadd.s32 $0x8, v9;
	_ =	sdelay $0x1  }
0x417: {  	v12 =	vld.idx.msk [tilespmem:v58+s12+$0x0], $0xffff;
	[tilespmem:s22+$0xE710] =	vst v13  }
0x418: {  	v61 =	vadd.s32 $0x9, v8;
	[tilespmem:s22+$0xE720] =	vst v15;
	v14 =	vld.idx.msk [tilespmem:v59+s12+$0x0], $0xffff  }
0x419: {  	v62 =	vadd.s32 $0x9, v11;
	[tilespmem:s22+$0xE730] =	vst v17;
	v16 =	vld.idx.msk [tilespmem:v60+s12+$0x0], $0xffff  }
0x41a: {  	v63 =	vadd.s32 $0x9, v10;
	v18 =	vld.idx.msk [tilespmem:v18+s12+$0x0], $0xffff  }
0x41b: {  	v19 =	vadd.s32 $0x9, v9  }
0x41c: {  	[tilespmem:s22+$0xE780] =	vst v12  }
0x41d: {  	v12 =	vld.idx.msk [tilespmem:v61+s12+$0x0], $0xffff;
	[tilespmem:s22+$0xE790] =	vst v14  }
0x41e: {  	v21 =	vadd.s32 $0xA, v8;
	[tilespmem:s22+$0xE7A0] =	vst v16;
	v14 =	vld.idx.msk [tilespmem:v62+s12+$0x0], $0xffff  }
0x41f: {  	v22 =	vadd.s32 $0xA, v11;
	[tilespmem:s22+$0xE7B0] =	vst v18;
	v16 =	vld.idx.msk [tilespmem:v63+s12+$0x0], $0xffff  }
0x420: {  	v23 =	vadd.s32 $0xA, v10;
	v18 =	vld.idx.msk [tilespmem:v19+s12+$0x0], $0xffff  }
0x421: {  	v24 =	vadd.s32 $0xA, v9  }
0x422: {  	[tilespmem:s22+$0xE800] =	vst v12  }
0x423: {  	v12 =	vld.idx.msk [tilespmem:v21+s12+$0x0], $0xffff;
	[tilespmem:s22+$0xE810] =	vst v14  }
0x424: {  	v25 =	vadd.s32 $0xB, v8;
	[tilespmem:s22+$0xE820] =	vst v16;
	v14 =	vld.idx.msk [tilespmem:v22+s12+$0x0], $0xffff  }
0x425: {  	v26 =	vadd.s32 $0xB, v11;
	[tilespmem:s22+$0xE830] =	vst v18;
	v16 =	vld.idx.msk [tilespmem:v23+s12+$0x0], $0xffff  }
0x426: {  	v27 =	vadd.s32 $0xB, v10;
	v18 =	vld.idx.msk [tilespmem:v24+s12+$0x0], $0xffff  }
0x427: {  	v28 =	vadd.s32 $0xB, v9  }
0x428: {  	[tilespmem:s22+$0xE880] =	vst v12  }
0x429: {  	v12 =	vld.idx.msk [tilespmem:v25+s12+$0x0], $0xffff;
	[tilespmem:s22+$0xE890] =	vst v14  }
0x42a: {  	v29 =	vadd.s32 $0xC, v8;
	[tilespmem:s22+$0xE8A0] =	vst v16;
	v14 =	vld.idx.msk [tilespmem:v26+s12+$0x0], $0xffff  }
0x42b: {  	v30 =	vadd.s32 $0xC, v11;
	[tilespmem:s22+$0xE8B0] =	vst v18;
	v16 =	vld.idx.msk [tilespmem:v27+s12+$0x0], $0xffff  }
0x42c: {  	v31 =	vadd.s32 $0xC, v10;
	v18 =	vld.idx.msk [tilespmem:v28+s12+$0x0], $0xffff  }
0x42d: {  	v32 =	vadd.s32 $0xC, v9  }
0x42e: {  	[tilespmem:s22+$0xE900] =	vst v12  }
0x42f: {  	v12 =	vld.idx.msk [tilespmem:v29+s12+$0x0], $0xffff;
	[tilespmem:s22+$0xE910] =	vst v14  }
0x430: {  	v33 =	vadd.s32 $0xD, v8;
	[tilespmem:s22+$0xE920] =	vst v16;
	v14 =	vld.idx.msk [tilespmem:v30+s12+$0x0], $0xffff  }
0x431: {  	v34 =	vadd.s32 $0xD, v11;
	[tilespmem:s22+$0xE930] =	vst v18;
	v16 =	vld.idx.msk [tilespmem:v31+s12+$0x0], $0xffff  }
0x432: {  	v35 =	vadd.s32 $0xD, v10;
	v18 =	vld.idx.msk [tilespmem:v32+s12+$0x0], $0xffff  }
0x433: {  	v36 =	vadd.s32 $0xD, v9  }
0x434: {  	[tilespmem:s22+$0xE980] =	vst v12  }
0x435: {  	v12 =	vld.idx.msk [tilespmem:v33+s12+$0x0], $0xffff;
	[tilespmem:s22+$0xE990] =	vst v14  }
0x436: {  	v37 =	vadd.s32 $0xE, v8;
	[tilespmem:s22+$0xE9A0] =	vst v16;
	v14 =	vld.idx.msk [tilespmem:v34+s12+$0x0], $0xffff  }
0x437: {  	v38 =	vadd.s32 $0xE, v11;
	[tilespmem:s22+$0xE9B0] =	vst v18;
	v16 =	vld.idx.msk [tilespmem:v35+s12+$0x0], $0xffff  }
0x438: {  	v39 =	vadd.s32 $0xE, v10;
	v18 =	vld.idx.msk [tilespmem:v36+s12+$0x0], $0xffff  }
0x439: {  	v40 =	vadd.s32 $0xE, v9  }
0x43a: {  	[tilespmem:s22+$0xEA00] =	vst v12  }
0x43b: {  	v12 =	vld.idx.msk [tilespmem:v37+s12+$0x0], $0xffff;
	[tilespmem:s22+$0xEA10] =	vst v14  }
0x43c: {  	v41 =	vadd.s32 $0xF, v8;
	[tilespmem:s22+$0xEA20] =	vst v16;
	v14 =	vld.idx.msk [tilespmem:v38+s12+$0x0], $0xffff  }
0x43d: {  	v42 =	vadd.s32 $0xF, v11;
	[tilespmem:s22+$0xEA30] =	vst v18;
	v16 =	vld.idx.msk [tilespmem:v39+s12+$0x0], $0xffff  }
0x43e: {  	v43 =	vadd.s32 $0xF, v10;
	v18 =	vld.idx.msk [tilespmem:v40+s12+$0x0], $0xffff  }
0x43f: {  	v44 =	vadd.s32 $0xF, v9  }
0x440: {  	[tilespmem:s22+$0xEA80] =	vst v12  }
0x441: {  	v12 =	vld.idx.msk [tilespmem:v41+s12+$0x0], $0xffff;
	[tilespmem:s22+$0xEA90] =	vst v14  }
0x442: {  	v45 =	vadd.s32 $0x10, v8;
	[tilespmem:s22+$0xEAA0] =	vst v16;
	v14 =	vld.idx.msk [tilespmem:v42+s12+$0x0], $0xffff  }
0x443: {  	v46 =	vadd.s32 $0x10, v11;
	[tilespmem:s22+$0xEAB0] =	vst v18;
	v16 =	vld.idx.msk [tilespmem:v43+s12+$0x0], $0xffff  }
0x444: {  	v47 =	vadd.s32 $0x10, v10;
	v18 =	vld.idx.msk [tilespmem:v44+s12+$0x0], $0xffff  }
0x445: {  	v48 =	vadd.s32 $0x10, v9  }
0x446: {  	[tilespmem:s22+$0xEB00] =	vst v12  }
0x447: {  	v12 =	vld.idx.msk [tilespmem:v45+s12+$0x0], $0xffff;
	[tilespmem:s22+$0xEB10] =	vst v14  }
0x448: {  	v49 =	vadd.s32 $0x11, v8;
	[tilespmem:s22+$0xEB20] =	vst v16;
	v14 =	vld.idx.msk [tilespmem:v46+s12+$0x0], $0xffff  }
0x449: {  	v50 =	vadd.s32 $0x11, v11;
	[tilespmem:s22+$0xEB30] =	vst v18;
	v16 =	vld.idx.msk [tilespmem:v47+s12+$0x0], $0xffff  }
0x44a: {  	v51 =	vadd.s32 $0x11, v10;
	v18 =	vld.idx.msk [tilespmem:v48+s12+$0x0], $0xffff  }
0x44b: {  	v52 =	vadd.s32 $0x11, v9  }
0x44c: {  	[tilespmem:s22+$0xEB80] =	vst v12  }
0x44d: {  	v12 =	vld.idx.msk [tilespmem:v49+s12+$0x0], $0xffff;
	[tilespmem:s22+$0xEB90] =	vst v14  }
0x44e: {  	v53 =	vadd.s32 $0x12, v8;
	[tilespmem:s22+$0xEBA0] =	vst v16;
	v14 =	vld.idx.msk [tilespmem:v50+s12+$0x0], $0xffff  }
0x44f: {  	v54 =	vadd.s32 $0x12, v11;
	[tilespmem:s22+$0xEBB0] =	vst v18;
	v16 =	vld.idx.msk [tilespmem:v51+s12+$0x0], $0xffff  }
0x450: {  	v55 =	vadd.s32 $0x12, v10;
	v18 =	vld.idx.msk [tilespmem:v52+s12+$0x0], $0xffff  }
0x451: {  	v56 =	vadd.s32 $0x12, v9  }
0x452: {  	[tilespmem:s22+$0xEC00] =	vst v12  }
0x453: {  	v12 =	vld.idx.msk [tilespmem:v53+s12+$0x0], $0xffff;
	[tilespmem:s22+$0xEC10] =	vst v14  }
0x454: {  	v57 =	vadd.s32 $0x13, v8;
	[tilespmem:s22+$0xEC20] =	vst v16;
	v14 =	vld.idx.msk [tilespmem:v54+s12+$0x0], $0xffff  }
0x455: {  	v58 =	vadd.s32 $0x13, v11;
	[tilespmem:s22+$0xEC30] =	vst v18;
	v16 =	vld.idx.msk [tilespmem:v55+s12+$0x0], $0xffff  }
0x456: {  	v59 =	vadd.s32 $0x13, v10;
	v18 =	vld.idx.msk [tilespmem:v56+s12+$0x0], $0xffff  }
0x457: {  	v60 =	vadd.s32 $0x13, v9  }
0x458: {  	[tilespmem:s22+$0xEC80] =	vst v12  }
0x459: {  	v12 =	vld.idx.msk [tilespmem:v57+s12+$0x0], $0xffff;
	[tilespmem:s22+$0xEC90] =	vst v14  }
0x45a: {  	v61 =	vadd.s32 $0x14, v8;
	[tilespmem:s22+$0xECA0] =	vst v16;
	v14 =	vld.idx.msk [tilespmem:v58+s12+$0x0], $0xffff  }
0x45b: {  	v62 =	vadd.s32 $0x14, v11;
	[tilespmem:s22+$0xECB0] =	vst v18;
	v16 =	vld.idx.msk [tilespmem:v59+s12+$0x0], $0xffff  }
0x45c: {  	v63 =	vadd.s32 $0x14, v10;
	v18 =	vld.idx.msk [tilespmem:v60+s12+$0x0], $0xffff  }
0x45d: {  	v21 =	vadd.s32 $0x14, v9  }
0x45e: {  	[tilespmem:s22+$0xED00] =	vst v12  }
0x45f: {  	v12 =	vld.idx.msk [tilespmem:v61+s12+$0x0], $0xffff;
	[tilespmem:s22+$0xED10] =	vst v14  }
0x460: {  	v22 =	vadd.s32 $0x15, v8;
	[tilespmem:s22+$0xED20] =	vst v16;
	v14 =	vld.idx.msk [tilespmem:v62+s12+$0x0], $0xffff  }
0x461: {  	v23 =	vadd.s32 $0x15, v11;
	[tilespmem:s22+$0xED30] =	vst v18;
	v16 =	vld.idx.msk [tilespmem:v63+s12+$0x0], $0xffff  }
0x462: {  	v24 =	vadd.s32 $0x15, v10;
	v18 =	vld.idx.msk [tilespmem:v21+s12+$0x0], $0xffff  }
0x463: {  	v25 =	vadd.s32 $0x15, v9  }
0x464: {  	[tilespmem:s22+$0xED80] =	vst v12  }
0x465: {  	v12 =	vld.idx.msk [tilespmem:v22+s12+$0x0], $0xffff;
	[tilespmem:s22+$0xED90] =	vst v14  }
0x466: {  	v26 =	vadd.s32 $0x16, v8;
	[tilespmem:s22+$0xEDA0] =	vst v16;
	v14 =	vld.idx.msk [tilespmem:v23+s12+$0x0], $0xffff  }
0x467: {  	v27 =	vadd.s32 $0x16, v11;
	[tilespmem:s22+$0xEDB0] =	vst v18;
	v16 =	vld.idx.msk [tilespmem:v24+s12+$0x0], $0xffff  }
0x468: {  	v28 =	vadd.s32 $0x16, v10;
	v18 =	vld.idx.msk [tilespmem:v25+s12+$0x0], $0xffff  }
0x469: {  	v29 =	vadd.s32 $0x16, v9  }
0x46a: {  	[tilespmem:s22+$0xEE00] =	vst v12  }
0x46b: {  	v12 =	vld.idx.msk [tilespmem:v26+s12+$0x0], $0xffff;
	[tilespmem:s22+$0xEE10] =	vst v14  }
0x46c: {  	v30 =	vadd.s32 $0x17, v8;
	[tilespmem:s22+$0xEE20] =	vst v16;
	v14 =	vld.idx.msk [tilespmem:v27+s12+$0x0], $0xffff  }
0x46d: {  	v31 =	vadd.s32 $0x17, v11;
	[tilespmem:s22+$0xEE30] =	vst v18;
	v16 =	vld.idx.msk [tilespmem:v28+s12+$0x0], $0xffff  }
0x46e: {  	v32 =	vadd.s32 $0x17, v10;
	v18 =	vld.idx.msk [tilespmem:v29+s12+$0x0], $0xffff  }
0x46f: {  	v33 =	vadd.s32 $0x17, v9  }
0x470: {  	[tilespmem:s22+$0xEE80] =	vst v12  }
0x471: {  	v12 =	vld.idx.msk [tilespmem:v30+s12+$0x0], $0xffff;
	[tilespmem:s22+$0xEE90] =	vst v14  }
0x472: {  	v34 =	vadd.s32 $0x18, v8;
	[tilespmem:s22+$0xEEA0] =	vst v16;
	v14 =	vld.idx.msk [tilespmem:v31+s12+$0x0], $0xffff  }
0x473: {  	v35 =	vadd.s32 $0x18, v11;
	[tilespmem:s22+$0xEEB0] =	vst v18;
	v16 =	vld.idx.msk [tilespmem:v32+s12+$0x0], $0xffff  }
0x474: {  	v36 =	vadd.s32 $0x18, v10;
	v18 =	vld.idx.msk [tilespmem:v33+s12+$0x0], $0xffff  }
0x475: {  	v37 =	vadd.s32 $0x18, v9  }
0x476: {  	[tilespmem:s22+$0xEF00] =	vst v12  }
0x477: {  	v12 =	vld.idx.msk [tilespmem:v34+s12+$0x0], $0xffff;
	[tilespmem:s22+$0xEF10] =	vst v14  }
0x478: {  	v38 =	vadd.s32 $0x19, v8;
	[tilespmem:s22+$0xEF20] =	vst v16;
	v14 =	vld.idx.msk [tilespmem:v35+s12+$0x0], $0xffff  }
0x479: {  	v39 =	vadd.s32 $0x19, v11;
	[tilespmem:s22+$0xEF30] =	vst v18;
	v16 =	vld.idx.msk [tilespmem:v36+s12+$0x0], $0xffff  }
0x47a: {  	v40 =	vadd.s32 $0x19, v10;
	v18 =	vld.idx.msk [tilespmem:v37+s12+$0x0], $0xffff  }
0x47b: {  	v41 =	vadd.s32 $0x19, v9  }
0x47c: {  	[tilespmem:s22+$0xEF80] =	vst v12  }
0x47d: {  	v12 =	vld.idx.msk [tilespmem:v38+s12+$0x0], $0xffff;
	[tilespmem:s22+$0xEF90] =	vst v14  }
0x47e: {  	v42 =	vadd.s32 $0x1A, v8;
	[tilespmem:s22+$0xEFA0] =	vst v16;
	v14 =	vld.idx.msk [tilespmem:v39+s12+$0x0], $0xffff  }
0x47f: {  	v43 =	vadd.s32 $0x1A, v11;
	[tilespmem:s22+$0xEFB0] =	vst v18;
	v16 =	vld.idx.msk [tilespmem:v40+s12+$0x0], $0xffff  }
0x480: {  	v44 =	vadd.s32 $0x1A, v10;
	v18 =	vld.idx.msk [tilespmem:v41+s12+$0x0], $0xffff  }
0x481: {  	v45 =	vadd.s32 $0x1A, v9  }
0x482: {  	[tilespmem:s22+$0xF000] =	vst v12  }
0x483: {  	v12 =	vld.idx.msk [tilespmem:v42+s12+$0x0], $0xffff;
	[tilespmem:s22+$0xF010] =	vst v14  }
0x484: {  	v46 =	vadd.s32 $0x1B, v8;
	[tilespmem:s22+$0xF020] =	vst v16;
	v14 =	vld.idx.msk [tilespmem:v43+s12+$0x0], $0xffff  }
0x485: {  	v47 =	vadd.s32 $0x1B, v11;
	[tilespmem:s22+$0xF030] =	vst v18;
	v16 =	vld.idx.msk [tilespmem:v44+s12+$0x0], $0xffff  }
0x486: {  	v48 =	vadd.s32 $0x1B, v10;
	v18 =	vld.idx.msk [tilespmem:v45+s12+$0x0], $0xffff  }
0x487: {  	v49 =	vadd.s32 $0x1B, v9  }
0x488: {  	[tilespmem:s22+$0xF080] =	vst v12  }
0x489: {  	v12 =	vld.idx.msk [tilespmem:v46+s12+$0x0], $0xffff;
	[tilespmem:s22+$0xF090] =	vst v14  }
0x48a: {  	v50 =	vadd.s32 $0x1C, v8;
	[tilespmem:s22+$0xF0A0] =	vst v16;
	v14 =	vld.idx.msk [tilespmem:v47+s12+$0x0], $0xffff  }
0x48b: {  	v51 =	vadd.s32 $0x1C, v11;
	[tilespmem:s22+$0xF0B0] =	vst v18;
	v16 =	vld.idx.msk [tilespmem:v48+s12+$0x0], $0xffff  }
0x48c: {  	v52 =	vadd.s32 $0x1C, v10;
	v18 =	vld.idx.msk [tilespmem:v49+s12+$0x0], $0xffff  }
0x48d: {  	v53 =	vadd.s32 $0x1C, v9  }
0x48e: {  	[tilespmem:s22+$0xF100] =	vst v12  }
0x48f: {  	v12 =	vld.idx.msk [tilespmem:v50+s12+$0x0], $0xffff;
	[tilespmem:s22+$0xF110] =	vst v14  }
0x490: {  	v54 =	vadd.s32 $0x1D, v8;
	[tilespmem:s22+$0xF120] =	vst v16;
	v14 =	vld.idx.msk [tilespmem:v51+s12+$0x0], $0xffff  }
0x491: {  	v55 =	vadd.s32 $0x1D, v11;
	[tilespmem:s22+$0xF130] =	vst v18;
	v16 =	vld.idx.msk [tilespmem:v52+s12+$0x0], $0xffff  }
0x492: {  	v56 =	vadd.s32 $0x1D, v10;
	v18 =	vld.idx.msk [tilespmem:v53+s12+$0x0], $0xffff  }
0x493: {  	v57 =	vadd.s32 $0x1D, v9  }
0x494: {  	[tilespmem:s22+$0xF180] =	vst v12  }
0x495: {  	v12 =	vld.idx.msk [tilespmem:v54+s12+$0x0], $0xffff;
	[tilespmem:s22+$0xF190] =	vst v14  }
0x496: {  	v58 =	vadd.s32 $0x1E, v8;
	[tilespmem:s22+$0xF1A0] =	vst v16;
	v14 =	vld.idx.msk [tilespmem:v55+s12+$0x0], $0xffff  }
0x497: {  	v59 =	vadd.s32 $0x1E, v11;
	[tilespmem:s22+$0xF1B0] =	vst v18;
	v16 =	vld.idx.msk [tilespmem:v56+s12+$0x0], $0xffff  }
0x498: {  	v60 =	vadd.s32 $0x1E, v10;
	v18 =	vld.idx.msk [tilespmem:v57+s12+$0x0], $0xffff  }
0x499: {  	v61 =	vadd.s32 $0x1E, v9  }
0x49a: {  	[tilespmem:s22+$0xF200] =	vst v12  }
0x49b: {  	v12 =	vld.idx.msk [tilespmem:v58+s12+$0x0], $0xffff;
	[tilespmem:s22+$0xF210] =	vst v14  }
0x49c: {  	v62 =	vadd.s32 $0x1F, v8;
	[tilespmem:s22+$0xF220] =	vst v16;
	v14 =	vld.idx.msk [tilespmem:v59+s12+$0x0], $0xffff  }
0x49d: {  	v63 =	vadd.s32 $0x1F, v11;
	[tilespmem:s22+$0xF230] =	vst v18;
	v16 =	vld.idx.msk [tilespmem:v60+s12+$0x0], $0xffff  }
0x49e: {  	v21 =	vadd.s32 $0x1F, v10;
	v18 =	vld.idx.msk [tilespmem:v61+s12+$0x0], $0xffff  }
0x49f: {  	v22 =	vadd.s32 $0x1F, v9  }
0x4a0: {  	[tilespmem:s22+$0xF280] =	vst v12  }
0x4a1: {  	v12 =	vld.idx.msk [tilespmem:v62+s12+$0x0], $0xffff;
	[tilespmem:s22+$0xF290] =	vst v14  }
0x4a2: {  	v23 =	vadd.s32 $0x20, v8;
	[tilespmem:s22+$0xF2A0] =	vst v16;
	v14 =	vld.idx.msk [tilespmem:v63+s12+$0x0], $0xffff  }
0x4a3: {  	v24 =	vadd.s32 $0x20, v11;
	[tilespmem:s22+$0xF2B0] =	vst v18;
	v16 =	vld.idx.msk [tilespmem:v21+s12+$0x0], $0xffff  }
0x4a4: {  	v25 =	vadd.s32 $0x20, v10;
	v18 =	vld.idx.msk [tilespmem:v22+s12+$0x0], $0xffff  }
0x4a5: {  	v26 =	vadd.s32 $0x20, v9  }
0x4a6: {  	[tilespmem:s22+$0xF300] =	vst v12  }
0x4a7: {  	v12 =	vld.idx.msk [tilespmem:v23+s12+$0x0], $0xffff;
	[tilespmem:s22+$0xF310] =	vst v14  }
0x4a8: {  	v27 =	vadd.s32 $0x21, v8;
	[tilespmem:s22+$0xF320] =	vst v16;
	v14 =	vld.idx.msk [tilespmem:v24+s12+$0x0], $0xffff  }
0x4a9: {  	v28 =	vadd.s32 $0x21, v11;
	[tilespmem:s22+$0xF330] =	vst v18;
	v16 =	vld.idx.msk [tilespmem:v25+s12+$0x0], $0xffff  }
0x4aa: {  	v29 =	vadd.s32 $0x21, v10;
	v18 =	vld.idx.msk [tilespmem:v26+s12+$0x0], $0xffff  }
0x4ab: {  	v30 =	vadd.s32 $0x21, v9  }
0x4ac: {  	[tilespmem:s22+$0xF380] =	vst v12  }
0x4ad: {  	v12 =	vld.idx.msk [tilespmem:v27+s12+$0x0], $0xffff;
	[tilespmem:s22+$0xF390] =	vst v14  }
0x4ae: {  	v31 =	vadd.s32 $0x22, v8;
	[tilespmem:s22+$0xF3A0] =	vst v16;
	v14 =	vld.idx.msk [tilespmem:v28+s12+$0x0], $0xffff  }
0x4af: {  	v32 =	vadd.s32 $0x22, v11;
	[tilespmem:s22+$0xF3B0] =	vst v18;
	v16 =	vld.idx.msk [tilespmem:v29+s12+$0x0], $0xffff  }
0x4b0: {  	v33 =	vadd.s32 $0x22, v10;
	v18 =	vld.idx.msk [tilespmem:v30+s12+$0x0], $0xffff  }
0x4b1: {  	v34 =	vadd.s32 $0x22, v9  }
0x4b2: {  	[tilespmem:s22+$0xF400] =	vst v12  }
0x4b3: {  	v12 =	vld.idx.msk [tilespmem:v31+s12+$0x0], $0xffff;
	[tilespmem:s22+$0xF410] =	vst v14  }
0x4b4: {  	v35 =	vadd.s32 $0x23, v8;
	[tilespmem:s22+$0xF420] =	vst v16;
	v14 =	vld.idx.msk [tilespmem:v32+s12+$0x0], $0xffff  }
0x4b5: {  	v36 =	vadd.s32 $0x23, v11;
	[tilespmem:s22+$0xF430] =	vst v18;
	v16 =	vld.idx.msk [tilespmem:v33+s12+$0x0], $0xffff  }
0x4b6: {  	v37 =	vadd.s32 $0x23, v10;
	v18 =	vld.idx.msk [tilespmem:v34+s12+$0x0], $0xffff  }
0x4b7: {  	v38 =	vadd.s32 $0x23, v9  }
0x4b8: {  	[tilespmem:s22+$0xF480] =	vst v12  }
0x4b9: {  	v12 =	vld.idx.msk [tilespmem:v35+s12+$0x0], $0xffff;
	[tilespmem:s22+$0xF490] =	vst v14  }
0x4ba: {  	v39 =	vadd.s32 $0x24, v8;
	[tilespmem:s22+$0xF4A0] =	vst v16;
	v14 =	vld.idx.msk [tilespmem:v36+s12+$0x0], $0xffff  }
0x4bb: {  	v40 =	vadd.s32 $0x24, v11;
	[tilespmem:s22+$0xF4B0] =	vst v18;
	v16 =	vld.idx.msk [tilespmem:v37+s12+$0x0], $0xffff  }
0x4bc: {  	v41 =	vadd.s32 $0x24, v10;
	v18 =	vld.idx.msk [tilespmem:v38+s12+$0x0], $0xffff  }
0x4bd: {  	v42 =	vadd.s32 $0x24, v9  }
0x4be: {  	[tilespmem:s22+$0xF500] =	vst v12  }
0x4bf: {  	v12 =	vld.idx.msk [tilespmem:v39+s12+$0x0], $0xffff;
	[tilespmem:s22+$0xF510] =	vst v14  }
0x4c0: {  	v43 =	vadd.s32 $0x25, v8;
	[tilespmem:s22+$0xF520] =	vst v16;
	v14 =	vld.idx.msk [tilespmem:v40+s12+$0x0], $0xffff  }
0x4c1: {  	v44 =	vadd.s32 $0x25, v11;
	[tilespmem:s22+$0xF530] =	vst v18;
	v16 =	vld.idx.msk [tilespmem:v41+s12+$0x0], $0xffff  }
0x4c2: {  	v45 =	vadd.s32 $0x25, v10;
	v18 =	vld.idx.msk [tilespmem:v42+s12+$0x0], $0xffff  }
0x4c3: {  	v46 =	vadd.s32 $0x25, v9  }
0x4c4: {  	[tilespmem:s22+$0xF580] =	vst v12  }
0x4c5: {  	v12 =	vld.idx.msk [tilespmem:v43+s12+$0x0], $0xffff;
	[tilespmem:s22+$0xF590] =	vst v14  }
0x4c6: {  	v47 =	vadd.s32 $0x26, v8;
	[tilespmem:s22+$0xF5A0] =	vst v16;
	v14 =	vld.idx.msk [tilespmem:v44+s12+$0x0], $0xffff  }
0x4c7: {  	v48 =	vadd.s32 $0x26, v11;
	[tilespmem:s22+$0xF5B0] =	vst v18;
	v16 =	vld.idx.msk [tilespmem:v45+s12+$0x0], $0xffff  }
0x4c8: {  	v49 =	vadd.s32 $0x26, v10;
	v18 =	vld.idx.msk [tilespmem:v46+s12+$0x0], $0xffff  }
0x4c9: {  	v50 =	vadd.s32 $0x26, v9  }
0x4ca: {  	[tilespmem:s22+$0xF600] =	vst v12  }
0x4cb: {  	v12 =	vld.idx.msk [tilespmem:v47+s12+$0x0], $0xffff;
	[tilespmem:s22+$0xF610] =	vst v14  }
0x4cc: {  	v51 =	vadd.s32 $0x27, v8;
	[tilespmem:s22+$0xF620] =	vst v16;
	v14 =	vld.idx.msk [tilespmem:v48+s12+$0x0], $0xffff  }
0x4cd: {  	v52 =	vadd.s32 $0x27, v11;
	[tilespmem:s22+$0xF630] =	vst v18;
	v16 =	vld.idx.msk [tilespmem:v49+s12+$0x0], $0xffff  }
0x4ce: {  	v53 =	vadd.s32 $0x27, v10;
	v18 =	vld.idx.msk [tilespmem:v50+s12+$0x0], $0xffff  }
0x4cf: {  	v54 =	vadd.s32 $0x27, v9  }
0x4d0: {  	[tilespmem:s22+$0xF680] =	vst v12  }
0x4d1: {  	v12 =	vld.idx.msk [tilespmem:v51+s12+$0x0], $0xffff;
	[tilespmem:s22+$0xF690] =	vst v14  }
0x4d2: {  	v55 =	vadd.s32 $0x28, v8;
	[tilespmem:s22+$0xF6A0] =	vst v16;
	v14 =	vld.idx.msk [tilespmem:v52+s12+$0x0], $0xffff  }
0x4d3: {  	v56 =	vadd.s32 $0x28, v11;
	[tilespmem:s22+$0xF6B0] =	vst v18;
	v16 =	vld.idx.msk [tilespmem:v53+s12+$0x0], $0xffff  }
0x4d4: {  	v57 =	vadd.s32 $0x28, v10;
	v18 =	vld.idx.msk [tilespmem:v54+s12+$0x0], $0xffff  }
0x4d5: {  	v58 =	vadd.s32 $0x28, v9  }
0x4d6: {  	[tilespmem:s22+$0xF700] =	vst v12  }
0x4d7: {  	v12 =	vld.idx.msk [tilespmem:v55+s12+$0x0], $0xffff;
	[tilespmem:s22+$0xF710] =	vst v14  }
0x4d8: {  	v59 =	vadd.s32 $0x29, v8;
	[tilespmem:s22+$0xF720] =	vst v16;
	v14 =	vld.idx.msk [tilespmem:v56+s12+$0x0], $0xffff  }
0x4d9: {  	v60 =	vadd.s32 $0x29, v11;
	[tilespmem:s22+$0xF730] =	vst v18;
	v16 =	vld.idx.msk [tilespmem:v57+s12+$0x0], $0xffff  }
0x4da: {  	v61 =	vadd.s32 $0x29, v10;
	v18 =	vld.idx.msk [tilespmem:v58+s12+$0x0], $0xffff  }
0x4db: {  	v62 =	vadd.s32 $0x29, v9  }
0x4dc: {  	[tilespmem:s22+$0xF780] =	vst v12  }
0x4dd: {  	v12 =	vld.idx.msk [tilespmem:v59+s12+$0x0], $0xffff;
	[tilespmem:s22+$0xF790] =	vst v14  }
0x4de: {  	v63 =	vadd.s32 $0x2A, v8;
	[tilespmem:s22+$0xF7A0] =	vst v16;
	v14 =	vld.idx.msk [tilespmem:v60+s12+$0x0], $0xffff  }
0x4df: {  	v21 =	vadd.s32 $0x2A, v11;
	[tilespmem:s22+$0xF7B0] =	vst v18;
	v16 =	vld.idx.msk [tilespmem:v61+s12+$0x0], $0xffff  }
0x4e0: {  	v22 =	vadd.s32 $0x2A, v10;
	v18 =	vld.idx.msk [tilespmem:v62+s12+$0x0], $0xffff  }
0x4e1: {  	v23 =	vadd.s32 $0x2A, v9  }
0x4e2: {  	[tilespmem:s22+$0xF800] =	vst v12  }
0x4e3: {  	v12 =	vld.idx.msk [tilespmem:v63+s12+$0x0], $0xffff;
	[tilespmem:s22+$0xF810] =	vst v14  }
0x4e4: {  	v24 =	vadd.s32 $0x2B, v8;
	[tilespmem:s22+$0xF820] =	vst v16;
	v14 =	vld.idx.msk [tilespmem:v21+s12+$0x0], $0xffff  }
0x4e5: {  	v25 =	vadd.s32 $0x2B, v11;
	[tilespmem:s22+$0xF830] =	vst v18;
	v16 =	vld.idx.msk [tilespmem:v22+s12+$0x0], $0xffff  }
0x4e6: {  	v26 =	vadd.s32 $0x2B, v10;
	v18 =	vld.idx.msk [tilespmem:v23+s12+$0x0], $0xffff  }
0x4e7: {  	v27 =	vadd.s32 $0x2B, v9  }
0x4e8: {  	[tilespmem:s22+$0xF880] =	vst v12  }
0x4e9: {  	v12 =	vld.idx.msk [tilespmem:v24+s12+$0x0], $0xffff;
	[tilespmem:s22+$0xF890] =	vst v14  }
0x4ea: {  	v28 =	vadd.s32 $0x2C, v8;
	[tilespmem:s22+$0xF8A0] =	vst v16;
	v14 =	vld.idx.msk [tilespmem:v25+s12+$0x0], $0xffff  }
0x4eb: {  	v29 =	vadd.s32 $0x2C, v11;
	[tilespmem:s22+$0xF8B0] =	vst v18;
	v16 =	vld.idx.msk [tilespmem:v26+s12+$0x0], $0xffff  }
0x4ec: {  	v30 =	vadd.s32 $0x2C, v10;
	v18 =	vld.idx.msk [tilespmem:v27+s12+$0x0], $0xffff  }
0x4ed: {  	v31 =	vadd.s32 $0x2C, v9  }
0x4ee: {  	[tilespmem:s22+$0xF900] =	vst v12  }
0x4ef: {  	v12 =	vld.idx.msk [tilespmem:v28+s12+$0x0], $0xffff;
	[tilespmem:s22+$0xF910] =	vst v14  }
0x4f0: {  	v32 =	vadd.s32 $0x2D, v8;
	[tilespmem:s22+$0xF920] =	vst v16;
	v14 =	vld.idx.msk [tilespmem:v29+s12+$0x0], $0xffff  }
0x4f1: {  	v33 =	vadd.s32 $0x2D, v11;
	[tilespmem:s22+$0xF930] =	vst v18;
	v16 =	vld.idx.msk [tilespmem:v30+s12+$0x0], $0xffff  }
0x4f2: {  	v34 =	vadd.s32 $0x2D, v10;
	v18 =	vld.idx.msk [tilespmem:v31+s12+$0x0], $0xffff  }
0x4f3: {  	v35 =	vadd.s32 $0x2D, v9  }
0x4f4: {  	[tilespmem:s22+$0xF980] =	vst v12  }
0x4f5: {  	v12 =	vld.idx.msk [tilespmem:v32+s12+$0x0], $0xffff;
	[tilespmem:s22+$0xF990] =	vst v14  }
0x4f6: {  	v36 =	vadd.s32 $0x2E, v8;
	[tilespmem:s22+$0xF9A0] =	vst v16;
	v14 =	vld.idx.msk [tilespmem:v33+s12+$0x0], $0xffff  }
0x4f7: {  	v37 =	vadd.s32 $0x2E, v11;
	[tilespmem:s22+$0xF9B0] =	vst v18;
	v16 =	vld.idx.msk [tilespmem:v34+s12+$0x0], $0xffff  }
0x4f8: {  	v38 =	vadd.s32 $0x2E, v10;
	v18 =	vld.idx.msk [tilespmem:v35+s12+$0x0], $0xffff  }
0x4f9: {  	v39 =	vadd.s32 $0x2E, v9  }
0x4fa: {  	[tilespmem:s22+$0xFA00] =	vst v12  }
0x4fb: {  	v12 =	vld.idx.msk [tilespmem:v36+s12+$0x0], $0xffff;
	[tilespmem:s22+$0xFA10] =	vst v14  }
0x4fc: {  	v40 =	vadd.s32 $0x2F, v8;
	[tilespmem:s22+$0xFA20] =	vst v16;
	v14 =	vld.idx.msk [tilespmem:v37+s12+$0x0], $0xffff  }
0x4fd: {  	v41 =	vadd.s32 $0x2F, v11;
	[tilespmem:s22+$0xFA30] =	vst v18;
	v16 =	vld.idx.msk [tilespmem:v38+s12+$0x0], $0xffff  }
0x4fe: {  	v42 =	vadd.s32 $0x2F, v10;
	v18 =	vld.idx.msk [tilespmem:v39+s12+$0x0], $0xffff  }
0x4ff: {  	v43 =	vadd.s32 $0x2F, v9  }
0x500: {  	[tilespmem:s22+$0xFA80] =	vst v12  }
0x501: {  	v12 =	vld.idx.msk [tilespmem:v40+s12+$0x0], $0xffff;
	[tilespmem:s22+$0xFA90] =	vst v14  }
0x502: {  	v44 =	vadd.s32 $0x30, v8;
	[tilespmem:s22+$0xFAA0] =	vst v16;
	v14 =	vld.idx.msk [tilespmem:v41+s12+$0x0], $0xffff  }
0x503: {  	v45 =	vadd.s32 $0x30, v11;
	[tilespmem:s22+$0xFAB0] =	vst v18;
	v16 =	vld.idx.msk [tilespmem:v42+s12+$0x0], $0xffff  }
0x504: {  	v46 =	vadd.s32 $0x30, v10;
	v18 =	vld.idx.msk [tilespmem:v43+s12+$0x0], $0xffff  }
0x505: {  	v47 =	vadd.s32 $0x30, v9  }
0x506: {  	[tilespmem:s22+$0xFB00] =	vst v12  }
0x507: {  	v12 =	vld.idx.msk [tilespmem:v44+s12+$0x0], $0xffff;
	[tilespmem:s22+$0xFB10] =	vst v14  }
0x508: {  	v48 =	vadd.s32 $0x31, v8;
	[tilespmem:s22+$0xFB20] =	vst v16;
	v14 =	vld.idx.msk [tilespmem:v45+s12+$0x0], $0xffff  }
0x509: {  	v49 =	vadd.s32 $0x31, v11;
	[tilespmem:s22+$0xFB30] =	vst v18;
	v16 =	vld.idx.msk [tilespmem:v46+s12+$0x0], $0xffff  }
0x50a: {  	v50 =	vadd.s32 $0x31, v10;
	v18 =	vld.idx.msk [tilespmem:v47+s12+$0x0], $0xffff  }
0x50b: {  	v51 =	vadd.s32 $0x31, v9  }
0x50c: {  	[tilespmem:s22+$0xFB80] =	vst v12  }
0x50d: {  	v12 =	vld.idx.msk [tilespmem:v48+s12+$0x0], $0xffff;
	[tilespmem:s22+$0xFB90] =	vst v14  }
0x50e: {  	v52 =	vadd.s32 $0x32, v8;
	[tilespmem:s22+$0xFBA0] =	vst v16;
	v14 =	vld.idx.msk [tilespmem:v49+s12+$0x0], $0xffff  }
0x50f: {  	v53 =	vadd.s32 $0x32, v11;
	[tilespmem:s22+$0xFBB0] =	vst v18;
	v16 =	vld.idx.msk [tilespmem:v50+s12+$0x0], $0xffff  }
0x510: {  	v54 =	vadd.s32 $0x32, v10;
	v18 =	vld.idx.msk [tilespmem:v51+s12+$0x0], $0xffff  }
0x511: {  	v55 =	vadd.s32 $0x32, v9  }
0x512: {  	[tilespmem:s22+$0xFC00] =	vst v12  }
0x513: {  	v12 =	vld.idx.msk [tilespmem:v52+s12+$0x0], $0xffff;
	[tilespmem:s22+$0xFC10] =	vst v14  }
0x514: {  	v56 =	vadd.s32 $0x33, v8;
	[tilespmem:s22+$0xFC20] =	vst v16;
	v14 =	vld.idx.msk [tilespmem:v53+s12+$0x0], $0xffff  }
0x515: {  	v57 =	vadd.s32 $0x33, v11;
	[tilespmem:s22+$0xFC30] =	vst v18;
	v16 =	vld.idx.msk [tilespmem:v54+s12+$0x0], $0xffff  }
0x516: {  	v58 =	vadd.s32 $0x33, v10;
	v18 =	vld.idx.msk [tilespmem:v55+s12+$0x0], $0xffff  }
0x517: {  	v59 =	vadd.s32 $0x33, v9  }
0x518: {  	[tilespmem:s22+$0xFC80] =	vst v12  }
0x519: {  	v12 =	vld.idx.msk [tilespmem:v56+s12+$0x0], $0xffff;
	[tilespmem:s22+$0xFC90] =	vst v14  }
0x51a: {  	v60 =	vadd.s32 $0x34, v8;
	[tilespmem:s22+$0xFCA0] =	vst v16;
	v14 =	vld.idx.msk [tilespmem:v57+s12+$0x0], $0xffff  }
0x51b: {  	v61 =	vadd.s32 $0x34, v11;
	[tilespmem:s22+$0xFCB0] =	vst v18;
	v16 =	vld.idx.msk [tilespmem:v58+s12+$0x0], $0xffff  }
0x51c: {  	v62 =	vadd.s32 $0x34, v10;
	v18 =	vld.idx.msk [tilespmem:v59+s12+$0x0], $0xffff  }
0x51d: {  	v63 =	vadd.s32 $0x34, v9  }
0x51e: {  	[tilespmem:s22+$0xFD00] =	vst v12  }
0x51f: {  	v12 =	vld.idx.msk [tilespmem:v60+s12+$0x0], $0xffff;
	[tilespmem:s22+$0xFD10] =	vst v14  }
0x520: {  	v21 =	vadd.s32 $0x35, v8;
	[tilespmem:s22+$0xFD20] =	vst v16;
	v14 =	vld.idx.msk [tilespmem:v61+s12+$0x0], $0xffff  }
0x521: {  	v22 =	vadd.s32 $0x35, v11;
	[tilespmem:s22+$0xFD30] =	vst v18;
	v16 =	vld.idx.msk [tilespmem:v62+s12+$0x0], $0xffff  }
0x522: {  	v23 =	vadd.s32 $0x35, v10;
	v18 =	vld.idx.msk [tilespmem:v63+s12+$0x0], $0xffff  }
0x523: {  	v24 =	vadd.s32 $0x35, v9  }
0x524: {  	[tilespmem:s22+$0xFD80] =	vst v12  }
0x525: {  	v12 =	vld.idx.msk [tilespmem:v21+s12+$0x0], $0xffff;
	[tilespmem:s22+$0xFD90] =	vst v14  }
0x526: {  	v25 =	vadd.s32 $0x36, v8;
	[tilespmem:s22+$0xFDA0] =	vst v16;
	v14 =	vld.idx.msk [tilespmem:v22+s12+$0x0], $0xffff  }
0x527: {  	v26 =	vadd.s32 $0x36, v11;
	[tilespmem:s22+$0xFDB0] =	vst v18;
	v16 =	vld.idx.msk [tilespmem:v23+s12+$0x0], $0xffff  }
0x528: {  	v27 =	vadd.s32 $0x36, v10;
	v18 =	vld.idx.msk [tilespmem:v24+s12+$0x0], $0xffff  }
0x529: {  	v28 =	vadd.s32 $0x36, v9  }
0x52a: {  	[tilespmem:s22+$0xFE00] =	vst v12  }
0x52b: {  	v12 =	vld.idx.msk [tilespmem:v25+s12+$0x0], $0xffff;
	[tilespmem:s22+$0xFE10] =	vst v14  }
0x52c: {  	v29 =	vadd.s32 $0x37, v8;
	[tilespmem:s22+$0xFE20] =	vst v16;
	v14 =	vld.idx.msk [tilespmem:v26+s12+$0x0], $0xffff  }
0x52d: {  	v30 =	vadd.s32 $0x37, v11;
	[tilespmem:s22+$0xFE30] =	vst v18;
	v16 =	vld.idx.msk [tilespmem:v27+s12+$0x0], $0xffff  }
0x52e: {  	v31 =	vadd.s32 $0x37, v10;
	v18 =	vld.idx.msk [tilespmem:v28+s12+$0x0], $0xffff  }
0x52f: {  	v32 =	vadd.s32 $0x37, v9  }
0x530: {  	[tilespmem:s22+$0xFE80] =	vst v12  }
0x531: {  	v12 =	vld.idx.msk [tilespmem:v29+s12+$0x0], $0xffff;
	[tilespmem:s22+$0xFE90] =	vst v14  }
0x532: {  	v33 =	vadd.s32 $0x38, v8;
	[tilespmem:s22+$0xFEA0] =	vst v16;
	v14 =	vld.idx.msk [tilespmem:v30+s12+$0x0], $0xffff  }
0x533: {  	v34 =	vadd.s32 $0x38, v11;
	[tilespmem:s22+$0xFEB0] =	vst v18;
	v16 =	vld.idx.msk [tilespmem:v31+s12+$0x0], $0xffff  }
0x534: {  	v35 =	vadd.s32 $0x38, v10;
	v18 =	vld.idx.msk [tilespmem:v32+s12+$0x0], $0xffff  }
0x535: {  	v36 =	vadd.s32 $0x38, v9  }
0x536: {  	[tilespmem:s22+$0xFF00] =	vst v12  }
0x537: {  	v12 =	vld.idx.msk [tilespmem:v33+s12+$0x0], $0xffff;
	[tilespmem:s22+$0xFF10] =	vst v14  }
0x538: {  	v37 =	vadd.s32 $0x39, v8;
	[tilespmem:s22+$0xFF20] =	vst v16;
	v14 =	vld.idx.msk [tilespmem:v34+s12+$0x0], $0xffff  }
0x539: {  	v38 =	vadd.s32 $0x39, v11;
	[tilespmem:s22+$0xFF30] =	vst v18;
	v16 =	vld.idx.msk [tilespmem:v35+s12+$0x0], $0xffff  }
0x53a: {  	v39 =	vadd.s32 $0x39, v10;
	v18 =	vld.idx.msk [tilespmem:v36+s12+$0x0], $0xffff  }
0x53b: {  	v40 =	vadd.s32 $0x39, v9  }
0x53c: {  	[tilespmem:s22+$0xFF80] =	vst v12  }
0x53d: {  	v12 =	vld.idx.msk [tilespmem:v37+s12+$0x0], $0xffff;
	[tilespmem:s22+$0xFF90] =	vst v14  }
0x53e: {  	v41 =	vadd.s32 $0x3A, v8;
	[tilespmem:s22+$0xFFA0] =	vst v16;
	v14 =	vld.idx.msk [tilespmem:v38+s12+$0x0], $0xffff  }
0x53f: {  	v42 =	vadd.s32 $0x3A, v11;
	[tilespmem:s22+$0xFFB0] =	vst v18;
	v16 =	vld.idx.msk [tilespmem:v39+s12+$0x0], $0xffff  }
0x540: {  	v43 =	vadd.s32 $0x3A, v10;
	v18 =	vld.idx.msk [tilespmem:v40+s12+$0x0], $0xffff  }
0x541: {  	v44 =	vadd.s32 $0x3A, v9  }
0x542: {  	[tilespmem:s22+$0x10000] =	vst v12  }
0x543: {  	v12 =	vld.idx.msk [tilespmem:v41+s12+$0x0], $0xffff;
	[tilespmem:s22+$0x10010] =	vst v14  }
0x544: {  	v45 =	vadd.s32 $0x3B, v8;
	[tilespmem:s22+$0x10020] =	vst v16;
	v14 =	vld.idx.msk [tilespmem:v42+s12+$0x0], $0xffff  }
0x545: {  	v46 =	vadd.s32 $0x3B, v11;
	[tilespmem:s22+$0x10030] =	vst v18;
	v16 =	vld.idx.msk [tilespmem:v43+s12+$0x0], $0xffff  }
0x546: {  	v47 =	vadd.s32 $0x3B, v10;
	v18 =	vld.idx.msk [tilespmem:v44+s12+$0x0], $0xffff  }
0x547: {  	v48 =	vadd.s32 $0x3B, v9  }
0x548: {  	[tilespmem:s22+$0x10080] =	vst v12  }
0x549: {  	v12 =	vld.idx.msk [tilespmem:v45+s12+$0x0], $0xffff;
	[tilespmem:s22+$0x10090] =	vst v14  }
0x54a: {  	v49 =	vadd.s32 $0x3C, v8;
	[tilespmem:s22+$0x100A0] =	vst v16;
	v14 =	vld.idx.msk [tilespmem:v46+s12+$0x0], $0xffff  }
0x54b: {  	v50 =	vadd.s32 $0x3C, v11;
	[tilespmem:s22+$0x100B0] =	vst v18;
	v16 =	vld.idx.msk [tilespmem:v47+s12+$0x0], $0xffff  }
0x54c: {  	v51 =	vadd.s32 $0x3C, v10;
	v18 =	vld.idx.msk [tilespmem:v48+s12+$0x0], $0xffff  }
0x54d: {  	v52 =	vadd.s32 $0x3C, v9  }
0x54e: {  	[tilespmem:s22+$0x10100] =	vst v12  }
0x54f: {  	v12 =	vld.idx.msk [tilespmem:v49+s12+$0x0], $0xffff;
	[tilespmem:s22+$0x10110] =	vst v14  }
0x550: {  	v53 =	vadd.s32 $0x3D, v8;
	[tilespmem:s22+$0x10120] =	vst v16;
	v14 =	vld.idx.msk [tilespmem:v50+s12+$0x0], $0xffff  }
0x551: {  	v54 =	vadd.s32 $0x3D, v11;
	[tilespmem:s22+$0x10130] =	vst v18;
	v16 =	vld.idx.msk [tilespmem:v51+s12+$0x0], $0xffff  }
0x552: {  	v55 =	vadd.s32 $0x3D, v10;
	v18 =	vld.idx.msk [tilespmem:v52+s12+$0x0], $0xffff  }
0x553: {  	v56 =	vadd.s32 $0x3D, v9  }
0x554: {  	[tilespmem:s22+$0x10180] =	vst v12  }
0x555: {  	v12 =	vld.idx.msk [tilespmem:v53+s12+$0x0], $0xffff;
	[tilespmem:s22+$0x10190] =	vst v14  }
0x556: {  	v57 =	vadd.s32 $0x3E, v8;
	[tilespmem:s22+$0x101A0] =	vst v16;
	v14 =	vld.idx.msk [tilespmem:v54+s12+$0x0], $0xffff  }
0x557: {  	v58 =	vadd.s32 $0x3E, v11;
	[tilespmem:s22+$0x101B0] =	vst v18;
	v16 =	vld.idx.msk [tilespmem:v55+s12+$0x0], $0xffff  }
0x558: {  	v59 =	vadd.s32 $0x3E, v10;
	v18 =	vld.idx.msk [tilespmem:v56+s12+$0x0], $0xffff  }
0x559: {  	v60 =	vadd.s32 $0x3E, v9  }
0x55a: {  	[tilespmem:s22+$0x10200] =	vst v12  }
0x55b: {  	v12 =	vld.idx.msk [tilespmem:v57+s12+$0x0], $0xffff;
	[tilespmem:s22+$0x10210] =	vst v14  }
0x55c: {  	v8 =	vadd.s32 $0x3F, v8;
	[tilespmem:s22+$0x10220] =	vst v16;
	v61 =	vld.idx.msk [tilespmem:v58+s12+$0x0], $0xffff  }
0x55d: {  	v11 =	vadd.s32 $0x3F, v11;
	[tilespmem:s22+$0x10230] =	vst v18;
	v62 =	vld.idx.msk [tilespmem:v59+s12+$0x0], $0xffff  }
0x55e: {  	v10 =	vadd.s32 $0x3F, v10;
	v63 =	vld.idx.msk [tilespmem:v60+s12+$0x0], $0xffff  }
0x55f: {  	v9 =	vadd.s32 $0x3F, v9  }
0x560: {  	[tilespmem:s22+$0x10280] =	vst v12  }
0x561: {  	v8 =	vld.idx.msk [tilespmem:v8+s12+$0x0], $0xffff;
	[tilespmem:s22+$0x10290] =	vst v61  }
0x562: {  	[tilespmem:s22+$0x102A0] =	vst v62;
	v11 =	vld.idx.msk [tilespmem:v11+s12+$0x0], $0xffff  }
0x563: {  	[tilespmem:s22+$0x102B0] =	vst v63;
	v10 =	vld.idx.msk [tilespmem:v10+s12+$0x0], $0xffff  }
0x564: {  	p1 =	por p0, p0;
	v9 =	vld.idx.msk [tilespmem:v9+s12+$0x0], $0xffff  }
.Ltmp6:
0x565: {  	_ = 	snop;
	(pc) =	sbr.rel @p1 .LBB2_14-.Ltmp6, $4  }
0x566: {  	[tilespmem:s22+$0x10300] =	vst v8  }
0x567: {  	[tilespmem:s22+$0x10310] =	vst v11  }
0x568: {  	[tilespmem:s22+$0x10320] =	vst v10  }
0x569: {  	p0 =	por $0x0, $0x0;
	[tilespmem:s22+$0x10330] =	vst v9;
	s22 =	simm.s32 $0x40  }
0x56a: {  	[hbm4b:s21+s13] =	stream.strided.scatter [tilespmem:s15], [sflag:$0x1], $0x2000, s14, s13, $0x38;
	[tilespmem:$0x12380] =	vst v63  }
0x56b: {  	s0 =	sshllo.u32 s20, $0x1  }
0x56c: {  	s1 =	sshll.u32 s0, $0x12  }
0x56d: {  	_ =	swait.ge [sflag:s18], $0x2000;
	s0 =	smul.u32 $0x41, s0;
	s1 =	sor.u32 s6, s1  }
0x56e: {  	s22 =	simm.s32 $0x0;
	[sflag:s18] =	ssyncset.done $0x0;
	s1 =	sshrl.u32 s1, $0x3  }
0x56f: {  	p0 =	por $0x1, $0x1;
	[sflag:s18] =	ssyncadd.s32 $0xFFFFE000;
	v7 =	vmov s0;
	s21 =	sadd.s32 s3, s1  }
.LBB2_16:
0x570: {  	v8 =	vld [tilespmem:s22+$0xE300];
	_ =	sdelay $0x4  }
0x571: {  	v8 =	vadd.s32 v7, v8;
	_ =	sdelay $0x4  }
0x572: {  	v9 =	vld.idx.msk [tilespmem:v8+s12+$0x0], $0xffff  }
0x573: {  	v10 =	vadd.s32 $0x1, v8;
	_ =	sdelay $0x3  }
0x574: {  	[tilespmem:s22+$0x10380] =	vst v9  }
0x575: {  	v9 =	vld.idx.msk [tilespmem:v10+s12+$0x0], $0xffff  }
0x576: {  	v32 =	vadd.s32 $0x2, v8;
	_ =	sdelay $0x3  }
0x577: {  	[tilespmem:s22+$0x10400] =	vst v9  }
0x578: {  	v9 =	vld.idx.msk [tilespmem:v32+s12+$0x0], $0xffff  }
0x579: {  	v33 =	vadd.s32 $0x3, v8;
	_ =	sdelay $0x3  }
0x57a: {  	[tilespmem:s22+$0x10480] =	vst v9  }
0x57b: {  	v9 =	vld.idx.msk [tilespmem:v33+s12+$0x0], $0xffff  }
0x57c: {  	v34 =	vadd.s32 $0x4, v8;
	_ =	sdelay $0x3  }
0x57d: {  	[tilespmem:s22+$0x10500] =	vst v9  }
0x57e: {  	v9 =	vld.idx.msk [tilespmem:v34+s12+$0x0], $0xffff  }
0x57f: {  	v35 =	vadd.s32 $0x5, v8;
	_ =	sdelay $0x3  }
0x580: {  	[tilespmem:s22+$0x10580] =	vst v9  }
0x581: {  	v9 =	vld.idx.msk [tilespmem:v35+s12+$0x0], $0xffff  }
0x582: {  	v36 =	vadd.s32 $0x6, v8;
	_ =	sdelay $0x3  }
0x583: {  	[tilespmem:s22+$0x10600] =	vst v9  }
0x584: {  	v9 =	vld.idx.msk [tilespmem:v36+s12+$0x0], $0xffff  }
0x585: {  	v37 =	vadd.s32 $0x7, v8;
	_ =	sdelay $0x3  }
0x586: {  	[tilespmem:s22+$0x10680] =	vst v9  }
0x587: {  	v9 =	vld.idx.msk [tilespmem:v37+s12+$0x0], $0xffff;
	_ =	sdelay $0x4  }
0x588: {  	[tilespmem:s22+$0x10700] =	vst v9  }
0x589: {  	v9 =	vld [tilespmem:s22+$0xE310]  }
0x58a: {  	v38 =	vld [tilespmem:s22+$0xE320]  }
0x58b: {  	v12 =	vld [tilespmem:s22+$0xE330];
	_ =	sdelay $0x2  }
0x58c: {  	v11 =	vadd.s32 v7, v9  }
0x58d: {  	v10 =	vadd.s32 v7, v38  }
0x58e: {  	v9 =	vadd.s32 v7, v12;
	_ =	sdelay $0x2  }
0x58f: {  	v39 =	vld.idx.msk [tilespmem:v11+s12+$0x0], $0xffff  }
0x590: {  	v13 =	vadd.s32 $0x1, v11;
	v14 =	vld.idx.msk [tilespmem:v10+s12+$0x0], $0xffff  }
0x591: {  	v15 =	vadd.s32 $0x1, v10;
	v16 =	vld.idx.msk [tilespmem:v9+s12+$0x0], $0xffff  }
0x592: {  	v17 =	vadd.s32 $0x1, v9;
	_ =	sdelay $0x1  }
0x593: {  	[tilespmem:s22+$0x10390] =	vst v39  }
0x594: {  	[tilespmem:s22+$0x103A0] =	vst v14;
	v12 =	vld.idx.msk [tilespmem:v13+s12+$0x0], $0xffff  }
0x595: {  	v40 =	vadd.s32 $0x2, v11;
	[tilespmem:s22+$0x103B0] =	vst v16;
	v14 =	vld.idx.msk [tilespmem:v15+s12+$0x0], $0xffff  }
0x596: {  	v41 =	vadd.s32 $0x2, v10;
	v16 =	vld.idx.msk [tilespmem:v17+s12+$0x0], $0xffff  }
0x597: {  	v42 =	vadd.s32 $0x2, v9;
	_ =	sdelay $0x1  }
0x598: {  	[tilespmem:s22+$0x10410] =	vst v12  }
0x599: {  	[tilespmem:s22+$0x10420] =	vst v14;
	v12 =	vld.idx.msk [tilespmem:v40+s12+$0x0], $0xffff  }
0x59a: {  	v43 =	vadd.s32 $0x3, v11;
	[tilespmem:s22+$0x10430] =	vst v16;
	v14 =	vld.idx.msk [tilespmem:v41+s12+$0x0], $0xffff  }
0x59b: {  	v44 =	vadd.s32 $0x3, v10;
	v16 =	vld.idx.msk [tilespmem:v42+s12+$0x0], $0xffff  }
0x59c: {  	v45 =	vadd.s32 $0x3, v9;
	_ =	sdelay $0x1  }
0x59d: {  	[tilespmem:s22+$0x10490] =	vst v12  }
0x59e: {  	[tilespmem:s22+$0x104A0] =	vst v14;
	v12 =	vld.idx.msk [tilespmem:v43+s12+$0x0], $0xffff  }
0x59f: {  	v46 =	vadd.s32 $0x4, v11;
	[tilespmem:s22+$0x104B0] =	vst v16;
	v14 =	vld.idx.msk [tilespmem:v44+s12+$0x0], $0xffff  }
0x5a0: {  	v47 =	vadd.s32 $0x4, v10;
	v16 =	vld.idx.msk [tilespmem:v45+s12+$0x0], $0xffff  }
0x5a1: {  	v48 =	vadd.s32 $0x4, v9;
	_ =	sdelay $0x1  }
0x5a2: {  	[tilespmem:s22+$0x10510] =	vst v12  }
0x5a3: {  	[tilespmem:s22+$0x10520] =	vst v14;
	v12 =	vld.idx.msk [tilespmem:v46+s12+$0x0], $0xffff  }
0x5a4: {  	v49 =	vadd.s32 $0x5, v11;
	[tilespmem:s22+$0x10530] =	vst v16;
	v14 =	vld.idx.msk [tilespmem:v47+s12+$0x0], $0xffff  }
0x5a5: {  	v50 =	vadd.s32 $0x5, v10;
	v16 =	vld.idx.msk [tilespmem:v48+s12+$0x0], $0xffff  }
0x5a6: {  	v51 =	vadd.s32 $0x5, v9;
	_ =	sdelay $0x1  }
0x5a7: {  	[tilespmem:s22+$0x10590] =	vst v12  }
0x5a8: {  	[tilespmem:s22+$0x105A0] =	vst v14;
	v12 =	vld.idx.msk [tilespmem:v49+s12+$0x0], $0xffff  }
0x5a9: {  	v52 =	vadd.s32 $0x6, v11;
	[tilespmem:s22+$0x105B0] =	vst v16;
	v14 =	vld.idx.msk [tilespmem:v50+s12+$0x0], $0xffff  }
0x5aa: {  	v53 =	vadd.s32 $0x6, v10;
	v16 =	vld.idx.msk [tilespmem:v51+s12+$0x0], $0xffff  }
0x5ab: {  	v54 =	vadd.s32 $0x6, v9;
	_ =	sdelay $0x1  }
0x5ac: {  	[tilespmem:s22+$0x10610] =	vst v12  }
0x5ad: {  	[tilespmem:s22+$0x10620] =	vst v14;
	v12 =	vld.idx.msk [tilespmem:v52+s12+$0x0], $0xffff  }
0x5ae: {  	v55 =	vadd.s32 $0x7, v11;
	[tilespmem:s22+$0x10630] =	vst v16;
	v14 =	vld.idx.msk [tilespmem:v53+s12+$0x0], $0xffff  }
0x5af: {  	v56 =	vadd.s32 $0x7, v10;
	v16 =	vld.idx.msk [tilespmem:v54+s12+$0x0], $0xffff  }
0x5b0: {  	v57 =	vadd.s32 $0x7, v9;
	_ =	sdelay $0x1  }
0x5b1: {  	[tilespmem:s22+$0x10690] =	vst v12  }
0x5b2: {  	v58 =	vadd.s32 $0x8, v8;
	[tilespmem:s22+$0x106A0] =	vst v14;
	v13 =	vld.idx.msk [tilespmem:v55+s12+$0x0], $0xffff  }
0x5b3: {  	v59 =	vadd.s32 $0x8, v11;
	[tilespmem:s22+$0x106B0] =	vst v16;
	v15 =	vld.idx.msk [tilespmem:v56+s12+$0x0], $0xffff  }
0x5b4: {  	v60 =	vadd.s32 $0x8, v10;
	v17 =	vld.idx.msk [tilespmem:v57+s12+$0x0], $0xffff  }
0x5b5: {  	v18 =	vadd.s32 $0x8, v9;
	_ =	sdelay $0x1  }
0x5b6: {  	v12 =	vld.idx.msk [tilespmem:v58+s12+$0x0], $0xffff;
	[tilespmem:s22+$0x10710] =	vst v13  }
0x5b7: {  	v61 =	vadd.s32 $0x9, v8;
	[tilespmem:s22+$0x10720] =	vst v15;
	v14 =	vld.idx.msk [tilespmem:v59+s12+$0x0], $0xffff  }
0x5b8: {  	v62 =	vadd.s32 $0x9, v11;
	[tilespmem:s22+$0x10730] =	vst v17;
	v16 =	vld.idx.msk [tilespmem:v60+s12+$0x0], $0xffff  }
0x5b9: {  	v63 =	vadd.s32 $0x9, v10;
	v18 =	vld.idx.msk [tilespmem:v18+s12+$0x0], $0xffff  }
0x5ba: {  	v19 =	vadd.s32 $0x9, v9  }
0x5bb: {  	[tilespmem:s22+$0x10780] =	vst v12  }
0x5bc: {  	v12 =	vld.idx.msk [tilespmem:v61+s12+$0x0], $0xffff;
	[tilespmem:s22+$0x10790] =	vst v14  }
0x5bd: {  	v21 =	vadd.s32 $0xA, v8;
	[tilespmem:s22+$0x107A0] =	vst v16;
	v14 =	vld.idx.msk [tilespmem:v62+s12+$0x0], $0xffff  }
0x5be: {  	v22 =	vadd.s32 $0xA, v11;
	[tilespmem:s22+$0x107B0] =	vst v18;
	v16 =	vld.idx.msk [tilespmem:v63+s12+$0x0], $0xffff  }
0x5bf: {  	v23 =	vadd.s32 $0xA, v10;
	v18 =	vld.idx.msk [tilespmem:v19+s12+$0x0], $0xffff  }
0x5c0: {  	v24 =	vadd.s32 $0xA, v9  }
0x5c1: {  	[tilespmem:s22+$0x10800] =	vst v12  }
0x5c2: {  	v12 =	vld.idx.msk [tilespmem:v21+s12+$0x0], $0xffff;
	[tilespmem:s22+$0x10810] =	vst v14  }
0x5c3: {  	v25 =	vadd.s32 $0xB, v8;
	[tilespmem:s22+$0x10820] =	vst v16;
	v14 =	vld.idx.msk [tilespmem:v22+s12+$0x0], $0xffff  }
0x5c4: {  	v26 =	vadd.s32 $0xB, v11;
	[tilespmem:s22+$0x10830] =	vst v18;
	v16 =	vld.idx.msk [tilespmem:v23+s12+$0x0], $0xffff  }
0x5c5: {  	v27 =	vadd.s32 $0xB, v10;
	v18 =	vld.idx.msk [tilespmem:v24+s12+$0x0], $0xffff  }
0x5c6: {  	v28 =	vadd.s32 $0xB, v9  }
0x5c7: {  	[tilespmem:s22+$0x10880] =	vst v12  }
0x5c8: {  	v12 =	vld.idx.msk [tilespmem:v25+s12+$0x0], $0xffff;
	[tilespmem:s22+$0x10890] =	vst v14  }
0x5c9: {  	v29 =	vadd.s32 $0xC, v8;
	[tilespmem:s22+$0x108A0] =	vst v16;
	v14 =	vld.idx.msk [tilespmem:v26+s12+$0x0], $0xffff  }
0x5ca: {  	v30 =	vadd.s32 $0xC, v11;
	[tilespmem:s22+$0x108B0] =	vst v18;
	v16 =	vld.idx.msk [tilespmem:v27+s12+$0x0], $0xffff  }
0x5cb: {  	v31 =	vadd.s32 $0xC, v10;
	v18 =	vld.idx.msk [tilespmem:v28+s12+$0x0], $0xffff  }
0x5cc: {  	v32 =	vadd.s32 $0xC, v9  }
0x5cd: {  	[tilespmem:s22+$0x10900] =	vst v12  }
0x5ce: {  	v12 =	vld.idx.msk [tilespmem:v29+s12+$0x0], $0xffff;
	[tilespmem:s22+$0x10910] =	vst v14  }
0x5cf: {  	v33 =	vadd.s32 $0xD, v8;
	[tilespmem:s22+$0x10920] =	vst v16;
	v14 =	vld.idx.msk [tilespmem:v30+s12+$0x0], $0xffff  }
0x5d0: {  	v34 =	vadd.s32 $0xD, v11;
	[tilespmem:s22+$0x10930] =	vst v18;
	v16 =	vld.idx.msk [tilespmem:v31+s12+$0x0], $0xffff  }
0x5d1: {  	v35 =	vadd.s32 $0xD, v10;
	v18 =	vld.idx.msk [tilespmem:v32+s12+$0x0], $0xffff  }
0x5d2: {  	v36 =	vadd.s32 $0xD, v9  }
0x5d3: {  	[tilespmem:s22+$0x10980] =	vst v12  }
0x5d4: {  	v12 =	vld.idx.msk [tilespmem:v33+s12+$0x0], $0xffff;
	[tilespmem:s22+$0x10990] =	vst v14  }
0x5d5: {  	v37 =	vadd.s32 $0xE, v8;
	[tilespmem:s22+$0x109A0] =	vst v16;
	v14 =	vld.idx.msk [tilespmem:v34+s12+$0x0], $0xffff  }
0x5d6: {  	v38 =	vadd.s32 $0xE, v11;
	[tilespmem:s22+$0x109B0] =	vst v18;
	v16 =	vld.idx.msk [tilespmem:v35+s12+$0x0], $0xffff  }
0x5d7: {  	v39 =	vadd.s32 $0xE, v10;
	v18 =	vld.idx.msk [tilespmem:v36+s12+$0x0], $0xffff  }
0x5d8: {  	v40 =	vadd.s32 $0xE, v9  }
0x5d9: {  	[tilespmem:s22+$0x10A00] =	vst v12  }
0x5da: {  	v12 =	vld.idx.msk [tilespmem:v37+s12+$0x0], $0xffff;
	[tilespmem:s22+$0x10A10] =	vst v14  }
0x5db: {  	v41 =	vadd.s32 $0xF, v8;
	[tilespmem:s22+$0x10A20] =	vst v16;
	v14 =	vld.idx.msk [tilespmem:v38+s12+$0x0], $0xffff  }
0x5dc: {  	v42 =	vadd.s32 $0xF, v11;
	[tilespmem:s22+$0x10A30] =	vst v18;
	v16 =	vld.idx.msk [tilespmem:v39+s12+$0x0], $0xffff  }
0x5dd: {  	v43 =	vadd.s32 $0xF, v10;
	v18 =	vld.idx.msk [tilespmem:v40+s12+$0x0], $0xffff  }
0x5de: {  	v44 =	vadd.s32 $0xF, v9  }
0x5df: {  	[tilespmem:s22+$0x10A80] =	vst v12  }
0x5e0: {  	v12 =	vld.idx.msk [tilespmem:v41+s12+$0x0], $0xffff;
	[tilespmem:s22+$0x10A90] =	vst v14  }
0x5e1: {  	v45 =	vadd.s32 $0x10, v8;
	[tilespmem:s22+$0x10AA0] =	vst v16;
	v14 =	vld.idx.msk [tilespmem:v42+s12+$0x0], $0xffff  }
0x5e2: {  	v46 =	vadd.s32 $0x10, v11;
	[tilespmem:s22+$0x10AB0] =	vst v18;
	v16 =	vld.idx.msk [tilespmem:v43+s12+$0x0], $0xffff  }
0x5e3: {  	v47 =	vadd.s32 $0x10, v10;
	v18 =	vld.idx.msk [tilespmem:v44+s12+$0x0], $0xffff  }
0x5e4: {  	v48 =	vadd.s32 $0x10, v9  }
0x5e5: {  	[tilespmem:s22+$0x10B00] =	vst v12  }
0x5e6: {  	v12 =	vld.idx.msk [tilespmem:v45+s12+$0x0], $0xffff;
	[tilespmem:s22+$0x10B10] =	vst v14  }
0x5e7: {  	v49 =	vadd.s32 $0x11, v8;
	[tilespmem:s22+$0x10B20] =	vst v16;
	v14 =	vld.idx.msk [tilespmem:v46+s12+$0x0], $0xffff  }
0x5e8: {  	v50 =	vadd.s32 $0x11, v11;
	[tilespmem:s22+$0x10B30] =	vst v18;
	v16 =	vld.idx.msk [tilespmem:v47+s12+$0x0], $0xffff  }
0x5e9: {  	v51 =	vadd.s32 $0x11, v10;
	v18 =	vld.idx.msk [tilespmem:v48+s12+$0x0], $0xffff  }
0x5ea: {  	v52 =	vadd.s32 $0x11, v9  }
0x5eb: {  	[tilespmem:s22+$0x10B80] =	vst v12  }
0x5ec: {  	v12 =	vld.idx.msk [tilespmem:v49+s12+$0x0], $0xffff;
	[tilespmem:s22+$0x10B90] =	vst v14  }
0x5ed: {  	v53 =	vadd.s32 $0x12, v8;
	[tilespmem:s22+$0x10BA0] =	vst v16;
	v14 =	vld.idx.msk [tilespmem:v50+s12+$0x0], $0xffff  }
0x5ee: {  	v54 =	vadd.s32 $0x12, v11;
	[tilespmem:s22+$0x10BB0] =	vst v18;
	v16 =	vld.idx.msk [tilespmem:v51+s12+$0x0], $0xffff  }
0x5ef: {  	v55 =	vadd.s32 $0x12, v10;
	v18 =	vld.idx.msk [tilespmem:v52+s12+$0x0], $0xffff  }
0x5f0: {  	v56 =	vadd.s32 $0x12, v9  }
0x5f1: {  	[tilespmem:s22+$0x10C00] =	vst v12  }
0x5f2: {  	v12 =	vld.idx.msk [tilespmem:v53+s12+$0x0], $0xffff;
	[tilespmem:s22+$0x10C10] =	vst v14  }
0x5f3: {  	v57 =	vadd.s32 $0x13, v8;
	[tilespmem:s22+$0x10C20] =	vst v16;
	v14 =	vld.idx.msk [tilespmem:v54+s12+$0x0], $0xffff  }
0x5f4: {  	v58 =	vadd.s32 $0x13, v11;
	[tilespmem:s22+$0x10C30] =	vst v18;
	v16 =	vld.idx.msk [tilespmem:v55+s12+$0x0], $0xffff  }
0x5f5: {  	v59 =	vadd.s32 $0x13, v10;
	v18 =	vld.idx.msk [tilespmem:v56+s12+$0x0], $0xffff  }
0x5f6: {  	v60 =	vadd.s32 $0x13, v9  }
0x5f7: {  	[tilespmem:s22+$0x10C80] =	vst v12  }
0x5f8: {  	v12 =	vld.idx.msk [tilespmem:v57+s12+$0x0], $0xffff;
	[tilespmem:s22+$0x10C90] =	vst v14  }
0x5f9: {  	v61 =	vadd.s32 $0x14, v8;
	[tilespmem:s22+$0x10CA0] =	vst v16;
	v14 =	vld.idx.msk [tilespmem:v58+s12+$0x0], $0xffff  }
0x5fa: {  	v62 =	vadd.s32 $0x14, v11;
	[tilespmem:s22+$0x10CB0] =	vst v18;
	v16 =	vld.idx.msk [tilespmem:v59+s12+$0x0], $0xffff  }
0x5fb: {  	v63 =	vadd.s32 $0x14, v10;
	v18 =	vld.idx.msk [tilespmem:v60+s12+$0x0], $0xffff  }
0x5fc: {  	v21 =	vadd.s32 $0x14, v9  }
0x5fd: {  	[tilespmem:s22+$0x10D00] =	vst v12  }
0x5fe: {  	v12 =	vld.idx.msk [tilespmem:v61+s12+$0x0], $0xffff;
	[tilespmem:s22+$0x10D10] =	vst v14  }
0x5ff: {  	v22 =	vadd.s32 $0x15, v8;
	[tilespmem:s22+$0x10D20] =	vst v16;
	v14 =	vld.idx.msk [tilespmem:v62+s12+$0x0], $0xffff  }
0x600: {  	v23 =	vadd.s32 $0x15, v11;
	[tilespmem:s22+$0x10D30] =	vst v18;
	v16 =	vld.idx.msk [tilespmem:v63+s12+$0x0], $0xffff  }
0x601: {  	v24 =	vadd.s32 $0x15, v10;
	v18 =	vld.idx.msk [tilespmem:v21+s12+$0x0], $0xffff  }
0x602: {  	v25 =	vadd.s32 $0x15, v9  }
0x603: {  	[tilespmem:s22+$0x10D80] =	vst v12  }
0x604: {  	v12 =	vld.idx.msk [tilespmem:v22+s12+$0x0], $0xffff;
	[tilespmem:s22+$0x10D90] =	vst v14  }
0x605: {  	v26 =	vadd.s32 $0x16, v8;
	[tilespmem:s22+$0x10DA0] =	vst v16;
	v14 =	vld.idx.msk [tilespmem:v23+s12+$0x0], $0xffff  }
0x606: {  	v27 =	vadd.s32 $0x16, v11;
	[tilespmem:s22+$0x10DB0] =	vst v18;
	v16 =	vld.idx.msk [tilespmem:v24+s12+$0x0], $0xffff  }
0x607: {  	v28 =	vadd.s32 $0x16, v10;
	v18 =	vld.idx.msk [tilespmem:v25+s12+$0x0], $0xffff  }
0x608: {  	v29 =	vadd.s32 $0x16, v9  }
0x609: {  	[tilespmem:s22+$0x10E00] =	vst v12  }
0x60a: {  	v12 =	vld.idx.msk [tilespmem:v26+s12+$0x0], $0xffff;
	[tilespmem:s22+$0x10E10] =	vst v14  }
0x60b: {  	v30 =	vadd.s32 $0x17, v8;
	[tilespmem:s22+$0x10E20] =	vst v16;
	v14 =	vld.idx.msk [tilespmem:v27+s12+$0x0], $0xffff  }
0x60c: {  	v31 =	vadd.s32 $0x17, v11;
	[tilespmem:s22+$0x10E30] =	vst v18;
	v16 =	vld.idx.msk [tilespmem:v28+s12+$0x0], $0xffff  }
0x60d: {  	v32 =	vadd.s32 $0x17, v10;
	v18 =	vld.idx.msk [tilespmem:v29+s12+$0x0], $0xffff  }
0x60e: {  	v33 =	vadd.s32 $0x17, v9  }
0x60f: {  	[tilespmem:s22+$0x10E80] =	vst v12  }
0x610: {  	v12 =	vld.idx.msk [tilespmem:v30+s12+$0x0], $0xffff;
	[tilespmem:s22+$0x10E90] =	vst v14  }
0x611: {  	v34 =	vadd.s32 $0x18, v8;
	[tilespmem:s22+$0x10EA0] =	vst v16;
	v14 =	vld.idx.msk [tilespmem:v31+s12+$0x0], $0xffff  }
0x612: {  	v35 =	vadd.s32 $0x18, v11;
	[tilespmem:s22+$0x10EB0] =	vst v18;
	v16 =	vld.idx.msk [tilespmem:v32+s12+$0x0], $0xffff  }
0x613: {  	v36 =	vadd.s32 $0x18, v10;
	v18 =	vld.idx.msk [tilespmem:v33+s12+$0x0], $0xffff  }
0x614: {  	v37 =	vadd.s32 $0x18, v9  }
0x615: {  	[tilespmem:s22+$0x10F00] =	vst v12  }
0x616: {  	v12 =	vld.idx.msk [tilespmem:v34+s12+$0x0], $0xffff;
	[tilespmem:s22+$0x10F10] =	vst v14  }
0x617: {  	v38 =	vadd.s32 $0x19, v8;
	[tilespmem:s22+$0x10F20] =	vst v16;
	v14 =	vld.idx.msk [tilespmem:v35+s12+$0x0], $0xffff  }
0x618: {  	v39 =	vadd.s32 $0x19, v11;
	[tilespmem:s22+$0x10F30] =	vst v18;
	v16 =	vld.idx.msk [tilespmem:v36+s12+$0x0], $0xffff  }
0x619: {  	v40 =	vadd.s32 $0x19, v10;
	v18 =	vld.idx.msk [tilespmem:v37+s12+$0x0], $0xffff  }
0x61a: {  	v41 =	vadd.s32 $0x19, v9  }
0x61b: {  	[tilespmem:s22+$0x10F80] =	vst v12  }
0x61c: {  	v12 =	vld.idx.msk [tilespmem:v38+s12+$0x0], $0xffff;
	[tilespmem:s22+$0x10F90] =	vst v14  }
0x61d: {  	v42 =	vadd.s32 $0x1A, v8;
	[tilespmem:s22+$0x10FA0] =	vst v16;
	v14 =	vld.idx.msk [tilespmem:v39+s12+$0x0], $0xffff  }
0x61e: {  	v43 =	vadd.s32 $0x1A, v11;
	[tilespmem:s22+$0x10FB0] =	vst v18;
	v16 =	vld.idx.msk [tilespmem:v40+s12+$0x0], $0xffff  }
0x61f: {  	v44 =	vadd.s32 $0x1A, v10;
	v18 =	vld.idx.msk [tilespmem:v41+s12+$0x0], $0xffff  }
0x620: {  	v45 =	vadd.s32 $0x1A, v9  }
0x621: {  	[tilespmem:s22+$0x11000] =	vst v12  }
0x622: {  	v12 =	vld.idx.msk [tilespmem:v42+s12+$0x0], $0xffff;
	[tilespmem:s22+$0x11010] =	vst v14  }
0x623: {  	v46 =	vadd.s32 $0x1B, v8;
	[tilespmem:s22+$0x11020] =	vst v16;
	v14 =	vld.idx.msk [tilespmem:v43+s12+$0x0], $0xffff  }
0x624: {  	v47 =	vadd.s32 $0x1B, v11;
	[tilespmem:s22+$0x11030] =	vst v18;
	v16 =	vld.idx.msk [tilespmem:v44+s12+$0x0], $0xffff  }
0x625: {  	v48 =	vadd.s32 $0x1B, v10;
	v18 =	vld.idx.msk [tilespmem:v45+s12+$0x0], $0xffff  }
0x626: {  	v49 =	vadd.s32 $0x1B, v9  }
0x627: {  	[tilespmem:s22+$0x11080] =	vst v12  }
0x628: {  	v12 =	vld.idx.msk [tilespmem:v46+s12+$0x0], $0xffff;
	[tilespmem:s22+$0x11090] =	vst v14  }
0x629: {  	v50 =	vadd.s32 $0x1C, v8;
	[tilespmem:s22+$0x110A0] =	vst v16;
	v14 =	vld.idx.msk [tilespmem:v47+s12+$0x0], $0xffff  }
0x62a: {  	v51 =	vadd.s32 $0x1C, v11;
	[tilespmem:s22+$0x110B0] =	vst v18;
	v16 =	vld.idx.msk [tilespmem:v48+s12+$0x0], $0xffff  }
0x62b: {  	v52 =	vadd.s32 $0x1C, v10;
	v18 =	vld.idx.msk [tilespmem:v49+s12+$0x0], $0xffff  }
0x62c: {  	v53 =	vadd.s32 $0x1C, v9  }
0x62d: {  	[tilespmem:s22+$0x11100] =	vst v12  }
0x62e: {  	v12 =	vld.idx.msk [tilespmem:v50+s12+$0x0], $0xffff;
	[tilespmem:s22+$0x11110] =	vst v14  }
0x62f: {  	v54 =	vadd.s32 $0x1D, v8;
	[tilespmem:s22+$0x11120] =	vst v16;
	v14 =	vld.idx.msk [tilespmem:v51+s12+$0x0], $0xffff  }
0x630: {  	v55 =	vadd.s32 $0x1D, v11;
	[tilespmem:s22+$0x11130] =	vst v18;
	v16 =	vld.idx.msk [tilespmem:v52+s12+$0x0], $0xffff  }
0x631: {  	v56 =	vadd.s32 $0x1D, v10;
	v18 =	vld.idx.msk [tilespmem:v53+s12+$0x0], $0xffff  }
0x632: {  	v57 =	vadd.s32 $0x1D, v9  }
0x633: {  	[tilespmem:s22+$0x11180] =	vst v12  }
0x634: {  	v12 =	vld.idx.msk [tilespmem:v54+s12+$0x0], $0xffff;
	[tilespmem:s22+$0x11190] =	vst v14  }
0x635: {  	v58 =	vadd.s32 $0x1E, v8;
	[tilespmem:s22+$0x111A0] =	vst v16;
	v14 =	vld.idx.msk [tilespmem:v55+s12+$0x0], $0xffff  }
0x636: {  	v59 =	vadd.s32 $0x1E, v11;
	[tilespmem:s22+$0x111B0] =	vst v18;
	v16 =	vld.idx.msk [tilespmem:v56+s12+$0x0], $0xffff  }
0x637: {  	v60 =	vadd.s32 $0x1E, v10;
	v18 =	vld.idx.msk [tilespmem:v57+s12+$0x0], $0xffff  }
0x638: {  	v61 =	vadd.s32 $0x1E, v9  }
0x639: {  	[tilespmem:s22+$0x11200] =	vst v12  }
0x63a: {  	v12 =	vld.idx.msk [tilespmem:v58+s12+$0x0], $0xffff;
	[tilespmem:s22+$0x11210] =	vst v14  }
0x63b: {  	v62 =	vadd.s32 $0x1F, v8;
	[tilespmem:s22+$0x11220] =	vst v16;
	v14 =	vld.idx.msk [tilespmem:v59+s12+$0x0], $0xffff  }
0x63c: {  	v63 =	vadd.s32 $0x1F, v11;
	[tilespmem:s22+$0x11230] =	vst v18;
	v16 =	vld.idx.msk [tilespmem:v60+s12+$0x0], $0xffff  }
0x63d: {  	v21 =	vadd.s32 $0x1F, v10;
	v18 =	vld.idx.msk [tilespmem:v61+s12+$0x0], $0xffff  }
0x63e: {  	v22 =	vadd.s32 $0x1F, v9  }
0x63f: {  	[tilespmem:s22+$0x11280] =	vst v12  }
0x640: {  	v12 =	vld.idx.msk [tilespmem:v62+s12+$0x0], $0xffff;
	[tilespmem:s22+$0x11290] =	vst v14  }
0x641: {  	v23 =	vadd.s32 $0x20, v8;
	[tilespmem:s22+$0x112A0] =	vst v16;
	v14 =	vld.idx.msk [tilespmem:v63+s12+$0x0], $0xffff  }
0x642: {  	v24 =	vadd.s32 $0x20, v11;
	[tilespmem:s22+$0x112B0] =	vst v18;
	v16 =	vld.idx.msk [tilespmem:v21+s12+$0x0], $0xffff  }
0x643: {  	v25 =	vadd.s32 $0x20, v10;
	v18 =	vld.idx.msk [tilespmem:v22+s12+$0x0], $0xffff  }
0x644: {  	v26 =	vadd.s32 $0x20, v9  }
0x645: {  	[tilespmem:s22+$0x11300] =	vst v12  }
0x646: {  	v12 =	vld.idx.msk [tilespmem:v23+s12+$0x0], $0xffff;
	[tilespmem:s22+$0x11310] =	vst v14  }
0x647: {  	v27 =	vadd.s32 $0x21, v8;
	[tilespmem:s22+$0x11320] =	vst v16;
	v14 =	vld.idx.msk [tilespmem:v24+s12+$0x0], $0xffff  }
0x648: {  	v28 =	vadd.s32 $0x21, v11;
	[tilespmem:s22+$0x11330] =	vst v18;
	v16 =	vld.idx.msk [tilespmem:v25+s12+$0x0], $0xffff  }
0x649: {  	v29 =	vadd.s32 $0x21, v10;
	v18 =	vld.idx.msk [tilespmem:v26+s12+$0x0], $0xffff  }
0x64a: {  	v30 =	vadd.s32 $0x21, v9  }
0x64b: {  	[tilespmem:s22+$0x11380] =	vst v12  }
0x64c: {  	v12 =	vld.idx.msk [tilespmem:v27+s12+$0x0], $0xffff;
	[tilespmem:s22+$0x11390] =	vst v14  }
0x64d: {  	v31 =	vadd.s32 $0x22, v8;
	[tilespmem:s22+$0x113A0] =	vst v16;
	v14 =	vld.idx.msk [tilespmem:v28+s12+$0x0], $0xffff  }
0x64e: {  	v32 =	vadd.s32 $0x22, v11;
	[tilespmem:s22+$0x113B0] =	vst v18;
	v16 =	vld.idx.msk [tilespmem:v29+s12+$0x0], $0xffff  }
0x64f: {  	v33 =	vadd.s32 $0x22, v10;
	v18 =	vld.idx.msk [tilespmem:v30+s12+$0x0], $0xffff  }
0x650: {  	v34 =	vadd.s32 $0x22, v9  }
0x651: {  	[tilespmem:s22+$0x11400] =	vst v12  }
0x652: {  	v12 =	vld.idx.msk [tilespmem:v31+s12+$0x0], $0xffff;
	[tilespmem:s22+$0x11410] =	vst v14  }
0x653: {  	v35 =	vadd.s32 $0x23, v8;
	[tilespmem:s22+$0x11420] =	vst v16;
	v14 =	vld.idx.msk [tilespmem:v32+s12+$0x0], $0xffff  }
0x654: {  	v36 =	vadd.s32 $0x23, v11;
	[tilespmem:s22+$0x11430] =	vst v18;
	v16 =	vld.idx.msk [tilespmem:v33+s12+$0x0], $0xffff  }
0x655: {  	v37 =	vadd.s32 $0x23, v10;
	v18 =	vld.idx.msk [tilespmem:v34+s12+$0x0], $0xffff  }
0x656: {  	v38 =	vadd.s32 $0x23, v9  }
0x657: {  	[tilespmem:s22+$0x11480] =	vst v12  }
0x658: {  	v12 =	vld.idx.msk [tilespmem:v35+s12+$0x0], $0xffff;
	[tilespmem:s22+$0x11490] =	vst v14  }
0x659: {  	v39 =	vadd.s32 $0x24, v8;
	[tilespmem:s22+$0x114A0] =	vst v16;
	v14 =	vld.idx.msk [tilespmem:v36+s12+$0x0], $0xffff  }
0x65a: {  	v40 =	vadd.s32 $0x24, v11;
	[tilespmem:s22+$0x114B0] =	vst v18;
	v16 =	vld.idx.msk [tilespmem:v37+s12+$0x0], $0xffff  }
0x65b: {  	v41 =	vadd.s32 $0x24, v10;
	v18 =	vld.idx.msk [tilespmem:v38+s12+$0x0], $0xffff  }
0x65c: {  	v42 =	vadd.s32 $0x24, v9  }
0x65d: {  	[tilespmem:s22+$0x11500] =	vst v12  }
0x65e: {  	v12 =	vld.idx.msk [tilespmem:v39+s12+$0x0], $0xffff;
	[tilespmem:s22+$0x11510] =	vst v14  }
0x65f: {  	v43 =	vadd.s32 $0x25, v8;
	[tilespmem:s22+$0x11520] =	vst v16;
	v14 =	vld.idx.msk [tilespmem:v40+s12+$0x0], $0xffff  }
0x660: {  	v44 =	vadd.s32 $0x25, v11;
	[tilespmem:s22+$0x11530] =	vst v18;
	v16 =	vld.idx.msk [tilespmem:v41+s12+$0x0], $0xffff  }
0x661: {  	v45 =	vadd.s32 $0x25, v10;
	v18 =	vld.idx.msk [tilespmem:v42+s12+$0x0], $0xffff  }
0x662: {  	v46 =	vadd.s32 $0x25, v9  }
0x663: {  	[tilespmem:s22+$0x11580] =	vst v12  }
0x664: {  	v12 =	vld.idx.msk [tilespmem:v43+s12+$0x0], $0xffff;
	[tilespmem:s22+$0x11590] =	vst v14  }
0x665: {  	v47 =	vadd.s32 $0x26, v8;
	[tilespmem:s22+$0x115A0] =	vst v16;
	v14 =	vld.idx.msk [tilespmem:v44+s12+$0x0], $0xffff  }
0x666: {  	v48 =	vadd.s32 $0x26, v11;
	[tilespmem:s22+$0x115B0] =	vst v18;
	v16 =	vld.idx.msk [tilespmem:v45+s12+$0x0], $0xffff  }
0x667: {  	v49 =	vadd.s32 $0x26, v10;
	v18 =	vld.idx.msk [tilespmem:v46+s12+$0x0], $0xffff  }
0x668: {  	v50 =	vadd.s32 $0x26, v9  }
0x669: {  	[tilespmem:s22+$0x11600] =	vst v12  }
0x66a: {  	v12 =	vld.idx.msk [tilespmem:v47+s12+$0x0], $0xffff;
	[tilespmem:s22+$0x11610] =	vst v14  }
0x66b: {  	v51 =	vadd.s32 $0x27, v8;
	[tilespmem:s22+$0x11620] =	vst v16;
	v14 =	vld.idx.msk [tilespmem:v48+s12+$0x0], $0xffff  }
0x66c: {  	v52 =	vadd.s32 $0x27, v11;
	[tilespmem:s22+$0x11630] =	vst v18;
	v16 =	vld.idx.msk [tilespmem:v49+s12+$0x0], $0xffff  }
0x66d: {  	v53 =	vadd.s32 $0x27, v10;
	v18 =	vld.idx.msk [tilespmem:v50+s12+$0x0], $0xffff  }
0x66e: {  	v54 =	vadd.s32 $0x27, v9  }
0x66f: {  	[tilespmem:s22+$0x11680] =	vst v12  }
0x670: {  	v12 =	vld.idx.msk [tilespmem:v51+s12+$0x0], $0xffff;
	[tilespmem:s22+$0x11690] =	vst v14  }
0x671: {  	v55 =	vadd.s32 $0x28, v8;
	[tilespmem:s22+$0x116A0] =	vst v16;
	v14 =	vld.idx.msk [tilespmem:v52+s12+$0x0], $0xffff  }
0x672: {  	v56 =	vadd.s32 $0x28, v11;
	[tilespmem:s22+$0x116B0] =	vst v18;
	v16 =	vld.idx.msk [tilespmem:v53+s12+$0x0], $0xffff  }
0x673: {  	v57 =	vadd.s32 $0x28, v10;
	v18 =	vld.idx.msk [tilespmem:v54+s12+$0x0], $0xffff  }
0x674: {  	v58 =	vadd.s32 $0x28, v9  }
0x675: {  	[tilespmem:s22+$0x11700] =	vst v12  }
0x676: {  	v12 =	vld.idx.msk [tilespmem:v55+s12+$0x0], $0xffff;
	[tilespmem:s22+$0x11710] =	vst v14  }
0x677: {  	v59 =	vadd.s32 $0x29, v8;
	[tilespmem:s22+$0x11720] =	vst v16;
	v14 =	vld.idx.msk [tilespmem:v56+s12+$0x0], $0xffff  }
0x678: {  	v60 =	vadd.s32 $0x29, v11;
	[tilespmem:s22+$0x11730] =	vst v18;
	v16 =	vld.idx.msk [tilespmem:v57+s12+$0x0], $0xffff  }
0x679: {  	v61 =	vadd.s32 $0x29, v10;
	v18 =	vld.idx.msk [tilespmem:v58+s12+$0x0], $0xffff  }
0x67a: {  	v62 =	vadd.s32 $0x29, v9  }
0x67b: {  	[tilespmem:s22+$0x11780] =	vst v12  }
0x67c: {  	v12 =	vld.idx.msk [tilespmem:v59+s12+$0x0], $0xffff;
	[tilespmem:s22+$0x11790] =	vst v14  }
0x67d: {  	v63 =	vadd.s32 $0x2A, v8;
	[tilespmem:s22+$0x117A0] =	vst v16;
	v14 =	vld.idx.msk [tilespmem:v60+s12+$0x0], $0xffff  }
0x67e: {  	v21 =	vadd.s32 $0x2A, v11;
	[tilespmem:s22+$0x117B0] =	vst v18;
	v16 =	vld.idx.msk [tilespmem:v61+s12+$0x0], $0xffff  }
0x67f: {  	v22 =	vadd.s32 $0x2A, v10;
	v18 =	vld.idx.msk [tilespmem:v62+s12+$0x0], $0xffff  }
0x680: {  	v23 =	vadd.s32 $0x2A, v9  }
0x681: {  	[tilespmem:s22+$0x11800] =	vst v12  }
0x682: {  	v12 =	vld.idx.msk [tilespmem:v63+s12+$0x0], $0xffff;
	[tilespmem:s22+$0x11810] =	vst v14  }
0x683: {  	v24 =	vadd.s32 $0x2B, v8;
	[tilespmem:s22+$0x11820] =	vst v16;
	v14 =	vld.idx.msk [tilespmem:v21+s12+$0x0], $0xffff  }
0x684: {  	v25 =	vadd.s32 $0x2B, v11;
	[tilespmem:s22+$0x11830] =	vst v18;
	v16 =	vld.idx.msk [tilespmem:v22+s12+$0x0], $0xffff  }
0x685: {  	v26 =	vadd.s32 $0x2B, v10;
	v18 =	vld.idx.msk [tilespmem:v23+s12+$0x0], $0xffff  }
0x686: {  	v27 =	vadd.s32 $0x2B, v9  }
0x687: {  	[tilespmem:s22+$0x11880] =	vst v12  }
0x688: {  	v12 =	vld.idx.msk [tilespmem:v24+s12+$0x0], $0xffff;
	[tilespmem:s22+$0x11890] =	vst v14  }
0x689: {  	v28 =	vadd.s32 $0x2C, v8;
	[tilespmem:s22+$0x118A0] =	vst v16;
	v14 =	vld.idx.msk [tilespmem:v25+s12+$0x0], $0xffff  }
0x68a: {  	v29 =	vadd.s32 $0x2C, v11;
	[tilespmem:s22+$0x118B0] =	vst v18;
	v16 =	vld.idx.msk [tilespmem:v26+s12+$0x0], $0xffff  }
0x68b: {  	v30 =	vadd.s32 $0x2C, v10;
	v18 =	vld.idx.msk [tilespmem:v27+s12+$0x0], $0xffff  }
0x68c: {  	v31 =	vadd.s32 $0x2C, v9  }
0x68d: {  	[tilespmem:s22+$0x11900] =	vst v12  }
0x68e: {  	v12 =	vld.idx.msk [tilespmem:v28+s12+$0x0], $0xffff;
	[tilespmem:s22+$0x11910] =	vst v14  }
0x68f: {  	v32 =	vadd.s32 $0x2D, v8;
	[tilespmem:s22+$0x11920] =	vst v16;
	v14 =	vld.idx.msk [tilespmem:v29+s12+$0x0], $0xffff  }
0x690: {  	v33 =	vadd.s32 $0x2D, v11;
	[tilespmem:s22+$0x11930] =	vst v18;
	v16 =	vld.idx.msk [tilespmem:v30+s12+$0x0], $0xffff  }
0x691: {  	v34 =	vadd.s32 $0x2D, v10;
	v18 =	vld.idx.msk [tilespmem:v31+s12+$0x0], $0xffff  }
0x692: {  	v35 =	vadd.s32 $0x2D, v9  }
0x693: {  	[tilespmem:s22+$0x11980] =	vst v12  }
0x694: {  	v12 =	vld.idx.msk [tilespmem:v32+s12+$0x0], $0xffff;
	[tilespmem:s22+$0x11990] =	vst v14  }
0x695: {  	v36 =	vadd.s32 $0x2E, v8;
	[tilespmem:s22+$0x119A0] =	vst v16;
	v14 =	vld.idx.msk [tilespmem:v33+s12+$0x0], $0xffff  }
0x696: {  	v37 =	vadd.s32 $0x2E, v11;
	[tilespmem:s22+$0x119B0] =	vst v18;
	v16 =	vld.idx.msk [tilespmem:v34+s12+$0x0], $0xffff  }
0x697: {  	v38 =	vadd.s32 $0x2E, v10;
	v18 =	vld.idx.msk [tilespmem:v35+s12+$0x0], $0xffff  }
0x698: {  	v39 =	vadd.s32 $0x2E, v9  }
0x699: {  	[tilespmem:s22+$0x11A00] =	vst v12  }
0x69a: {  	v12 =	vld.idx.msk [tilespmem:v36+s12+$0x0], $0xffff;
	[tilespmem:s22+$0x11A10] =	vst v14  }
0x69b: {  	v40 =	vadd.s32 $0x2F, v8;
	[tilespmem:s22+$0x11A20] =	vst v16;
	v14 =	vld.idx.msk [tilespmem:v37+s12+$0x0], $0xffff  }
0x69c: {  	v41 =	vadd.s32 $0x2F, v11;
	[tilespmem:s22+$0x11A30] =	vst v18;
	v16 =	vld.idx.msk [tilespmem:v38+s12+$0x0], $0xffff  }
0x69d: {  	v42 =	vadd.s32 $0x2F, v10;
	v18 =	vld.idx.msk [tilespmem:v39+s12+$0x0], $0xffff  }
0x69e: {  	v43 =	vadd.s32 $0x2F, v9  }
0x69f: {  	[tilespmem:s22+$0x11A80] =	vst v12  }
0x6a0: {  	v12 =	vld.idx.msk [tilespmem:v40+s12+$0x0], $0xffff;
	[tilespmem:s22+$0x11A90] =	vst v14  }
0x6a1: {  	v44 =	vadd.s32 $0x30, v8;
	[tilespmem:s22+$0x11AA0] =	vst v16;
	v14 =	vld.idx.msk [tilespmem:v41+s12+$0x0], $0xffff  }
0x6a2: {  	v45 =	vadd.s32 $0x30, v11;
	[tilespmem:s22+$0x11AB0] =	vst v18;
	v16 =	vld.idx.msk [tilespmem:v42+s12+$0x0], $0xffff  }
0x6a3: {  	v46 =	vadd.s32 $0x30, v10;
	v18 =	vld.idx.msk [tilespmem:v43+s12+$0x0], $0xffff  }
0x6a4: {  	v47 =	vadd.s32 $0x30, v9  }
0x6a5: {  	[tilespmem:s22+$0x11B00] =	vst v12  }
0x6a6: {  	v12 =	vld.idx.msk [tilespmem:v44+s12+$0x0], $0xffff;
	[tilespmem:s22+$0x11B10] =	vst v14  }
0x6a7: {  	v48 =	vadd.s32 $0x31, v8;
	[tilespmem:s22+$0x11B20] =	vst v16;
	v14 =	vld.idx.msk [tilespmem:v45+s12+$0x0], $0xffff  }
0x6a8: {  	v49 =	vadd.s32 $0x31, v11;
	[tilespmem:s22+$0x11B30] =	vst v18;
	v16 =	vld.idx.msk [tilespmem:v46+s12+$0x0], $0xffff  }
0x6a9: {  	v50 =	vadd.s32 $0x31, v10;
	v18 =	vld.idx.msk [tilespmem:v47+s12+$0x0], $0xffff  }
0x6aa: {  	v51 =	vadd.s32 $0x31, v9  }
0x6ab: {  	[tilespmem:s22+$0x11B80] =	vst v12  }
0x6ac: {  	v12 =	vld.idx.msk [tilespmem:v48+s12+$0x0], $0xffff;
	[tilespmem:s22+$0x11B90] =	vst v14  }
0x6ad: {  	v52 =	vadd.s32 $0x32, v8;
	[tilespmem:s22+$0x11BA0] =	vst v16;
	v14 =	vld.idx.msk [tilespmem:v49+s12+$0x0], $0xffff  }
0x6ae: {  	v53 =	vadd.s32 $0x32, v11;
	[tilespmem:s22+$0x11BB0] =	vst v18;
	v16 =	vld.idx.msk [tilespmem:v50+s12+$0x0], $0xffff  }
0x6af: {  	v54 =	vadd.s32 $0x32, v10;
	v18 =	vld.idx.msk [tilespmem:v51+s12+$0x0], $0xffff  }
0x6b0: {  	v55 =	vadd.s32 $0x32, v9  }
0x6b1: {  	[tilespmem:s22+$0x11C00] =	vst v12  }
0x6b2: {  	v12 =	vld.idx.msk [tilespmem:v52+s12+$0x0], $0xffff;
	[tilespmem:s22+$0x11C10] =	vst v14  }
0x6b3: {  	v56 =	vadd.s32 $0x33, v8;
	[tilespmem:s22+$0x11C20] =	vst v16;
	v14 =	vld.idx.msk [tilespmem:v53+s12+$0x0], $0xffff  }
0x6b4: {  	v57 =	vadd.s32 $0x33, v11;
	[tilespmem:s22+$0x11C30] =	vst v18;
	v16 =	vld.idx.msk [tilespmem:v54+s12+$0x0], $0xffff  }
0x6b5: {  	v58 =	vadd.s32 $0x33, v10;
	v18 =	vld.idx.msk [tilespmem:v55+s12+$0x0], $0xffff  }
0x6b6: {  	v59 =	vadd.s32 $0x33, v9  }
0x6b7: {  	[tilespmem:s22+$0x11C80] =	vst v12  }
0x6b8: {  	v12 =	vld.idx.msk [tilespmem:v56+s12+$0x0], $0xffff;
	[tilespmem:s22+$0x11C90] =	vst v14  }
0x6b9: {  	v60 =	vadd.s32 $0x34, v8;
	[tilespmem:s22+$0x11CA0] =	vst v16;
	v14 =	vld.idx.msk [tilespmem:v57+s12+$0x0], $0xffff  }
0x6ba: {  	v61 =	vadd.s32 $0x34, v11;
	[tilespmem:s22+$0x11CB0] =	vst v18;
	v16 =	vld.idx.msk [tilespmem:v58+s12+$0x0], $0xffff  }
0x6bb: {  	v62 =	vadd.s32 $0x34, v10;
	v18 =	vld.idx.msk [tilespmem:v59+s12+$0x0], $0xffff  }
0x6bc: {  	v63 =	vadd.s32 $0x34, v9  }
0x6bd: {  	[tilespmem:s22+$0x11D00] =	vst v12  }
0x6be: {  	v12 =	vld.idx.msk [tilespmem:v60+s12+$0x0], $0xffff;
	[tilespmem:s22+$0x11D10] =	vst v14  }
0x6bf: {  	v21 =	vadd.s32 $0x35, v8;
	[tilespmem:s22+$0x11D20] =	vst v16;
	v14 =	vld.idx.msk [tilespmem:v61+s12+$0x0], $0xffff  }
0x6c0: {  	v22 =	vadd.s32 $0x35, v11;
	[tilespmem:s22+$0x11D30] =	vst v18;
	v16 =	vld.idx.msk [tilespmem:v62+s12+$0x0], $0xffff  }
0x6c1: {  	v23 =	vadd.s32 $0x35, v10;
	v18 =	vld.idx.msk [tilespmem:v63+s12+$0x0], $0xffff  }
0x6c2: {  	v24 =	vadd.s32 $0x35, v9  }
0x6c3: {  	[tilespmem:s22+$0x11D80] =	vst v12  }
0x6c4: {  	v12 =	vld.idx.msk [tilespmem:v21+s12+$0x0], $0xffff;
	[tilespmem:s22+$0x11D90] =	vst v14  }
0x6c5: {  	v25 =	vadd.s32 $0x36, v8;
	[tilespmem:s22+$0x11DA0] =	vst v16;
	v14 =	vld.idx.msk [tilespmem:v22+s12+$0x0], $0xffff  }
0x6c6: {  	v26 =	vadd.s32 $0x36, v11;
	[tilespmem:s22+$0x11DB0] =	vst v18;
	v16 =	vld.idx.msk [tilespmem:v23+s12+$0x0], $0xffff  }
0x6c7: {  	v27 =	vadd.s32 $0x36, v10;
	v18 =	vld.idx.msk [tilespmem:v24+s12+$0x0], $0xffff  }
0x6c8: {  	v28 =	vadd.s32 $0x36, v9  }
0x6c9: {  	[tilespmem:s22+$0x11E00] =	vst v12  }
0x6ca: {  	v12 =	vld.idx.msk [tilespmem:v25+s12+$0x0], $0xffff;
	[tilespmem:s22+$0x11E10] =	vst v14  }
0x6cb: {  	v29 =	vadd.s32 $0x37, v8;
	[tilespmem:s22+$0x11E20] =	vst v16;
	v14 =	vld.idx.msk [tilespmem:v26+s12+$0x0], $0xffff  }
0x6cc: {  	v30 =	vadd.s32 $0x37, v11;
	[tilespmem:s22+$0x11E30] =	vst v18;
	v16 =	vld.idx.msk [tilespmem:v27+s12+$0x0], $0xffff  }
0x6cd: {  	v31 =	vadd.s32 $0x37, v10;
	v18 =	vld.idx.msk [tilespmem:v28+s12+$0x0], $0xffff  }
0x6ce: {  	v32 =	vadd.s32 $0x37, v9  }
0x6cf: {  	[tilespmem:s22+$0x11E80] =	vst v12  }
0x6d0: {  	v12 =	vld.idx.msk [tilespmem:v29+s12+$0x0], $0xffff;
	[tilespmem:s22+$0x11E90] =	vst v14  }
0x6d1: {  	v33 =	vadd.s32 $0x38, v8;
	[tilespmem:s22+$0x11EA0] =	vst v16;
	v14 =	vld.idx.msk [tilespmem:v30+s12+$0x0], $0xffff  }
0x6d2: {  	v34 =	vadd.s32 $0x38, v11;
	[tilespmem:s22+$0x11EB0] =	vst v18;
	v16 =	vld.idx.msk [tilespmem:v31+s12+$0x0], $0xffff  }
0x6d3: {  	v35 =	vadd.s32 $0x38, v10;
	v18 =	vld.idx.msk [tilespmem:v32+s12+$0x0], $0xffff  }
0x6d4: {  	v36 =	vadd.s32 $0x38, v9  }
0x6d5: {  	[tilespmem:s22+$0x11F00] =	vst v12  }
0x6d6: {  	v12 =	vld.idx.msk [tilespmem:v33+s12+$0x0], $0xffff;
	[tilespmem:s22+$0x11F10] =	vst v14  }
0x6d7: {  	v37 =	vadd.s32 $0x39, v8;
	[tilespmem:s22+$0x11F20] =	vst v16;
	v14 =	vld.idx.msk [tilespmem:v34+s12+$0x0], $0xffff  }
0x6d8: {  	v38 =	vadd.s32 $0x39, v11;
	[tilespmem:s22+$0x11F30] =	vst v18;
	v16 =	vld.idx.msk [tilespmem:v35+s12+$0x0], $0xffff  }
0x6d9: {  	v39 =	vadd.s32 $0x39, v10;
	v18 =	vld.idx.msk [tilespmem:v36+s12+$0x0], $0xffff  }
0x6da: {  	v40 =	vadd.s32 $0x39, v9  }
0x6db: {  	[tilespmem:s22+$0x11F80] =	vst v12  }
0x6dc: {  	v12 =	vld.idx.msk [tilespmem:v37+s12+$0x0], $0xffff;
	[tilespmem:s22+$0x11F90] =	vst v14  }
0x6dd: {  	v41 =	vadd.s32 $0x3A, v8;
	[tilespmem:s22+$0x11FA0] =	vst v16;
	v14 =	vld.idx.msk [tilespmem:v38+s12+$0x0], $0xffff  }
0x6de: {  	v42 =	vadd.s32 $0x3A, v11;
	[tilespmem:s22+$0x11FB0] =	vst v18;
	v16 =	vld.idx.msk [tilespmem:v39+s12+$0x0], $0xffff  }
0x6df: {  	v43 =	vadd.s32 $0x3A, v10;
	v18 =	vld.idx.msk [tilespmem:v40+s12+$0x0], $0xffff  }
0x6e0: {  	v44 =	vadd.s32 $0x3A, v9  }
0x6e1: {  	[tilespmem:s22+$0x12000] =	vst v12  }
0x6e2: {  	v12 =	vld.idx.msk [tilespmem:v41+s12+$0x0], $0xffff;
	[tilespmem:s22+$0x12010] =	vst v14  }
0x6e3: {  	v45 =	vadd.s32 $0x3B, v8;
	[tilespmem:s22+$0x12020] =	vst v16;
	v14 =	vld.idx.msk [tilespmem:v42+s12+$0x0], $0xffff  }
0x6e4: {  	v46 =	vadd.s32 $0x3B, v11;
	[tilespmem:s22+$0x12030] =	vst v18;
	v16 =	vld.idx.msk [tilespmem:v43+s12+$0x0], $0xffff  }
0x6e5: {  	v47 =	vadd.s32 $0x3B, v10;
	v18 =	vld.idx.msk [tilespmem:v44+s12+$0x0], $0xffff  }
0x6e6: {  	v48 =	vadd.s32 $0x3B, v9  }
0x6e7: {  	[tilespmem:s22+$0x12080] =	vst v12  }
0x6e8: {  	v12 =	vld.idx.msk [tilespmem:v45+s12+$0x0], $0xffff;
	[tilespmem:s22+$0x12090] =	vst v14  }
0x6e9: {  	v49 =	vadd.s32 $0x3C, v8;
	[tilespmem:s22+$0x120A0] =	vst v16;
	v14 =	vld.idx.msk [tilespmem:v46+s12+$0x0], $0xffff  }
0x6ea: {  	v50 =	vadd.s32 $0x3C, v11;
	[tilespmem:s22+$0x120B0] =	vst v18;
	v16 =	vld.idx.msk [tilespmem:v47+s12+$0x0], $0xffff  }
0x6eb: {  	v51 =	vadd.s32 $0x3C, v10;
	v18 =	vld.idx.msk [tilespmem:v48+s12+$0x0], $0xffff  }
0x6ec: {  	v52 =	vadd.s32 $0x3C, v9  }
0x6ed: {  	[tilespmem:s22+$0x12100] =	vst v12  }
0x6ee: {  	v12 =	vld.idx.msk [tilespmem:v49+s12+$0x0], $0xffff;
	[tilespmem:s22+$0x12110] =	vst v14  }
0x6ef: {  	v53 =	vadd.s32 $0x3D, v8;
	[tilespmem:s22+$0x12120] =	vst v16;
	v14 =	vld.idx.msk [tilespmem:v50+s12+$0x0], $0xffff  }
0x6f0: {  	v54 =	vadd.s32 $0x3D, v11;
	[tilespmem:s22+$0x12130] =	vst v18;
	v16 =	vld.idx.msk [tilespmem:v51+s12+$0x0], $0xffff  }
0x6f1: {  	v55 =	vadd.s32 $0x3D, v10;
	v18 =	vld.idx.msk [tilespmem:v52+s12+$0x0], $0xffff  }
0x6f2: {  	v56 =	vadd.s32 $0x3D, v9  }
0x6f3: {  	[tilespmem:s22+$0x12180] =	vst v12  }
0x6f4: {  	v12 =	vld.idx.msk [tilespmem:v53+s12+$0x0], $0xffff;
	[tilespmem:s22+$0x12190] =	vst v14  }
0x6f5: {  	v57 =	vadd.s32 $0x3E, v8;
	[tilespmem:s22+$0x121A0] =	vst v16;
	v14 =	vld.idx.msk [tilespmem:v54+s12+$0x0], $0xffff  }
0x6f6: {  	v58 =	vadd.s32 $0x3E, v11;
	[tilespmem:s22+$0x121B0] =	vst v18;
	v16 =	vld.idx.msk [tilespmem:v55+s12+$0x0], $0xffff  }
0x6f7: {  	v59 =	vadd.s32 $0x3E, v10;
	v18 =	vld.idx.msk [tilespmem:v56+s12+$0x0], $0xffff  }
0x6f8: {  	v60 =	vadd.s32 $0x3E, v9  }
0x6f9: {  	[tilespmem:s22+$0x12200] =	vst v12  }
0x6fa: {  	v12 =	vld.idx.msk [tilespmem:v57+s12+$0x0], $0xffff;
	[tilespmem:s22+$0x12210] =	vst v14  }
0x6fb: {  	v8 =	vadd.s32 $0x3F, v8;
	[tilespmem:s22+$0x12220] =	vst v16;
	v61 =	vld.idx.msk [tilespmem:v58+s12+$0x0], $0xffff  }
0x6fc: {  	v11 =	vadd.s32 $0x3F, v11;
	[tilespmem:s22+$0x12230] =	vst v18;
	v62 =	vld.idx.msk [tilespmem:v59+s12+$0x0], $0xffff  }
0x6fd: {  	v10 =	vadd.s32 $0x3F, v10;
	v63 =	vld.idx.msk [tilespmem:v60+s12+$0x0], $0xffff  }
0x6fe: {  	v9 =	vadd.s32 $0x3F, v9  }
0x6ff: {  	[tilespmem:s22+$0x12280] =	vst v12  }
0x700: {  	v8 =	vld.idx.msk [tilespmem:v8+s12+$0x0], $0xffff;
	[tilespmem:s22+$0x12290] =	vst v61  }
0x701: {  	[tilespmem:s22+$0x122A0] =	vst v62;
	v11 =	vld.idx.msk [tilespmem:v11+s12+$0x0], $0xffff  }
0x702: {  	[tilespmem:s22+$0x122B0] =	vst v63;
	v10 =	vld.idx.msk [tilespmem:v10+s12+$0x0], $0xffff  }
0x703: {  	p1 =	por p0, p0;
	v9 =	vld.idx.msk [tilespmem:v9+s12+$0x0], $0xffff  }
.Ltmp7:
0x704: {  	_ = 	snop;
	(pc) =	sbr.rel @p1 .LBB2_16-.Ltmp7, $4  }
0x705: {  	[tilespmem:s22+$0x12300] =	vst v8  }
0x706: {  	[tilespmem:s22+$0x12310] =	vst v11  }
0x707: {  	[tilespmem:s22+$0x12320] =	vst v10  }
0x708: {  	p0 =	por $0x0, $0x0;
	[tilespmem:s22+$0x12330] =	vst v9;
	s22 =	simm.s32 $0x40  }
0x709: {  	s20 =	sadd.s32 $0x1, s20  }
0x70a: {  	p0 =	sne.s32 s20, $0x64  }
.Ltmp8:
0x70b: {  	_ = 	snop;
	(pc) =	sbr.rel @p0 .LBB2_13-.Ltmp8, $2  }
0x70c: {  	_ =	sdelay $0x2  }
0x70d: {  	[hbm4b:s21+s13] =	stream.strided.scatter [tilespmem:s16], [sflag:$0x2], $0x2000, s14, s13, $0x38;
	[tilespmem:$0x12380] =	vst v63  }
0x70e: {  	s19 =	sadd.s32 $0x1, s19  }
0x70f: {  	_ =	swait.ge [sflag:s17], $0x2000;
	p0 =	sne.s32 s19, s9  }
.Ltmp9:
0x710: {  	[sflag:s17] =	ssyncset.done $0x0;
	(pc) =	sbr.rel @p0 .LBB2_1-.Ltmp9, $4  }
0x711: {  	[sflag:s17] =	ssyncadd.s32 $0xFFFFE000  }
0x712: {  	_ =	swait.ge [sflag:s18], $0x2000  }
0x713: {  	[sflag:s18] =	ssyncset.done $0x0  }
0x714: {  	[sflag:s18] =	ssyncadd.s32 $0xFFFFE000  }
0x715: {  	_ =	sfence.sel $0x180000  }
0x716: {  	[bflag:$0x0] =	sbarrier.arrive $0xFFFF  }
0x717: {  	_ =	strace $0x90000047  }
0x718: {  	s0 =	stileid.u32;
	[bflag:$0x2] =	sbarrier.arrive $0xFFFF  }
0x719: {  	p0 =	sne.s32 s0, $0x0;
	s0 =	rddreg [dreg:$0x3]  }
0x71a: {  	s0 =	sadd.s32 @!p0 $0x100000, s0  }
0x71b: {  	[sflag:s0] =	ssyncadd.tile.s32 @!p0 $0x1;
	_ =	shalt  }
.Lfunc_end2:
_tile_overlayer_lowered:
.L_overlay_start_2:
0x71c: {  	(tag) =	ssettag $0x2  }
0x71d: {  	s0 =	rddreg [dreg:$0x0];
	s2 =	stileid.u32  }
0x71e: {  	s1 =	rddreg [dreg:$0x1];
	p0 =	sne.s32 s2, $0x0  }
0x71f: {  	s3 =	rddreg [dreg:$0x2];
	[bflag:$0x3] =	sbarrier.arrive $0xFFFF;
	s2 =	simm.s32 @!p0 $0x1C03  }
0x720: {  	[timem:s3], [sflag:s2] =	dma.local @!p0 [hbm:s0], s1  }
0x721: {  	s0 =	simm.s32 @!p0 $0x3  }
0x722: {  	_ =	swait.ge @!p0 [sflag:s0], s1  }
0x723: {  	s1 =	ssub.s32 @!p0 $0x0, s1;
	[sflag:s0] =	ssyncset.done @!p0 $0x0  }
0x724: {  	[sflag:s0] =	ssyncadd.s32 @!p0 s1  }
0x725: {  	[bflag:$0x3] =	sbarrier.arrive $0xFFFF  }
0x726: {  	_ =	shalt  }

</sc_bundles>
